<compile_context>
chip_gen: v7x
topology: tpu7x:2x2x1
jax: 0.10.2.dev20260603
libtpu: 0.0.44.dev20260713+nightly
codegen_flags: <defaults>
</compile_context>

<pallas_src>
import functools

import jax
import jax.numpy as jnp
from jax import lax
from jax.experimental import pallas as pl
from jax.experimental.pallas import tpu as pltpu
from jax.experimental.pallas import tpu_sc as plsc



def _argmin_kernel(p_ref, g_ref, rowidx_ref, colidx_ref,
                   row_best, row_idx, col_best, col_idx, *, ni, nj):
    i = pl.program_id(1)
    j = pl.program_id(2)

    p = p_ref[0]
    g = g_ref[0]
    bm = p.shape[0]
    bn = g.shape[1]

    px, py, pz = p[:, 0:1], p[:, 1:2], p[:, 2:3]
    gx, gy, gz = g[0:1, :], g[1:2, :], g[2:3, :]
    aa = px * px + py * py + pz * pz
    bb = gx * gx + gy * gy + gz * gz
    t = aa + bb

    ab2 = jax.lax.dot_general(
        p.astype(jnp.bfloat16), g.astype(jnp.bfloat16) * jnp.bfloat16(2.0),
        (((1,), (0,)), ((), ())), preferred_element_type=jnp.float32)
    approx = t - ab2

    inf = jnp.float32(jnp.inf)
    big = jnp.int32(0x3FFFFFFF)

    tmin = jnp.min(approx, axis=1, keepdims=True)
    li = lax.broadcasted_iota(jnp.int32, (bm, bn), 1)
    tidx = jnp.min(jnp.where(approx == tmin, li, big),
                   axis=1, keepdims=True) + j * bn
    pmin = jnp.where(j == 0, inf, row_best[...])
    upd = tmin < pmin
    row_best[...] = jnp.where(upd, tmin, pmin)
    row_idx[...] = jnp.where(upd, tidx, row_idx[...])

    csl = (slice(None), pl.ds(j * bn, bn))
    ctmin = jnp.min(approx, axis=0, keepdims=True)
    si = lax.broadcasted_iota(jnp.int32, (bm, bn), 0)
    ctidx = jnp.min(jnp.where(approx == ctmin, si, big),
                    axis=0, keepdims=True) + i * bm
    cpmin = jnp.where(i == 0, inf, col_best[csl])
    cupd = ctmin < cpmin
    col_best[csl] = jnp.where(cupd, ctmin, cpmin)
    col_idx[csl] = jnp.where(cupd, ctidx, col_idx[csl])

    @pl.when(j == nj - 1)
    def _():
        rowidx_ref[0] = row_idx[...]

    @pl.when(i == ni - 1)
    def _():
        colidx_ref[0] = col_idx[csl]


def _argmin_call(p_t, gt_pc, bm, bn):
    B, M, _ = p_t.shape
    N = gt_pc.shape[2]
    ni = M // bm
    nj = N // bn
    return pl.pallas_call(
        functools.partial(_argmin_kernel, ni=ni, nj=nj),
        grid=(B, ni, nj),
        in_specs=[
            pl.BlockSpec((1, bm, 3), lambda b, i, j: (b, i, 0)),
            pl.BlockSpec((1, 3, bn), lambda b, i, j: (b, 0, j)),
        ],
        out_specs=[
            pl.BlockSpec((1, bm, 1), lambda b, i, j: (b, i, 0)),
            pl.BlockSpec((1, 1, bn), lambda b, i, j: (b, 0, j)),
        ],
        out_shape=[
            jax.ShapeDtypeStruct((B, M, 1), jnp.int32),
            jax.ShapeDtypeStruct((B, 1, N), jnp.int32),
        ],
        scratch_shapes=[
            pltpu.VMEM((bm, 1), jnp.float32),
            pltpu.VMEM((bm, 1), jnp.int32),
            pltpu.VMEM((1, N), jnp.float32),
            pltpu.VMEM((1, N), jnp.int32),
        ],
    )(p_t, gt_pc)



_NC, _NS = 2, 16
_NW = _NC * _NS
_LANES = 16


def _sc_gather_kernel(pred_h, gt_h, ir_h, ic_h, d2f_h, d2b_h,
                      tx_v, ty_v, tz_v, idx_v, qx_v, qy_v, qz_v, o_v,
                      *, B, M, N):
    wid = lax.axis_index("s") * _NC + lax.axis_index("c")
    wpb = _NW // B
    batch = wid // wpb
    chunk_f = M // wpb
    chunk_b = N // wpb
    qoff_f = (wid % wpb) * chunk_f
    qoff_b = (wid % wpb) * chunk_b

    def one_direction(table_h, tsize, query_h, qsize, qoff, idx_h, out_h,
                      out_base, chunk):
        pltpu.sync_copy(table_h.at[pl.ds((batch * 3 + 0) * tsize, tsize)], tx_v)
        pltpu.sync_copy(table_h.at[pl.ds((batch * 3 + 1) * tsize, tsize)], ty_v)
        pltpu.sync_copy(table_h.at[pl.ds((batch * 3 + 2) * tsize, tsize)], tz_v)
        pltpu.sync_copy(query_h.at[pl.ds((batch * 3 + 0) * qsize + qoff, chunk)],
                        qx_v.at[pl.ds(0, chunk)])
        pltpu.sync_copy(query_h.at[pl.ds((batch * 3 + 1) * qsize + qoff, chunk)],
                        qy_v.at[pl.ds(0, chunk)])
        pltpu.sync_copy(query_h.at[pl.ds((batch * 3 + 2) * qsize + qoff, chunk)],
                        qz_v.at[pl.ds(0, chunk)])
        pltpu.sync_copy(idx_h.at[pl.ds(out_base, chunk)],
                        idx_v.at[pl.ds(0, chunk)])
        for q in range(chunk // _LANES):
            sl = pl.ds(q * _LANES, _LANES)
            iv = idx_v[sl]
            dx = qx_v[sl] - plsc.load_gather(tx_v, [iv])
            dy = qy_v[sl] - plsc.load_gather(ty_v, [iv])
            dz = qz_v[sl] - plsc.load_gather(tz_v, [iv])
            o_v[sl] = dx * dx + dy * dy + dz * dz
        pltpu.sync_copy(o_v.at[pl.ds(0, chunk)], out_h.at[pl.ds(out_base, chunk)])

    one_direction(gt_h, N, pred_h, M, qoff_f, ir_h, d2f_h,
                  batch * M + qoff_f, chunk_f)
    one_direction(pred_h, M, gt_h, N, qoff_b, ic_h, d2b_h,
                  batch * N + qoff_b, chunk_b)


def _sc_gather_call(pred_flat, gt_flat, ir, ic, B, M, N):
    tmax = max(M, N)
    cmax = max(M, N) // (_NW // B)
    return pl.kernel(
        functools.partial(_sc_gather_kernel, B=B, M=M, N=N),
        out_type=[jax.ShapeDtypeStruct((B * M,), jnp.float32),
                  jax.ShapeDtypeStruct((B * N,), jnp.float32)],
        mesh=plsc.VectorSubcoreMesh(core_axis_name="c", subcore_axis_name="s"),
        compiler_params=pltpu.CompilerParams(needs_layout_passes=False),
        scratch_types=[
            pltpu.VMEM((tmax,), jnp.float32),
            pltpu.VMEM((tmax,), jnp.float32),
            pltpu.VMEM((tmax,), jnp.float32),
            pltpu.VMEM((cmax,), jnp.int32),
            pltpu.VMEM((cmax,), jnp.float32),
            pltpu.VMEM((cmax,), jnp.float32),
            pltpu.VMEM((cmax,), jnp.float32),
            pltpu.VMEM((cmax,), jnp.float32),
        ],
    )(pred_flat, gt_flat, ir, ic)



def _reduce_kernel(d2f_ref, d2b_ref, out_ref, *, denom_m, denom_n):
    s_f = jnp.sum(jnp.sqrt(d2f_ref[...] + 1e-8))
    s_b = jnp.sum(jnp.sqrt(d2b_ref[...] + 1e-8))
    out_ref[...] = jnp.full((1, 1), s_f / denom_m + s_b / denom_n, jnp.float32)


def _reduce_call(d2f, d2b, denom_m, denom_n):
    rows_f = d2f.size // 128
    rows_b = d2b.size // 128
    return pl.pallas_call(
        functools.partial(_reduce_kernel, denom_m=denom_m, denom_n=denom_n),
        out_shape=jax.ShapeDtypeStruct((1, 1), jnp.float32),
    )(d2f.reshape(rows_f, 128), d2b.reshape(rows_b, 128))



@jax.jit
def kernel(predict_pc, gt_pc):
    B, _, M = predict_pc.shape
    N = gt_pc.shape[2]
    bm = min(512, M)
    bn = min(8192, N)
    p_t = jnp.swapaxes(predict_pc, 1, 2)
    idx_row, idx_col = _argmin_call(p_t, gt_pc, bm, bn)

    d2f, d2b = _sc_gather_call(
        predict_pc.reshape(B * 3 * M), gt_pc.reshape(B * 3 * N),
        idx_row.reshape(B * M), idx_col.reshape(B * N), B, M, N)

    out = _reduce_call(d2f, d2b, float(B * M), float(B * N))
    return out[0, 0]

# --- scband reference (transcript-rebuilt; emitter-appended) ---
"""Pipeline reference for scband-chamfer-loss-34170759807614 (READ-ONLY COPY).

The authoritative reference and input builder live on the scoring server;
editing this copy changes nothing except your own understanding.
"""

import jax, jax.numpy as jnp
import numpy as np

B, M, N = 4, 8192, 8192

def setup_inputs(seed: int = 0) -> dict:
    key = jax.random.key(seed)
    k1, k2 = jax.random.split(key)
    predict_pc = jax.random.normal(k1, (B, 3, M), dtype=jnp.float32)
    gt_pc = jax.random.normal(k2, (B, 3, N), dtype=jnp.float32)
    return {"predict_pc": predict_pc, "gt_pc": gt_pc}

def _pairwise_sqdist(a, b):
    # a: [B, M, 3], b: [B, N, 3] -> [B, M, N] squared L2 (faiss IndexFlatL2 metric)
    aa = jnp.sum(a * a, axis=2, keepdims=True)          # [B, M, 1]
    bb = jnp.sum(b * b, axis=2, keepdims=True)          # [B, N, 1]
    ab = jnp.einsum('bmd,bnd->bmn', a, b)               # [B, M, N]
    return aa + jnp.swapaxes(bb, 1, 2) - 2.0 * ab

def robust_norm(var):
    # var: [B, k, 3, P] -> [B, k, P]; SO-Net robust_norm: sqrt(sum(x^2, dim=2) + 1e-8)
    return jnp.sqrt(jnp.sum(var * var, axis=2) + 1e-8)

def reference(predict_pc, gt_pc):
    # predict_pc: [B, 3, M], gt_pc: [B, 3, N]
    p = jnp.swapaxes(predict_pc, 1, 2)  # [B, M, 3]
    g = jnp.swapaxes(gt_pc, 1, 2)       # [B, N, 3]
    dist = _pairwise_sqdist(p, g)       # [B, M, N]
    # k = 1 nearest neighbor each direction (faiss search, detached)
    idx_gt_for_pred = jnp.argmin(dist, axis=2)  # [B, M]: NN of each predict point in gt
    idx_pred_for_gt = jnp.argmin(dist, axis=1)  # [B, N]: NN of each gt point in predict
    # selected_gt_by_predict: gt_pc[i].index_select(1, I) -> [B, 1, 3, M]
    sel_gt = jnp.take_along_axis(gt_pc, jnp.broadcast_to(idx_gt_for_pred[:, None, :], (predict_pc.shape[0], 3, idx_gt_for_pred.shape[1])), axis=2)[:, None, :, :]
    # selected_predict_by_gt: predict_pc[i].index_select(1, I) -> [B, 1, 3, N]
    sel_pred = jnp.take_along_axis(predict_pc, jnp.broadcast_to(idx_pred_for_gt[:, None, :], (gt_pc.shape[0], 3, idx_pred_for_gt.shape[1])), axis=2)[:, None, :, :]
    forward_loss_element = robust_norm(sel_gt - predict_pc[:, None, :, :])   # [B, 1, M]
    backward_loss_element = robust_norm(sel_pred - gt_pc[:, None, :, :])     # [B, 1, N]
    forward_loss = jnp.mean(forward_loss_element)
    backward_loss = jnp.mean(backward_loss_element)
    return forward_loss + backward_loss

if __name__ == "__main__":
    import jax
    _d = setup_inputs()
    print(jax.jit(kernel)(*tuple(_d.values())))

</pallas_src>

<mosaic_0001>
#map = affine_map<(d0, d1) -> (0)>
module attributes {stable_mosaic.version = 14 : i64} {
  func.func @_sc_gather_kernel(%arg0: i32, %arg1: i32, %arg2: memref<98304xf32, #tpu.memory_space<hbm>>, %arg3: memref<98304xf32, #tpu.memory_space<hbm>>, %arg4: memref<32768xi32, #tpu.memory_space<hbm>>, %arg5: memref<32768xi32, #tpu.memory_space<hbm>>, %arg6: memref<32768xf32, #tpu.memory_space<hbm>>, %arg7: memref<32768xf32, #tpu.memory_space<hbm>>, %arg8: memref<8192xf32, #tpu.memory_space<vmem>>, %arg9: memref<8192xf32, #tpu.memory_space<vmem>>, %arg10: memref<8192xf32, #tpu.memory_space<vmem>>, %arg11: memref<1024xi32, #tpu.memory_space<vmem>>, %arg12: memref<1024xf32, #tpu.memory_space<vmem>>, %arg13: memref<1024xf32, #tpu.memory_space<vmem>>, %arg14: memref<1024xf32, #tpu.memory_space<vmem>>, %arg15: memref<1024xf32, #tpu.memory_space<vmem>>) attributes {dimension_semantics = [#tpu.dimension_semantics<core_parallel>, #tpu.dimension_semantics<subcore_parallel>], iteration_bounds = array<i64: 2, 16>, scalar_prefetch = 0 : i64, scratch_operands = 8 : i64, tpu.core_type = #tpu.core_type<sc_vector_subcore>, window_params = [{transform_indices = #map}, {transform_indices = #map}, {transform_indices = #map}, {transform_indices = #map}, {transform_indices = #map}, {transform_indices = #map}]} {
    %mul3A = arith.constant 2 : i32
    %mul3A_0 = arith.muli %arg1, %mul3A : i32
    %add3A = arith.addi %mul3A_0, %arg0 : i32
    %jit3A = arith.constant 8 : i32
    %div3A = arith.divsi %add3A, %jit3A : i32
    %sign3A = arith.constant 0 : i32
    %sign3A_1 = arith.cmpi sgt, %add3A, %sign3A : i32
    %sign3A_2 = arith.extui %sign3A_1 : i1 to i32
    %sign3A_3 = arith.constant 0 : i32
    %sign3A_4 = arith.cmpi slt, %add3A, %sign3A_3 : i32
    %sign3A_5 = arith.extui %sign3A_4 : i1 to i32
    %sign3A_6 = arith.subi %sign3A_2, %sign3A_5 : i32
    %sign3A_7 = arith.constant 0 : i32
    %sign3A_8 = arith.cmpi sgt, %jit3A, %sign3A_7 : i32
    %sign3A_9 = arith.extui %sign3A_8 : i1 to i32
    %sign3A_10 = arith.constant 0 : i32
    %sign3A_11 = arith.cmpi slt, %jit3A, %sign3A_10 : i32
    %sign3A_12 = arith.extui %sign3A_11 : i1 to i32
    %sign3A_13 = arith.subi %sign3A_9, %sign3A_12 : i32
    %ne3A = arith.cmpi ne, %sign3A_6, %sign3A_13 : i32
    %rem3A = arith.remsi %add3A, %jit3A : i32
    %ne3A_14 = arith.constant 0 : i32
    %ne3A_15 = arith.cmpi ne, %rem3A, %ne3A_14 : i32
    %and3A = arith.andi %ne3A, %ne3A_15 : i1
    %sub3A = arith.constant 1 : i32
    %sub3A_16 = arith.subi %div3A, %sub3A : i32
    %select_n3A = arith.select %and3A, %sub3A_16, %div3A : i32
    %jit3A_17 = arith.constant 8 : i32
    %eq3A = arith.constant 0 : i32
    %eq3A_18 = arith.cmpi eq, %jit3A_17, %eq3A : i32
    %jit3A_19 = arith.constant 1 : i32
    %select_n3A_20 = arith.select %eq3A_18, %jit3A_19, %jit3A_17 : i32
    %rem3A_21 = arith.remsi %add3A, %select_n3A_20 : i32
    %ne3A_22 = arith.constant 0 : i32
    %ne3A_23 = arith.cmpi ne, %rem3A_21, %ne3A_22 : i32
    %lt3A = arith.constant 0 : i32
    %lt3A_24 = arith.cmpi slt, %rem3A_21, %lt3A : i32
    %lt3A_25 = arith.constant 0 : i32
    %lt3A_26 = arith.cmpi slt, %select_n3A_20, %lt3A_25 : i32
    %ne3A_27 = arith.xori %lt3A_24, %lt3A_26 : i1
    %and3A_28 = arith.andi %ne3A_27, %ne3A_23 : i1
    %add3A_29 = arith.addi %rem3A_21, %select_n3A_20 : i32
    %select_n3A_30 = arith.select %and3A_28, %add3A_29, %rem3A_21 : i32
    %mul3A_31 = arith.constant 1024 : i32
    %mul3A_32 = arith.muli %select_n3A_30, %mul3A_31 : i32
    %jit3A_33 = arith.constant 8 : i32
    %eq3A_34 = arith.constant 0 : i32
    %eq3A_35 = arith.cmpi eq, %jit3A_33, %eq3A_34 : i32
    %jit3A_36 = arith.constant 1 : i32
    %select_n3A_37 = arith.select %eq3A_35, %jit3A_36, %jit3A_33 : i32
    %rem3A_38 = arith.remsi %add3A, %select_n3A_37 : i32
    %ne3A_39 = arith.constant 0 : i32
    %ne3A_40 = arith.cmpi ne, %rem3A_38, %ne3A_39 : i32
    %lt3A_41 = arith.constant 0 : i32
    %lt3A_42 = arith.cmpi slt, %rem3A_38, %lt3A_41 : i32
    %lt3A_43 = arith.constant 0 : i32
    %lt3A_44 = arith.cmpi slt, %select_n3A_37, %lt3A_43 : i32
    %ne3A_45 = arith.xori %lt3A_42, %lt3A_44 : i1
    %and3A_46 = arith.andi %ne3A_45, %ne3A_40 : i1
    %add3A_47 = arith.addi %rem3A_38, %select_n3A_37 : i32
    %select_n3A_48 = arith.select %and3A_46, %add3A_47, %rem3A_38 : i32
    %mul3A_49 = arith.constant 1024 : i32
    %mul3A_50 = arith.muli %select_n3A_48, %mul3A_49 : i32
    %mul3A_51 = arith.constant 8192 : i32
    %mul3A_52 = arith.muli %select_n3A, %mul3A_51 : i32
    %add3A_53 = arith.addi %mul3A_52, %mul3A_32 : i32
    %mul3A_54 = arith.constant 3 : i32
    %mul3A_55 = arith.muli %select_n3A, %mul3A_54 : i32
    %add3A_56 = arith.constant 0 : i32
    %add3A_57 = arith.addi %mul3A_55, %add3A_56 : i32
    %mul3A_58 = arith.constant 8192 : i32
    %mul3A_59 = arith.muli %add3A_57, %mul3A_58 : i32
    "tpu.region"() ({
      %run_scoped3A = tpu.sem_alloc : memref<!tpu.dma_semaphore, #tpu.memory_space<semaphore_mem>>
      %dma_start3A = tpu.memref_slice %arg3[%mul3A_59] : memref<98304xf32, #tpu.memory_space<hbm>> -> memref<8192xf32, #tpu.memory_space<hbm>>
      %dma_start3A_2820 = tpu.memref_slice %arg3[%mul3A_59] : memref<98304xf32, #tpu.memory_space<hbm>> -> memref<8192xf32, #tpu.memory_space<hbm>>
      tpu.enqueue_dma source(%dma_start3A_2820 : memref<8192xf32, #tpu.memory_space<hbm>>) target(%arg8 : memref<8192xf32, #tpu.memory_space<vmem>>) target_semaphore(%run_scoped3A : memref<!tpu.dma_semaphore, #tpu.memory_space<semaphore_mem>>)
      %dma_wait3A = tpu.memref_slice %arg3[%mul3A_59] : memref<98304xf32, #tpu.memory_space<hbm>> -> memref<8192xf32, #tpu.memory_space<hbm>>
      %dma_wait3A_2821 = tpu.memref_slice %arg3[%mul3A_59] : memref<98304xf32, #tpu.memory_space<hbm>> -> memref<8192xf32, #tpu.memory_space<hbm>>
      tpu.wait_dma2 semaphore(%run_scoped3A : memref<!tpu.dma_semaphore, #tpu.memory_space<semaphore_mem>>) src(%dma_wait3A_2821 : memref<8192xf32, #tpu.memory_space<hbm>>) dst(%arg8 : memref<8192xf32, #tpu.memory_space<vmem>>)
      tpu.yield
    }) : () -> ()
    %mul3A_60 = arith.constant 3 : i32
    %mul3A_61 = arith.muli %select_n3A, %mul3A_60 : i32
    %add3A_62 = arith.constant 1 : i32
    %add3A_63 = arith.addi %mul3A_61, %add3A_62 : i32
    %mul3A_64 = arith.constant 8192 : i32
    %mul3A_65 = arith.muli %add3A_63, %mul3A_64 : i32
    "tpu.region"() ({
      %run_scoped3A = tpu.sem_alloc : memref<!tpu.dma_semaphore, #tpu.memory_space<semaphore_mem>>
      %dma_start3A = tpu.memref_slice %arg3[%mul3A_65] : memref<98304xf32, #tpu.memory_space<hbm>> -> memref<8192xf32, #tpu.memory_space<hbm>>
      %dma_start3A_2820 = tpu.memref_slice %arg3[%mul3A_65] : memref<98304xf32, #tpu.memory_space<hbm>> -> memref<8192xf32, #tpu.memory_space<hbm>>
      tpu.enqueue_dma source(%dma_start3A_2820 : memref<8192xf32, #tpu.memory_space<hbm>>) target(%arg9 : memref<8192xf32, #tpu.memory_space<vmem>>) target_semaphore(%run_scoped3A : memref<!tpu.dma_semaphore, #tpu.memory_space<semaphore_mem>>)
      %dma_wait3A = tpu.memref_slice %arg3[%mul3A_65] : memref<98304xf32, #tpu.memory_space<hbm>> -> memref<8192xf32, #tpu.memory_space<hbm>>
      %dma_wait3A_2821 = tpu.memref_slice %arg3[%mul3A_65] : memref<98304xf32, #tpu.memory_space<hbm>> -> memref<8192xf32, #tpu.memory_space<hbm>>
      tpu.wait_dma2 semaphore(%run_scoped3A : memref<!tpu.dma_semaphore, #tpu.memory_space<semaphore_mem>>) src(%dma_wait3A_2821 : memref<8192xf32, #tpu.memory_space<hbm>>) dst(%arg9 : memref<8192xf32, #tpu.memory_space<vmem>>)
      tpu.yield
    }) : () -> ()
    %mul3A_66 = arith.constant 3 : i32
    %mul3A_67 = arith.muli %select_n3A, %mul3A_66 : i32
    %add3A_68 = arith.constant 2 : i32
    %add3A_69 = arith.addi %mul3A_67, %add3A_68 : i32
    %mul3A_70 = arith.constant 8192 : i32
    %mul3A_71 = arith.muli %add3A_69, %mul3A_70 : i32
    "tpu.region"() ({
      %run_scoped3A = tpu.sem_alloc : memref<!tpu.dma_semaphore, #tpu.memory_space<semaphore_mem>>
      %dma_start3A = tpu.memref_slice %arg3[%mul3A_71] : memref<98304xf32, #tpu.memory_space<hbm>> -> memref<8192xf32, #tpu.memory_space<hbm>>
      %dma_start3A_2820 = tpu.memref_slice %arg3[%mul3A_71] : memref<98304xf32, #tpu.memory_space<hbm>> -> memref<8192xf32, #tpu.memory_space<hbm>>
      tpu.enqueue_dma source(%dma_start3A_2820 : memref<8192xf32, #tpu.memory_space<hbm>>) target(%arg10 : memref<8192xf32, #tpu.memory_space<vmem>>) target_semaphore(%run_scoped3A : memref<!tpu.dma_semaphore, #tpu.memory_space<semaphore_mem>>)
      %dma_wait3A = tpu.memref_slice %arg3[%mul3A_71] : memref<98304xf32, #tpu.memory_space<hbm>> -> memref<8192xf32, #tpu.memory_space<hbm>>
      %dma_wait3A_2821 = tpu.memref_slice %arg3[%mul3A_71] : memref<98304xf32, #tpu.memory_space<hbm>> -> memref<8192xf32, #tpu.memory_space<hbm>>
      tpu.wait_dma2 semaphore(%run_scoped3A : memref<!tpu.dma_semaphore, #tpu.memory_space<semaphore_mem>>) src(%dma_wait3A_2821 : memref<8192xf32, #tpu.memory_space<hbm>>) dst(%arg10 : memref<8192xf32, #tpu.memory_space<vmem>>)
      tpu.yield
    }) : () -> ()
    %mul3A_72 = arith.constant 3 : i32
    %mul3A_73 = arith.muli %select_n3A, %mul3A_72 : i32
    %add3A_74 = arith.constant 0 : i32
    %add3A_75 = arith.addi %mul3A_73, %add3A_74 : i32
    %mul3A_76 = arith.constant 8192 : i32
    %mul3A_77 = arith.muli %add3A_75, %mul3A_76 : i32
    %add3A_78 = arith.addi %mul3A_77, %mul3A_32 : i32
    "tpu.region"() ({
      %run_scoped3A = tpu.sem_alloc : memref<!tpu.dma_semaphore, #tpu.memory_space<semaphore_mem>>
      %dma_start3A = arith.constant 0 : i32
      %dma_start3A_2820 = tpu.memref_slice %arg12[%dma_start3A] : memref<1024xf32, #tpu.memory_space<vmem>> -> memref<1024xf32, #tpu.memory_space<vmem>>
      %dma_start3A_2821 = tpu.memref_slice %arg2[%add3A_78] : memref<98304xf32, #tpu.memory_space<hbm>> -> memref<1024xf32, #tpu.memory_space<hbm>>
      %dma_start3A_2822 = arith.constant 0 : i32
      %dma_start3A_2823 = tpu.memref_slice %arg12[%dma_start3A_2822] : memref<1024xf32, #tpu.memory_space<vmem>> -> memref<1024xf32, #tpu.memory_space<vmem>>
      %dma_start3A_2824 = tpu.memref_slice %arg2[%add3A_78] : memref<98304xf32, #tpu.memory_space<hbm>> -> memref<1024xf32, #tpu.memory_space<hbm>>
      tpu.enqueue_dma source(%dma_start3A_2824 : memref<1024xf32, #tpu.memory_space<hbm>>) target(%dma_start3A_2823 : memref<1024xf32, #tpu.memory_space<vmem>>) target_semaphore(%run_scoped3A : memref<!tpu.dma_semaphore, #tpu.memory_space<semaphore_mem>>)
      %dma_wait3A = arith.constant 0 : i32
      %dma_wait3A_2825 = tpu.memref_slice %arg12[%dma_wait3A] : memref<1024xf32, #tpu.memory_space<vmem>> -> memref<1024xf32, #tpu.memory_space<vmem>>
      %dma_wait3A_2826 = tpu.memref_slice %arg2[%add3A_78] : memref<98304xf32, #tpu.memory_space<hbm>> -> memref<1024xf32, #tpu.memory_space<hbm>>
      %dma_wait3A_2827 = arith.constant 0 : i32
      %dma_wait3A_2828 = tpu.memref_slice %arg12[%dma_wait3A_2827] : memref<1024xf32, #tpu.memory_space<vmem>> -> memref<1024xf32, #tpu.memory_space<vmem>>
      %dma_wait3A_2829 = tpu.memref_slice %arg2[%add3A_78] : memref<98304xf32, #tpu.memory_space<hbm>> -> memref<1024xf32, #tpu.memory_space<hbm>>
      tpu.wait_dma2 semaphore(%run_scoped3A : memref<!tpu.dma_semaphore, #tpu.memory_space<semaphore_mem>>) src(%dma_wait3A_2829 : memref<1024xf32, #tpu.memory_space<hbm>>) dst(%dma_wait3A_2828 : memref<1024xf32, #tpu.memory_space<vmem>>)
      tpu.yield
    }) : () -> ()
    %mul3A_79 = arith.constant 3 : i32
    %mul3A_80 = arith.muli %select_n3A, %mul3A_79 : i32
    %add3A_81 = arith.constant 1 : i32
    %add3A_82 = arith.addi %mul3A_80, %add3A_81 : i32
    %mul3A_83 = arith.constant 8192 : i32
    %mul3A_84 = arith.muli %add3A_82, %mul3A_83 : i32
    %add3A_85 = arith.addi %mul3A_84, %mul3A_32 : i32
    "tpu.region"() ({
      %run_scoped3A = tpu.sem_alloc : memref<!tpu.dma_semaphore, #tpu.memory_space<semaphore_mem>>
      %dma_start3A = arith.constant 0 : i32
      %dma_start3A_2820 = tpu.memref_slice %arg13[%dma_start3A] : memref<1024xf32, #tpu.memory_space<vmem>> -> memref<1024xf32, #tpu.memory_space<vmem>>
      %dma_start3A_2821 = tpu.memref_slice %arg2[%add3A_85] : memref<98304xf32, #tpu.memory_space<hbm>> -> memref<1024xf32, #tpu.memory_space<hbm>>
      %dma_start3A_2822 = arith.constant 0 : i32
      %dma_start3A_2823 = tpu.memref_slice %arg13[%dma_start3A_2822] : memref<1024xf32, #tpu.memory_space<vmem>> -> memref<1024xf32, #tpu.memory_space<vmem>>
      %dma_start3A_2824 = tpu.memref_slice %arg2[%add3A_85] : memref<98304xf32, #tpu.memory_space<hbm>> -> memref<1024xf32, #tpu.memory_space<hbm>>
      tpu.enqueue_dma source(%dma_start3A_2824 : memref<1024xf32, #tpu.memory_space<hbm>>) target(%dma_start3A_2823 : memref<1024xf32, #tpu.memory_space<vmem>>) target_semaphore(%run_scoped3A : memref<!tpu.dma_semaphore, #tpu.memory_space<semaphore_mem>>)
      %dma_wait3A = arith.constant 0 : i32
      %dma_wait3A_2825 = tpu.memref_slice %arg13[%dma_wait3A] : memref<1024xf32, #tpu.memory_space<vmem>> -> memref<1024xf32, #tpu.memory_space<vmem>>
      %dma_wait3A_2826 = tpu.memref_slice %arg2[%add3A_85] : memref<98304xf32, #tpu.memory_space<hbm>> -> memref<1024xf32, #tpu.memory_space<hbm>>
      %dma_wait3A_2827 = arith.constant 0 : i32
      %dma_wait3A_2828 = tpu.memref_slice %arg13[%dma_wait3A_2827] : memref<1024xf32, #tpu.memory_space<vmem>> -> memref<1024xf32, #tpu.memory_space<vmem>>
      %dma_wait3A_2829 = tpu.memref_slice %arg2[%add3A_85] : memref<98304xf32, #tpu.memory_space<hbm>> -> memref<1024xf32, #tpu.memory_space<hbm>>
      tpu.wait_dma2 semaphore(%run_scoped3A : memref<!tpu.dma_semaphore, #tpu.memory_space<semaphore_mem>>) src(%dma_wait3A_2829 : memref<1024xf32, #tpu.memory_space<hbm>>) dst(%dma_wait3A_2828 : memref<1024xf32, #tpu.memory_space<vmem>>)
      tpu.yield
    }) : () -> ()
    %mul3A_86 = arith.constant 3 : i32
    %mul3A_87 = arith.muli %select_n3A, %mul3A_86 : i32
    %add3A_88 = arith.constant 2 : i32
    %add3A_89 = arith.addi %mul3A_87, %add3A_88 : i32
    %mul3A_90 = arith.constant 8192 : i32
    %mul3A_91 = arith.muli %add3A_89, %mul3A_90 : i32
    %add3A_92 = arith.addi %mul3A_91, %mul3A_32 : i32
    "tpu.region"() ({
      %run_scoped3A = tpu.sem_alloc : memref<!tpu.dma_semaphore, #tpu.memory_space<semaphore_mem>>
      %dma_start3A = arith.constant 0 : i32
      %dma_start3A_2820 = tpu.memref_slice %arg14[%dma_start3A] : memref<1024xf32, #tpu.memory_space<vmem>> -> memref<1024xf32, #tpu.memory_space<vmem>>
      %dma_start3A_2821 = tpu.memref_slice %arg2[%add3A_92] : memref<98304xf32, #tpu.memory_space<hbm>> -> memref<1024xf32, #tpu.memory_space<hbm>>
      %dma_start3A_2822 = arith.constant 0 : i32
      %dma_start3A_2823 = tpu.memref_slice %arg14[%dma_start3A_2822] : memref<1024xf32, #tpu.memory_space<vmem>> -> memref<1024xf32, #tpu.memory_space<vmem>>
      %dma_start3A_2824 = tpu.memref_slice %arg2[%add3A_92] : memref<98304xf32, #tpu.memory_space<hbm>> -> memref<1024xf32, #tpu.memory_space<hbm>>
      tpu.enqueue_dma source(%dma_start3A_2824 : memref<1024xf32, #tpu.memory_space<hbm>>) target(%dma_start3A_2823 : memref<1024xf32, #tpu.memory_space<vmem>>) target_semaphore(%run_scoped3A : memref<!tpu.dma_semaphore, #tpu.memory_space<semaphore_mem>>)
      %dma_wait3A = arith.constant 0 : i32
      %dma_wait3A_2825 = tpu.memref_slice %arg14[%dma_wait3A] : memref<1024xf32, #tpu.memory_space<vmem>> -> memref<1024xf32, #tpu.memory_space<vmem>>
      %dma_wait3A_2826 = tpu.memref_slice %arg2[%add3A_92] : memref<98304xf32, #tpu.memory_space<hbm>> -> memref<1024xf32, #tpu.memory_space<hbm>>
      %dma_wait3A_2827 = arith.constant 0 : i32
      %dma_wait3A_2828 = tpu.memref_slice %arg14[%dma_wait3A_2827] : memref<1024xf32, #tpu.memory_space<vmem>> -> memref<1024xf32, #tpu.memory_space<vmem>>
      %dma_wait3A_2829 = tpu.memref_slice %arg2[%add3A_92] : memref<98304xf32, #tpu.memory_space<hbm>> -> memref<1024xf32, #tpu.memory_space<hbm>>
      tpu.wait_dma2 semaphore(%run_scoped3A : memref<!tpu.dma_semaphore, #tpu.memory_space<semaphore_mem>>) src(%dma_wait3A_2829 : memref<1024xf32, #tpu.memory_space<hbm>>) dst(%dma_wait3A_2828 : memref<1024xf32, #tpu.memory_space<vmem>>)
      tpu.yield
    }) : () -> ()
    "tpu.region"() ({
      %run_scoped3A = tpu.sem_alloc : memref<!tpu.dma_semaphore, #tpu.memory_space<semaphore_mem>>
      %dma_start3A = arith.constant 0 : i32
      %dma_start3A_2820 = tpu.memref_slice %arg11[%dma_start3A] : memref<1024xi32, #tpu.memory_space<vmem>> -> memref<1024xi32, #tpu.memory_space<vmem>>
      %dma_start3A_2821 = tpu.memref_slice %arg4[%add3A_53] : memref<32768xi32, #tpu.memory_space<hbm>> -> memref<1024xi32, #tpu.memory_space<hbm>>
      %dma_start3A_2822 = arith.constant 0 : i32
      %dma_start3A_2823 = tpu.memref_slice %arg11[%dma_start3A_2822] : memref<1024xi32, #tpu.memory_space<vmem>> -> memref<1024xi32, #tpu.memory_space<vmem>>
      %dma_start3A_2824 = tpu.memref_slice %arg4[%add3A_53] : memref<32768xi32, #tpu.memory_space<hbm>> -> memref<1024xi32, #tpu.memory_space<hbm>>
      tpu.enqueue_dma source(%dma_start3A_2824 : memref<1024xi32, #tpu.memory_space<hbm>>) target(%dma_start3A_2823 : memref<1024xi32, #tpu.memory_space<vmem>>) target_semaphore(%run_scoped3A : memref<!tpu.dma_semaphore, #tpu.memory_space<semaphore_mem>>)
      %dma_wait3A = arith.constant 0 : i32
      %dma_wait3A_2825 = tpu.memref_slice %arg11[%dma_wait3A] : memref<1024xi32, #tpu.memory_space<vmem>> -> memref<1024xi32, #tpu.memory_space<vmem>>
      %dma_wait3A_2826 = tpu.memref_slice %arg4[%add3A_53] : memref<32768xi32, #tpu.memory_space<hbm>> -> memref<1024xi32, #tpu.memory_space<hbm>>
      %dma_wait3A_2827 = arith.constant 0 : i32
      %dma_wait3A_2828 = tpu.memref_slice %arg11[%dma_wait3A_2827] : memref<1024xi32, #tpu.memory_space<vmem>> -> memref<1024xi32, #tpu.memory_space<vmem>>
      %dma_wait3A_2829 = tpu.memref_slice %arg4[%add3A_53] : memref<32768xi32, #tpu.memory_space<hbm>> -> memref<1024xi32, #tpu.memory_space<hbm>>
      tpu.wait_dma2 semaphore(%run_scoped3A : memref<!tpu.dma_semaphore, #tpu.memory_space<semaphore_mem>>) src(%dma_wait3A_2829 : memref<1024xi32, #tpu.memory_space<hbm>>) dst(%dma_wait3A_2828 : memref<1024xi32, #tpu.memory_space<vmem>>)
      tpu.yield
    }) : () -> ()
    %get3A = arith.constant 0 : index
    %get3A_93 = tpu.vector_load %arg11[%get3A] {strides = array<i32>} : memref<1024xi32, #tpu.memory_space<vmem>>, vector<16xi32>,
    %get3A_94 = arith.constant 0 : index
    %get3A_95 = tpu.vector_load %arg12[%get3A_94] {strides = array<i32>} : memref<1024xf32, #tpu.memory_space<vmem>>, vector<16xf32>,
    %gather3A = tpu.vector_load_idx %arg8[%get3A_93] : memref<8192xf32, #tpu.memory_space<vmem>>[vector<16xi32>], vector<16xf32>,
    %sub3A_96 = arith.subf %get3A_95, %gather3A : vector<16xf32>
    %get3A_97 = arith.constant 0 : index
    %get3A_98 = tpu.vector_load %arg13[%get3A_97] {strides = array<i32>} : memref<1024xf32, #tpu.memory_space<vmem>>, vector<16xf32>,
    %gather3A_99 = tpu.vector_load_idx %arg9[%get3A_93] : memref<8192xf32, #tpu.memory_space<vmem>>[vector<16xi32>], vector<16xf32>,
    %sub3A_100 = arith.subf %get3A_98, %gather3A_99 : vector<16xf32>
    %get3A_101 = arith.constant 0 : index
    %get3A_102 = tpu.vector_load %arg14[%get3A_101] {strides = array<i32>} : memref<1024xf32, #tpu.memory_space<vmem>>, vector<16xf32>,
    %gather3A_103 = tpu.vector_load_idx %arg10[%get3A_93] : memref<8192xf32, #tpu.memory_space<vmem>>[vector<16xi32>], vector<16xf32>,
    %sub3A_104 = arith.subf %get3A_102, %gather3A_103 : vector<16xf32>
    %mul3A_105 = arith.mulf %sub3A_96, %sub3A_96 : vector<16xf32>
    %mul3A_106 = arith.mulf %sub3A_100, %sub3A_100 : vector<16xf32>
    %add3A_107 = arith.addf %mul3A_105, %mul3A_106 : vector<16xf32>
    %mul3A_108 = arith.mulf %sub3A_104, %sub3A_104 : vector<16xf32>
    %add3A_109 = arith.addf %add3A_107, %mul3A_108 : vector<16xf32>
    %swap3A = arith.constant 0 : index
    %swap3A_110 = tpu.vector_load %arg15[%swap3A] {strides = array<i32>} : memref<1024xf32, #tpu.memory_space<vmem>>, vector<16xf32>,
    tpu.vector_store %arg15[%swap3A], %add3A_109 {strides = array<i32>} : memref<1024xf32, #tpu.memory_space<vmem>>, vector<16xf32>,
    %get3A_111 = arith.constant 16 : index
    %get3A_112 = tpu.vector_load %arg11[%get3A_111] {strides = array<i32>} : memref<1024xi32, #tpu.memory_space<vmem>>, vector<16xi32>,
    %get3A_113 = arith.constant 16 : index
    %get3A_114 = tpu.vector_load %arg12[%get3A_113] {strides = array<i32>} : memref<1024xf32, #tpu.memory_space<vmem>>, vector<16xf32>,
    %gather3A_115 = tpu.vector_load_idx %arg8[%get3A_112] : memref<8192xf32, #tpu.memory_space<vmem>>[vector<16xi32>], vector<16xf32>,
    %sub3A_116 = arith.subf %get3A_114, %gather3A_115 : vector<16xf32>
    %get3A_117 = arith.constant 16 : index
    %get3A_118 = tpu.vector_load %arg13[%get3A_117] {strides = array<i32>} : memref<1024xf32, #tpu.memory_space<vmem>>, vector<16xf32>,
    %gather3A_119 = tpu.vector_load_idx %arg9[%get3A_112] : memref<8192xf32, #tpu.memory_space<vmem>>[vector<16xi32>], vector<16xf32>,
    %sub3A_120 = arith.subf %get3A_118, %gather3A_119 : vector<16xf32>
    %get3A_121 = arith.constant 16 : index
    %get3A_122 = tpu.vector_load %arg14[%get3A_121] {strides = array<i32>} : memref<1024xf32, #tpu.memory_space<vmem>>, vector<16xf32>,
    %gather3A_123 = tpu.vector_load_idx %arg10[%get3A_112] : memref<8192xf32, #tpu.memory_space<vmem>>[vector<16xi32>], vector<16xf32>,
    %sub3A_124 = arith.subf %get3A_122, %gather3A_123 : vector<16xf32>
    %mul3A_125 = arith.mulf %sub3A_116, %sub3A_116 : vector<16xf32>
    %mul3A_126 = arith.mulf %sub3A_120, %sub3A_120 : vector<16xf32>
    %add3A_127 = arith.addf %mul3A_125, %mul3A_126 : vector<16xf32>
    %mul3A_128 = arith.mulf %sub3A_124, %sub3A_124 : vector<16xf32>
    %add3A_129 = arith.addf %add3A_127, %mul3A_128 : vector<16xf32>
    %swap3A_130 = arith.constant 16 : index
    %swap3A_131 = tpu.vector_load %arg15[%swap3A_130] {strides = array<i32>} : memref<1024xf32, #tpu.memory_space<vmem>>, vector<16xf32>,
    tpu.vector_store %arg15[%swap3A_130], %add3A_129 {strides = array<i32>} : memref<1024xf32, #tpu.memory_space<vmem>>, vector<16xf32>,
    %get3A_132 = arith.constant 32 : index
    %get3A_133 = tpu.vector_load %arg11[%get3A_132] {strides = array<i32>} : memref<1024xi32, #tpu.memory_space<vmem>>, vector<16xi32>,
    %get3A_134 = arith.constant 32 : index
    %get3A_135 = tpu.vector_load %arg12[%get3A_134] {strides = array<i32>} : memref<1024xf32, #tpu.memory_space<vmem>>, vector<16xf32>,
    %gather3A_136 = tpu.vector_load_idx %arg8[%get3A_133] : memref<8192xf32, #tpu.memory_space<vmem>>[vector<16xi32>], vector<16xf32>,
    %sub3A_137 = arith.subf %get3A_135, %gather3A_136 : vector<16xf32>
    %get3A_138 = arith.constant 32 : index
    %get3A_139 = tpu.vector_load %arg13[%get3A_138] {strides = array<i32>} : memref<1024xf32, #tpu.memory_space<vmem>>, vector<16xf32>,
    %gather3A_140 = tpu.vector_load_idx %arg9[%get3A_133] : memref<8192xf32, #tpu.memory_space<vmem>>[vector<16xi32>], vector<16xf32>,
    %sub3A_141 = arith.subf %get3A_139, %gather3A_140 : vector<16xf32>
    %get3A_142 = arith.constant 32 : index
    %get3A_143 = tpu.vector_load %arg14[%get3A_142] {strides = array<i32>} : memref<1024xf32, #tpu.memory_space<vmem>>, vector<16xf32>,
    %gather3A_144 = tpu.vector_load_idx %arg10[%get3A_133] : memref<8192xf32, #tpu.memory_space<vmem>>[vector<16xi32>], vector<16xf32>,
    %sub3A_145 = arith.subf %get3A_143, %gather3A_144 : vector<16xf32>
    %mul3A_146 = arith.mulf %sub3A_137, %sub3A_137 : vector<16xf32>
    %mul3A_147 = arith.mulf %sub3A_141, %sub3A_141 : vector<16xf32>
    %add3A_148 = arith.addf %mul3A_146, %mul3A_147 : vector<16xf32>
    %mul3A_149 = arith.mulf %sub3A_145, %sub3A_145 : vector<16xf32>
    %add3A_150 = arith.addf %add3A_148, %mul3A_149 : vector<16xf32>
    %swap3A_151 = arith.constant 32 : index
    %swap3A_152 = tpu.vector_load %arg15[%swap3A_151] {strides = array<i32>} : memref<1024xf32, #tpu.memory_space<vmem>>, vector<16xf32>,
    tpu.vector_store %arg15[%swap3A_151], %add3A_150 {strides = array<i32>} : memref<1024xf32, #tpu.memory_space<vmem>>, vector<16xf32>,
    %get3A_153 = arith.constant 48 : index
    %get3A_154 = tpu.vector_load %arg11[%get3A_153] {strides = array<i32>} : memref<1024xi32, #tpu.memory_space<vmem>>, vector<16xi32>,
    %get3A_155 = arith.constant 48 : index
    %get3A_156 = tpu.vector_load %arg12[%get3A_155] {strides = array<i32>} : memref<1024xf32, #tpu.memory_space<vmem>>, vector<16xf32>,
    %gather3A_157 = tpu.vector_load_idx %arg8[%get3A_154] : memref<8192xf32, #tpu.memory_space<vmem>>[vector<16xi32>], vector<16xf32>,
    %sub3A_158 = arith.subf %get3A_156, %gather3A_157 : vector<16xf32>
    %get3A_159 = arith.constant 48 : index
    %get3A_160 = tpu.vector_load %arg13[%get3A_159] {strides = array<i32>} : memref<1024xf32, #tpu.memory_space<vmem>>, vector<16xf32>,
    %gather3A_161 = tpu.vector_load_idx %arg9[%get3A_154] : memref<8192xf32, #tpu.memory_space<vmem>>[vector<16xi32>], vector<16xf32>,
    %sub3A_162 = arith.subf %get3A_160, %gather3A_161 : vector<16xf32>
    %get3A_163 = arith.constant 48 : index
    %get3A_164 = tpu.vector_load %arg14[%get3A_163] {strides = array<i32>} : memref<1024xf32, #tpu.memory_space<vmem>>, vector<16xf32>,
    %gather3A_165 = tpu.vector_load_idx %arg10[%get3A_154] : memref<8192xf32, #tpu.memory_space<vmem>>[vector<16xi32>], vector<16xf32>,
    %sub3A_166 = arith.subf %get3A_164, %gather3A_165 : vector<16xf32>
    %mul3A_167 = arith.mulf %sub3A_158, %sub3A_158 : vector<16xf32>
    %mul3A_168 = arith.mulf %sub3A_162, %sub3A_162 : vector<16xf32>
    %add3A_169 = arith.addf %mul3A_167, %mul3A_168 : vector<16xf32>
    %mul3A_170 = arith.mulf %sub3A_166, %sub3A_166 : vector<16xf32>
    %add3A_171 = arith.addf %add3A_169, %mul3A_170 : vector<16xf32>
    %swap3A_172 = arith.constant 48 : index
    %swap3A_173 = tpu.vector_load %arg15[%swap3A_172] {strides = array<i32>} : memref<1024xf32, #tpu.memory_space<vmem>>, vector<16xf32>,
    tpu.vector_store %arg15[%swap3A_172], %add3A_171 {strides = array<i32>} : memref<1024xf32, #tpu.memory_space<vmem>>, vector<16xf32>,
    %get3A_174 = arith.constant 64 : index
    %get3A_175 = tpu.vector_load %arg11[%get3A_174] {strides = array<i32>} : memref<1024xi32, #tpu.memory_space<vmem>>, vector<16xi32>,
    %get3A_176 = arith.constant 64 : index
    %get3A_177 = tpu.vector_load %arg12[%get3A_176] {strides = array<i32>} : memref<1024xf32, #tpu.memory_space<vmem>>, vector<16xf32>,
    %gather3A_178 = tpu.vector_load_idx %arg8[%get3A_175] : memref<8192xf32, #tpu.memory_space<vmem>>[vector<16xi32>], vector<16xf32>,
    %sub3A_179 = arith.subf %get3A_177, %gather3A_178 : vector<16xf32>
    %get3A_180 = arith.constant 64 : index
    %get3A_181 = tpu.vector_load %arg13[%get3A_180] {strides = array<i32>} : memref<1024xf32, #tpu.memory_space<vmem>>, vector<16xf32>,
    %gather3A_182 = tpu.vector_load_idx %arg9[%get3A_175] : memref<8192xf32, #tpu.memory_space<vmem>>[vector<16xi32>], vector<16xf32>,
    %sub3A_183 = arith.subf %get3A_181, %gather3A_182 : vector<16xf32>
    %get3A_184 = arith.constant 64 : index
    %get3A_185 = tpu.vector_load %arg14[%get3A_184] {strides = array<i32>} : memref<1024xf32, #tpu.memory_space<vmem>>, vector<16xf32>,
    %gather3A_186 = tpu.vector_load_idx %arg10[%get3A_175] : memref<8192xf32, #tpu.memory_space<vmem>>[vector<16xi32>], vector<16xf32>,
    %sub3A_187 = arith.subf %get3A_185, %gather3A_186 : vector<16xf32>
    %mul3A_188 = arith.mulf %sub3A_179, %sub3A_179 : vector<16xf32>
    %mul3A_189 = arith.mulf %sub3A_183, %sub3A_183 : vector<16xf32>
    %add3A_190 = arith.addf %mul3A_188, %mul3A_189 : vector<16xf32>
    %mul3A_191 = arith.mulf %sub3A_187, %sub3A_187 : vector<16xf32>
    %add3A_192 = arith.addf %add3A_190, %mul3A_191 : vector<16xf32>
    %swap3A_193 = arith.constant 64 : index
    %swap3A_194 = tpu.vector_load %arg15[%swap3A_193] {strides = array<i32>} : memref<1024xf32, #tpu.memory_space<vmem>>, vector<16xf32>,
    tpu.vector_store %arg15[%swap3A_193], %add3A_192 {strides = array<i32>} : memref<1024xf32, #tpu.memory_space<vmem>>, vector<16xf32>,
    %get3A_195 = arith.constant 80 : index
    %get3A_196 = tpu.vector_load %arg11[%get3A_195] {strides = array<i32>} : memref<1024xi32, #tpu.memory_space<vmem>>, vector<16xi32>,
    %get3A_197 = arith.constant 80 : index
    %get3A_198 = tpu.vector_load %arg12[%get3A_197] {strides = array<i32>} : memref<1024xf32, #tpu.memory_space<vmem>>, vector<16xf32>,
    %gather3A_199 = tpu.vector_load_idx %arg8[%get3A_196] : memref<8192xf32, #tpu.memory_space<vmem>>[vector<16xi32>], vector<16xf32>,
    %sub3A_200 = arith.subf %get3A_198, %gather3A_199 : vector<16xf32>
    %get3A_201 = arith.constant 80 : index
    %get3A_202 = tpu.vector_load %arg13[%get3A_201] {strides = array<i32>} : memref<1024xf32, #tpu.memory_space<vmem>>, vector<16xf32>,
    %gather3A_203 = tpu.vector_load_idx %arg9[%get3A_196] : memref<8192xf32, #tpu.memory_space<vmem>>[vector<16xi32>], vector<16xf32>,
    %sub3A_204 = arith.subf %get3A_202, %gather3A_203 : vector<16xf32>
    %get3A_205 = arith.constant 80 : index
    %get3A_206 = tpu.vector_load %arg14[%get3A_205] {strides = array<i32>} : memref<1024xf32, #tpu.memory_space<vmem>>, vector<16xf32>,
    %gather3A_207 = tpu.vector_load_idx %arg10[%get3A_196] : memref<8192xf32, #tpu.memory_space<vmem>>[vector<16xi32>], vector<16xf32>,
    %sub3A_208 = arith.subf %get3A_206, %gather3A_207 : vector<16xf32>
    %mul3A_209 = arith.mulf %sub3A_200, %sub3A_200 : vector<16xf32>
    %mul3A_210 = arith.mulf %sub3A_204, %sub3A_204 : vector<16xf32>
    %add3A_211 = arith.addf %mul3A_209, %mul3A_210 : vector<16xf32>
    %mul3A_212 = arith.mulf %sub3A_208, %sub3A_208 : vector<16xf32>
    %add3A_213 = arith.addf %add3A_211, %mul3A_212 : vector<16xf32>
    %swap3A_214 = arith.constant 80 : index
    %swap3A_215 = tpu.vector_load %arg15[%swap3A_214] {strides = array<i32>} : memref<1024xf32, #tpu.memory_space<vmem>>, vector<16xf32>,
    tpu.vector_store %arg15[%swap3A_214], %add3A_213 {strides = array<i32>} : memref<1024xf32, #tpu.memory_space<vmem>>, vector<16xf32>,
    %get3A_216 = arith.constant 96 : index
    %get3A_217 = tpu.vector_load %arg11[%get3A_216] {strides = array<i32>} : memref<1024xi32, #tpu.memory_space<vmem>>, vector<16xi32>,
    %get3A_218 = arith.constant 96 : index
    %get3A_219 = tpu.vector_load %arg12[%get3A_218] {strides = array<i32>} : memref<1024xf32, #tpu.memory_space<vmem>>, vector<16xf32>,
    %gather3A_220 = tpu.vector_load_idx %arg8[%get3A_217] : memref<8192xf32, #tpu.memory_space<vmem>>[vector<16xi32>], vector<16xf32>,
    %sub3A_221 = arith.subf %get3A_219, %gather3A_220 : vector<16xf32>
    %get3A_222 = arith.constant 96 : index
    %get3A_223 = tpu.vector_load %arg13[%get3A_222] {strides = array<i32>} : memref<1024xf32, #tpu.memory_space<vmem>>, vector<16xf32>,
    %gather3A_224 = tpu.vector_load_idx %arg9[%get3A_217] : memref<8192xf32, #tpu.memory_space<vmem>>[vector<16xi32>], vector<16xf32>,
    %sub3A_225 = arith.subf %get3A_223, %gather3A_224 : vector<16xf32>
    %get3A_226 = arith.constant 96 : index
    %get3A_227 = tpu.vector_load %arg14[%get3A_226] {strides = array<i32>} : memref<1024xf32, #tpu.memory_space<vmem>>, vector<16xf32>,
    %gather3A_228 = tpu.vector_load_idx %arg10[%get3A_217] : memref<8192xf32, #tpu.memory_space<vmem>>[vector<16xi32>], vector<16xf32>,
    %sub3A_229 = arith.subf %get3A_227, %gather3A_228 : vector<16xf32>
    %mul3A_230 = arith.mulf %sub3A_221, %sub3A_221 : vector<16xf32>
    %mul3A_231 = arith.mulf %sub3A_225, %sub3A_225 : vector<16xf32>
    %add3A_232 = arith.addf %mul3A_230, %mul3A_231 : vector<16xf32>
    %mul3A_233 = arith.mulf %sub3A_229, %sub3A_229 : vector<16xf32>
    %add3A_234 = arith.addf %add3A_232, %mul3A_233 : vector<16xf32>
    %swap3A_235 = arith.constant 96 : index
    %swap3A_236 = tpu.vector_load %arg15[%swap3A_235] {strides = array<i32>} : memref<1024xf32, #tpu.memory_space<vmem>>, vector<16xf32>,
    tpu.vector_store %arg15[%swap3A_235], %add3A_234 {strides = array<i32>} : memref<1024xf32, #tpu.memory_space<vmem>>, vector<16xf32>,
    %get3A_237 = arith.constant 112 : index
    %get3A_238 = tpu.vector_load %arg11[%get3A_237] {strides = array<i32>} : memref<1024xi32, #tpu.memory_space<vmem>>, vector<16xi32>,
    %get3A_239 = arith.constant 112 : index
    %get3A_240 = tpu.vector_load %arg12[%get3A_239] {strides = array<i32>} : memref<1024xf32, #tpu.memory_space<vmem>>, vector<16xf32>,
    %gather3A_241 = tpu.vector_load_idx %arg8[%get3A_238] : memref<8192xf32, #tpu.memory_space<vmem>>[vector<16xi32>], vector<16xf32>,
    %sub3A_242 = arith.subf %get3A_240, %gather3A_241 : vector<16xf32>
    %get3A_243 = arith.constant 112 : index
    %get3A_244 = tpu.vector_load %arg13[%get3A_243] {strides = array<i32>} : memref<1024xf32, #tpu.memory_space<vmem>>, vector<16xf32>,
    %gather3A_245 = tpu.vector_load_idx %arg9[%get3A_238] : memref<8192xf32, #tpu.memory_space<vmem>>[vector<16xi32>], vector<16xf32>,
    %sub3A_246 = arith.subf %get3A_244, %gather3A_245 : vector<16xf32>
    %get3A_247 = arith.constant 112 : index
    %get3A_248 = tpu.vector_load %arg14[%get3A_247] {strides = array<i32>} : memref<1024xf32, #tpu.memory_space<vmem>>, vector<16xf32>,
    %gather3A_249 = tpu.vector_load_idx %arg10[%get3A_238] : memref<8192xf32, #tpu.memory_space<vmem>>[vector<16xi32>], vector<16xf32>,
    %sub3A_250 = arith.subf %get3A_248, %gather3A_249 : vector<16xf32>
    %mul3A_251 = arith.mulf %sub3A_242, %sub3A_242 : vector<16xf32>
    %mul3A_252 = arith.mulf %sub3A_246, %sub3A_246 : vector<16xf32>
    %add3A_253 = arith.addf %mul3A_251, %mul3A_252 : vector<16xf32>
    %mul3A_254 = arith.mulf %sub3A_250, %sub3A_250 : vector<16xf32>
    %add3A_255 = arith.addf %add3A_253, %mul3A_254 : vector<16xf32>
    %swap3A_256 = arith.constant 112 : index
    %swap3A_257 = tpu.vector_load %arg15[%swap3A_256] {strides = array<i32>} : memref<1024xf32, #tpu.memory_space<vmem>>, vector<16xf32>,
    tpu.vector_store %arg15[%swap3A_256], %add3A_255 {strides = array<i32>} : memref<1024xf32, #tpu.memory_space<vmem>>, vector<16xf32>,
    %get3A_258 = arith.constant 128 : index
    %get3A_259 = tpu.vector_load %arg11[%get3A_258] {strides = array<i32>} : memref<1024xi32, #tpu.memory_space<vmem>>, vector<16xi32>,
    %get3A_260 = arith.constant 128 : index
    %get3A_261 = tpu.vector_load %arg12[%get3A_260] {strides = array<i32>} : memref<1024xf32, #tpu.memory_space<vmem>>, vector<16xf32>,
    %gather3A_262 = tpu.vector_load_idx %arg8[%get3A_259] : memref<8192xf32, #tpu.memory_space<vmem>>[vector<16xi32>], vector<16xf32>,
    %sub3A_263 = arith.subf %get3A_261, %gather3A_262 : vector<16xf32>
    %get3A_264 = arith.constant 128 : index
    %get3A_265 = tpu.vector_load %arg13[%get3A_264] {strides = array<i32>} : memref<1024xf32, #tpu.memory_space<vmem>>, vector<16xf32>,
    %gather3A_266 = tpu.vector_load_idx %arg9[%get3A_259] : memref<8192xf32, #tpu.memory_space<vmem>>[vector<16xi32>], vector<16xf32>,
    %sub3A_267 = arith.subf %get3A_265, %gather3A_266 : vector<16xf32>
    %get3A_268 = arith.constant 128 : index
    %get3A_269 = tpu.vector_load %arg14[%get3A_268] {strides = array<i32>} : memref<1024xf32, #tpu.memory_space<vmem>>, vector<16xf32>,
    %gather3A_270 = tpu.vector_load_idx %arg10[%get3A_259] : memref<8192xf32, #tpu.memory_space<vmem>>[vector<16xi32>], vector<16xf32>,
    %sub3A_271 = arith.subf %get3A_269, %gather3A_270 : vector<16xf32>
    %mul3A_272 = arith.mulf %sub3A_263, %sub3A_263 : vector<16xf32>
    %mul3A_273 = arith.mulf %sub3A_267, %sub3A_267 : vector<16xf32>
    %add3A_274 = arith.addf %mul3A_272, %mul3A_273 : vector<16xf32>
    %mul3A_275 = arith.mulf %sub3A_271, %sub3A_271 : vector<16xf32>
    %add3A_276 = arith.addf %add3A_274, %mul3A_275 : vector<16xf32>
    %swap3A_277 = arith.constant 128 : index
    %swap3A_278 = tpu.vector_load %arg15[%swap3A_277] {strides = array<i32>} : memref<1024xf32, #tpu.memory_space<vmem>>, vector<16xf32>,
    tpu.vector_store %arg15[%swap3A_277], %add3A_276 {strides = array<i32>} : memref<1024xf32, #tpu.memory_space<vmem>>, vector<16xf32>,
    %get3A_279 = arith.constant 144 : index
    %get3A_280 = tpu.vector_load %arg11[%get3A_279] {strides = array<i32>} : memref<1024xi32, #tpu.memory_space<vmem>>, vector<16xi32>,
    %get3A_281 = arith.constant 144 : index
    %get3A_282 = tpu.vector_load %arg12[%get3A_281] {strides = array<i32>} : memref<1024xf32, #tpu.memory_space<vmem>>, vector<16xf32>,
    %gather3A_283 = tpu.vector_load_idx %arg8[%get3A_280] : memref<8192xf32, #tpu.memory_space<vmem>>[vector<16xi32>], vector<16xf32>,
    %sub3A_284 = arith.subf %get3A_282, %gather3A_283 : vector<16xf32>
    %get3A_285 = arith.constant 144 : index
    %get3A_286 = tpu.vector_load %arg13[%get3A_285] {strides = array<i32>} : memref<1024xf32, #tpu.memory_space<vmem>>, vector<16xf32>,
    %gather3A_287 = tpu.vector_load_idx %arg9[%get3A_280] : memref<8192xf32, #tpu.memory_space<vmem>>[vector<16xi32>], vector<16xf32>,
    %sub3A_288 = arith.subf %get3A_286, %gather3A_287 : vector<16xf32>
    %get3A_289 = arith.constant 144 : index
    %get3A_290 = tpu.vector_load %arg14[%get3A_289] {strides = array<i32>} : memref<1024xf32, #tpu.memory_space<vmem>>, vector<16xf32>,
    %gather3A_291 = tpu.vector_load_idx %arg10[%get3A_280] : memref<8192xf32, #tpu.memory_space<vmem>>[vector<16xi32>], vector<16xf32>,
    %sub3A_292 = arith.subf %get3A_290, %gather3A_291 : vector<16xf32>
    %mul3A_293 = arith.mulf %sub3A_284, %sub3A_284 : vector<16xf32>
    %mul3A_294 = arith.mulf %sub3A_288, %sub3A_288 : vector<16xf32>
    %add3A_295 = arith.addf %mul3A_293, %mul3A_294 : vector<16xf32>
    %mul3A_296 = arith.mulf %sub3A_292, %sub3A_292 : vector<16xf32>
    %add3A_297 = arith.addf %add3A_295, %mul3A_296 : vector<16xf32>
    %swap3A_298 = arith.constant 144 : index
    %swap3A_299 = tpu.vector_load %arg15[%swap3A_298] {strides = array<i32>} : memref<1024xf32, #tpu.memory_space<vmem>>, vector<16xf32>,
    tpu.vector_store %arg15[%swap3A_298], %add3A_297 {strides = array<i32>} : memref<1024xf32, #tpu.memory_space<vmem>>, vector<16xf32>,
    %get3A_300 = arith.constant 160 : index
    %get3A_301 = tpu.vector_load %arg11[%get3A_300] {strides = array<i32>} : memref<1024xi32, #tpu.memory_space<vmem>>, vector<16xi32>,
    %get3A_302 = arith.constant 160 : index
    %get3A_303 = tpu.vector_load %arg12[%get3A_302] {strides = array<i32>} : memref<1024xf32, #tpu.memory_space<vmem>>, vector<16xf32>,
    %gather3A_304 = tpu.vector_load_idx %arg8[%get3A_301] : memref<8192xf32, #tpu.memory_space<vmem>>[vector<16xi32>], vector<16xf32>,
    %sub3A_305 = arith.subf %get3A_303, %gather3A_304 : vector<16xf32>
    %get3A_306 = arith.constant 160 : index
    %get3A_307 = tpu.vector_load %arg13[%get3A_306] {strides = array<i32>} : memref<1024xf32, #tpu.memory_space<vmem>>, vector<16xf32>,
    %gather3A_308 = tpu.vector_load_idx %arg9[%get3A_301] : memref<8192xf32, #tpu.memory_space<vmem>>[vector<16xi32>], vector<16xf32>,
    %sub3A_309 = arith.subf %get3A_307, %gather3A_308 : vector<16xf32>
    %get3A_310 = arith.constant 160 : index
    %get3A_311 = tpu.vector_load %arg14[%get3A_310] {strides = array<i32>} : memref<1024xf32, #tpu.memory_space<vmem>>, vector<16xf32>,
    %gather3A_312 = tpu.vector_load_idx %arg10[%get3A_301] : memref<8192xf32, #tpu.memory_space<vmem>>[vector<16xi32>], vector<16xf32>,
    %sub3A_313 = arith.subf %get3A_311, %gather3A_312 : vector<16xf32>
    %mul3A_314 = arith.mulf %sub3A_305, %sub3A_305 : vector<16xf32>
    %mul3A_315 = arith.mulf %sub3A_309, %sub3A_309 : vector<16xf32>
    %add3A_316 = arith.addf %mul3A_314, %mul3A_315 : vector<16xf32>
    %mul3A_317 = arith.mulf %sub3A_313, %sub3A_313 : vector<16xf32>
    %add3A_318 = arith.addf %add3A_316, %mul3A_317 : vector<16xf32>
    %swap3A_319 = arith.constant 160 : index
    %swap3A_320 = tpu.vector_load %arg15[%swap3A_319] {strides = array<i32>} : memref<1024xf32, #tpu.memory_space<vmem>>, vector<16xf32>,
    tpu.vector_store %arg15[%swap3A_319], %add3A_318 {strides = array<i32>} : memref<1024xf32, #tpu.memory_space<vmem>>, vector<16xf32>,
    %get3A_321 = arith.constant 176 : index
    %get3A_322 = tpu.vector_load %arg11[%get3A_321] {strides = array<i32>} : memref<1024xi32, #tpu.memory_space<vmem>>, vector<16xi32>,
    %get3A_323 = arith.constant 176 : index
    %get3A_324 = tpu.vector_load %arg12[%get3A_323] {strides = array<i32>} : memref<1024xf32, #tpu.memory_space<vmem>>, vector<16xf32>,
    %gather3A_325 = tpu.vector_load_idx %arg8[%get3A_322] : memref<8192xf32, #tpu.memory_space<vmem>>[vector<16xi32>], vector<16xf32>,
    %sub3A_326 = arith.subf %get3A_324, %gather3A_325 : vector<16xf32>
    %get3A_327 = arith.constant 176 : index
    %get3A_328 = tpu.vector_load %arg13[%get3A_327] {strides = array<i32>} : memref<1024xf32, #tpu.memory_space<vmem>>, vector<16xf32>,
    %gather3A_329 = tpu.vector_load_idx %arg9[%get3A_322] : memref<8192xf32, #tpu.memory_space<vmem>>[vector<16xi32>], vector<16xf32>,
    %sub3A_330 = arith.subf %get3A_328, %gather3A_329 : vector<16xf32>
    %get3A_331 = arith.constant 176 : index
    %get3A_332 = tpu.vector_load %arg14[%get3A_331] {strides = array<i32>} : memref<1024xf32, #tpu.memory_space<vmem>>, vector<16xf32>,
    %gather3A_333 = tpu.vector_load_idx %arg10[%get3A_322] : memref<8192xf32, #tpu.memory_space<vmem>>[vector<16xi32>], vector<16xf32>,
    %sub3A_334 = arith.subf %get3A_332, %gather3A_333 : vector<16xf32>
    %mul3A_335 = arith.mulf %sub3A_326, %sub3A_326 : vector<16xf32>
    %mul3A_336 = arith.mulf %sub3A_330, %sub3A_330 : vector<16xf32>
    %add3A_337 = arith.addf %mul3A_335, %mul3A_336 : vector<16xf32>
    %mul3A_338 = arith.mulf %sub3A_334, %sub3A_334 : vector<16xf32>
    %add3A_339 = arith.addf %add3A_337, %mul3A_338 : vector<16xf32>
    %swap3A_340 = arith.constant 176 : index
    %swap3A_341 = tpu.vector_load %arg15[%swap3A_340] {strides = array<i32>} : memref<1024xf32, #tpu.memory_space<vmem>>, vector<16xf32>,
    tpu.vector_store %arg15[%swap3A_340], %add3A_339 {strides = array<i32>} : memref<1024xf32, #tpu.memory_space<vmem>>, vector<16xf32>,
    %get3A_342 = arith.constant 192 : index
    %get3A_343 = tpu.vector_load %arg11[%get3A_342] {strides = array<i32>} : memref<1024xi32, #tpu.memory_space<vmem>>, vector<16xi32>,
    %get3A_344 = arith.constant 192 : index
    %get3A_345 = tpu.vector_load %arg12[%get3A_344] {strides = array<i32>} : memref<1024xf32, #tpu.memory_space<vmem>>, vector<16xf32>,
    %gather3A_346 = tpu.vector_load_idx %arg8[%get3A_343] : memref<8192xf32, #tpu.memory_space<vmem>>[vector<16xi32>], vector<16xf32>,
    %sub3A_347 = arith.subf %get3A_345, %gather3A_346 : vector<16xf32>
    %get3A_348 = arith.constant 192 : index
    %get3A_349 = tpu.vector_load %arg13[%get3A_348] {strides = array<i32>} : memref<1024xf32, #tpu.memory_space<vmem>>, vector<16xf32>,
    %gather3A_350 = tpu.vector_load_idx %arg9[%get3A_343] : memref<8192xf32, #tpu.memory_space<vmem>>[vector<16xi32>], vector<16xf32>,
    %sub3A_351 = arith.subf %get3A_349, %gather3A_350 : vector<16xf32>
    %get3A_352 = arith.constant 192 : index
    %get3A_353 = tpu.vector_load %arg14[%get3A_352] {strides = array<i32>} : memref<1024xf32, #tpu.memory_space<vmem>>, vector<16xf32>,
    %gather3A_354 = tpu.vector_load_idx %arg10[%get3A_343] : memref<8192xf32, #tpu.memory_space<vmem>>[vector<16xi32>], vector<16xf32>,
    %sub3A_355 = arith.subf %get3A_353, %gather3A_354 : vector<16xf32>
    %mul3A_356 = arith.mulf %sub3A_347, %sub3A_347 : vector<16xf32>
    %mul3A_357 = arith.mulf %sub3A_351, %sub3A_351 : vector<16xf32>
    %add3A_358 = arith.addf %mul3A_356, %mul3A_357 : vector<16xf32>
    %mul3A_359 = arith.mulf %sub3A_355, %sub3A_355 : vector<16xf32>
    %add3A_360 = arith.addf %add3A_358, %mul3A_359 : vector<16xf32>
    %swap3A_361 = arith.constant 192 : index
    %swap3A_362 = tpu.vector_load %arg15[%swap3A_361] {strides = array<i32>} : memref<1024xf32, #tpu.memory_space<vmem>>, vector<16xf32>,
    tpu.vector_store %arg15[%swap3A_361], %add3A_360 {strides = array<i32>} : memref<1024xf32, #tpu.memory_space<vmem>>, vector<16xf32>,
    %get3A_363 = arith.constant 208 : index
    %get3A_364 = tpu.vector_load %arg11[%get3A_363] {strides = array<i32>} : memref<1024xi32, #tpu.memory_space<vmem>>, vector<16xi32>,
    %get3A_365 = arith.constant 208 : index
    %get3A_366 = tpu.vector_load %arg12[%get3A_365] {strides = array<i32>} : memref<1024xf32, #tpu.memory_space<vmem>>, vector<16xf32>,
    %gather3A_367 = tpu.vector_load_idx %arg8[%get3A_364] : memref<8192xf32, #tpu.memory_space<vmem>>[vector<16xi32>], vector<16xf32>,
    %sub3A_368 = arith.subf %get3A_366, %gather3A_367 : vector<16xf32>
    %get3A_369 = arith.constant 208 : index
    %get3A_370 = tpu.vector_load %arg13[%get3A_369] {strides = array<i32>} : memref<1024xf32, #tpu.memory_space<vmem>>, vector<16xf32>,
    %gather3A_371 = tpu.vector_load_idx %arg9[%get3A_364] : memref<8192xf32, #tpu.memory_space<vmem>>[vector<16xi32>], vector<16xf32>,
    %sub3A_372 = arith.subf %get3A_370, %gather3A_371 : vector<16xf32>
    %get3A_373 = arith.constant 208 : index
    %get3A_374 = tpu.vector_load %arg14[%get3A_373] {strides = array<i32>} : memref<1024xf32, #tpu.memory_space<vmem>>, vector<16xf32>,
    %gather3A_375 = tpu.vector_load_idx %arg10[%get3A_364] : memref<8192xf32, #tpu.memory_space<vmem>>[vector<16xi32>], vector<16xf32>,
    %sub3A_376 = arith.subf %get3A_374, %gather3A_375 : vector<16xf32>
    %mul3A_377 = arith.mulf %sub3A_368, %sub3A_368 : vector<16xf32>
    %mul3A_378 = arith.mulf %sub3A_372, %sub3A_372 : vector<16xf32>
    %add3A_379 = arith.addf %mul3A_377, %mul3A_378 : vector<16xf32>
    %mul3A_380 = arith.mulf %sub3A_376, %sub3A_376 : vector<16xf32>
    %add3A_381 = arith.addf %add3A_379, %mul3A_380 : vector<16xf32>
    %swap3A_382 = arith.constant 208 : index
    %swap3A_383 = tpu.vector_load %arg15[%swap3A_382] {strides = array<i32>} : memref<1024xf32, #tpu.memory_space<vmem>>, vector<16xf32>,
    tpu.vector_store %arg15[%swap3A_382], %add3A_381 {strides = array<i32>} : memref<1024xf32, #tpu.memory_space<vmem>>, vector<16xf32>,
    %get3A_384 = arith.constant 224 : index
    %get3A_385 = tpu.vector_load %arg11[%get3A_384] {strides = array<i32>} : memref<1024xi32, #tpu.memory_space<vmem>>, vector<16xi32>,
    %get3A_386 = arith.constant 224 : index
    %get3A_387 = tpu.vector_load %arg12[%get3A_386] {strides = array<i32>} : memref<1024xf32, #tpu.memory_space<vmem>>, vector<16xf32>,
    %gather3A_388 = tpu.vector_load_idx %arg8[%get3A_385] : memref<8192xf32, #tpu.memory_space<vmem>>[vector<16xi32>], vector<16xf32>,
    %sub3A_389 = arith.subf %get3A_387, %gather3A_388 : vector<16xf32>
    %get3A_390 = arith.constant 224 : index
    %get3A_391 = tpu.vector_load %arg13[%get3A_390] {strides = array<i32>} : memref<1024xf32, #tpu.memory_space<vmem>>, vector<16xf32>,
    %gather3A_392 = tpu.vector_load_idx %arg9[%get3A_385] : memref<8192xf32, #tpu.memory_space<vmem>>[vector<16xi32>], vector<16xf32>,
    %sub3A_393 = arith.subf %get3A_391, %gather3A_392 : vector<16xf32>
    %get3A_394 = arith.constant 224 : index
    %get3A_395 = tpu.vector_load %arg14[%get3A_394] {strides = array<i32>} : memref<1024xf32, #tpu.memory_space<vmem>>, vector<16xf32>,
    %gather3A_396 = tpu.vector_load_idx %arg10[%get3A_385] : memref<8192xf32, #tpu.memory_space<vmem>>[vector<16xi32>], vector<16xf32>,
    %sub3A_397 = arith.subf %get3A_395, %gather3A_396 : vector<16xf32>
    %mul3A_398 = arith.mulf %sub3A_389, %sub3A_389 : vector<16xf32>
    %mul3A_399 = arith.mulf %sub3A_393, %sub3A_393 : vector<16xf32>
    %add3A_400 = arith.addf %mul3A_398, %mul3A_399 : vector<16xf32>
    %mul3A_401 = arith.mulf %sub3A_397, %sub3A_397 : vector<16xf32>
    %add3A_402 = arith.addf %add3A_400, %mul3A_401 : vector<16xf32>
    %swap3A_403 = arith.constant 224 : index
    %swap3A_404 = tpu.vector_load %arg15[%swap3A_403] {strides = array<i32>} : memref<1024xf32, #tpu.memory_space<vmem>>, vector<16xf32>,
    tpu.vector_store %arg15[%swap3A_403], %add3A_402 {strides = array<i32>} : memref<1024xf32, #tpu.memory_space<vmem>>, vector<16xf32>,
    %get3A_405 = arith.constant 240 : index
    %get3A_406 = tpu.vector_load %arg11[%get3A_405] {strides = array<i32>} : memref<1024xi32, #tpu.memory_space<vmem>>, vector<16xi32>,
    %get3A_407 = arith.constant 240 : index
    %get3A_408 = tpu.vector_load %arg12[%get3A_407] {strides = array<i32>} : memref<1024xf32, #tpu.memory_space<vmem>>, vector<16xf32>,
    %gather3A_409 = tpu.vector_load_idx %arg8[%get3A_406] : memref<8192xf32, #tpu.memory_space<vmem>>[vector<16xi32>], vector<16xf32>,
    %sub3A_410 = arith.subf %get3A_408, %gather3A_409 : vector<16xf32>
    %get3A_411 = arith.constant 240 : index
    %get3A_412 = tpu.vector_load %arg13[%get3A_411] {strides = array<i32>} : memref<1024xf32, #tpu.memory_space<vmem>>, vector<16xf32>,
    %gather3A_413 = tpu.vector_load_idx %arg9[%get3A_406] : memref<8192xf32, #tpu.memory_space<vmem>>[vector<16xi32>], vector<16xf32>,
    %sub3A_414 = arith.subf %get3A_412, %gather3A_413 : vector<16xf32>
    %get3A_415 = arith.constant 240 : index
    %get3A_416 = tpu.vector_load %arg14[%get3A_415] {strides = array<i32>} : memref<1024xf32, #tpu.memory_space<vmem>>, vector<16xf32>,
    %gather3A_417 = tpu.vector_load_idx %arg10[%get3A_406] : memref<8192xf32, #tpu.memory_space<vmem>>[vector<16xi32>], vector<16xf32>,
    %sub3A_418 = arith.subf %get3A_416, %gather3A_417 : vector<16xf32>
    %mul3A_419 = arith.mulf %sub3A_410, %sub3A_410 : vector<16xf32>
    %mul3A_420 = arith.mulf %sub3A_414, %sub3A_414 : vector<16xf32>
    %add3A_421 = arith.addf %mul3A_419, %mul3A_420 : vector<16xf32>
    %mul3A_422 = arith.mulf %sub3A_418, %sub3A_418 : vector<16xf32>
    %add3A_423 = arith.addf %add3A_421, %mul3A_422 : vector<16xf32>
    %swap3A_424 = arith.constant 240 : index
    %swap3A_425 = tpu.vector_load %arg15[%swap3A_424] {strides = array<i32>} : memref<1024xf32, #tpu.memory_space<vmem>>, vector<16xf32>,
    tpu.vector_store %arg15[%swap3A_424], %add3A_423 {strides = array<i32>} : memref<1024xf32, #tpu.memory_space<vmem>>, vector<16xf32>,
    %get3A_426 = arith.constant 256 : index
    %get3A_427 = tpu.vector_load %arg11[%get3A_426] {strides = array<i32>} : memref<1024xi32, #tpu.memory_space<vmem>>, vector<16xi32>,
    %get3A_428 = arith.constant 256 : index
    %get3A_429 = tpu.vector_load %arg12[%get3A_428] {strides = array<i32>} : memref<1024xf32, #tpu.memory_space<vmem>>, vector<16xf32>,
    %gather3A_430 = tpu.vector_load_idx %arg8[%get3A_427] : memref<8192xf32, #tpu.memory_space<vmem>>[vector<16xi32>], vector<16xf32>,
    %sub3A_431 = arith.subf %get3A_429, %gather3A_430 : vector<16xf32>
    %get3A_432 = arith.constant 256 : index
    %get3A_433 = tpu.vector_load %arg13[%get3A_432] {strides = array<i32>} : memref<1024xf32, #tpu.memory_space<vmem>>, vector<16xf32>,
    %gather3A_434 = tpu.vector_load_idx %arg9[%get3A_427] : memref<8192xf32, #tpu.memory_space<vmem>>[vector<16xi32>], vector<16xf32>,
    %sub3A_435 = arith.subf %get3A_433, %gather3A_434 : vector<16xf32>
    %get3A_436 = arith.constant 256 : index
    %get3A_437 = tpu.vector_load %arg14[%get3A_436] {strides = array<i32>} : memref<1024xf32, #tpu.memory_space<vmem>>, vector<16xf32>,
    %gather3A_438 = tpu.vector_load_idx %arg10[%get3A_427] : memref<8192xf32, #tpu.memory_space<vmem>>[vector<16xi32>], vector<16xf32>,
    %sub3A_439 = arith.subf %get3A_437, %gather3A_438 : vector<16xf32>
    %mul3A_440 = arith.mulf %sub3A_431, %sub3A_431 : vector<16xf32>
    %mul3A_441 = arith.mulf %sub3A_435, %sub3A_435 : vector<16xf32>
    %add3A_442 = arith.addf %mul3A_440, %mul3A_441 : vector<16xf32>
    %mul3A_443 = arith.mulf %sub3A_439, %sub3A_439 : vector<16xf32>
    %add3A_444 = arith.addf %add3A_442, %mul3A_443 : vector<16xf32>
    %swap3A_445 = arith.constant 256 : index
    %swap3A_446 = tpu.vector_load %arg15[%swap3A_445] {strides = array<i32>} : memref<1024xf32, #tpu.memory_space<vmem>>, vector<16xf32>,
    tpu.vector_store %arg15[%swap3A_445], %add3A_444 {strides = array<i32>} : memref<1024xf32, #tpu.memory_space<vmem>>, vector<16xf32>,
    %get3A_447 = arith.constant 272 : index
    %get3A_448 = tpu.vector_load %arg11[%get3A_447] {strides = array<i32>} : memref<1024xi32, #tpu.memory_space<vmem>>, vector<16xi32>,
    %get3A_449 = arith.constant 272 : index
    %get3A_450 = tpu.vector_load %arg12[%get3A_449] {strides = array<i32>} : memref<1024xf32, #tpu.memory_space<vmem>>, vector<16xf32>,
    %gather3A_451 = tpu.vector_load_idx %arg8[%get3A_448] : memref<8192xf32, #tpu.memory_space<vmem>>[vector<16xi32>], vector<16xf32>,
    %sub3A_452 = arith.subf %get3A_450, %gather3A_451 : vector<16xf32>
    %get3A_453 = arith.constant 272 : index
    %get3A_454 = tpu.vector_load %arg13[%get3A_453] {strides = array<i32>} : memref<1024xf32, #tpu.memory_space<vmem>>, vector<16xf32>,
    %gather3A_455 = tpu.vector_load_idx %arg9[%get3A_448] : memref<8192xf32, #tpu.memory_space<vmem>>[vector<16xi32>], vector<16xf32>,
    %sub3A_456 = arith.subf %get3A_454, %gather3A_455 : vector<16xf32>
    %get3A_457 = arith.constant 272 : index
    %get3A_458 = tpu.vector_load %arg14[%get3A_457] {strides = array<i32>} : memref<1024xf32, #tpu.memory_space<vmem>>, vector<16xf32>,
    %gather3A_459 = tpu.vector_load_idx %arg10[%get3A_448] : memref<8192xf32, #tpu.memory_space<vmem>>[vector<16xi32>], vector<16xf32>,
    %sub3A_460 = arith.subf %get3A_458, %gather3A_459 : vector<16xf32>
    %mul3A_461 = arith.mulf %sub3A_452, %sub3A_452 : vector<16xf32>
    %mul3A_462 = arith.mulf %sub3A_456, %sub3A_456 : vector<16xf32>
    %add3A_463 = arith.addf %mul3A_461, %mul3A_462 : vector<16xf32>
    %mul3A_464 = arith.mulf %sub3A_460, %sub3A_460 : vector<16xf32>
    %add3A_465 = arith.addf %add3A_463, %mul3A_464 : vector<16xf32>
    %swap3A_466 = arith.constant 272 : index
    %swap3A_467 = tpu.vector_load %arg15[%swap3A_466] {strides = array<i32>} : memref<1024xf32, #tpu.memory_space<vmem>>, vector<16xf32>,
    tpu.vector_store %arg15[%swap3A_466], %add3A_465 {strides = array<i32>} : memref<1024xf32, #tpu.memory_space<vmem>>, vector<16xf32>,
    %get3A_468 = arith.constant 288 : index
    %get3A_469 = tpu.vector_load %arg11[%get3A_468] {strides = array<i32>} : memref<1024xi32, #tpu.memory_space<vmem>>, vector<16xi32>,
    %get3A_470 = arith.constant 288 : index
    %get3A_471 = tpu.vector_load %arg12[%get3A_470] {strides = array<i32>} : memref<1024xf32, #tpu.memory_space<vmem>>, vector<16xf32>,
    %gather3A_472 = tpu.vector_load_idx %arg8[%get3A_469] : memref<8192xf32, #tpu.memory_space<vmem>>[vector<16xi32>], vector<16xf32>,
    %sub3A_473 = arith.subf %get3A_471, %gather3A_472 : vector<16xf32>
    %get3A_474 = arith.constant 288 : index
    %get3A_475 = tpu.vector_load %arg13[%get3A_474] {strides = array<i32>} : memref<1024xf32, #tpu.memory_space<vmem>>, vector<16xf32>,
    %gather3A_476 = tpu.vector_load_idx %arg9[%get3A_469] : memref<8192xf32, #tpu.memory_space<vmem>>[vector<16xi32>], vector<16xf32>,
    %sub3A_477 = arith.subf %get3A_475, %gather3A_476 : vector<16xf32>
    %get3A_478 = arith.constant 288 : index
    %get3A_479 = tpu.vector_load %arg14[%get3A_478] {strides = array<i32>} : memref<1024xf32, #tpu.memory_space<vmem>>, vector<16xf32>,
    %gather3A_480 = tpu.vector_load_idx %arg10[%get3A_469] : memref<8192xf32, #tpu.memory_space<vmem>>[vector<16xi32>], vector<16xf32>,
    %sub3A_481 = arith.subf %get3A_479, %gather3A_480 : vector<16xf32>
    %mul3A_482 = arith.mulf %sub3A_473, %sub3A_473 : vector<16xf32>
    %mul3A_483 = arith.mulf %sub3A_477, %sub3A_477 : vector<16xf32>
    %add3A_484 = arith.addf %mul3A_482, %mul3A_483 : vector<16xf32>
    %mul3A_485 = arith.mulf %sub3A_481, %sub3A_481 : vector<16xf32>
    %add3A_486 = arith.addf %add3A_484, %mul3A_485 : vector<16xf32>
    %swap3A_487 = arith.constant 288 : index
    %swap3A_488 = tpu.vector_load %arg15[%swap3A_487] {strides = array<i32>} : memref<1024xf32, #tpu.memory_space<vmem>>, vector<16xf32>,
    tpu.vector_store %arg15[%swap3A_487], %add3A_486 {strides = array<i32>} : memref<1024xf32, #tpu.memory_space<vmem>>, vector<16xf32>,
    %get3A_489 = arith.constant 304 : index
    %get3A_490 = tpu.vector_load %arg11[%get3A_489] {strides = array<i32>} : memref<1024xi32, #tpu.memory_space<vmem>>, vector<16xi32>,
    %get3A_491 = arith.constant 304 : index
    %get3A_492 = tpu.vector_load %arg12[%get3A_491] {strides = array<i32>} : memref<1024xf32, #tpu.memory_space<vmem>>, vector<16xf32>,
    %gather3A_493 = tpu.vector_load_idx %arg8[%get3A_490] : memref<8192xf32, #tpu.memory_space<vmem>>[vector<16xi32>], vector<16xf32>,
    %sub3A_494 = arith.subf %get3A_492, %gather3A_493 : vector<16xf32>
    %get3A_495 = arith.constant 304 : index
    %get3A_496 = tpu.vector_load %arg13[%get3A_495] {strides = array<i32>} : memref<1024xf32, #tpu.memory_space<vmem>>, vector<16xf32>,
    %gather3A_497 = tpu.vector_load_idx %arg9[%get3A_490] : memref<8192xf32, #tpu.memory_space<vmem>>[vector<16xi32>], vector<16xf32>,
    %sub3A_498 = arith.subf %get3A_496, %gather3A_497 : vector<16xf32>
    %get3A_499 = arith.constant 304 : index
    %get3A_500 = tpu.vector_load %arg14[%get3A_499] {strides = array<i32>} : memref<1024xf32, #tpu.memory_space<vmem>>, vector<16xf32>,
    %gather3A_501 = tpu.vector_load_idx %arg10[%get3A_490] : memref<8192xf32, #tpu.memory_space<vmem>>[vector<16xi32>], vector<16xf32>,
    %sub3A_502 = arith.subf %get3A_500, %gather3A_501 : vector<16xf32>
    %mul3A_503 = arith.mulf %sub3A_494, %sub3A_494 : vector<16xf32>
    %mul3A_504 = arith.mulf %sub3A_498, %sub3A_498 : vector<16xf32>
    %add3A_505 = arith.addf %mul3A_503, %mul3A_504 : vector<16xf32>
    %mul3A_506 = arith.mulf %sub3A_502, %sub3A_502 : vector<16xf32>
    %add3A_507 = arith.addf %add3A_505, %mul3A_506 : vector<16xf32>
    %swap3A_508 = arith.constant 304 : index
    %swap3A_509 = tpu.vector_load %arg15[%swap3A_508] {strides = array<i32>} : memref<1024xf32, #tpu.memory_space<vmem>>, vector<16xf32>,
    tpu.vector_store %arg15[%swap3A_508], %add3A_507 {strides = array<i32>} : memref<1024xf32, #tpu.memory_space<vmem>>, vector<16xf32>,
    %get3A_510 = arith.constant 320 : index
    %get3A_511 = tpu.vector_load %arg11[%get3A_510] {strides = array<i32>} : memref<1024xi32, #tpu.memory_space<vmem>>, vector<16xi32>,
    %get3A_512 = arith.constant 320 : index
    %get3A_513 = tpu.vector_load %arg12[%get3A_512] {strides = array<i32>} : memref<1024xf32, #tpu.memory_space<vmem>>, vector<16xf32>,
    %gather3A_514 = tpu.vector_load_idx %arg8[%get3A_511] : memref<8192xf32, #tpu.memory_space<vmem>>[vector<16xi32>], vector<16xf32>,
    %sub3A_515 = arith.subf %get3A_513, %gather3A_514 : vector<16xf32>
    %get3A_516 = arith.constant 320 : index
    %get3A_517 = tpu.vector_load %arg13[%get3A_516] {strides = array<i32>} : memref<1024xf32, #tpu.memory_space<vmem>>, vector<16xf32>,
    %gather3A_518 = tpu.vector_load_idx %arg9[%get3A_511] : memref<8192xf32, #tpu.memory_space<vmem>>[vector<16xi32>], vector<16xf32>,
    %sub3A_519 = arith.subf %get3A_517, %gather3A_518 : vector<16xf32>
    %get3A_520 = arith.constant 320 : index
    %get3A_521 = tpu.vector_load %arg14[%get3A_520] {strides = array<i32>} : memref<1024xf32, #tpu.memory_space<vmem>>, vector<16xf32>,
    %gather3A_522 = tpu.vector_load_idx %arg10[%get3A_511] : memref<8192xf32, #tpu.memory_space<vmem>>[vector<16xi32>], vector<16xf32>,
    %sub3A_523 = arith.subf %get3A_521, %gather3A_522 : vector<16xf32>
    %mul3A_524 = arith.mulf %sub3A_515, %sub3A_515 : vector<16xf32>
    %mul3A_525 = arith.mulf %sub3A_519, %sub3A_519 : vector<16xf32>
    %add3A_526 = arith.addf %mul3A_524, %mul3A_525 : vector<16xf32>
    %mul3A_527 = arith.mulf %sub3A_523, %sub3A_523 : vector<16xf32>
    %add3A_528 = arith.addf %add3A_526, %mul3A_527 : vector<16xf32>
    %swap3A_529 = arith.constant 320 : index
    %swap3A_530 = tpu.vector_load %arg15[%swap3A_529] {strides = array<i32>} : memref<1024xf32, #tpu.memory_space<vmem>>, vector<16xf32>,
    tpu.vector_store %arg15[%swap3A_529], %add3A_528 {strides = array<i32>} : memref<1024xf32, #tpu.memory_space<vmem>>, vector<16xf32>,
    %get3A_531 = arith.constant 336 : index
    %get3A_532 = tpu.vector_load %arg11[%get3A_531] {strides = array<i32>} : memref<1024xi32, #tpu.memory_space<vmem>>, vector<16xi32>,
    %get3A_533 = arith.constant 336 : index
    %get3A_534 = tpu.vector_load %arg12[%get3A_533] {strides = array<i32>} : memref<1024xf32, #tpu.memory_space<vmem>>, vector<16xf32>,
    %gather3A_535 = tpu.vector_load_idx %arg8[%get3A_532] : memref<8192xf32, #tpu.memory_space<vmem>>[vector<16xi32>], vector<16xf32>,
    %sub3A_536 = arith.subf %get3A_534, %gather3A_535 : vector<16xf32>
    %get3A_537 = arith.constant 336 : index
    %get3A_538 = tpu.vector_load %arg13[%get3A_537] {strides = array<i32>} : memref<1024xf32, #tpu.memory_space<vmem>>, vector<16xf32>,
    %gather3A_539 = tpu.vector_load_idx %arg9[%get3A_532] : memref<8192xf32, #tpu.memory_space<vmem>>[vector<16xi32>], vector<16xf32>,
    %sub3A_540 = arith.subf %get3A_538, %gather3A_539 : vector<16xf32>
    %get3A_541 = arith.constant 336 : index
    %get3A_542 = tpu.vector_load %arg14[%get3A_541] {strides = array<i32>} : memref<1024xf32, #tpu.memory_space<vmem>>, vector<16xf32>,
    %gather3A_543 = tpu.vector_load_idx %arg10[%get3A_532] : memref<8192xf32, #tpu.memory_space<vmem>>[vector<16xi32>], vector<16xf32>,
    %sub3A_544 = arith.subf %get3A_542, %gather3A_543 : vector<16xf32>
    %mul3A_545 = arith.mulf %sub3A_536, %sub3A_536 : vector<16xf32>
    %mul3A_546 = arith.mulf %sub3A_540, %sub3A_540 : vector<16xf32>
    %add3A_547 = arith.addf %mul3A_545, %mul3A_546 : vector<16xf32>
    %mul3A_548 = arith.mulf %sub3A_544, %sub3A_544 : vector<16xf32>
    %add3A_549 = arith.addf %add3A_547, %mul3A_548 : vector<16xf32>
    %swap3A_550 = arith.constant 336 : index
    %swap3A_551 = tpu.vector_load %arg15[%swap3A_550] {strides = array<i32>} : memref<1024xf32, #tpu.memory_space<vmem>>, vector<16xf32>,
    tpu.vector_store %arg15[%swap3A_550], %add3A_549 {strides = array<i32>} : memref<1024xf32, #tpu.memory_space<vmem>>, vector<16xf32>,
    %get3A_552 = arith.constant 352 : index
    %get3A_553 = tpu.vector_load %arg11[%get3A_552] {strides = array<i32>} : memref<1024xi32, #tpu.memory_space<vmem>>, vector<16xi32>,
    %get3A_554 = arith.constant 352 : index
    %get3A_555 = tpu.vector_load %arg12[%get3A_554] {strides = array<i32>} : memref<1024xf32, #tpu.memory_space<vmem>>, vector<16xf32>,
    %gather3A_556 = tpu.vector_load_idx %arg8[%get3A_553] : memref<8192xf32, #tpu.memory_space<vmem>>[vector<16xi32>], vector<16xf32>,
    %sub3A_557 = arith.subf %get3A_555, %gather3A_556 : vector<16xf32>
    %get3A_558 = arith.constant 352 : index
    %get3A_559 = tpu.vector_load %arg13[%get3A_558] {strides = array<i32>} : memref<1024xf32, #tpu.memory_space<vmem>>, vector<16xf32>,
    %gather3A_560 = tpu.vector_load_idx %arg9[%get3A_553] : memref<8192xf32, #tpu.memory_space<vmem>>[vector<16xi32>], vector<16xf32>,
    %sub3A_561 = arith.subf %get3A_559, %gather3A_560 : vector<16xf32>
    %get3A_562 = arith.constant 352 : index
    %get3A_563 = tpu.vector_load %arg14[%get3A_562] {strides = array<i32>} : memref<1024xf32, #tpu.memory_space<vmem>>, vector<16xf32>,
    %gather3A_564 = tpu.vector_load_idx %arg10[%get3A_553] : memref<8192xf32, #tpu.memory_space<vmem>>[vector<16xi32>], vector<16xf32>,
    %sub3A_565 = arith.subf %get3A_563, %gather3A_564 : vector<16xf32>
    %mul3A_566 = arith.mulf %sub3A_557, %sub3A_557 : vector<16xf32>
    %mul3A_567 = arith.mulf %sub3A_561, %sub3A_561 : vector<16xf32>
    %add3A_568 = arith.addf %mul3A_566, %mul3A_567 : vector<16xf32>
    %mul3A_569 = arith.mulf %sub3A_565, %sub3A_565 : vector<16xf32>
    %add3A_570 = arith.addf %add3A_568, %mul3A_569 : vector<16xf32>
    %swap3A_571 = arith.constant 352 : index
    %swap3A_572 = tpu.vector_load %arg15[%swap3A_571] {strides = array<i32>} : memref<1024xf32, #tpu.memory_space<vmem>>, vector<16xf32>,
    tpu.vector_store %arg15[%swap3A_571], %add3A_570 {strides = array<i32>} : memref<1024xf32, #tpu.memory_space<vmem>>, vector<16xf32>,
    %get3A_573 = arith.constant 368 : index
    %get3A_574 = tpu.vector_load %arg11[%get3A_573] {strides = array<i32>} : memref<1024xi32, #tpu.memory_space<vmem>>, vector<16xi32>,
    %get3A_575 = arith.constant 368 : index
    %get3A_576 = tpu.vector_load %arg12[%get3A_575] {strides = array<i32>} : memref<1024xf32, #tpu.memory_space<vmem>>, vector<16xf32>,
    %gather3A_577 = tpu.vector_load_idx %arg8[%get3A_574] : memref<8192xf32, #tpu.memory_space<vmem>>[vector<16xi32>], vector<16xf32>,
    %sub3A_578 = arith.subf %get3A_576, %gather3A_577 : vector<16xf32>
    %get3A_579 = arith.constant 368 : index
    %get3A_580 = tpu.vector_load %arg13[%get3A_579] {strides = array<i32>} : memref<1024xf32, #tpu.memory_space<vmem>>, vector<16xf32>,
    %gather3A_581 = tpu.vector_load_idx %arg9[%get3A_574] : memref<8192xf32, #tpu.memory_space<vmem>>[vector<16xi32>], vector<16xf32>,
    %sub3A_582 = arith.subf %get3A_580, %gather3A_581 : vector<16xf32>
    %get3A_583 = arith.constant 368 : index
    %get3A_584 = tpu.vector_load %arg14[%get3A_583] {strides = array<i32>} : memref<1024xf32, #tpu.memory_space<vmem>>, vector<16xf32>,
    %gather3A_585 = tpu.vector_load_idx %arg10[%get3A_574] : memref<8192xf32, #tpu.memory_space<vmem>>[vector<16xi32>], vector<16xf32>,
    %sub3A_586 = arith.subf %get3A_584, %gather3A_585 : vector<16xf32>
    %mul3A_587 = arith.mulf %sub3A_578, %sub3A_578 : vector<16xf32>
    %mul3A_588 = arith.mulf %sub3A_582, %sub3A_582 : vector<16xf32>
    %add3A_589 = arith.addf %mul3A_587, %mul3A_588 : vector<16xf32>
    %mul3A_590 = arith.mulf %sub3A_586, %sub3A_586 : vector<16xf32>
    %add3A_591 = arith.addf %add3A_589, %mul3A_590 : vector<16xf32>
    %swap3A_592 = arith.constant 368 : index
    %swap3A_593 = tpu.vector_load %arg15[%swap3A_592] {strides = array<i32>} : memref<1024xf32, #tpu.memory_space<vmem>>, vector<16xf32>,
    tpu.vector_store %arg15[%swap3A_592], %add3A_591 {strides = array<i32>} : memref<1024xf32, #tpu.memory_space<vmem>>, vector<16xf32>,
    %get3A_594 = arith.constant 384 : index
    %get3A_595 = tpu.vector_load %arg11[%get3A_594] {strides = array<i32>} : memref<1024xi32, #tpu.memory_space<vmem>>, vector<16xi32>,
    %get3A_596 = arith.constant 384 : index
    %get3A_597 = tpu.vector_load %arg12[%get3A_596] {strides = array<i32>} : memref<1024xf32, #tpu.memory_space<vmem>>, vector<16xf32>,
    %gather3A_598 = tpu.vector_load_idx %arg8[%get3A_595] : memref<8192xf32, #tpu.memory_space<vmem>>[vector<16xi32>], vector<16xf32>,
    %sub3A_599 = arith.subf %get3A_597, %gather3A_598 : vector<16xf32>
    %get3A_600 = arith.constant 384 : index
    %get3A_601 = tpu.vector_load %arg13[%get3A_600] {strides = array<i32>} : memref<1024xf32, #tpu.memory_space<vmem>>, vector<16xf32>,
    %gather3A_602 = tpu.vector_load_idx %arg9[%get3A_595] : memref<8192xf32, #tpu.memory_space<vmem>>[vector<16xi32>], vector<16xf32>,
    %sub3A_603 = arith.subf %get3A_601, %gather3A_602 : vector<16xf32>
    %get3A_604 = arith.constant 384 : index
    %get3A_605 = tpu.vector_load %arg14[%get3A_604] {strides = array<i32>} : memref<1024xf32, #tpu.memory_space<vmem>>, vector<16xf32>,
    %gather3A_606 = tpu.vector_load_idx %arg10[%get3A_595] : memref<8192xf32, #tpu.memory_space<vmem>>[vector<16xi32>], vector<16xf32>,
    %sub3A_607 = arith.subf %get3A_605, %gather3A_606 : vector<16xf32>
    %mul3A_608 = arith.mulf %sub3A_599, %sub3A_599 : vector<16xf32>
    %mul3A_609 = arith.mulf %sub3A_603, %sub3A_603 : vector<16xf32>
    %add3A_610 = arith.addf %mul3A_608, %mul3A_609 : vector<16xf32>
    %mul3A_611 = arith.mulf %sub3A_607, %sub3A_607 : vector<16xf32>
    %add3A_612 = arith.addf %add3A_610, %mul3A_611 : vector<16xf32>
    %swap3A_613 = arith.constant 384 : index
    %swap3A_614 = tpu.vector_load %arg15[%swap3A_613] {strides = array<i32>} : memref<1024xf32, #tpu.memory_space<vmem>>, vector<16xf32>,
    tpu.vector_store %arg15[%swap3A_613], %add3A_612 {strides = array<i32>} : memref<1024xf32, #tpu.memory_space<vmem>>, vector<16xf32>,
    %get3A_615 = arith.constant 400 : index
    %get3A_616 = tpu.vector_load %arg11[%get3A_615] {strides = array<i32>} : memref<1024xi32, #tpu.memory_space<vmem>>, vector<16xi32>,
    %get3A_617 = arith.constant 400 : index
    %get3A_618 = tpu.vector_load %arg12[%get3A_617] {strides = array<i32>} : memref<1024xf32, #tpu.memory_space<vmem>>, vector<16xf32>,
    %gather3A_619 = tpu.vector_load_idx %arg8[%get3A_616] : memref<8192xf32, #tpu.memory_space<vmem>>[vector<16xi32>], vector<16xf32>,
    %sub3A_620 = arith.subf %get3A_618, %gather3A_619 : vector<16xf32>
    %get3A_621 = arith.constant 400 : index
    %get3A_622 = tpu.vector_load %arg13[%get3A_621] {strides = array<i32>} : memref<1024xf32, #tpu.memory_space<vmem>>, vector<16xf32>,
    %gather3A_623 = tpu.vector_load_idx %arg9[%get3A_616] : memref<8192xf32, #tpu.memory_space<vmem>>[vector<16xi32>], vector<16xf32>,
    %sub3A_624 = arith.subf %get3A_622, %gather3A_623 : vector<16xf32>
    %get3A_625 = arith.constant 400 : index
    %get3A_626 = tpu.vector_load %arg14[%get3A_625] {strides = array<i32>} : memref<1024xf32, #tpu.memory_space<vmem>>, vector<16xf32>,
    %gather3A_627 = tpu.vector_load_idx %arg10[%get3A_616] : memref<8192xf32, #tpu.memory_space<vmem>>[vector<16xi32>], vector<16xf32>,
    %sub3A_628 = arith.subf %get3A_626, %gather3A_627 : vector<16xf32>
    %mul3A_629 = arith.mulf %sub3A_620, %sub3A_620 : vector<16xf32>
    %mul3A_630 = arith.mulf %sub3A_624, %sub3A_624 : vector<16xf32>
    %add3A_631 = arith.addf %mul3A_629, %mul3A_630 : vector<16xf32>
    %mul3A_632 = arith.mulf %sub3A_628, %sub3A_628 : vector<16xf32>
    %add3A_633 = arith.addf %add3A_631, %mul3A_632 : vector<16xf32>
    %swap3A_634 = arith.constant 400 : index
    %swap3A_635 = tpu.vector_load %arg15[%swap3A_634] {strides = array<i32>} : memref<1024xf32, #tpu.memory_space<vmem>>, vector<16xf32>,
    tpu.vector_store %arg15[%swap3A_634], %add3A_633 {strides = array<i32>} : memref<1024xf32, #tpu.memory_space<vmem>>, vector<16xf32>,
    %get3A_636 = arith.constant 416 : index
    %get3A_637 = tpu.vector_load %arg11[%get3A_636] {strides = array<i32>} : memref<1024xi32, #tpu.memory_space<vmem>>, vector<16xi32>,
    %get3A_638 = arith.constant 416 : index
    %get3A_639 = tpu.vector_load %arg12[%get3A_638] {strides = array<i32>} : memref<1024xf32, #tpu.memory_space<vmem>>, vector<16xf32>,
    %gather3A_640 = tpu.vector_load_idx %arg8[%get3A_637] : memref<8192xf32, #tpu.memory_space<vmem>>[vector<16xi32>], vector<16xf32>,
    %sub3A_641 = arith.subf %get3A_639, %gather3A_640 : vector<16xf32>
    %get3A_642 = arith.constant 416 : index
    %get3A_643 = tpu.vector_load %arg13[%get3A_642] {strides = array<i32>} : memref<1024xf32, #tpu.memory_space<vmem>>, vector<16xf32>,
    %gather3A_644 = tpu.vector_load_idx %arg9[%get3A_637] : memref<8192xf32, #tpu.memory_space<vmem>>[vector<16xi32>], vector<16xf32>,
    %sub3A_645 = arith.subf %get3A_643, %gather3A_644 : vector<16xf32>
    %get3A_646 = arith.constant 416 : index
    %get3A_647 = tpu.vector_load %arg14[%get3A_646] {strides = array<i32>} : memref<1024xf32, #tpu.memory_space<vmem>>, vector<16xf32>,
    %gather3A_648 = tpu.vector_load_idx %arg10[%get3A_637] : memref<8192xf32, #tpu.memory_space<vmem>>[vector<16xi32>], vector<16xf32>,
    %sub3A_649 = arith.subf %get3A_647, %gather3A_648 : vector<16xf32>
    %mul3A_650 = arith.mulf %sub3A_641, %sub3A_641 : vector<16xf32>
    %mul3A_651 = arith.mulf %sub3A_645, %sub3A_645 : vector<16xf32>
    %add3A_652 = arith.addf %mul3A_650, %mul3A_651 : vector<16xf32>
    %mul3A_653 = arith.mulf %sub3A_649, %sub3A_649 : vector<16xf32>
    %add3A_654 = arith.addf %add3A_652, %mul3A_653 : vector<16xf32>
    %swap3A_655 = arith.constant 416 : index
    %swap3A_656 = tpu.vector_load %arg15[%swap3A_655] {strides = array<i32>} : memref<1024xf32, #tpu.memory_space<vmem>>, vector<16xf32>,
    tpu.vector_store %arg15[%swap3A_655], %add3A_654 {strides = array<i32>} : memref<1024xf32, #tpu.memory_space<vmem>>, vector<16xf32>,
    %get3A_657 = arith.constant 432 : index
    %get3A_658 = tpu.vector_load %arg11[%get3A_657] {strides = array<i32>} : memref<1024xi32, #tpu.memory_space<vmem>>, vector<16xi32>,
    %get3A_659 = arith.constant 432 : index
    %get3A_660 = tpu.vector_load %arg12[%get3A_659] {strides = array<i32>} : memref<1024xf32, #tpu.memory_space<vmem>>, vector<16xf32>,
    %gather3A_661 = tpu.vector_load_idx %arg8[%get3A_658] : memref<8192xf32, #tpu.memory_space<vmem>>[vector<16xi32>], vector<16xf32>,
    %sub3A_662 = arith.subf %get3A_660, %gather3A_661 : vector<16xf32>
    %get3A_663 = arith.constant 432 : index
    %get3A_664 = tpu.vector_load %arg13[%get3A_663] {strides = array<i32>} : memref<1024xf32, #tpu.memory_space<vmem>>, vector<16xf32>,
    %gather3A_665 = tpu.vector_load_idx %arg9[%get3A_658] : memref<8192xf32, #tpu.memory_space<vmem>>[vector<16xi32>], vector<16xf32>,
    %sub3A_666 = arith.subf %get3A_664, %gather3A_665 : vector<16xf32>
    %get3A_667 = arith.constant 432 : index
    %get3A_668 = tpu.vector_load %arg14[%get3A_667] {strides = array<i32>} : memref<1024xf32, #tpu.memory_space<vmem>>, vector<16xf32>,
    %gather3A_669 = tpu.vector_load_idx %arg10[%get3A_658] : memref<8192xf32, #tpu.memory_space<vmem>>[vector<16xi32>], vector<16xf32>,
    %sub3A_670 = arith.subf %get3A_668, %gather3A_669 : vector<16xf32>
    %mul3A_671 = arith.mulf %sub3A_662, %sub3A_662 : vector<16xf32>
    %mul3A_672 = arith.mulf %sub3A_666, %sub3A_666 : vector<16xf32>
    %add3A_673 = arith.addf %mul3A_671, %mul3A_672 : vector<16xf32>
    %mul3A_674 = arith.mulf %sub3A_670, %sub3A_670 : vector<16xf32>
    %add3A_675 = arith.addf %add3A_673, %mul3A_674 : vector<16xf32>
    %swap3A_676 = arith.constant 432 : index
    %swap3A_677 = tpu.vector_load %arg15[%swap3A_676] {strides = array<i32>} : memref<1024xf32, #tpu.memory_space<vmem>>, vector<16xf32>,
    tpu.vector_store %arg15[%swap3A_676], %add3A_675 {strides = array<i32>} : memref<1024xf32, #tpu.memory_space<vmem>>, vector<16xf32>,
    %get3A_678 = arith.constant 448 : index
    %get3A_679 = tpu.vector_load %arg11[%get3A_678] {strides = array<i32>} : memref<1024xi32, #tpu.memory_space<vmem>>, vector<16xi32>,
    %get3A_680 = arith.constant 448 : index
    %get3A_681 = tpu.vector_load %arg12[%get3A_680] {strides = array<i32>} : memref<1024xf32, #tpu.memory_space<vmem>>, vector<16xf32>,
    %gather3A_682 = tpu.vector_load_idx %arg8[%get3A_679] : memref<8192xf32, #tpu.memory_space<vmem>>[vector<16xi32>], vector<16xf32>,
    %sub3A_683 = arith.subf %get3A_681, %gather3A_682 : vector<16xf32>
    %get3A_684 = arith.constant 448 : index
    %get3A_685 = tpu.vector_load %arg13[%get3A_684] {strides = array<i32>} : memref<1024xf32, #tpu.memory_space<vmem>>, vector<16xf32>,
    %gather3A_686 = tpu.vector_load_idx %arg9[%get3A_679] : memref<8192xf32, #tpu.memory_space<vmem>>[vector<16xi32>], vector<16xf32>,
    %sub3A_687 = arith.subf %get3A_685, %gather3A_686 : vector<16xf32>
    %get3A_688 = arith.constant 448 : index
    %get3A_689 = tpu.vector_load %arg14[%get3A_688] {strides = array<i32>} : memref<1024xf32, #tpu.memory_space<vmem>>, vector<16xf32>,
    %gather3A_690 = tpu.vector_load_idx %arg10[%get3A_679] : memref<8192xf32, #tpu.memory_space<vmem>>[vector<16xi32>], vector<16xf32>,
    %sub3A_691 = arith.subf %get3A_689, %gather3A_690 : vector<16xf32>
    %mul3A_692 = arith.mulf %sub3A_683, %sub3A_683 : vector<16xf32>
    %mul3A_693 = arith.mulf %sub3A_687, %sub3A_687 : vector<16xf32>
    %add3A_694 = arith.addf %mul3A_692, %mul3A_693 : vector<16xf32>
    %mul3A_695 = arith.mulf %sub3A_691, %sub3A_691 : vector<16xf32>
    %add3A_696 = arith.addf %add3A_694, %mul3A_695 : vector<16xf32>
    %swap3A_697 = arith.constant 448 : index
    %swap3A_698 = tpu.vector_load %arg15[%swap3A_697] {strides = array<i32>} : memref<1024xf32, #tpu.memory_space<vmem>>, vector<16xf32>,
    tpu.vector_store %arg15[%swap3A_697], %add3A_696 {strides = array<i32>} : memref<1024xf32, #tpu.memory_space<vmem>>, vector<16xf32>,
    %get3A_699 = arith.constant 464 : index
    %get3A_700 = tpu.vector_load %arg11[%get3A_699] {strides = array<i32>} : memref<1024xi32, #tpu.memory_space<vmem>>, vector<16xi32>,
    %get3A_701 = arith.constant 464 : index
    %get3A_702 = tpu.vector_load %arg12[%get3A_701] {strides = array<i32>} : memref<1024xf32, #tpu.memory_space<vmem>>, vector<16xf32>,
    %gather3A_703 = tpu.vector_load_idx %arg8[%get3A_700] : memref<8192xf32, #tpu.memory_space<vmem>>[vector<16xi32>], vector<16xf32>,
    %sub3A_704 = arith.subf %get3A_702, %gather3A_703 : vector<16xf32>
    %get3A_705 = arith.constant 464 : index
    %get3A_706 = tpu.vector_load %arg13[%get3A_705] {strides = array<i32>} : memref<1024xf32, #tpu.memory_space<vmem>>, vector<16xf32>,
    %gather3A_707 = tpu.vector_load_idx %arg9[%get3A_700] : memref<8192xf32, #tpu.memory_space<vmem>>[vector<16xi32>], vector<16xf32>,
    %sub3A_708 = arith.subf %get3A_706, %gather3A_707 : vector<16xf32>
    %get3A_709 = arith.constant 464 : index
    %get3A_710 = tpu.vector_load %arg14[%get3A_709] {strides = array<i32>} : memref<1024xf32, #tpu.memory_space<vmem>>, vector<16xf32>,
    %gather3A_711 = tpu.vector_load_idx %arg10[%get3A_700] : memref<8192xf32, #tpu.memory_space<vmem>>[vector<16xi32>], vector<16xf32>,
    %sub3A_712 = arith.subf %get3A_710, %gather3A_711 : vector<16xf32>
    %mul3A_713 = arith.mulf %sub3A_704, %sub3A_704 : vector<16xf32>
    %mul3A_714 = arith.mulf %sub3A_708, %sub3A_708 : vector<16xf32>
    %add3A_715 = arith.addf %mul3A_713, %mul3A_714 : vector<16xf32>
    %mul3A_716 = arith.mulf %sub3A_712, %sub3A_712 : vector<16xf32>
    %add3A_717 = arith.addf %add3A_715, %mul3A_716 : vector<16xf32>
    %swap3A_718 = arith.constant 464 : index
    %swap3A_719 = tpu.vector_load %arg15[%swap3A_718] {strides = array<i32>} : memref<1024xf32, #tpu.memory_space<vmem>>, vector<16xf32>,
    tpu.vector_store %arg15[%swap3A_718], %add3A_717 {strides = array<i32>} : memref<1024xf32, #tpu.memory_space<vmem>>, vector<16xf32>,
    %get3A_720 = arith.constant 480 : index
    %get3A_721 = tpu.vector_load %arg11[%get3A_720] {strides = array<i32>} : memref<1024xi32, #tpu.memory_space<vmem>>, vector<16xi32>,
    %get3A_722 = arith.constant 480 : index
    %get3A_723 = tpu.vector_load %arg12[%get3A_722] {strides = array<i32>} : memref<1024xf32, #tpu.memory_space<vmem>>, vector<16xf32>,
    %gather3A_724 = tpu.vector_load_idx %arg8[%get3A_721] : memref<8192xf32, #tpu.memory_space<vmem>>[vector<16xi32>], vector<16xf32>,
    %sub3A_725 = arith.subf %get3A_723, %gather3A_724 : vector<16xf32>
    %get3A_726 = arith.constant 480 : index
    %get3A_727 = tpu.vector_load %arg13[%get3A_726] {strides = array<i32>} : memref<1024xf32, #tpu.memory_space<vmem>>, vector<16xf32>,
    %gather3A_728 = tpu.vector_load_idx %arg9[%get3A_721] : memref<8192xf32, #tpu.memory_space<vmem>>[vector<16xi32>], vector<16xf32>,
    %sub3A_729 = arith.subf %get3A_727, %gather3A_728 : vector<16xf32>
    %get3A_730 = arith.constant 480 : index
    %get3A_731 = tpu.vector_load %arg14[%get3A_730] {strides = array<i32>} : memref<1024xf32, #tpu.memory_space<vmem>>, vector<16xf32>,
    %gather3A_732 = tpu.vector_load_idx %arg10[%get3A_721] : memref<8192xf32, #tpu.memory_space<vmem>>[vector<16xi32>], vector<16xf32>,
    %sub3A_733 = arith.subf %get3A_731, %gather3A_732 : vector<16xf32>
    %mul3A_734 = arith.mulf %sub3A_725, %sub3A_725 : vector<16xf32>
    %mul3A_735 = arith.mulf %sub3A_729, %sub3A_729 : vector<16xf32>
    %add3A_736 = arith.addf %mul3A_734, %mul3A_735 : vector<16xf32>
    %mul3A_737 = arith.mulf %sub3A_733, %sub3A_733 : vector<16xf32>
    %add3A_738 = arith.addf %add3A_736, %mul3A_737 : vector<16xf32>
    %swap3A_739 = arith.constant 480 : index
    %swap3A_740 = tpu.vector_load %arg15[%swap3A_739] {strides = array<i32>} : memref<1024xf32, #tpu.memory_space<vmem>>, vector<16xf32>,
    tpu.vector_store %arg15[%swap3A_739], %add3A_738 {strides = array<i32>} : memref<1024xf32, #tpu.memory_space<vmem>>, vector<16xf32>,
    %get3A_741 = arith.constant 496 : index
    %get3A_742 = tpu.vector_load %arg11[%get3A_741] {strides = array<i32>} : memref<1024xi32, #tpu.memory_space<vmem>>, vector<16xi32>,
    %get3A_743 = arith.constant 496 : index
    %get3A_744 = tpu.vector_load %arg12[%get3A_743] {strides = array<i32>} : memref<1024xf32, #tpu.memory_space<vmem>>, vector<16xf32>,
    %gather3A_745 = tpu.vector_load_idx %arg8[%get3A_742] : memref<8192xf32, #tpu.memory_space<vmem>>[vector<16xi32>], vector<16xf32>,
    %sub3A_746 = arith.subf %get3A_744, %gather3A_745 : vector<16xf32>
    %get3A_747 = arith.constant 496 : index
    %get3A_748 = tpu.vector_load %arg13[%get3A_747] {strides = array<i32>} : memref<1024xf32, #tpu.memory_space<vmem>>, vector<16xf32>,
    %gather3A_749 = tpu.vector_load_idx %arg9[%get3A_742] : memref<8192xf32, #tpu.memory_space<vmem>>[vector<16xi32>], vector<16xf32>,
    %sub3A_750 = arith.subf %get3A_748, %gather3A_749 : vector<16xf32>
    %get3A_751 = arith.constant 496 : index
    %get3A_752 = tpu.vector_load %arg14[%get3A_751] {strides = array<i32>} : memref<1024xf32, #tpu.memory_space<vmem>>, vector<16xf32>,
    %gather3A_753 = tpu.vector_load_idx %arg10[%get3A_742] : memref<8192xf32, #tpu.memory_space<vmem>>[vector<16xi32>], vector<16xf32>,
    %sub3A_754 = arith.subf %get3A_752, %gather3A_753 : vector<16xf32>
    %mul3A_755 = arith.mulf %sub3A_746, %sub3A_746 : vector<16xf32>
    %mul3A_756 = arith.mulf %sub3A_750, %sub3A_750 : vector<16xf32>
    %add3A_757 = arith.addf %mul3A_755, %mul3A_756 : vector<16xf32>
    %mul3A_758 = arith.mulf %sub3A_754, %sub3A_754 : vector<16xf32>
    %add3A_759 = arith.addf %add3A_757, %mul3A_758 : vector<16xf32>
    %swap3A_760 = arith.constant 496 : index
    %swap3A_761 = tpu.vector_load %arg15[%swap3A_760] {strides = array<i32>} : memref<1024xf32, #tpu.memory_space<vmem>>, vector<16xf32>,
    tpu.vector_store %arg15[%swap3A_760], %add3A_759 {strides = array<i32>} : memref<1024xf32, #tpu.memory_space<vmem>>, vector<16xf32>,
    %get3A_762 = arith.constant 512 : index
    %get3A_763 = tpu.vector_load %arg11[%get3A_762] {strides = array<i32>} : memref<1024xi32, #tpu.memory_space<vmem>>, vector<16xi32>,
    %get3A_764 = arith.constant 512 : index
    %get3A_765 = tpu.vector_load %arg12[%get3A_764] {strides = array<i32>} : memref<1024xf32, #tpu.memory_space<vmem>>, vector<16xf32>,
    %gather3A_766 = tpu.vector_load_idx %arg8[%get3A_763] : memref<8192xf32, #tpu.memory_space<vmem>>[vector<16xi32>], vector<16xf32>,
    %sub3A_767 = arith.subf %get3A_765, %gather3A_766 : vector<16xf32>
    %get3A_768 = arith.constant 512 : index
    %get3A_769 = tpu.vector_load %arg13[%get3A_768] {strides = array<i32>} : memref<1024xf32, #tpu.memory_space<vmem>>, vector<16xf32>,
    %gather3A_770 = tpu.vector_load_idx %arg9[%get3A_763] : memref<8192xf32, #tpu.memory_space<vmem>>[vector<16xi32>], vector<16xf32>,
    %sub3A_771 = arith.subf %get3A_769, %gather3A_770 : vector<16xf32>
    %get3A_772 = arith.constant 512 : index
    %get3A_773 = tpu.vector_load %arg14[%get3A_772] {strides = array<i32>} : memref<1024xf32, #tpu.memory_space<vmem>>, vector<16xf32>,
    %gather3A_774 = tpu.vector_load_idx %arg10[%get3A_763] : memref<8192xf32, #tpu.memory_space<vmem>>[vector<16xi32>], vector<16xf32>,
    %sub3A_775 = arith.subf %get3A_773, %gather3A_774 : vector<16xf32>
    %mul3A_776 = arith.mulf %sub3A_767, %sub3A_767 : vector<16xf32>
    %mul3A_777 = arith.mulf %sub3A_771, %sub3A_771 : vector<16xf32>
    %add3A_778 = arith.addf %mul3A_776, %mul3A_777 : vector<16xf32>
    %mul3A_779 = arith.mulf %sub3A_775, %sub3A_775 : vector<16xf32>
    %add3A_780 = arith.addf %add3A_778, %mul3A_779 : vector<16xf32>
    %swap3A_781 = arith.constant 512 : index
    %swap3A_782 = tpu.vector_load %arg15[%swap3A_781] {strides = array<i32>} : memref<1024xf32, #tpu.memory_space<vmem>>, vector<16xf32>,
    tpu.vector_store %arg15[%swap3A_781], %add3A_780 {strides = array<i32>} : memref<1024xf32, #tpu.memory_space<vmem>>, vector<16xf32>,
    %get3A_783 = arith.constant 528 : index
    %get3A_784 = tpu.vector_load %arg11[%get3A_783] {strides = array<i32>} : memref<1024xi32, #tpu.memory_space<vmem>>, vector<16xi32>,
    %get3A_785 = arith.constant 528 : index
    %get3A_786 = tpu.vector_load %arg12[%get3A_785] {strides = array<i32>} : memref<1024xf32, #tpu.memory_space<vmem>>, vector<16xf32>,
    %gather3A_787 = tpu.vector_load_idx %arg8[%get3A_784] : memref<8192xf32, #tpu.memory_space<vmem>>[vector<16xi32>], vector<16xf32>,
    %sub3A_788 = arith.subf %get3A_786, %gather3A_787 : vector<16xf32>
    %get3A_789 = arith.constant 528 : index
    %get3A_790 = tpu.vector_load %arg13[%get3A_789] {strides = array<i32>} : memref<1024xf32, #tpu.memory_space<vmem>>, vector<16xf32>,
    %gather3A_791 = tpu.vector_load_idx %arg9[%get3A_784] : memref<8192xf32, #tpu.memory_space<vmem>>[vector<16xi32>], vector<16xf32>,
    %sub3A_792 = arith.subf %get3A_790, %gather3A_791 : vector<16xf32>
    %get3A_793 = arith.constant 528 : index
    %get3A_794 = tpu.vector_load %arg14[%get3A_793] {strides = array<i32>} : memref<1024xf32, #tpu.memory_space<vmem>>, vector<16xf32>,
    %gather3A_795 = tpu.vector_load_idx %arg10[%get3A_784] : memref<8192xf32, #tpu.memory_space<vmem>>[vector<16xi32>], vector<16xf32>,
    %sub3A_796 = arith.subf %get3A_794, %gather3A_795 : vector<16xf32>
    %mul3A_797 = arith.mulf %sub3A_788, %sub3A_788 : vector<16xf32>
    %mul3A_798 = arith.mulf %sub3A_792, %sub3A_792 : vector<16xf32>
    %add3A_799 = arith.addf %mul3A_797, %mul3A_798 : vector<16xf32>
    %mul3A_800 = arith.mulf %sub3A_796, %sub3A_796 : vector<16xf32>
    %add3A_801 = arith.addf %add3A_799, %mul3A_800 : vector<16xf32>
    %swap3A_802 = arith.constant 528 : index
    %swap3A_803 = tpu.vector_load %arg15[%swap3A_802] {strides = array<i32>} : memref<1024xf32, #tpu.memory_space<vmem>>, vector<16xf32>,
    tpu.vector_store %arg15[%swap3A_802], %add3A_801 {strides = array<i32>} : memref<1024xf32, #tpu.memory_space<vmem>>, vector<16xf32>,
    %get3A_804 = arith.constant 544 : index
    %get3A_805 = tpu.vector_load %arg11[%get3A_804] {strides = array<i32>} : memref<1024xi32, #tpu.memory_space<vmem>>, vector<16xi32>,
    %get3A_806 = arith.constant 544 : index
    %get3A_807 = tpu.vector_load %arg12[%get3A_806] {strides = array<i32>} : memref<1024xf32, #tpu.memory_space<vmem>>, vector<16xf32>,
    %gather3A_808 = tpu.vector_load_idx %arg8[%get3A_805] : memref<8192xf32, #tpu.memory_space<vmem>>[vector<16xi32>], vector<16xf32>,
    %sub3A_809 = arith.subf %get3A_807, %gather3A_808 : vector<16xf32>
    %get3A_810 = arith.constant 544 : index
    %get3A_811 = tpu.vector_load %arg13[%get3A_810] {strides = array<i32>} : memref<1024xf32, #tpu.memory_space<vmem>>, vector<16xf32>,
    %gather3A_812 = tpu.vector_load_idx %arg9[%get3A_805] : memref<8192xf32, #tpu.memory_space<vmem>>[vector<16xi32>], vector<16xf32>,
    %sub3A_813 = arith.subf %get3A_811, %gather3A_812 : vector<16xf32>
    %get3A_814 = arith.constant 544 : index
    %get3A_815 = tpu.vector_load %arg14[%get3A_814] {strides = array<i32>} : memref<1024xf32, #tpu.memory_space<vmem>>, vector<16xf32>,
    %gather3A_816 = tpu.vector_load_idx %arg10[%get3A_805] : memref<8192xf32, #tpu.memory_space<vmem>>[vector<16xi32>], vector<16xf32>,
    %sub3A_817 = arith.subf %get3A_815, %gather3A_816 : vector<16xf32>
    %mul3A_818 = arith.mulf %sub3A_809, %sub3A_809 : vector<16xf32>
    %mul3A_819 = arith.mulf %sub3A_813, %sub3A_813 : vector<16xf32>
    %add3A_820 = arith.addf %mul3A_818, %mul3A_819 : vector<16xf32>
    %mul3A_821 = arith.mulf %sub3A_817, %sub3A_817 : vector<16xf32>
    %add3A_822 = arith.addf %add3A_820, %mul3A_821 : vector<16xf32>
    %swap3A_823 = arith.constant 544 : index
    %swap3A_824 = tpu.vector_load %arg15[%swap3A_823] {strides = array<i32>} : memref<1024xf32, #tpu.memory_space<vmem>>, vector<16xf32>,
    tpu.vector_store %arg15[%swap3A_823], %add3A_822 {strides = array<i32>} : memref<1024xf32, #tpu.memory_space<vmem>>, vector<16xf32>,
    %get3A_825 = arith.constant 560 : index
    %get3A_826 = tpu.vector_load %arg11[%get3A_825] {strides = array<i32>} : memref<1024xi32, #tpu.memory_space<vmem>>, vector<16xi32>,
    %get3A_827 = arith.constant 560 : index
    %get3A_828 = tpu.vector_load %arg12[%get3A_827] {strides = array<i32>} : memref<1024xf32, #tpu.memory_space<vmem>>, vector<16xf32>,
    %gather3A_829 = tpu.vector_load_idx %arg8[%get3A_826] : memref<8192xf32, #tpu.memory_space<vmem>>[vector<16xi32>], vector<16xf32>,
    %sub3A_830 = arith.subf %get3A_828, %gather3A_829 : vector<16xf32>
    %get3A_831 = arith.constant 560 : index
    %get3A_832 = tpu.vector_load %arg13[%get3A_831] {strides = array<i32>} : memref<1024xf32, #tpu.memory_space<vmem>>, vector<16xf32>,
    %gather3A_833 = tpu.vector_load_idx %arg9[%get3A_826] : memref<8192xf32, #tpu.memory_space<vmem>>[vector<16xi32>], vector<16xf32>,
    %sub3A_834 = arith.subf %get3A_832, %gather3A_833 : vector<16xf32>
    %get3A_835 = arith.constant 560 : index
    %get3A_836 = tpu.vector_load %arg14[%get3A_835] {strides = array<i32>} : memref<1024xf32, #tpu.memory_space<vmem>>, vector<16xf32>,
    %gather3A_837 = tpu.vector_load_idx %arg10[%get3A_826] : memref<8192xf32, #tpu.memory_space<vmem>>[vector<16xi32>], vector<16xf32>,
    %sub3A_838 = arith.subf %get3A_836, %gather3A_837 : vector<16xf32>
    %mul3A_839 = arith.mulf %sub3A_830, %sub3A_830 : vector<16xf32>
    %mul3A_840 = arith.mulf %sub3A_834, %sub3A_834 : vector<16xf32>
    %add3A_841 = arith.addf %mul3A_839, %mul3A_840 : vector<16xf32>
    %mul3A_842 = arith.mulf %sub3A_838, %sub3A_838 : vector<16xf32>
    %add3A_843 = arith.addf %add3A_841, %mul3A_842 : vector<16xf32>
    %swap3A_844 = arith.constant 560 : index
    %swap3A_845 = tpu.vector_load %arg15[%swap3A_844] {strides = array<i32>} : memref<1024xf32, #tpu.memory_space<vmem>>, vector<16xf32>,
    tpu.vector_store %arg15[%swap3A_844], %add3A_843 {strides = array<i32>} : memref<1024xf32, #tpu.memory_space<vmem>>, vector<16xf32>,
    %get3A_846 = arith.constant 576 : index
    %get3A_847 = tpu.vector_load %arg11[%get3A_846] {strides = array<i32>} : memref<1024xi32, #tpu.memory_space<vmem>>, vector<16xi32>,
    %get3A_848 = arith.constant 576 : index
    %get3A_849 = tpu.vector_load %arg12[%get3A_848] {strides = array<i32>} : memref<1024xf32, #tpu.memory_space<vmem>>, vector<16xf32>,
    %gather3A_850 = tpu.vector_load_idx %arg8[%get3A_847] : memref<8192xf32, #tpu.memory_space<vmem>>[vector<16xi32>], vector<16xf32>,
    %sub3A_851 = arith.subf %get3A_849, %gather3A_850 : vector<16xf32>
    %get3A_852 = arith.constant 576 : index
    %get3A_853 = tpu.vector_load %arg13[%get3A_852] {strides = array<i32>} : memref<1024xf32, #tpu.memory_space<vmem>>, vector<16xf32>,
    %gather3A_854 = tpu.vector_load_idx %arg9[%get3A_847] : memref<8192xf32, #tpu.memory_space<vmem>>[vector<16xi32>], vector<16xf32>,
    %sub3A_855 = arith.subf %get3A_853, %gather3A_854 : vector<16xf32>
    %get3A_856 = arith.constant 576 : index
    %get3A_857 = tpu.vector_load %arg14[%get3A_856] {strides = array<i32>} : memref<1024xf32, #tpu.memory_space<vmem>>, vector<16xf32>,
    %gather3A_858 = tpu.vector_load_idx %arg10[%get3A_847] : memref<8192xf32, #tpu.memory_space<vmem>>[vector<16xi32>], vector<16xf32>,
    %sub3A_859 = arith.subf %get3A_857, %gather3A_858 : vector<16xf32>
    %mul3A_860 = arith.mulf %sub3A_851, %sub3A_851 : vector<16xf32>
    %mul3A_861 = arith.mulf %sub3A_855, %sub3A_855 : vector<16xf32>
    %add3A_862 = arith.addf %mul3A_860, %mul3A_861 : vector<16xf32>
    %mul3A_863 = arith.mulf %sub3A_859, %sub3A_859 : vector<16xf32>
    %add3A_864 = arith.addf %add3A_862, %mul3A_863 : vector<16xf32>
    %swap3A_865 = arith.constant 576 : index
    %swap3A_866 = tpu.vector_load %arg15[%swap3A_865] {strides = array<i32>} : memref<1024xf32, #tpu.memory_space<vmem>>, vector<16xf32>,
    tpu.vector_store %arg15[%swap3A_865], %add3A_864 {strides = array<i32>} : memref<1024xf32, #tpu.memory_space<vmem>>, vector<16xf32>,
    %get3A_867 = arith.constant 592 : index
    %get3A_868 = tpu.vector_load %arg11[%get3A_867] {strides = array<i32>} : memref<1024xi32, #tpu.memory_space<vmem>>, vector<16xi32>,
    %get3A_869 = arith.constant 592 : index
    %get3A_870 = tpu.vector_load %arg12[%get3A_869] {strides = array<i32>} : memref<1024xf32, #tpu.memory_space<vmem>>, vector<16xf32>,
    %gather3A_871 = tpu.vector_load_idx %arg8[%get3A_868] : memref<8192xf32, #tpu.memory_space<vmem>>[vector<16xi32>], vector<16xf32>,
    %sub3A_872 = arith.subf %get3A_870, %gather3A_871 : vector<16xf32>
    %get3A_873 = arith.constant 592 : index
    %get3A_874 = tpu.vector_load %arg13[%get3A_873] {strides = array<i32>} : memref<1024xf32, #tpu.memory_space<vmem>>, vector<16xf32>,
    %gather3A_875 = tpu.vector_load_idx %arg9[%get3A_868] : memref<8192xf32, #tpu.memory_space<vmem>>[vector<16xi32>], vector<16xf32>,
    %sub3A_876 = arith.subf %get3A_874, %gather3A_875 : vector<16xf32>
    %get3A_877 = arith.constant 592 : index
    %get3A_878 = tpu.vector_load %arg14[%get3A_877] {strides = array<i32>} : memref<1024xf32, #tpu.memory_space<vmem>>, vector<16xf32>,
    %gather3A_879 = tpu.vector_load_idx %arg10[%get3A_868] : memref<8192xf32, #tpu.memory_space<vmem>>[vector<16xi32>], vector<16xf32>,
    %sub3A_880 = arith.subf %get3A_878, %gather3A_879 : vector<16xf32>
    %mul3A_881 = arith.mulf %sub3A_872, %sub3A_872 : vector<16xf32>
    %mul3A_882 = arith.mulf %sub3A_876, %sub3A_876 : vector<16xf32>
    %add3A_883 = arith.addf %mul3A_881, %mul3A_882 : vector<16xf32>
    %mul3A_884 = arith.mulf %sub3A_880, %sub3A_880 : vector<16xf32>
    %add3A_885 = arith.addf %add3A_883, %mul3A_884 : vector<16xf32>
    %swap3A_886 = arith.constant 592 : index
    %swap3A_887 = tpu.vector_load %arg15[%swap3A_886] {strides = array<i32>} : memref<1024xf32, #tpu.memory_space<vmem>>, vector<16xf32>,
    tpu.vector_store %arg15[%swap3A_886], %add3A_885 {strides = array<i32>} : memref<1024xf32, #tpu.memory_space<vmem>>, vector<16xf32>,
    %get3A_888 = arith.constant 608 : index
    %get3A_889 = tpu.vector_load %arg11[%get3A_888] {strides = array<i32>} : memref<1024xi32, #tpu.memory_space<vmem>>, vector<16xi32>,
    %get3A_890 = arith.constant 608 : index
    %get3A_891 = tpu.vector_load %arg12[%get3A_890] {strides = array<i32>} : memref<1024xf32, #tpu.memory_space<vmem>>, vector<16xf32>,
    %gather3A_892 = tpu.vector_load_idx %arg8[%get3A_889] : memref<8192xf32, #tpu.memory_space<vmem>>[vector<16xi32>], vector<16xf32>,
    %sub3A_893 = arith.subf %get3A_891, %gather3A_892 : vector<16xf32>
    %get3A_894 = arith.constant 608 : index
    %get3A_895 = tpu.vector_load %arg13[%get3A_894] {strides = array<i32>} : memref<1024xf32, #tpu.memory_space<vmem>>, vector<16xf32>,
    %gather3A_896 = tpu.vector_load_idx %arg9[%get3A_889] : memref<8192xf32, #tpu.memory_space<vmem>>[vector<16xi32>], vector<16xf32>,
    %sub3A_897 = arith.subf %get3A_895, %gather3A_896 : vector<16xf32>
    %get3A_898 = arith.constant 608 : index
    %get3A_899 = tpu.vector_load %arg14[%get3A_898] {strides = array<i32>} : memref<1024xf32, #tpu.memory_space<vmem>>, vector<16xf32>,
    %gather3A_900 = tpu.vector_load_idx %arg10[%get3A_889] : memref<8192xf32, #tpu.memory_space<vmem>>[vector<16xi32>], vector<16xf32>,
    %sub3A_901 = arith.subf %get3A_899, %gather3A_900 : vector<16xf32>
    %mul3A_902 = arith.mulf %sub3A_893, %sub3A_893 : vector<16xf32>
    %mul3A_903 = arith.mulf %sub3A_897, %sub3A_897 : vector<16xf32>
    %add3A_904 = arith.addf %mul3A_902, %mul3A_903 : vector<16xf32>
    %mul3A_905 = arith.mulf %sub3A_901, %sub3A_901 : vector<16xf32>
    %add3A_906 = arith.addf %add3A_904, %mul3A_905 : vector<16xf32>
    %swap3A_907 = arith.constant 608 : index
    %swap3A_908 = tpu.vector_load %arg15[%swap3A_907] {strides = array<i32>} : memref<1024xf32, #tpu.memory_space<vmem>>, vector<16xf32>,
    tpu.vector_store %arg15[%swap3A_907], %add3A_906 {strides = array<i32>} : memref<1024xf32, #tpu.memory_space<vmem>>, vector<16xf32>,
    %get3A_909 = arith.constant 624 : index
    %get3A_910 = tpu.vector_load %arg11[%get3A_909] {strides = array<i32>} : memref<1024xi32, #tpu.memory_space<vmem>>, vector<16xi32>,
    %get3A_911 = arith.constant 624 : index
    %get3A_912 = tpu.vector_load %arg12[%get3A_911] {strides = array<i32>} : memref<1024xf32, #tpu.memory_space<vmem>>, vector<16xf32>,
    %gather3A_913 = tpu.vector_load_idx %arg8[%get3A_910] : memref<8192xf32, #tpu.memory_space<vmem>>[vector<16xi32>], vector<16xf32>,
    %sub3A_914 = arith.subf %get3A_912, %gather3A_913 : vector<16xf32>
    %get3A_915 = arith.constant 624 : index
    %get3A_916 = tpu.vector_load %arg13[%get3A_915] {strides = array<i32>} : memref<1024xf32, #tpu.memory_space<vmem>>, vector<16xf32>,
    %gather3A_917 = tpu.vector_load_idx %arg9[%get3A_910] : memref<8192xf32, #tpu.memory_space<vmem>>[vector<16xi32>], vector<16xf32>,
    %sub3A_918 = arith.subf %get3A_916, %gather3A_917 : vector<16xf32>
    %get3A_919 = arith.constant 624 : index
    %get3A_920 = tpu.vector_load %arg14[%get3A_919] {strides = array<i32>} : memref<1024xf32, #tpu.memory_space<vmem>>, vector<16xf32>,
    %gather3A_921 = tpu.vector_load_idx %arg10[%get3A_910] : memref<8192xf32, #tpu.memory_space<vmem>>[vector<16xi32>], vector<16xf32>,
    %sub3A_922 = arith.subf %get3A_920, %gather3A_921 : vector<16xf32>
    %mul3A_923 = arith.mulf %sub3A_914, %sub3A_914 : vector<16xf32>
    %mul3A_924 = arith.mulf %sub3A_918, %sub3A_918 : vector<16xf32>
    %add3A_925 = arith.addf %mul3A_923, %mul3A_924 : vector<16xf32>
    %mul3A_926 = arith.mulf %sub3A_922, %sub3A_922 : vector<16xf32>
    %add3A_927 = arith.addf %add3A_925, %mul3A_926 : vector<16xf32>
    %swap3A_928 = arith.constant 624 : index
    %swap3A_929 = tpu.vector_load %arg15[%swap3A_928] {strides = array<i32>} : memref<1024xf32, #tpu.memory_space<vmem>>, vector<16xf32>,
    tpu.vector_store %arg15[%swap3A_928], %add3A_927 {strides = array<i32>} : memref<1024xf32, #tpu.memory_space<vmem>>, vector<16xf32>,
    %get3A_930 = arith.constant 640 : index
    %get3A_931 = tpu.vector_load %arg11[%get3A_930] {strides = array<i32>} : memref<1024xi32, #tpu.memory_space<vmem>>, vector<16xi32>,
    %get3A_932 = arith.constant 640 : index
    %get3A_933 = tpu.vector_load %arg12[%get3A_932] {strides = array<i32>} : memref<1024xf32, #tpu.memory_space<vmem>>, vector<16xf32>,
    %gather3A_934 = tpu.vector_load_idx %arg8[%get3A_931] : memref<8192xf32, #tpu.memory_space<vmem>>[vector<16xi32>], vector<16xf32>,
    %sub3A_935 = arith.subf %get3A_933, %gather3A_934 : vector<16xf32>
    %get3A_936 = arith.constant 640 : index
    %get3A_937 = tpu.vector_load %arg13[%get3A_936] {strides = array<i32>} : memref<1024xf32, #tpu.memory_space<vmem>>, vector<16xf32>,
    %gather3A_938 = tpu.vector_load_idx %arg9[%get3A_931] : memref<8192xf32, #tpu.memory_space<vmem>>[vector<16xi32>], vector<16xf32>,
    %sub3A_939 = arith.subf %get3A_937, %gather3A_938 : vector<16xf32>
    %get3A_940 = arith.constant 640 : index
    %get3A_941 = tpu.vector_load %arg14[%get3A_940] {strides = array<i32>} : memref<1024xf32, #tpu.memory_space<vmem>>, vector<16xf32>,
    %gather3A_942 = tpu.vector_load_idx %arg10[%get3A_931] : memref<8192xf32, #tpu.memory_space<vmem>>[vector<16xi32>], vector<16xf32>,
    %sub3A_943 = arith.subf %get3A_941, %gather3A_942 : vector<16xf32>
    %mul3A_944 = arith.mulf %sub3A_935, %sub3A_935 : vector<16xf32>
    %mul3A_945 = arith.mulf %sub3A_939, %sub3A_939 : vector<16xf32>
    %add3A_946 = arith.addf %mul3A_944, %mul3A_945 : vector<16xf32>
    %mul3A_947 = arith.mulf %sub3A_943, %sub3A_943 : vector<16xf32>
    %add3A_948 = arith.addf %add3A_946, %mul3A_947 : vector<16xf32>
    %swap3A_949 = arith.constant 640 : index
    %swap3A_950 = tpu.vector_load %arg15[%swap3A_949] {strides = array<i32>} : memref<1024xf32, #tpu.memory_space<vmem>>, vector<16xf32>,
    tpu.vector_store %arg15[%swap3A_949], %add3A_948 {strides = array<i32>} : memref<1024xf32, #tpu.memory_space<vmem>>, vector<16xf32>,
    %get3A_951 = arith.constant 656 : index
    %get3A_952 = tpu.vector_load %arg11[%get3A_951] {strides = array<i32>} : memref<1024xi32, #tpu.memory_space<vmem>>, vector<16xi32>,
    %get3A_953 = arith.constant 656 : index
    %get3A_954 = tpu.vector_load %arg12[%get3A_953] {strides = array<i32>} : memref<1024xf32, #tpu.memory_space<vmem>>, vector<16xf32>,
    %gather3A_955 = tpu.vector_load_idx %arg8[%get3A_952] : memref<8192xf32, #tpu.memory_space<vmem>>[vector<16xi32>], vector<16xf32>,
    %sub3A_956 = arith.subf %get3A_954, %gather3A_955 : vector<16xf32>
    %get3A_957 = arith.constant 656 : index
    %get3A_958 = tpu.vector_load %arg13[%get3A_957] {strides = array<i32>} : memref<1024xf32, #tpu.memory_space<vmem>>, vector<16xf32>,
    %gather3A_959 = tpu.vector_load_idx %arg9[%get3A_952] : memref<8192xf32, #tpu.memory_space<vmem>>[vector<16xi32>], vector<16xf32>,
    %sub3A_960 = arith.subf %get3A_958, %gather3A_959 : vector<16xf32>
    %get3A_961 = arith.constant 656 : index
    %get3A_962 = tpu.vector_load %arg14[%get3A_961] {strides = array<i32>} : memref<1024xf32, #tpu.memory_space<vmem>>, vector<16xf32>,
    %gather3A_963 = tpu.vector_load_idx %arg10[%get3A_952] : memref<8192xf32, #tpu.memory_space<vmem>>[vector<16xi32>], vector<16xf32>,
    %sub3A_964 = arith.subf %get3A_962, %gather3A_963 : vector<16xf32>
    %mul3A_965 = arith.mulf %sub3A_956, %sub3A_956 : vector<16xf32>
    %mul3A_966 = arith.mulf %sub3A_960, %sub3A_960 : vector<16xf32>
    %add3A_967 = arith.addf %mul3A_965, %mul3A_966 : vector<16xf32>
    %mul3A_968 = arith.mulf %sub3A_964, %sub3A_964 : vector<16xf32>
    %add3A_969 = arith.addf %add3A_967, %mul3A_968 : vector<16xf32>
    %swap3A_970 = arith.constant 656 : index
    %swap3A_971 = tpu.vector_load %arg15[%swap3A_970] {strides = array<i32>} : memref<1024xf32, #tpu.memory_space<vmem>>, vector<16xf32>,
    tpu.vector_store %arg15[%swap3A_970], %add3A_969 {strides = array<i32>} : memref<1024xf32, #tpu.memory_space<vmem>>, vector<16xf32>,
    %get3A_972 = arith.constant 672 : index
    %get3A_973 = tpu.vector_load %arg11[%get3A_972] {strides = array<i32>} : memref<1024xi32, #tpu.memory_space<vmem>>, vector<16xi32>,
    %get3A_974 = arith.constant 672 : index
    %get3A_975 = tpu.vector_load %arg12[%get3A_974] {strides = array<i32>} : memref<1024xf32, #tpu.memory_space<vmem>>, vector<16xf32>,
    %gather3A_976 = tpu.vector_load_idx %arg8[%get3A_973] : memref<8192xf32, #tpu.memory_space<vmem>>[vector<16xi32>], vector<16xf32>,
    %sub3A_977 = arith.subf %get3A_975, %gather3A_976 : vector<16xf32>
    %get3A_978 = arith.constant 672 : index
    %get3A_979 = tpu.vector_load %arg13[%get3A_978] {strides = array<i32>} : memref<1024xf32, #tpu.memory_space<vmem>>, vector<16xf32>,
    %gather3A_980 = tpu.vector_load_idx %arg9[%get3A_973] : memref<8192xf32, #tpu.memory_space<vmem>>[vector<16xi32>], vector<16xf32>,
    %sub3A_981 = arith.subf %get3A_979, %gather3A_980 : vector<16xf32>
    %get3A_982 = arith.constant 672 : index
    %get3A_983 = tpu.vector_load %arg14[%get3A_982] {strides = array<i32>} : memref<1024xf32, #tpu.memory_space<vmem>>, vector<16xf32>,
    %gather3A_984 = tpu.vector_load_idx %arg10[%get3A_973] : memref<8192xf32, #tpu.memory_space<vmem>>[vector<16xi32>], vector<16xf32>,
    %sub3A_985 = arith.subf %get3A_983, %gather3A_984 : vector<16xf32>
    %mul3A_986 = arith.mulf %sub3A_977, %sub3A_977 : vector<16xf32>
    %mul3A_987 = arith.mulf %sub3A_981, %sub3A_981 : vector<16xf32>
    %add3A_988 = arith.addf %mul3A_986, %mul3A_987 : vector<16xf32>
    %mul3A_989 = arith.mulf %sub3A_985, %sub3A_985 : vector<16xf32>
    %add3A_990 = arith.addf %add3A_988, %mul3A_989 : vector<16xf32>
    %swap3A_991 = arith.constant 672 : index
    %swap3A_992 = tpu.vector_load %arg15[%swap3A_991] {strides = array<i32>} : memref<1024xf32, #tpu.memory_space<vmem>>, vector<16xf32>,
    tpu.vector_store %arg15[%swap3A_991], %add3A_990 {strides = array<i32>} : memref<1024xf32, #tpu.memory_space<vmem>>, vector<16xf32>,
    %get3A_993 = arith.constant 688 : index
    %get3A_994 = tpu.vector_load %arg11[%get3A_993] {strides = array<i32>} : memref<1024xi32, #tpu.memory_space<vmem>>, vector<16xi32>,
    %get3A_995 = arith.constant 688 : index
    %get3A_996 = tpu.vector_load %arg12[%get3A_995] {strides = array<i32>} : memref<1024xf32, #tpu.memory_space<vmem>>, vector<16xf32>,
    %gather3A_997 = tpu.vector_load_idx %arg8[%get3A_994] : memref<8192xf32, #tpu.memory_space<vmem>>[vector<16xi32>], vector<16xf32>,
    %sub3A_998 = arith.subf %get3A_996, %gather3A_997 : vector<16xf32>
    %get3A_999 = arith.constant 688 : index
    %get3A_1000 = tpu.vector_load %arg13[%get3A_999] {strides = array<i32>} : memref<1024xf32, #tpu.memory_space<vmem>>, vector<16xf32>,
    %gather3A_1001 = tpu.vector_load_idx %arg9[%get3A_994] : memref<8192xf32, #tpu.memory_space<vmem>>[vector<16xi32>], vector<16xf32>,
    %sub3A_1002 = arith.subf %get3A_1000, %gather3A_1001 : vector<16xf32>
    %get3A_1003 = arith.constant 688 : index
    %get3A_1004 = tpu.vector_load %arg14[%get3A_1003] {strides = array<i32>} : memref<1024xf32, #tpu.memory_space<vmem>>, vector<16xf32>,
    %gather3A_1005 = tpu.vector_load_idx %arg10[%get3A_994] : memref<8192xf32, #tpu.memory_space<vmem>>[vector<16xi32>], vector<16xf32>,
    %sub3A_1006 = arith.subf %get3A_1004, %gather3A_1005 : vector<16xf32>
    %mul3A_1007 = arith.mulf %sub3A_998, %sub3A_998 : vector<16xf32>
    %mul3A_1008 = arith.mulf %sub3A_1002, %sub3A_1002 : vector<16xf32>
    %add3A_1009 = arith.addf %mul3A_1007, %mul3A_1008 : vector<16xf32>
    %mul3A_1010 = arith.mulf %sub3A_1006, %sub3A_1006 : vector<16xf32>
    %add3A_1011 = arith.addf %add3A_1009, %mul3A_1010 : vector<16xf32>
    %swap3A_1012 = arith.constant 688 : index
    %swap3A_1013 = tpu.vector_load %arg15[%swap3A_1012] {strides = array<i32>} : memref<1024xf32, #tpu.memory_space<vmem>>, vector<16xf32>,
    tpu.vector_store %arg15[%swap3A_1012], %add3A_1011 {strides = array<i32>} : memref<1024xf32, #tpu.memory_space<vmem>>, vector<16xf32>,
    %get3A_1014 = arith.constant 704 : index
    %get3A_1015 = tpu.vector_load %arg11[%get3A_1014] {strides = array<i32>} : memref<1024xi32, #tpu.memory_space<vmem>>, vector<16xi32>,
    %get3A_1016 = arith.constant 704 : index
    %get3A_1017 = tpu.vector_load %arg12[%get3A_1016] {strides = array<i32>} : memref<1024xf32, #tpu.memory_space<vmem>>, vector<16xf32>,
    %gather3A_1018 = tpu.vector_load_idx %arg8[%get3A_1015] : memref<8192xf32, #tpu.memory_space<vmem>>[vector<16xi32>], vector<16xf32>,
    %sub3A_1019 = arith.subf %get3A_1017, %gather3A_1018 : vector<16xf32>
    %get3A_1020 = arith.constant 704 : index
    %get3A_1021 = tpu.vector_load %arg13[%get3A_1020] {strides = array<i32>} : memref<1024xf32, #tpu.memory_space<vmem>>, vector<16xf32>,
    %gather3A_1022 = tpu.vector_load_idx %arg9[%get3A_1015] : memref<8192xf32, #tpu.memory_space<vmem>>[vector<16xi32>], vector<16xf32>,
    %sub3A_1023 = arith.subf %get3A_1021, %gather3A_1022 : vector<16xf32>
    %get3A_1024 = arith.constant 704 : index
    %get3A_1025 = tpu.vector_load %arg14[%get3A_1024] {strides = array<i32>} : memref<1024xf32, #tpu.memory_space<vmem>>, vector<16xf32>,
    %gather3A_1026 = tpu.vector_load_idx %arg10[%get3A_1015] : memref<8192xf32, #tpu.memory_space<vmem>>[vector<16xi32>], vector<16xf32>,
    %sub3A_1027 = arith.subf %get3A_1025, %gather3A_1026 : vector<16xf32>
    %mul3A_1028 = arith.mulf %sub3A_1019, %sub3A_1019 : vector<16xf32>
    %mul3A_1029 = arith.mulf %sub3A_1023, %sub3A_1023 : vector<16xf32>
    %add3A_1030 = arith.addf %mul3A_1028, %mul3A_1029 : vector<16xf32>
    %mul3A_1031 = arith.mulf %sub3A_1027, %sub3A_1027 : vector<16xf32>
    %add3A_1032 = arith.addf %add3A_1030, %mul3A_1031 : vector<16xf32>
    %swap3A_1033 = arith.constant 704 : index
    %swap3A_1034 = tpu.vector_load %arg15[%swap3A_1033] {strides = array<i32>} : memref<1024xf32, #tpu.memory_space<vmem>>, vector<16xf32>,
    tpu.vector_store %arg15[%swap3A_1033], %add3A_1032 {strides = array<i32>} : memref<1024xf32, #tpu.memory_space<vmem>>, vector<16xf32>,
    %get3A_1035 = arith.constant 720 : index
    %get3A_1036 = tpu.vector_load %arg11[%get3A_1035] {strides = array<i32>} : memref<1024xi32, #tpu.memory_space<vmem>>, vector<16xi32>,
    %get3A_1037 = arith.constant 720 : index
    %get3A_1038 = tpu.vector_load %arg12[%get3A_1037] {strides = array<i32>} : memref<1024xf32, #tpu.memory_space<vmem>>, vector<16xf32>,
    %gather3A_1039 = tpu.vector_load_idx %arg8[%get3A_1036] : memref<8192xf32, #tpu.memory_space<vmem>>[vector<16xi32>], vector<16xf32>,
    %sub3A_1040 = arith.subf %get3A_1038, %gather3A_1039 : vector<16xf32>
    %get3A_1041 = arith.constant 720 : index
    %get3A_1042 = tpu.vector_load %arg13[%get3A_1041] {strides = array<i32>} : memref<1024xf32, #tpu.memory_space<vmem>>, vector<16xf32>,
    %gather3A_1043 = tpu.vector_load_idx %arg9[%get3A_1036] : memref<8192xf32, #tpu.memory_space<vmem>>[vector<16xi32>], vector<16xf32>,
    %sub3A_1044 = arith.subf %get3A_1042, %gather3A_1043 : vector<16xf32>
    %get3A_1045 = arith.constant 720 : index
    %get3A_1046 = tpu.vector_load %arg14[%get3A_1045] {strides = array<i32>} : memref<1024xf32, #tpu.memory_space<vmem>>, vector<16xf32>,
    %gather3A_1047 = tpu.vector_load_idx %arg10[%get3A_1036] : memref<8192xf32, #tpu.memory_space<vmem>>[vector<16xi32>], vector<16xf32>,
    %sub3A_1048 = arith.subf %get3A_1046, %gather3A_1047 : vector<16xf32>
    %mul3A_1049 = arith.mulf %sub3A_1040, %sub3A_1040 : vector<16xf32>
    %mul3A_1050 = arith.mulf %sub3A_1044, %sub3A_1044 : vector<16xf32>
    %add3A_1051 = arith.addf %mul3A_1049, %mul3A_1050 : vector<16xf32>
    %mul3A_1052 = arith.mulf %sub3A_1048, %sub3A_1048 : vector<16xf32>
    %add3A_1053 = arith.addf %add3A_1051, %mul3A_1052 : vector<16xf32>
    %swap3A_1054 = arith.constant 720 : index
    %swap3A_1055 = tpu.vector_load %arg15[%swap3A_1054] {strides = array<i32>} : memref<1024xf32, #tpu.memory_space<vmem>>, vector<16xf32>,
    tpu.vector_store %arg15[%swap3A_1054], %add3A_1053 {strides = array<i32>} : memref<1024xf32, #tpu.memory_space<vmem>>, vector<16xf32>,
    %get3A_1056 = arith.constant 736 : index
    %get3A_1057 = tpu.vector_load %arg11[%get3A_1056] {strides = array<i32>} : memref<1024xi32, #tpu.memory_space<vmem>>, vector<16xi32>,
    %get3A_1058 = arith.constant 736 : index
    %get3A_1059 = tpu.vector_load %arg12[%get3A_1058] {strides = array<i32>} : memref<1024xf32, #tpu.memory_space<vmem>>, vector<16xf32>,
    %gather3A_1060 = tpu.vector_load_idx %arg8[%get3A_1057] : memref<8192xf32, #tpu.memory_space<vmem>>[vector<16xi32>], vector<16xf32>,
    %sub3A_1061 = arith.subf %get3A_1059, %gather3A_1060 : vector<16xf32>
    %get3A_1062 = arith.constant 736 : index
    %get3A_1063 = tpu.vector_load %arg13[%get3A_1062] {strides = array<i32>} : memref<1024xf32, #tpu.memory_space<vmem>>, vector<16xf32>,
    %gather3A_1064 = tpu.vector_load_idx %arg9[%get3A_1057] : memref<8192xf32, #tpu.memory_space<vmem>>[vector<16xi32>], vector<16xf32>,
    %sub3A_1065 = arith.subf %get3A_1063, %gather3A_1064 : vector<16xf32>
    %get3A_1066 = arith.constant 736 : index
    %get3A_1067 = tpu.vector_load %arg14[%get3A_1066] {strides = array<i32>} : memref<1024xf32, #tpu.memory_space<vmem>>, vector<16xf32>,
    %gather3A_1068 = tpu.vector_load_idx %arg10[%get3A_1057] : memref<8192xf32, #tpu.memory_space<vmem>>[vector<16xi32>], vector<16xf32>,
    %sub3A_1069 = arith.subf %get3A_1067, %gather3A_1068 : vector<16xf32>
    %mul3A_1070 = arith.mulf %sub3A_1061, %sub3A_1061 : vector<16xf32>
    %mul3A_1071 = arith.mulf %sub3A_1065, %sub3A_1065 : vector<16xf32>
    %add3A_1072 = arith.addf %mul3A_1070, %mul3A_1071 : vector<16xf32>
    %mul3A_1073 = arith.mulf %sub3A_1069, %sub3A_1069 : vector<16xf32>
    %add3A_1074 = arith.addf %add3A_1072, %mul3A_1073 : vector<16xf32>
    %swap3A_1075 = arith.constant 736 : index
    %swap3A_1076 = tpu.vector_load %arg15[%swap3A_1075] {strides = array<i32>} : memref<1024xf32, #tpu.memory_space<vmem>>, vector<16xf32>,
    tpu.vector_store %arg15[%swap3A_1075], %add3A_1074 {strides = array<i32>} : memref<1024xf32, #tpu.memory_space<vmem>>, vector<16xf32>,
    %get3A_1077 = arith.constant 752 : index
    %get3A_1078 = tpu.vector_load %arg11[%get3A_1077] {strides = array<i32>} : memref<1024xi32, #tpu.memory_space<vmem>>, vector<16xi32>,
    %get3A_1079 = arith.constant 752 : index
    %get3A_1080 = tpu.vector_load %arg12[%get3A_1079] {strides = array<i32>} : memref<1024xf32, #tpu.memory_space<vmem>>, vector<16xf32>,
    %gather3A_1081 = tpu.vector_load_idx %arg8[%get3A_1078] : memref<8192xf32, #tpu.memory_space<vmem>>[vector<16xi32>], vector<16xf32>,
    %sub3A_1082 = arith.subf %get3A_1080, %gather3A_1081 : vector<16xf32>
    %get3A_1083 = arith.constant 752 : index
    %get3A_1084 = tpu.vector_load %arg13[%get3A_1083] {strides = array<i32>} : memref<1024xf32, #tpu.memory_space<vmem>>, vector<16xf32>,
    %gather3A_1085 = tpu.vector_load_idx %arg9[%get3A_1078] : memref<8192xf32, #tpu.memory_space<vmem>>[vector<16xi32>], vector<16xf32>,
    %sub3A_1086 = arith.subf %get3A_1084, %gather3A_1085 : vector<16xf32>
    %get3A_1087 = arith.constant 752 : index
    %get3A_1088 = tpu.vector_load %arg14[%get3A_1087] {strides = array<i32>} : memref<1024xf32, #tpu.memory_space<vmem>>, vector<16xf32>,
    %gather3A_1089 = tpu.vector_load_idx %arg10[%get3A_1078] : memref<8192xf32, #tpu.memory_space<vmem>>[vector<16xi32>], vector<16xf32>,
    %sub3A_1090 = arith.subf %get3A_1088, %gather3A_1089 : vector<16xf32>
    %mul3A_1091 = arith.mulf %sub3A_1082, %sub3A_1082 : vector<16xf32>
    %mul3A_1092 = arith.mulf %sub3A_1086, %sub3A_1086 : vector<16xf32>
    %add3A_1093 = arith.addf %mul3A_1091, %mul3A_1092 : vector<16xf32>
    %mul3A_1094 = arith.mulf %sub3A_1090, %sub3A_1090 : vector<16xf32>
    %add3A_1095 = arith.addf %add3A_1093, %mul3A_1094 : vector<16xf32>
    %swap3A_1096 = arith.constant 752 : index
    %swap3A_1097 = tpu.vector_load %arg15[%swap3A_1096] {strides = array<i32>} : memref<1024xf32, #tpu.memory_space<vmem>>, vector<16xf32>,
    tpu.vector_store %arg15[%swap3A_1096], %add3A_1095 {strides = array<i32>} : memref<1024xf32, #tpu.memory_space<vmem>>, vector<16xf32>,
    %get3A_1098 = arith.constant 768 : index
    %get3A_1099 = tpu.vector_load %arg11[%get3A_1098] {strides = array<i32>} : memref<1024xi32, #tpu.memory_space<vmem>>, vector<16xi32>,
    %get3A_1100 = arith.constant 768 : index
    %get3A_1101 = tpu.vector_load %arg12[%get3A_1100] {strides = array<i32>} : memref<1024xf32, #tpu.memory_space<vmem>>, vector<16xf32>,
    %gather3A_1102 = tpu.vector_load_idx %arg8[%get3A_1099] : memref<8192xf32, #tpu.memory_space<vmem>>[vector<16xi32>], vector<16xf32>,
    %sub3A_1103 = arith.subf %get3A_1101, %gather3A_1102 : vector<16xf32>
    %get3A_1104 = arith.constant 768 : index
    %get3A_1105 = tpu.vector_load %arg13[%get3A_1104] {strides = array<i32>} : memref<1024xf32, #tpu.memory_space<vmem>>, vector<16xf32>,
    %gather3A_1106 = tpu.vector_load_idx %arg9[%get3A_1099] : memref<8192xf32, #tpu.memory_space<vmem>>[vector<16xi32>], vector<16xf32>,
    %sub3A_1107 = arith.subf %get3A_1105, %gather3A_1106 : vector<16xf32>
    %get3A_1108 = arith.constant 768 : index
    %get3A_1109 = tpu.vector_load %arg14[%get3A_1108] {strides = array<i32>} : memref<1024xf32, #tpu.memory_space<vmem>>, vector<16xf32>,
    %gather3A_1110 = tpu.vector_load_idx %arg10[%get3A_1099] : memref<8192xf32, #tpu.memory_space<vmem>>[vector<16xi32>], vector<16xf32>,
    %sub3A_1111 = arith.subf %get3A_1109, %gather3A_1110 : vector<16xf32>
    %mul3A_1112 = arith.mulf %sub3A_1103, %sub3A_1103 : vector<16xf32>
    %mul3A_1113 = arith.mulf %sub3A_1107, %sub3A_1107 : vector<16xf32>
    %add3A_1114 = arith.addf %mul3A_1112, %mul3A_1113 : vector<16xf32>
    %mul3A_1115 = arith.mulf %sub3A_1111, %sub3A_1111 : vector<16xf32>
    %add3A_1116 = arith.addf %add3A_1114, %mul3A_1115 : vector<16xf32>
    %swap3A_1117 = arith.constant 768 : index
    %swap3A_1118 = tpu.vector_load %arg15[%swap3A_1117] {strides = array<i32>} : memref<1024xf32, #tpu.memory_space<vmem>>, vector<16xf32>,
    tpu.vector_store %arg15[%swap3A_1117], %add3A_1116 {strides = array<i32>} : memref<1024xf32, #tpu.memory_space<vmem>>, vector<16xf32>,
    %get3A_1119 = arith.constant 784 : index
    %get3A_1120 = tpu.vector_load %arg11[%get3A_1119] {strides = array<i32>} : memref<1024xi32, #tpu.memory_space<vmem>>, vector<16xi32>,
    %get3A_1121 = arith.constant 784 : index
    %get3A_1122 = tpu.vector_load %arg12[%get3A_1121] {strides = array<i32>} : memref<1024xf32, #tpu.memory_space<vmem>>, vector<16xf32>,
    %gather3A_1123 = tpu.vector_load_idx %arg8[%get3A_1120] : memref<8192xf32, #tpu.memory_space<vmem>>[vector<16xi32>], vector<16xf32>,
    %sub3A_1124 = arith.subf %get3A_1122, %gather3A_1123 : vector<16xf32>
    %get3A_1125 = arith.constant 784 : index
    %get3A_1126 = tpu.vector_load %arg13[%get3A_1125] {strides = array<i32>} : memref<1024xf32, #tpu.memory_space<vmem>>, vector<16xf32>,
    %gather3A_1127 = tpu.vector_load_idx %arg9[%get3A_1120] : memref<8192xf32, #tpu.memory_space<vmem>>[vector<16xi32>], vector<16xf32>,
    %sub3A_1128 = arith.subf %get3A_1126, %gather3A_1127 : vector<16xf32>
    %get3A_1129 = arith.constant 784 : index
    %get3A_1130 = tpu.vector_load %arg14[%get3A_1129] {strides = array<i32>} : memref<1024xf32, #tpu.memory_space<vmem>>, vector<16xf32>,
    %gather3A_1131 = tpu.vector_load_idx %arg10[%get3A_1120] : memref<8192xf32, #tpu.memory_space<vmem>>[vector<16xi32>], vector<16xf32>,
    %sub3A_1132 = arith.subf %get3A_1130, %gather3A_1131 : vector<16xf32>
    %mul3A_1133 = arith.mulf %sub3A_1124, %sub3A_1124 : vector<16xf32>
    %mul3A_1134 = arith.mulf %sub3A_1128, %sub3A_1128 : vector<16xf32>
    %add3A_1135 = arith.addf %mul3A_1133, %mul3A_1134 : vector<16xf32>
    %mul3A_1136 = arith.mulf %sub3A_1132, %sub3A_1132 : vector<16xf32>
    %add3A_1137 = arith.addf %add3A_1135, %mul3A_1136 : vector<16xf32>
    %swap3A_1138 = arith.constant 784 : index
    %swap3A_1139 = tpu.vector_load %arg15[%swap3A_1138] {strides = array<i32>} : memref<1024xf32, #tpu.memory_space<vmem>>, vector<16xf32>,
    tpu.vector_store %arg15[%swap3A_1138], %add3A_1137 {strides = array<i32>} : memref<1024xf32, #tpu.memory_space<vmem>>, vector<16xf32>,
    %get3A_1140 = arith.constant 800 : index
    %get3A_1141 = tpu.vector_load %arg11[%get3A_1140] {strides = array<i32>} : memref<1024xi32, #tpu.memory_space<vmem>>, vector<16xi32>,
    %get3A_1142 = arith.constant 800 : index
    %get3A_1143 = tpu.vector_load %arg12[%get3A_1142] {strides = array<i32>} : memref<1024xf32, #tpu.memory_space<vmem>>, vector<16xf32>,
    %gather3A_1144 = tpu.vector_load_idx %arg8[%get3A_1141] : memref<8192xf32, #tpu.memory_space<vmem>>[vector<16xi32>], vector<16xf32>,
    %sub3A_1145 = arith.subf %get3A_1143, %gather3A_1144 : vector<16xf32>
    %get3A_1146 = arith.constant 800 : index
    %get3A_1147 = tpu.vector_load %arg13[%get3A_1146] {strides = array<i32>} : memref<1024xf32, #tpu.memory_space<vmem>>, vector<16xf32>,
    %gather3A_1148 = tpu.vector_load_idx %arg9[%get3A_1141] : memref<8192xf32, #tpu.memory_space<vmem>>[vector<16xi32>], vector<16xf32>,
    %sub3A_1149 = arith.subf %get3A_1147, %gather3A_1148 : vector<16xf32>
    %get3A_1150 = arith.constant 800 : index
    %get3A_1151 = tpu.vector_load %arg14[%get3A_1150] {strides = array<i32>} : memref<1024xf32, #tpu.memory_space<vmem>>, vector<16xf32>,
    %gather3A_1152 = tpu.vector_load_idx %arg10[%get3A_1141] : memref<8192xf32, #tpu.memory_space<vmem>>[vector<16xi32>], vector<16xf32>,
    %sub3A_1153 = arith.subf %get3A_1151, %gather3A_1152 : vector<16xf32>
    %mul3A_1154 = arith.mulf %sub3A_1145, %sub3A_1145 : vector<16xf32>
    %mul3A_1155 = arith.mulf %sub3A_1149, %sub3A_1149 : vector<16xf32>
    %add3A_1156 = arith.addf %mul3A_1154, %mul3A_1155 : vector<16xf32>
    %mul3A_1157 = arith.mulf %sub3A_1153, %sub3A_1153 : vector<16xf32>
    %add3A_1158 = arith.addf %add3A_1156, %mul3A_1157 : vector<16xf32>
    %swap3A_1159 = arith.constant 800 : index
    %swap3A_1160 = tpu.vector_load %arg15[%swap3A_1159] {strides = array<i32>} : memref<1024xf32, #tpu.memory_space<vmem>>, vector<16xf32>,
    tpu.vector_store %arg15[%swap3A_1159], %add3A_1158 {strides = array<i32>} : memref<1024xf32, #tpu.memory_space<vmem>>, vector<16xf32>,
    %get3A_1161 = arith.constant 816 : index
    %get3A_1162 = tpu.vector_load %arg11[%get3A_1161] {strides = array<i32>} : memref<1024xi32, #tpu.memory_space<vmem>>, vector<16xi32>,
    %get3A_1163 = arith.constant 816 : index
    %get3A_1164 = tpu.vector_load %arg12[%get3A_1163] {strides = array<i32>} : memref<1024xf32, #tpu.memory_space<vmem>>, vector<16xf32>,
    %gather3A_1165 = tpu.vector_load_idx %arg8[%get3A_1162] : memref<8192xf32, #tpu.memory_space<vmem>>[vector<16xi32>], vector<16xf32>,
    %sub3A_1166 = arith.subf %get3A_1164, %gather3A_1165 : vector<16xf32>
    %get3A_1167 = arith.constant 816 : index
    %get3A_1168 = tpu.vector_load %arg13[%get3A_1167] {strides = array<i32>} : memref<1024xf32, #tpu.memory_space<vmem>>, vector<16xf32>,
    %gather3A_1169 = tpu.vector_load_idx %arg9[%get3A_1162] : memref<8192xf32, #tpu.memory_space<vmem>>[vector<16xi32>], vector<16xf32>,
    %sub3A_1170 = arith.subf %get3A_1168, %gather3A_1169 : vector<16xf32>
    %get3A_1171 = arith.constant 816 : index
    %get3A_1172 = tpu.vector_load %arg14[%get3A_1171] {strides = array<i32>} : memref<1024xf32, #tpu.memory_space<vmem>>, vector<16xf32>,
    %gather3A_1173 = tpu.vector_load_idx %arg10[%get3A_1162] : memref<8192xf32, #tpu.memory_space<vmem>>[vector<16xi32>], vector<16xf32>,
    %sub3A_1174 = arith.subf %get3A_1172, %gather3A_1173 : vector<16xf32>
    %mul3A_1175 = arith.mulf %sub3A_1166, %sub3A_1166 : vector<16xf32>
    %mul3A_1176 = arith.mulf %sub3A_1170, %sub3A_1170 : vector<16xf32>
    %add3A_1177 = arith.addf %mul3A_1175, %mul3A_1176 : vector<16xf32>
    %mul3A_1178 = arith.mulf %sub3A_1174, %sub3A_1174 : vector<16xf32>
    %add3A_1179 = arith.addf %add3A_1177, %mul3A_1178 : vector<16xf32>
    %swap3A_1180 = arith.constant 816 : index
    %swap3A_1181 = tpu.vector_load %arg15[%swap3A_1180] {strides = array<i32>} : memref<1024xf32, #tpu.memory_space<vmem>>, vector<16xf32>,
    tpu.vector_store %arg15[%swap3A_1180], %add3A_1179 {strides = array<i32>} : memref<1024xf32, #tpu.memory_space<vmem>>, vector<16xf32>,
    %get3A_1182 = arith.constant 832 : index
    %get3A_1183 = tpu.vector_load %arg11[%get3A_1182] {strides = array<i32>} : memref<1024xi32, #tpu.memory_space<vmem>>, vector<16xi32>,
    %get3A_1184 = arith.constant 832 : index
    %get3A_1185 = tpu.vector_load %arg12[%get3A_1184] {strides = array<i32>} : memref<1024xf32, #tpu.memory_space<vmem>>, vector<16xf32>,
    %gather3A_1186 = tpu.vector_load_idx %arg8[%get3A_1183] : memref<8192xf32, #tpu.memory_space<vmem>>[vector<16xi32>], vector<16xf32>,
    %sub3A_1187 = arith.subf %get3A_1185, %gather3A_1186 : vector<16xf32>
    %get3A_1188 = arith.constant 832 : index
    %get3A_1189 = tpu.vector_load %arg13[%get3A_1188] {strides = array<i32>} : memref<1024xf32, #tpu.memory_space<vmem>>, vector<16xf32>,
    %gather3A_1190 = tpu.vector_load_idx %arg9[%get3A_1183] : memref<8192xf32, #tpu.memory_space<vmem>>[vector<16xi32>], vector<16xf32>,
    %sub3A_1191 = arith.subf %get3A_1189, %gather3A_1190 : vector<16xf32>
    %get3A_1192 = arith.constant 832 : index
    %get3A_1193 = tpu.vector_load %arg14[%get3A_1192] {strides = array<i32>} : memref<1024xf32, #tpu.memory_space<vmem>>, vector<16xf32>,
    %gather3A_1194 = tpu.vector_load_idx %arg10[%get3A_1183] : memref<8192xf32, #tpu.memory_space<vmem>>[vector<16xi32>], vector<16xf32>,
    %sub3A_1195 = arith.subf %get3A_1193, %gather3A_1194 : vector<16xf32>
    %mul3A_1196 = arith.mulf %sub3A_1187, %sub3A_1187 : vector<16xf32>
    %mul3A_1197 = arith.mulf %sub3A_1191, %sub3A_1191 : vector<16xf32>
    %add3A_1198 = arith.addf %mul3A_1196, %mul3A_1197 : vector<16xf32>
    %mul3A_1199 = arith.mulf %sub3A_1195, %sub3A_1195 : vector<16xf32>
    %add3A_1200 = arith.addf %add3A_1198, %mul3A_1199 : vector<16xf32>
    %swap3A_1201 = arith.constant 832 : index
    %swap3A_1202 = tpu.vector_load %arg15[%swap3A_1201] {strides = array<i32>} : memref<1024xf32, #tpu.memory_space<vmem>>, vector<16xf32>,
    tpu.vector_store %arg15[%swap3A_1201], %add3A_1200 {strides = array<i32>} : memref<1024xf32, #tpu.memory_space<vmem>>, vector<16xf32>,
    %get3A_1203 = arith.constant 848 : index
    %get3A_1204 = tpu.vector_load %arg11[%get3A_1203] {strides = array<i32>} : memref<1024xi32, #tpu.memory_space<vmem>>, vector<16xi32>,
    %get3A_1205 = arith.constant 848 : index
    %get3A_1206 = tpu.vector_load %arg12[%get3A_1205] {strides = array<i32>} : memref<1024xf32, #tpu.memory_space<vmem>>, vector<16xf32>,
    %gather3A_1207 = tpu.vector_load_idx %arg8[%get3A_1204] : memref<8192xf32, #tpu.memory_space<vmem>>[vector<16xi32>], vector<16xf32>,
    %sub3A_1208 = arith.subf %get3A_1206, %gather3A_1207 : vector<16xf32>
    %get3A_1209 = arith.constant 848 : index
    %get3A_1210 = tpu.vector_load %arg13[%get3A_1209] {strides = array<i32>} : memref<1024xf32, #tpu.memory_space<vmem>>, vector<16xf32>,
    %gather3A_1211 = tpu.vector_load_idx %arg9[%get3A_1204] : memref<8192xf32, #tpu.memory_space<vmem>>[vector<16xi32>], vector<16xf32>,
    %sub3A_1212 = arith.subf %get3A_1210, %gather3A_1211 : vector<16xf32>
    %get3A_1213 = arith.constant 848 : index
    %get3A_1214 = tpu.vector_load %arg14[%get3A_1213] {strides = array<i32>} : memref<1024xf32, #tpu.memory_space<vmem>>, vector<16xf32>,
    %gather3A_1215 = tpu.vector_load_idx %arg10[%get3A_1204] : memref<8192xf32, #tpu.memory_space<vmem>>[vector<16xi32>], vector<16xf32>,
    %sub3A_1216 = arith.subf %get3A_1214, %gather3A_1215 : vector<16xf32>
    %mul3A_1217 = arith.mulf %sub3A_1208, %sub3A_1208 : vector<16xf32>
    %mul3A_1218 = arith.mulf %sub3A_1212, %sub3A_1212 : vector<16xf32>
    %add3A_1219 = arith.addf %mul3A_1217, %mul3A_1218 : vector<16xf32>
    %mul3A_1220 = arith.mulf %sub3A_1216, %sub3A_1216 : vector<16xf32>
    %add3A_1221 = arith.addf %add3A_1219, %mul3A_1220 : vector<16xf32>
    %swap3A_1222 = arith.constant 848 : index
    %swap3A_1223 = tpu.vector_load %arg15[%swap3A_1222] {strides = array<i32>} : memref<1024xf32, #tpu.memory_space<vmem>>, vector<16xf32>,
    tpu.vector_store %arg15[%swap3A_1222], %add3A_1221 {strides = array<i32>} : memref<1024xf32, #tpu.memory_space<vmem>>, vector<16xf32>,
    %get3A_1224 = arith.constant 864 : index
    %get3A_1225 = tpu.vector_load %arg11[%get3A_1224] {strides = array<i32>} : memref<1024xi32, #tpu.memory_space<vmem>>, vector<16xi32>,
    %get3A_1226 = arith.constant 864 : index
    %get3A_1227 = tpu.vector_load %arg12[%get3A_1226] {strides = array<i32>} : memref<1024xf32, #tpu.memory_space<vmem>>, vector<16xf32>,
    %gather3A_1228 = tpu.vector_load_idx %arg8[%get3A_1225] : memref<8192xf32, #tpu.memory_space<vmem>>[vector<16xi32>], vector<16xf32>,
    %sub3A_1229 = arith.subf %get3A_1227, %gather3A_1228 : vector<16xf32>
    %get3A_1230 = arith.constant 864 : index
    %get3A_1231 = tpu.vector_load %arg13[%get3A_1230] {strides = array<i32>} : memref<1024xf32, #tpu.memory_space<vmem>>, vector<16xf32>,
    %gather3A_1232 = tpu.vector_load_idx %arg9[%get3A_1225] : memref<8192xf32, #tpu.memory_space<vmem>>[vector<16xi32>], vector<16xf32>,
    %sub3A_1233 = arith.subf %get3A_1231, %gather3A_1232 : vector<16xf32>
    %get3A_1234 = arith.constant 864 : index
    %get3A_1235 = tpu.vector_load %arg14[%get3A_1234] {strides = array<i32>} : memref<1024xf32, #tpu.memory_space<vmem>>, vector<16xf32>,
    %gather3A_1236 = tpu.vector_load_idx %arg10[%get3A_1225] : memref<8192xf32, #tpu.memory_space<vmem>>[vector<16xi32>], vector<16xf32>,
    %sub3A_1237 = arith.subf %get3A_1235, %gather3A_1236 : vector<16xf32>
    %mul3A_1238 = arith.mulf %sub3A_1229, %sub3A_1229 : vector<16xf32>
    %mul3A_1239 = arith.mulf %sub3A_1233, %sub3A_1233 : vector<16xf32>
    %add3A_1240 = arith.addf %mul3A_1238, %mul3A_1239 : vector<16xf32>
    %mul3A_1241 = arith.mulf %sub3A_1237, %sub3A_1237 : vector<16xf32>
    %add3A_1242 = arith.addf %add3A_1240, %mul3A_1241 : vector<16xf32>
    %swap3A_1243 = arith.constant 864 : index
    %swap3A_1244 = tpu.vector_load %arg15[%swap3A_1243] {strides = array<i32>} : memref<1024xf32, #tpu.memory_space<vmem>>, vector<16xf32>,
    tpu.vector_store %arg15[%swap3A_1243], %add3A_1242 {strides = array<i32>} : memref<1024xf32, #tpu.memory_space<vmem>>, vector<16xf32>,
    %get3A_1245 = arith.constant 880 : index
    %get3A_1246 = tpu.vector_load %arg11[%get3A_1245] {strides = array<i32>} : memref<1024xi32, #tpu.memory_space<vmem>>, vector<16xi32>,
    %get3A_1247 = arith.constant 880 : index
    %get3A_1248 = tpu.vector_load %arg12[%get3A_1247] {strides = array<i32>} : memref<1024xf32, #tpu.memory_space<vmem>>, vector<16xf32>,
    %gather3A_1249 = tpu.vector_load_idx %arg8[%get3A_1246] : memref<8192xf32, #tpu.memory_space<vmem>>[vector<16xi32>], vector<16xf32>,
    %sub3A_1250 = arith.subf %get3A_1248, %gather3A_1249 : vector<16xf32>
    %get3A_1251 = arith.constant 880 : index
    %get3A_1252 = tpu.vector_load %arg13[%get3A_1251] {strides = array<i32>} : memref<1024xf32, #tpu.memory_space<vmem>>, vector<16xf32>,
    %gather3A_1253 = tpu.vector_load_idx %arg9[%get3A_1246] : memref<8192xf32, #tpu.memory_space<vmem>>[vector<16xi32>], vector<16xf32>,
    %sub3A_1254 = arith.subf %get3A_1252, %gather3A_1253 : vector<16xf32>
    %get3A_1255 = arith.constant 880 : index
    %get3A_1256 = tpu.vector_load %arg14[%get3A_1255] {strides = array<i32>} : memref<1024xf32, #tpu.memory_space<vmem>>, vector<16xf32>,
    %gather3A_1257 = tpu.vector_load_idx %arg10[%get3A_1246] : memref<8192xf32, #tpu.memory_space<vmem>>[vector<16xi32>], vector<16xf32>,
    %sub3A_1258 = arith.subf %get3A_1256, %gather3A_1257 : vector<16xf32>
    %mul3A_1259 = arith.mulf %sub3A_1250, %sub3A_1250 : vector<16xf32>
    %mul3A_1260 = arith.mulf %sub3A_1254, %sub3A_1254 : vector<16xf32>
    %add3A_1261 = arith.addf %mul3A_1259, %mul3A_1260 : vector<16xf32>
    %mul3A_1262 = arith.mulf %sub3A_1258, %sub3A_1258 : vector<16xf32>
    %add3A_1263 = arith.addf %add3A_1261, %mul3A_1262 : vector<16xf32>
    %swap3A_1264 = arith.constant 880 : index
    %swap3A_1265 = tpu.vector_load %arg15[%swap3A_1264] {strides = array<i32>} : memref<1024xf32, #tpu.memory_space<vmem>>, vector<16xf32>,
    tpu.vector_store %arg15[%swap3A_1264], %add3A_1263 {strides = array<i32>} : memref<1024xf32, #tpu.memory_space<vmem>>, vector<16xf32>,
    %get3A_1266 = arith.constant 896 : index
    %get3A_1267 = tpu.vector_load %arg11[%get3A_1266] {strides = array<i32>} : memref<1024xi32, #tpu.memory_space<vmem>>, vector<16xi32>,
    %get3A_1268 = arith.constant 896 : index
    %get3A_1269 = tpu.vector_load %arg12[%get3A_1268] {strides = array<i32>} : memref<1024xf32, #tpu.memory_space<vmem>>, vector<16xf32>,
    %gather3A_1270 = tpu.vector_load_idx %arg8[%get3A_1267] : memref<8192xf32, #tpu.memory_space<vmem>>[vector<16xi32>], vector<16xf32>,
    %sub3A_1271 = arith.subf %get3A_1269, %gather3A_1270 : vector<16xf32>
    %get3A_1272 = arith.constant 896 : index
    %get3A_1273 = tpu.vector_load %arg13[%get3A_1272] {strides = array<i32>} : memref<1024xf32, #tpu.memory_space<vmem>>, vector<16xf32>,
    %gather3A_1274 = tpu.vector_load_idx %arg9[%get3A_1267] : memref<8192xf32, #tpu.memory_space<vmem>>[vector<16xi32>], vector<16xf32>,
    %sub3A_1275 = arith.subf %get3A_1273, %gather3A_1274 : vector<16xf32>
    %get3A_1276 = arith.constant 896 : index
    %get3A_1277 = tpu.vector_load %arg14[%get3A_1276] {strides = array<i32>} : memref<1024xf32, #tpu.memory_space<vmem>>, vector<16xf32>,
    %gather3A_1278 = tpu.vector_load_idx %arg10[%get3A_1267] : memref<8192xf32, #tpu.memory_space<vmem>>[vector<16xi32>], vector<16xf32>,
    %sub3A_1279 = arith.subf %get3A_1277, %gather3A_1278 : vector<16xf32>
    %mul3A_1280 = arith.mulf %sub3A_1271, %sub3A_1271 : vector<16xf32>
    %mul3A_1281 = arith.mulf %sub3A_1275, %sub3A_1275 : vector<16xf32>
    %add3A_1282 = arith.addf %mul3A_1280, %mul3A_1281 : vector<16xf32>
    %mul3A_1283 = arith.mulf %sub3A_1279, %sub3A_1279 : vector<16xf32>
    %add3A_1284 = arith.addf %add3A_1282, %mul3A_1283 : vector<16xf32>
    %swap3A_1285 = arith.constant 896 : index
    %swap3A_1286 = tpu.vector_load %arg15[%swap3A_1285] {strides = array<i32>} : memref<1024xf32, #tpu.memory_space<vmem>>, vector<16xf32>,
    tpu.vector_store %arg15[%swap3A_1285], %add3A_1284 {strides = array<i32>} : memref<1024xf32, #tpu.memory_space<vmem>>, vector<16xf32>,
    %get3A_1287 = arith.constant 912 : index
    %get3A_1288 = tpu.vector_load %arg11[%get3A_1287] {strides = array<i32>} : memref<1024xi32, #tpu.memory_space<vmem>>, vector<16xi32>,
    %get3A_1289 = arith.constant 912 : index
    %get3A_1290 = tpu.vector_load %arg12[%get3A_1289] {strides = array<i32>} : memref<1024xf32, #tpu.memory_space<vmem>>, vector<16xf32>,
    %gather3A_1291 = tpu.vector_load_idx %arg8[%get3A_1288] : memref<8192xf32, #tpu.memory_space<vmem>>[vector<16xi32>], vector<16xf32>,
    %sub3A_1292 = arith.subf %get3A_1290, %gather3A_1291 : vector<16xf32>
    %get3A_1293 = arith.constant 912 : index
    %get3A_1294 = tpu.vector_load %arg13[%get3A_1293] {strides = array<i32>} : memref<1024xf32, #tpu.memory_space<vmem>>, vector<16xf32>,
    %gather3A_1295 = tpu.vector_load_idx %arg9[%get3A_1288] : memref<8192xf32, #tpu.memory_space<vmem>>[vector<16xi32>], vector<16xf32>,
    %sub3A_1296 = arith.subf %get3A_1294, %gather3A_1295 : vector<16xf32>
    %get3A_1297 = arith.constant 912 : index
    %get3A_1298 = tpu.vector_load %arg14[%get3A_1297] {strides = array<i32>} : memref<1024xf32, #tpu.memory_space<vmem>>, vector<16xf32>,
    %gather3A_1299 = tpu.vector_load_idx %arg10[%get3A_1288] : memref<8192xf32, #tpu.memory_space<vmem>>[vector<16xi32>], vector<16xf32>,
    %sub3A_1300 = arith.subf %get3A_1298, %gather3A_1299 : vector<16xf32>
    %mul3A_1301 = arith.mulf %sub3A_1292, %sub3A_1292 : vector<16xf32>
    %mul3A_1302 = arith.mulf %sub3A_1296, %sub3A_1296 : vector<16xf32>
    %add3A_1303 = arith.addf %mul3A_1301, %mul3A_1302 : vector<16xf32>
    %mul3A_1304 = arith.mulf %sub3A_1300, %sub3A_1300 : vector<16xf32>
    %add3A_1305 = arith.addf %add3A_1303, %mul3A_1304 : vector<16xf32>
    %swap3A_1306 = arith.constant 912 : index
    %swap3A_1307 = tpu.vector_load %arg15[%swap3A_1306] {strides = array<i32>} : memref<1024xf32, #tpu.memory_space<vmem>>, vector<16xf32>,
    tpu.vector_store %arg15[%swap3A_1306], %add3A_1305 {strides = array<i32>} : memref<1024xf32, #tpu.memory_space<vmem>>, vector<16xf32>,
    %get3A_1308 = arith.constant 928 : index
    %get3A_1309 = tpu.vector_load %arg11[%get3A_1308] {strides = array<i32>} : memref<1024xi32, #tpu.memory_space<vmem>>, vector<16xi32>,
    %get3A_1310 = arith.constant 928 : index
    %get3A_1311 = tpu.vector_load %arg12[%get3A_1310] {strides = array<i32>} : memref<1024xf32, #tpu.memory_space<vmem>>, vector<16xf32>,
    %gather3A_1312 = tpu.vector_load_idx %arg8[%get3A_1309] : memref<8192xf32, #tpu.memory_space<vmem>>[vector<16xi32>], vector<16xf32>,
    %sub3A_1313 = arith.subf %get3A_1311, %gather3A_1312 : vector<16xf32>
    %get3A_1314 = arith.constant 928 : index
    %get3A_1315 = tpu.vector_load %arg13[%get3A_1314] {strides = array<i32>} : memref<1024xf32, #tpu.memory_space<vmem>>, vector<16xf32>,
    %gather3A_1316 = tpu.vector_load_idx %arg9[%get3A_1309] : memref<8192xf32, #tpu.memory_space<vmem>>[vector<16xi32>], vector<16xf32>,
    %sub3A_1317 = arith.subf %get3A_1315, %gather3A_1316 : vector<16xf32>
    %get3A_1318 = arith.constant 928 : index
    %get3A_1319 = tpu.vector_load %arg14[%get3A_1318] {strides = array<i32>} : memref<1024xf32, #tpu.memory_space<vmem>>, vector<16xf32>,
    %gather3A_1320 = tpu.vector_load_idx %arg10[%get3A_1309] : memref<8192xf32, #tpu.memory_space<vmem>>[vector<16xi32>], vector<16xf32>,
    %sub3A_1321 = arith.subf %get3A_1319, %gather3A_1320 : vector<16xf32>
    %mul3A_1322 = arith.mulf %sub3A_1313, %sub3A_1313 : vector<16xf32>
    %mul3A_1323 = arith.mulf %sub3A_1317, %sub3A_1317 : vector<16xf32>
    %add3A_1324 = arith.addf %mul3A_1322, %mul3A_1323 : vector<16xf32>
    %mul3A_1325 = arith.mulf %sub3A_1321, %sub3A_1321 : vector<16xf32>
    %add3A_1326 = arith.addf %add3A_1324, %mul3A_1325 : vector<16xf32>
    %swap3A_1327 = arith.constant 928 : index
    %swap3A_1328 = tpu.vector_load %arg15[%swap3A_1327] {strides = array<i32>} : memref<1024xf32, #tpu.memory_space<vmem>>, vector<16xf32>,
    tpu.vector_store %arg15[%swap3A_1327], %add3A_1326 {strides = array<i32>} : memref<1024xf32, #tpu.memory_space<vmem>>, vector<16xf32>,
    %get3A_1329 = arith.constant 944 : index
    %get3A_1330 = tpu.vector_load %arg11[%get3A_1329] {strides = array<i32>} : memref<1024xi32, #tpu.memory_space<vmem>>, vector<16xi32>,
    %get3A_1331 = arith.constant 944 : index
    %get3A_1332 = tpu.vector_load %arg12[%get3A_1331] {strides = array<i32>} : memref<1024xf32, #tpu.memory_space<vmem>>, vector<16xf32>,
    %gather3A_1333 = tpu.vector_load_idx %arg8[%get3A_1330] : memref<8192xf32, #tpu.memory_space<vmem>>[vector<16xi32>], vector<16xf32>,
    %sub3A_1334 = arith.subf %get3A_1332, %gather3A_1333 : vector<16xf32>
    %get3A_1335 = arith.constant 944 : index
    %get3A_1336 = tpu.vector_load %arg13[%get3A_1335] {strides = array<i32>} : memref<1024xf32, #tpu.memory_space<vmem>>, vector<16xf32>,
    %gather3A_1337 = tpu.vector_load_idx %arg9[%get3A_1330] : memref<8192xf32, #tpu.memory_space<vmem>>[vector<16xi32>], vector<16xf32>,
    %sub3A_1338 = arith.subf %get3A_1336, %gather3A_1337 : vector<16xf32>
    %get3A_1339 = arith.constant 944 : index
    %get3A_1340 = tpu.vector_load %arg14[%get3A_1339] {strides = array<i32>} : memref<1024xf32, #tpu.memory_space<vmem>>, vector<16xf32>,
    %gather3A_1341 = tpu.vector_load_idx %arg10[%get3A_1330] : memref<8192xf32, #tpu.memory_space<vmem>>[vector<16xi32>], vector<16xf32>,
    %sub3A_1342 = arith.subf %get3A_1340, %gather3A_1341 : vector<16xf32>
    %mul3A_1343 = arith.mulf %sub3A_1334, %sub3A_1334 : vector<16xf32>
    %mul3A_1344 = arith.mulf %sub3A_1338, %sub3A_1338 : vector<16xf32>
    %add3A_1345 = arith.addf %mul3A_1343, %mul3A_1344 : vector<16xf32>
    %mul3A_1346 = arith.mulf %sub3A_1342, %sub3A_1342 : vector<16xf32>
    %add3A_1347 = arith.addf %add3A_1345, %mul3A_1346 : vector<16xf32>
    %swap3A_1348 = arith.constant 944 : index
    %swap3A_1349 = tpu.vector_load %arg15[%swap3A_1348] {strides = array<i32>} : memref<1024xf32, #tpu.memory_space<vmem>>, vector<16xf32>,
    tpu.vector_store %arg15[%swap3A_1348], %add3A_1347 {strides = array<i32>} : memref<1024xf32, #tpu.memory_space<vmem>>, vector<16xf32>,
    %get3A_1350 = arith.constant 960 : index
    %get3A_1351 = tpu.vector_load %arg11[%get3A_1350] {strides = array<i32>} : memref<1024xi32, #tpu.memory_space<vmem>>, vector<16xi32>,
    %get3A_1352 = arith.constant 960 : index
    %get3A_1353 = tpu.vector_load %arg12[%get3A_1352] {strides = array<i32>} : memref<1024xf32, #tpu.memory_space<vmem>>, vector<16xf32>,
    %gather3A_1354 = tpu.vector_load_idx %arg8[%get3A_1351] : memref<8192xf32, #tpu.memory_space<vmem>>[vector<16xi32>], vector<16xf32>,
    %sub3A_1355 = arith.subf %get3A_1353, %gather3A_1354 : vector<16xf32>
    %get3A_1356 = arith.constant 960 : index
    %get3A_1357 = tpu.vector_load %arg13[%get3A_1356] {strides = array<i32>} : memref<1024xf32, #tpu.memory_space<vmem>>, vector<16xf32>,
    %gather3A_1358 = tpu.vector_load_idx %arg9[%get3A_1351] : memref<8192xf32, #tpu.memory_space<vmem>>[vector<16xi32>], vector<16xf32>,
    %sub3A_1359 = arith.subf %get3A_1357, %gather3A_1358 : vector<16xf32>
    %get3A_1360 = arith.constant 960 : index
    %get3A_1361 = tpu.vector_load %arg14[%get3A_1360] {strides = array<i32>} : memref<1024xf32, #tpu.memory_space<vmem>>, vector<16xf32>,
    %gather3A_1362 = tpu.vector_load_idx %arg10[%get3A_1351] : memref<8192xf32, #tpu.memory_space<vmem>>[vector<16xi32>], vector<16xf32>,
    %sub3A_1363 = arith.subf %get3A_1361, %gather3A_1362 : vector<16xf32>
    %mul3A_1364 = arith.mulf %sub3A_1355, %sub3A_1355 : vector<16xf32>
    %mul3A_1365 = arith.mulf %sub3A_1359, %sub3A_1359 : vector<16xf32>
    %add3A_1366 = arith.addf %mul3A_1364, %mul3A_1365 : vector<16xf32>
    %mul3A_1367 = arith.mulf %sub3A_1363, %sub3A_1363 : vector<16xf32>
    %add3A_1368 = arith.addf %add3A_1366, %mul3A_1367 : vector<16xf32>
    %swap3A_1369 = arith.constant 960 : index
    %swap3A_1370 = tpu.vector_load %arg15[%swap3A_1369] {strides = array<i32>} : memref<1024xf32, #tpu.memory_space<vmem>>, vector<16xf32>,
    tpu.vector_store %arg15[%swap3A_1369], %add3A_1368 {strides = array<i32>} : memref<1024xf32, #tpu.memory_space<vmem>>, vector<16xf32>,
    %get3A_1371 = arith.constant 976 : index
    %get3A_1372 = tpu.vector_load %arg11[%get3A_1371] {strides = array<i32>} : memref<1024xi32, #tpu.memory_space<vmem>>, vector<16xi32>,
    %get3A_1373 = arith.constant 976 : index
    %get3A_1374 = tpu.vector_load %arg12[%get3A_1373] {strides = array<i32>} : memref<1024xf32, #tpu.memory_space<vmem>>, vector<16xf32>,
    %gather3A_1375 = tpu.vector_load_idx %arg8[%get3A_1372] : memref<8192xf32, #tpu.memory_space<vmem>>[vector<16xi32>], vector<16xf32>,
    %sub3A_1376 = arith.subf %get3A_1374, %gather3A_1375 : vector<16xf32>
    %get3A_1377 = arith.constant 976 : index
    %get3A_1378 = tpu.vector_load %arg13[%get3A_1377] {strides = array<i32>} : memref<1024xf32, #tpu.memory_space<vmem>>, vector<16xf32>,
    %gather3A_1379 = tpu.vector_load_idx %arg9[%get3A_1372] : memref<8192xf32, #tpu.memory_space<vmem>>[vector<16xi32>], vector<16xf32>,
    %sub3A_1380 = arith.subf %get3A_1378, %gather3A_1379 : vector<16xf32>
    %get3A_1381 = arith.constant 976 : index
    %get3A_1382 = tpu.vector_load %arg14[%get3A_1381] {strides = array<i32>} : memref<1024xf32, #tpu.memory_space<vmem>>, vector<16xf32>,
    %gather3A_1383 = tpu.vector_load_idx %arg10[%get3A_1372] : memref<8192xf32, #tpu.memory_space<vmem>>[vector<16xi32>], vector<16xf32>,
    %sub3A_1384 = arith.subf %get3A_1382, %gather3A_1383 : vector<16xf32>
    %mul3A_1385 = arith.mulf %sub3A_1376, %sub3A_1376 : vector<16xf32>
    %mul3A_1386 = arith.mulf %sub3A_1380, %sub3A_1380 : vector<16xf32>
    %add3A_1387 = arith.addf %mul3A_1385, %mul3A_1386 : vector<16xf32>
    %mul3A_1388 = arith.mulf %sub3A_1384, %sub3A_1384 : vector<16xf32>
    %add3A_1389 = arith.addf %add3A_1387, %mul3A_1388 : vector<16xf32>
    %swap3A_1390 = arith.constant 976 : index
    %swap3A_1391 = tpu.vector_load %arg15[%swap3A_1390] {strides = array<i32>} : memref<1024xf32, #tpu.memory_space<vmem>>, vector<16xf32>,
    tpu.vector_store %arg15[%swap3A_1390], %add3A_1389 {strides = array<i32>} : memref<1024xf32, #tpu.memory_space<vmem>>, vector<16xf32>,
    %get3A_1392 = arith.constant 992 : index
    %get3A_1393 = tpu.vector_load %arg11[%get3A_1392] {strides = array<i32>} : memref<1024xi32, #tpu.memory_space<vmem>>, vector<16xi32>,
    %get3A_1394 = arith.constant 992 : index
    %get3A_1395 = tpu.vector_load %arg12[%get3A_1394] {strides = array<i32>} : memref<1024xf32, #tpu.memory_space<vmem>>, vector<16xf32>,
    %gather3A_1396 = tpu.vector_load_idx %arg8[%get3A_1393] : memref<8192xf32, #tpu.memory_space<vmem>>[vector<16xi32>], vector<16xf32>,
    %sub3A_1397 = arith.subf %get3A_1395, %gather3A_1396 : vector<16xf32>
    %get3A_1398 = arith.constant 992 : index
    %get3A_1399 = tpu.vector_load %arg13[%get3A_1398] {strides = array<i32>} : memref<1024xf32, #tpu.memory_space<vmem>>, vector<16xf32>,
    %gather3A_1400 = tpu.vector_load_idx %arg9[%get3A_1393] : memref<8192xf32, #tpu.memory_space<vmem>>[vector<16xi32>], vector<16xf32>,
    %sub3A_1401 = arith.subf %get3A_1399, %gather3A_1400 : vector<16xf32>
    %get3A_1402 = arith.constant 992 : index
    %get3A_1403 = tpu.vector_load %arg14[%get3A_1402] {strides = array<i32>} : memref<1024xf32, #tpu.memory_space<vmem>>, vector<16xf32>,
    %gather3A_1404 = tpu.vector_load_idx %arg10[%get3A_1393] : memref<8192xf32, #tpu.memory_space<vmem>>[vector<16xi32>], vector<16xf32>,
    %sub3A_1405 = arith.subf %get3A_1403, %gather3A_1404 : vector<16xf32>
    %mul3A_1406 = arith.mulf %sub3A_1397, %sub3A_1397 : vector<16xf32>
    %mul3A_1407 = arith.mulf %sub3A_1401, %sub3A_1401 : vector<16xf32>
    %add3A_1408 = arith.addf %mul3A_1406, %mul3A_1407 : vector<16xf32>
    %mul3A_1409 = arith.mulf %sub3A_1405, %sub3A_1405 : vector<16xf32>
    %add3A_1410 = arith.addf %add3A_1408, %mul3A_1409 : vector<16xf32>
    %swap3A_1411 = arith.constant 992 : index
    %swap3A_1412 = tpu.vector_load %arg15[%swap3A_1411] {strides = array<i32>} : memref<1024xf32, #tpu.memory_space<vmem>>, vector<16xf32>,
    tpu.vector_store %arg15[%swap3A_1411], %add3A_1410 {strides = array<i32>} : memref<1024xf32, #tpu.memory_space<vmem>>, vector<16xf32>,
    %get3A_1413 = arith.constant 1008 : index
    %get3A_1414 = tpu.vector_load %arg11[%get3A_1413] {strides = array<i32>} : memref<1024xi32, #tpu.memory_space<vmem>>, vector<16xi32>,
    %get3A_1415 = arith.constant 1008 : index
    %get3A_1416 = tpu.vector_load %arg12[%get3A_1415] {strides = array<i32>} : memref<1024xf32, #tpu.memory_space<vmem>>, vector<16xf32>,
    %gather3A_1417 = tpu.vector_load_idx %arg8[%get3A_1414] : memref<8192xf32, #tpu.memory_space<vmem>>[vector<16xi32>], vector<16xf32>,
    %sub3A_1418 = arith.subf %get3A_1416, %gather3A_1417 : vector<16xf32>
    %get3A_1419 = arith.constant 1008 : index
    %get3A_1420 = tpu.vector_load %arg13[%get3A_1419] {strides = array<i32>} : memref<1024xf32, #tpu.memory_space<vmem>>, vector<16xf32>,
    %gather3A_1421 = tpu.vector_load_idx %arg9[%get3A_1414] : memref<8192xf32, #tpu.memory_space<vmem>>[vector<16xi32>], vector<16xf32>,
    %sub3A_1422 = arith.subf %get3A_1420, %gather3A_1421 : vector<16xf32>
    %get3A_1423 = arith.constant 1008 : index
    %get3A_1424 = tpu.vector_load %arg14[%get3A_1423] {strides = array<i32>} : memref<1024xf32, #tpu.memory_space<vmem>>, vector<16xf32>,
    %gather3A_1425 = tpu.vector_load_idx %arg10[%get3A_1414] : memref<8192xf32, #tpu.memory_space<vmem>>[vector<16xi32>], vector<16xf32>,
    %sub3A_1426 = arith.subf %get3A_1424, %gather3A_1425 : vector<16xf32>
    %mul3A_1427 = arith.mulf %sub3A_1418, %sub3A_1418 : vector<16xf32>
    %mul3A_1428 = arith.mulf %sub3A_1422, %sub3A_1422 : vector<16xf32>
    %add3A_1429 = arith.addf %mul3A_1427, %mul3A_1428 : vector<16xf32>
    %mul3A_1430 = arith.mulf %sub3A_1426, %sub3A_1426 : vector<16xf32>
    %add3A_1431 = arith.addf %add3A_1429, %mul3A_1430 : vector<16xf32>
    %swap3A_1432 = arith.constant 1008 : index
    %swap3A_1433 = tpu.vector_load %arg15[%swap3A_1432] {strides = array<i32>} : memref<1024xf32, #tpu.memory_space<vmem>>, vector<16xf32>,
    tpu.vector_store %arg15[%swap3A_1432], %add3A_1431 {strides = array<i32>} : memref<1024xf32, #tpu.memory_space<vmem>>, vector<16xf32>,
    "tpu.region"() ({
      %run_scoped3A = tpu.sem_alloc : memref<!tpu.dma_semaphore, #tpu.memory_space<semaphore_mem>>
      %dma_start3A = arith.constant 0 : i32
      %dma_start3A_2820 = tpu.memref_slice %arg15[%dma_start3A] : memref<1024xf32, #tpu.memory_space<vmem>> -> memref<1024xf32, #tpu.memory_space<vmem>>
      %dma_start3A_2821 = tpu.memref_slice %arg6[%add3A_53] : memref<32768xf32, #tpu.memory_space<hbm>> -> memref<1024xf32, #tpu.memory_space<hbm>>
      %dma_start3A_2822 = tpu.memref_slice %arg6[%add3A_53] : memref<32768xf32, #tpu.memory_space<hbm>> -> memref<1024xf32, #tpu.memory_space<hbm>>
      %dma_start3A_2823 = arith.constant 0 : i32
      %dma_start3A_2824 = tpu.memref_slice %arg15[%dma_start3A_2823] : memref<1024xf32, #tpu.memory_space<vmem>> -> memref<1024xf32, #tpu.memory_space<vmem>>
      tpu.enqueue_dma source(%dma_start3A_2824 : memref<1024xf32, #tpu.memory_space<vmem>>) target(%dma_start3A_2822 : memref<1024xf32, #tpu.memory_space<hbm>>) target_semaphore(%run_scoped3A : memref<!tpu.dma_semaphore, #tpu.memory_space<semaphore_mem>>)
      %dma_wait3A = arith.constant 0 : i32
      %dma_wait3A_2825 = tpu.memref_slice %arg15[%dma_wait3A] : memref<1024xf32, #tpu.memory_space<vmem>> -> memref<1024xf32, #tpu.memory_space<vmem>>
      %dma_wait3A_2826 = tpu.memref_slice %arg6[%add3A_53] : memref<32768xf32, #tpu.memory_space<hbm>> -> memref<1024xf32, #tpu.memory_space<hbm>>
      %dma_wait3A_2827 = tpu.memref_slice %arg6[%add3A_53] : memref<32768xf32, #tpu.memory_space<hbm>> -> memref<1024xf32, #tpu.memory_space<hbm>>
      %dma_wait3A_2828 = arith.constant 0 : i32
      %dma_wait3A_2829 = tpu.memref_slice %arg15[%dma_wait3A_2828] : memref<1024xf32, #tpu.memory_space<vmem>> -> memref<1024xf32, #tpu.memory_space<vmem>>
      tpu.wait_dma2 semaphore(%run_scoped3A : memref<!tpu.dma_semaphore, #tpu.memory_space<semaphore_mem>>) src(%dma_wait3A_2829 : memref<1024xf32, #tpu.memory_space<vmem>>) dst(%dma_wait3A_2827 : memref<1024xf32, #tpu.memory_space<hbm>>)
      tpu.yield
    }) : () -> ()
    %mul3A_1434 = arith.constant 8192 : i32
    %mul3A_1435 = arith.muli %select_n3A, %mul3A_1434 : i32
    %add3A_1436 = arith.addi %mul3A_1435, %mul3A_50 : i32
    %mul3A_1437 = arith.constant 3 : i32
    %mul3A_1438 = arith.muli %select_n3A, %mul3A_1437 : i32
    %add3A_1439 = arith.constant 0 : i32
    %add3A_1440 = arith.addi %mul3A_1438, %add3A_1439 : i32
    %mul3A_1441 = arith.constant 8192 : i32
    %mul3A_1442 = arith.muli %add3A_1440, %mul3A_1441 : i32
    "tpu.region"() ({
      %run_scoped3A = tpu.sem_alloc : memref<!tpu.dma_semaphore, #tpu.memory_space<semaphore_mem>>
      %dma_start3A = tpu.memref_slice %arg2[%mul3A_1442] : memref<98304xf32, #tpu.memory_space<hbm>> -> memref<8192xf32, #tpu.memory_space<hbm>>
      %dma_start3A_2820 = tpu.memref_slice %arg2[%mul3A_1442] : memref<98304xf32, #tpu.memory_space<hbm>> -> memref<8192xf32, #tpu.memory_space<hbm>>
      tpu.enqueue_dma source(%dma_start3A_2820 : memref<8192xf32, #tpu.memory_space<hbm>>) target(%arg8 : memref<8192xf32, #tpu.memory_space<vmem>>) target_semaphore(%run_scoped3A : memref<!tpu.dma_semaphore, #tpu.memory_space<semaphore_mem>>)
      %dma_wait3A = tpu.memref_slice %arg2[%mul3A_1442] : memref<98304xf32, #tpu.memory_space<hbm>> -> memref<8192xf32, #tpu.memory_space<hbm>>
      %dma_wait3A_2821 = tpu.memref_slice %arg2[%mul3A_1442] : memref<98304xf32, #tpu.memory_space<hbm>> -> memref<8192xf32, #tpu.memory_space<hbm>>
      tpu.wait_dma2 semaphore(%run_scoped3A : memref<!tpu.dma_semaphore, #tpu.memory_space<semaphore_mem>>) src(%dma_wait3A_2821 : memref<8192xf32, #tpu.memory_space<hbm>>) dst(%arg8 : memref<8192xf32, #tpu.memory_space<vmem>>)
      tpu.yield
    }) : () -> ()
    %mul3A_1443 = arith.constant 3 : i32
    %mul3A_1444 = arith.muli %select_n3A, %mul3A_1443 : i32
    %add3A_1445 = arith.constant 1 : i32
    %add3A_1446 = arith.addi %mul3A_1444, %add3A_1445 : i32
    %mul3A_1447 = arith.constant 8192 : i32
    %mul3A_1448 = arith.muli %add3A_1446, %mul3A_1447 : i32
    "tpu.region"() ({
      %run_scoped3A = tpu.sem_alloc : memref<!tpu.dma_semaphore, #tpu.memory_space<semaphore_mem>>
      %dma_start3A = tpu.memref_slice %arg2[%mul3A_1448] : memref<98304xf32, #tpu.memory_space<hbm>> -> memref<8192xf32, #tpu.memory_space<hbm>>
      %dma_start3A_2820 = tpu.memref_slice %arg2[%mul3A_1448] : memref<98304xf32, #tpu.memory_space<hbm>> -> memref<8192xf32, #tpu.memory_space<hbm>>
      tpu.enqueue_dma source(%dma_start3A_2820 : memref<8192xf32, #tpu.memory_space<hbm>>) target(%arg9 : memref<8192xf32, #tpu.memory_space<vmem>>) target_semaphore(%run_scoped3A : memref<!tpu.dma_semaphore, #tpu.memory_space<semaphore_mem>>)
      %dma_wait3A = tpu.memref_slice %arg2[%mul3A_1448] : memref<98304xf32, #tpu.memory_space<hbm>> -> memref<8192xf32, #tpu.memory_space<hbm>>
      %dma_wait3A_2821 = tpu.memref_slice %arg2[%mul3A_1448] : memref<98304xf32, #tpu.memory_space<hbm>> -> memref<8192xf32, #tpu.memory_space<hbm>>
      tpu.wait_dma2 semaphore(%run_scoped3A : memref<!tpu.dma_semaphore, #tpu.memory_space<semaphore_mem>>) src(%dma_wait3A_2821 : memref<8192xf32, #tpu.memory_space<hbm>>) dst(%arg9 : memref<8192xf32, #tpu.memory_space<vmem>>)
      tpu.yield
    }) : () -> ()
    %mul3A_1449 = arith.constant 3 : i32
    %mul3A_1450 = arith.muli %select_n3A, %mul3A_1449 : i32
    %add3A_1451 = arith.constant 2 : i32
    %add3A_1452 = arith.addi %mul3A_1450, %add3A_1451 : i32
    %mul3A_1453 = arith.constant 8192 : i32
    %mul3A_1454 = arith.muli %add3A_1452, %mul3A_1453 : i32
    "tpu.region"() ({
      %run_scoped3A = tpu.sem_alloc : memref<!tpu.dma_semaphore, #tpu.memory_space<semaphore_mem>>
      %dma_start3A = tpu.memref_slice %arg2[%mul3A_1454] : memref<98304xf32, #tpu.memory_space<hbm>> -> memref<8192xf32, #tpu.memory_space<hbm>>
      %dma_start3A_2820 = tpu.memref_slice %arg2[%mul3A_1454] : memref<98304xf32, #tpu.memory_space<hbm>> -> memref<8192xf32, #tpu.memory_space<hbm>>
      tpu.enqueue_dma source(%dma_start3A_2820 : memref<8192xf32, #tpu.memory_space<hbm>>) target(%arg10 : memref<8192xf32, #tpu.memory_space<vmem>>) target_semaphore(%run_scoped3A : memref<!tpu.dma_semaphore, #tpu.memory_space<semaphore_mem>>)
      %dma_wait3A = tpu.memref_slice %arg2[%mul3A_1454] : memref<98304xf32, #tpu.memory_space<hbm>> -> memref<8192xf32, #tpu.memory_space<hbm>>
      %dma_wait3A_2821 = tpu.memref_slice %arg2[%mul3A_1454] : memref<98304xf32, #tpu.memory_space<hbm>> -> memref<8192xf32, #tpu.memory_space<hbm>>
      tpu.wait_dma2 semaphore(%run_scoped3A : memref<!tpu.dma_semaphore, #tpu.memory_space<semaphore_mem>>) src(%dma_wait3A_2821 : memref<8192xf32, #tpu.memory_space<hbm>>) dst(%arg10 : memref<8192xf32, #tpu.memory_space<vmem>>)
      tpu.yield
    }) : () -> ()
    %mul3A_1455 = arith.constant 3 : i32
    %mul3A_1456 = arith.muli %select_n3A, %mul3A_1455 : i32
    %add3A_1457 = arith.constant 0 : i32
    %add3A_1458 = arith.addi %mul3A_1456, %add3A_1457 : i32
    %mul3A_1459 = arith.constant 8192 : i32
    %mul3A_1460 = arith.muli %add3A_1458, %mul3A_1459 : i32
    %add3A_1461 = arith.addi %mul3A_1460, %mul3A_50 : i32
    "tpu.region"() ({
      %run_scoped3A = tpu.sem_alloc : memref<!tpu.dma_semaphore, #tpu.memory_space<semaphore_mem>>
      %dma_start3A = arith.constant 0 : i32
      %dma_start3A_2820 = tpu.memref_slice %arg12[%dma_start3A] : memref<1024xf32, #tpu.memory_space<vmem>> -> memref<1024xf32, #tpu.memory_space<vmem>>
      %dma_start3A_2821 = tpu.memref_slice %arg3[%add3A_1461] : memref<98304xf32, #tpu.memory_space<hbm>> -> memref<1024xf32, #tpu.memory_space<hbm>>
      %dma_start3A_2822 = arith.constant 0 : i32
      %dma_start3A_2823 = tpu.memref_slice %arg12[%dma_start3A_2822] : memref<1024xf32, #tpu.memory_space<vmem>> -> memref<1024xf32, #tpu.memory_space<vmem>>
      %dma_start3A_2824 = tpu.memref_slice %arg3[%add3A_1461] : memref<98304xf32, #tpu.memory_space<hbm>> -> memref<1024xf32, #tpu.memory_space<hbm>>
      tpu.enqueue_dma source(%dma_start3A_2824 : memref<1024xf32, #tpu.memory_space<hbm>>) target(%dma_start3A_2823 : memref<1024xf32, #tpu.memory_space<vmem>>) target_semaphore(%run_scoped3A : memref<!tpu.dma_semaphore, #tpu.memory_space<semaphore_mem>>)
      %dma_wait3A = arith.constant 0 : i32
      %dma_wait3A_2825 = tpu.memref_slice %arg12[%dma_wait3A] : memref<1024xf32, #tpu.memory_space<vmem>> -> memref<1024xf32, #tpu.memory_space<vmem>>
      %dma_wait3A_2826 = tpu.memref_slice %arg3[%add3A_1461] : memref<98304xf32, #tpu.memory_space<hbm>> -> memref<1024xf32, #tpu.memory_space<hbm>>
      %dma_wait3A_2827 = arith.constant 0 : i32
      %dma_wait3A_2828 = tpu.memref_slice %arg12[%dma_wait3A_2827] : memref<1024xf32, #tpu.memory_space<vmem>> -> memref<1024xf32, #tpu.memory_space<vmem>>
      %dma_wait3A_2829 = tpu.memref_slice %arg3[%add3A_1461] : memref<98304xf32, #tpu.memory_space<hbm>> -> memref<1024xf32, #tpu.memory_space<hbm>>
      tpu.wait_dma2 semaphore(%run_scoped3A : memref<!tpu.dma_semaphore, #tpu.memory_space<semaphore_mem>>) src(%dma_wait3A_2829 : memref<1024xf32, #tpu.memory_space<hbm>>) dst(%dma_wait3A_2828 : memref<1024xf32, #tpu.memory_space<vmem>>)
      tpu.yield
    }) : () -> ()
    %mul3A_1462 = arith.constant 3 : i32
    %mul3A_1463 = arith.muli %select_n3A, %mul3A_1462 : i32
    %add3A_1464 = arith.constant 1 : i32
    %add3A_1465 = arith.addi %mul3A_1463, %add3A_1464 : i32
    %mul3A_1466 = arith.constant 8192 : i32
    %mul3A_1467 = arith.muli %add3A_1465, %mul3A_1466 : i32
    %add3A_1468 = arith.addi %mul3A_1467, %mul3A_50 : i32
    "tpu.region"() ({
      %run_scoped3A = tpu.sem_alloc : memref<!tpu.dma_semaphore, #tpu.memory_space<semaphore_mem>>
      %dma_start3A = arith.constant 0 : i32
      %dma_start3A_2820 = tpu.memref_slice %arg13[%dma_start3A] : memref<1024xf32, #tpu.memory_space<vmem>> -> memref<1024xf32, #tpu.memory_space<vmem>>
      %dma_start3A_2821 = tpu.memref_slice %arg3[%add3A_1468] : memref<98304xf32, #tpu.memory_space<hbm>> -> memref<1024xf32, #tpu.memory_space<hbm>>
      %dma_start3A_2822 = arith.constant 0 : i32
      %dma_start3A_2823 = tpu.memref_slice %arg13[%dma_start3A_2822] : memref<1024xf32, #tpu.memory_space<vmem>> -> memref<1024xf32, #tpu.memory_space<vmem>>
      %dma_start3A_2824 = tpu.memref_slice %arg3[%add3A_1468] : memref<98304xf32, #tpu.memory_space<hbm>> -> memref<1024xf32, #tpu.memory_space<hbm>>
      tpu.enqueue_dma source(%dma_start3A_2824 : memref<1024xf32, #tpu.memory_space<hbm>>) target(%dma_start3A_2823 : memref<1024xf32, #tpu.memory_space<vmem>>) target_semaphore(%run_scoped3A : memref<!tpu.dma_semaphore, #tpu.memory_space<semaphore_mem>>)
      %dma_wait3A = arith.constant 0 : i32
      %dma_wait3A_2825 = tpu.memref_slice %arg13[%dma_wait3A] : memref<1024xf32, #tpu.memory_space<vmem>> -> memref<1024xf32, #tpu.memory_space<vmem>>
      %dma_wait3A_2826 = tpu.memref_slice %arg3[%add3A_1468] : memref<98304xf32, #tpu.memory_space<hbm>> -> memref<1024xf32, #tpu.memory_space<hbm>>
      %dma_wait3A_2827 = arith.constant 0 : i32
      %dma_wait3A_2828 = tpu.memref_slice %arg13[%dma_wait3A_2827] : memref<1024xf32, #tpu.memory_space<vmem>> -> memref<1024xf32, #tpu.memory_space<vmem>>
      %dma_wait3A_2829 = tpu.memref_slice %arg3[%add3A_1468] : memref<98304xf32, #tpu.memory_space<hbm>> -> memref<1024xf32, #tpu.memory_space<hbm>>
      tpu.wait_dma2 semaphore(%run_scoped3A : memref<!tpu.dma_semaphore, #tpu.memory_space<semaphore_mem>>) src(%dma_wait3A_2829 : memref<1024xf32, #tpu.memory_space<hbm>>) dst(%dma_wait3A_2828 : memref<1024xf32, #tpu.memory_space<vmem>>)
      tpu.yield
    }) : () -> ()
    %mul3A_1469 = arith.constant 3 : i32
    %mul3A_1470 = arith.muli %select_n3A, %mul3A_1469 : i32
    %add3A_1471 = arith.constant 2 : i32
    %add3A_1472 = arith.addi %mul3A_1470, %add3A_1471 : i32
    %mul3A_1473 = arith.constant 8192 : i32
    %mul3A_1474 = arith.muli %add3A_1472, %mul3A_1473 : i32
    %add3A_1475 = arith.addi %mul3A_1474, %mul3A_50 : i32
    "tpu.region"() ({
      %run_scoped3A = tpu.sem_alloc : memref<!tpu.dma_semaphore, #tpu.memory_space<semaphore_mem>>
      %dma_start3A = arith.constant 0 : i32
      %dma_start3A_2820 = tpu.memref_slice %arg14[%dma_start3A] : memref<1024xf32, #tpu.memory_space<vmem>> -> memref<1024xf32, #tpu.memory_space<vmem>>
      %dma_start3A_2821 = tpu.memref_slice %arg3[%add3A_1475] : memref<98304xf32, #tpu.memory_space<hbm>> -> memref<1024xf32, #tpu.memory_space<hbm>>
      %dma_start3A_2822 = arith.constant 0 : i32
      %dma_start3A_2823 = tpu.memref_slice %arg14[%dma_start3A_2822] : memref<1024xf32, #tpu.memory_space<vmem>> -> memref<1024xf32, #tpu.memory_space<vmem>>
      %dma_start3A_2824 = tpu.memref_slice %arg3[%add3A_1475] : memref<98304xf32, #tpu.memory_space<hbm>> -> memref<1024xf32, #tpu.memory_space<hbm>>
      tpu.enqueue_dma source(%dma_start3A_2824 : memref<1024xf32, #tpu.memory_space<hbm>>) target(%dma_start3A_2823 : memref<1024xf32, #tpu.memory_space<vmem>>) target_semaphore(%run_scoped3A : memref<!tpu.dma_semaphore, #tpu.memory_space<semaphore_mem>>)
      %dma_wait3A = arith.constant 0 : i32
      %dma_wait3A_2825 = tpu.memref_slice %arg14[%dma_wait3A] : memref<1024xf32, #tpu.memory_space<vmem>> -> memref<1024xf32, #tpu.memory_space<vmem>>
      %dma_wait3A_2826 = tpu.memref_slice %arg3[%add3A_1475] : memref<98304xf32, #tpu.memory_space<hbm>> -> memref<1024xf32, #tpu.memory_space<hbm>>
      %dma_wait3A_2827 = arith.constant 0 : i32
      %dma_wait3A_2828 = tpu.memref_slice %arg14[%dma_wait3A_2827] : memref<1024xf32, #tpu.memory_space<vmem>> -> memref<1024xf32, #tpu.memory_space<vmem>>
      %dma_wait3A_2829 = tpu.memref_slice %arg3[%add3A_1475] : memref<98304xf32, #tpu.memory_space<hbm>> -> memref<1024xf32, #tpu.memory_space<hbm>>
      tpu.wait_dma2 semaphore(%run_scoped3A : memref<!tpu.dma_semaphore, #tpu.memory_space<semaphore_mem>>) src(%dma_wait3A_2829 : memref<1024xf32, #tpu.memory_space<hbm>>) dst(%dma_wait3A_2828 : memref<1024xf32, #tpu.memory_space<vmem>>)
      tpu.yield
    }) : () -> ()
    "tpu.region"() ({
      %run_scoped3A = tpu.sem_alloc : memref<!tpu.dma_semaphore, #tpu.memory_space<semaphore_mem>>
      %dma_start3A = arith.constant 0 : i32
      %dma_start3A_2820 = tpu.memref_slice %arg11[%dma_start3A] : memref<1024xi32, #tpu.memory_space<vmem>> -> memref<1024xi32, #tpu.memory_space<vmem>>
      %dma_start3A_2821 = tpu.memref_slice %arg5[%add3A_1436] : memref<32768xi32, #tpu.memory_space<hbm>> -> memref<1024xi32, #tpu.memory_space<hbm>>
      %dma_start3A_2822 = arith.constant 0 : i32
      %dma_start3A_2823 = tpu.memref_slice %arg11[%dma_start3A_2822] : memref<1024xi32, #tpu.memory_space<vmem>> -> memref<1024xi32, #tpu.memory_space<vmem>>
      %dma_start3A_2824 = tpu.memref_slice %arg5[%add3A_1436] : memref<32768xi32, #tpu.memory_space<hbm>> -> memref<1024xi32, #tpu.memory_space<hbm>>
      tpu.enqueue_dma source(%dma_start3A_2824 : memref<1024xi32, #tpu.memory_space<hbm>>) target(%dma_start3A_2823 : memref<1024xi32, #tpu.memory_space<vmem>>) target_semaphore(%run_scoped3A : memref<!tpu.dma_semaphore, #tpu.memory_space<semaphore_mem>>)
      %dma_wait3A = arith.constant 0 : i32
      %dma_wait3A_2825 = tpu.memref_slice %arg11[%dma_wait3A] : memref<1024xi32, #tpu.memory_space<vmem>> -> memref<1024xi32, #tpu.memory_space<vmem>>
      %dma_wait3A_2826 = tpu.memref_slice %arg5[%add3A_1436] : memref<32768xi32, #tpu.memory_space<hbm>> -> memref<1024xi32, #tpu.memory_space<hbm>>
      %dma_wait3A_2827 = arith.constant 0 : i32
      %dma_wait3A_2828 = tpu.memref_slice %arg11[%dma_wait3A_2827] : memref<1024xi32, #tpu.memory_space<vmem>> -> memref<1024xi32, #tpu.memory_space<vmem>>
      %dma_wait3A_2829 = tpu.memref_slice %arg5[%add3A_1436] : memref<32768xi32, #tpu.memory_space<hbm>> -> memref<1024xi32, #tpu.memory_space<hbm>>
      tpu.wait_dma2 semaphore(%run_scoped3A : memref<!tpu.dma_semaphore, #tpu.memory_space<semaphore_mem>>) src(%dma_wait3A_2829 : memref<1024xi32, #tpu.memory_space<hbm>>) dst(%dma_wait3A_2828 : memref<1024xi32, #tpu.memory_space<vmem>>)
      tpu.yield
    }) : () -> ()
    %get3A_1476 = arith.constant 0 : index
    %get3A_1477 = tpu.vector_load %arg11[%get3A_1476] {strides = array<i32>} : memref<1024xi32, #tpu.memory_space<vmem>>, vector<16xi32>,
    %get3A_1478 = arith.constant 0 : index
    %get3A_1479 = tpu.vector_load %arg12[%get3A_1478] {strides = array<i32>} : memref<1024xf32, #tpu.memory_space<vmem>>, vector<16xf32>,
    %gather3A_1480 = tpu.vector_load_idx %arg8[%get3A_1477] : memref<8192xf32, #tpu.memory_space<vmem>>[vector<16xi32>], vector<16xf32>,
    %sub3A_1481 = arith.subf %get3A_1479, %gather3A_1480 : vector<16xf32>
    %get3A_1482 = arith.constant 0 : index
    %get3A_1483 = tpu.vector_load %arg13[%get3A_1482] {strides = array<i32>} : memref<1024xf32, #tpu.memory_space<vmem>>, vector<16xf32>,
    %gather3A_1484 = tpu.vector_load_idx %arg9[%get3A_1477] : memref<8192xf32, #tpu.memory_space<vmem>>[vector<16xi32>], vector<16xf32>,
    %sub3A_1485 = arith.subf %get3A_1483, %gather3A_1484 : vector<16xf32>
    %get3A_1486 = arith.constant 0 : index
    %get3A_1487 = tpu.vector_load %arg14[%get3A_1486] {strides = array<i32>} : memref<1024xf32, #tpu.memory_space<vmem>>, vector<16xf32>,
    %gather3A_1488 = tpu.vector_load_idx %arg10[%get3A_1477] : memref<8192xf32, #tpu.memory_space<vmem>>[vector<16xi32>], vector<16xf32>,
    %sub3A_1489 = arith.subf %get3A_1487, %gather3A_1488 : vector<16xf32>
    %mul3A_1490 = arith.mulf %sub3A_1481, %sub3A_1481 : vector<16xf32>
    %mul3A_1491 = arith.mulf %sub3A_1485, %sub3A_1485 : vector<16xf32>
    %add3A_1492 = arith.addf %mul3A_1490, %mul3A_1491 : vector<16xf32>
    %mul3A_1493 = arith.mulf %sub3A_1489, %sub3A_1489 : vector<16xf32>
    %add3A_1494 = arith.addf %add3A_1492, %mul3A_1493 : vector<16xf32>
    %swap3A_1495 = arith.constant 0 : index
    %swap3A_1496 = tpu.vector_load %arg15[%swap3A_1495] {strides = array<i32>} : memref<1024xf32, #tpu.memory_space<vmem>>, vector<16xf32>,
    tpu.vector_store %arg15[%swap3A_1495], %add3A_1494 {strides = array<i32>} : memref<1024xf32, #tpu.memory_space<vmem>>, vector<16xf32>,
    %get3A_1497 = arith.constant 16 : index
    %get3A_1498 = tpu.vector_load %arg11[%get3A_1497] {strides = array<i32>} : memref<1024xi32, #tpu.memory_space<vmem>>, vector<16xi32>,
    %get3A_1499 = arith.constant 16 : index
    %get3A_1500 = tpu.vector_load %arg12[%get3A_1499] {strides = array<i32>} : memref<1024xf32, #tpu.memory_space<vmem>>, vector<16xf32>,
    %gather3A_1501 = tpu.vector_load_idx %arg8[%get3A_1498] : memref<8192xf32, #tpu.memory_space<vmem>>[vector<16xi32>], vector<16xf32>,
    %sub3A_1502 = arith.subf %get3A_1500, %gather3A_1501 : vector<16xf32>
    %get3A_1503 = arith.constant 16 : index
    %get3A_1504 = tpu.vector_load %arg13[%get3A_1503] {strides = array<i32>} : memref<1024xf32, #tpu.memory_space<vmem>>, vector<16xf32>,
    %gather3A_1505 = tpu.vector_load_idx %arg9[%get3A_1498] : memref<8192xf32, #tpu.memory_space<vmem>>[vector<16xi32>], vector<16xf32>,
    %sub3A_1506 = arith.subf %get3A_1504, %gather3A_1505 : vector<16xf32>
    %get3A_1507 = arith.constant 16 : index
    %get3A_1508 = tpu.vector_load %arg14[%get3A_1507] {strides = array<i32>} : memref<1024xf32, #tpu.memory_space<vmem>>, vector<16xf32>,
    %gather3A_1509 = tpu.vector_load_idx %arg10[%get3A_1498] : memref<8192xf32, #tpu.memory_space<vmem>>[vector<16xi32>], vector<16xf32>,
    %sub3A_1510 = arith.subf %get3A_1508, %gather3A_1509 : vector<16xf32>
    %mul3A_1511 = arith.mulf %sub3A_1502, %sub3A_1502 : vector<16xf32>
    %mul3A_1512 = arith.mulf %sub3A_1506, %sub3A_1506 : vector<16xf32>
    %add3A_1513 = arith.addf %mul3A_1511, %mul3A_1512 : vector<16xf32>
    %mul3A_1514 = arith.mulf %sub3A_1510, %sub3A_1510 : vector<16xf32>
    %add3A_1515 = arith.addf %add3A_1513, %mul3A_1514 : vector<16xf32>
    %swap3A_1516 = arith.constant 16 : index
    %swap3A_1517 = tpu.vector_load %arg15[%swap3A_1516] {strides = array<i32>} : memref<1024xf32, #tpu.memory_space<vmem>>, vector<16xf32>,
    tpu.vector_store %arg15[%swap3A_1516], %add3A_1515 {strides = array<i32>} : memref<1024xf32, #tpu.memory_space<vmem>>, vector<16xf32>,
    %get3A_1518 = arith.constant 32 : index
    %get3A_1519 = tpu.vector_load %arg11[%get3A_1518] {strides = array<i32>} : memref<1024xi32, #tpu.memory_space<vmem>>, vector<16xi32>,
    %get3A_1520 = arith.constant 32 : index
    %get3A_1521 = tpu.vector_load %arg12[%get3A_1520] {strides = array<i32>} : memref<1024xf32, #tpu.memory_space<vmem>>, vector<16xf32>,
    %gather3A_1522 = tpu.vector_load_idx %arg8[%get3A_1519] : memref<8192xf32, #tpu.memory_space<vmem>>[vector<16xi32>], vector<16xf32>,
    %sub3A_1523 = arith.subf %get3A_1521, %gather3A_1522 : vector<16xf32>
    %get3A_1524 = arith.constant 32 : index
    %get3A_1525 = tpu.vector_load %arg13[%get3A_1524] {strides = array<i32>} : memref<1024xf32, #tpu.memory_space<vmem>>, vector<16xf32>,
    %gather3A_1526 = tpu.vector_load_idx %arg9[%get3A_1519] : memref<8192xf32, #tpu.memory_space<vmem>>[vector<16xi32>], vector<16xf32>,
    %sub3A_1527 = arith.subf %get3A_1525, %gather3A_1526 : vector<16xf32>
    %get3A_1528 = arith.constant 32 : index
    %get3A_1529 = tpu.vector_load %arg14[%get3A_1528] {strides = array<i32>} : memref<1024xf32, #tpu.memory_space<vmem>>, vector<16xf32>,
    %gather3A_1530 = tpu.vector_load_idx %arg10[%get3A_1519] : memref<8192xf32, #tpu.memory_space<vmem>>[vector<16xi32>], vector<16xf32>,
    %sub3A_1531 = arith.subf %get3A_1529, %gather3A_1530 : vector<16xf32>
    %mul3A_1532 = arith.mulf %sub3A_1523, %sub3A_1523 : vector<16xf32>
    %mul3A_1533 = arith.mulf %sub3A_1527, %sub3A_1527 : vector<16xf32>
    %add3A_1534 = arith.addf %mul3A_1532, %mul3A_1533 : vector<16xf32>
    %mul3A_1535 = arith.mulf %sub3A_1531, %sub3A_1531 : vector<16xf32>
    %add3A_1536 = arith.addf %add3A_1534, %mul3A_1535 : vector<16xf32>
    %swap3A_1537 = arith.constant 32 : index
    %swap3A_1538 = tpu.vector_load %arg15[%swap3A_1537] {strides = array<i32>} : memref<1024xf32, #tpu.memory_space<vmem>>, vector<16xf32>,
    tpu.vector_store %arg15[%swap3A_1537], %add3A_1536 {strides = array<i32>} : memref<1024xf32, #tpu.memory_space<vmem>>, vector<16xf32>,
    %get3A_1539 = arith.constant 48 : index
    %get3A_1540 = tpu.vector_load %arg11[%get3A_1539] {strides = array<i32>} : memref<1024xi32, #tpu.memory_space<vmem>>, vector<16xi32>,
    %get3A_1541 = arith.constant 48 : index
    %get3A_1542 = tpu.vector_load %arg12[%get3A_1541] {strides = array<i32>} : memref<1024xf32, #tpu.memory_space<vmem>>, vector<16xf32>,
    %gather3A_1543 = tpu.vector_load_idx %arg8[%get3A_1540] : memref<8192xf32, #tpu.memory_space<vmem>>[vector<16xi32>], vector<16xf32>,
    %sub3A_1544 = arith.subf %get3A_1542, %gather3A_1543 : vector<16xf32>
    %get3A_1545 = arith.constant 48 : index
    %get3A_1546 = tpu.vector_load %arg13[%get3A_1545] {strides = array<i32>} : memref<1024xf32, #tpu.memory_space<vmem>>, vector<16xf32>,
    %gather3A_1547 = tpu.vector_load_idx %arg9[%get3A_1540] : memref<8192xf32, #tpu.memory_space<vmem>>[vector<16xi32>], vector<16xf32>,
    %sub3A_1548 = arith.subf %get3A_1546, %gather3A_1547 : vector<16xf32>
    %get3A_1549 = arith.constant 48 : index
    %get3A_1550 = tpu.vector_load %arg14[%get3A_1549] {strides = array<i32>} : memref<1024xf32, #tpu.memory_space<vmem>>, vector<16xf32>,
    %gather3A_1551 = tpu.vector_load_idx %arg10[%get3A_1540] : memref<8192xf32, #tpu.memory_space<vmem>>[vector<16xi32>], vector<16xf32>,
    %sub3A_1552 = arith.subf %get3A_1550, %gather3A_1551 : vector<16xf32>
    %mul3A_1553 = arith.mulf %sub3A_1544, %sub3A_1544 : vector<16xf32>
    %mul3A_1554 = arith.mulf %sub3A_1548, %sub3A_1548 : vector<16xf32>
    %add3A_1555 = arith.addf %mul3A_1553, %mul3A_1554 : vector<16xf32>
    %mul3A_1556 = arith.mulf %sub3A_1552, %sub3A_1552 : vector<16xf32>
    %add3A_1557 = arith.addf %add3A_1555, %mul3A_1556 : vector<16xf32>
    %swap3A_1558 = arith.constant 48 : index
    %swap3A_1559 = tpu.vector_load %arg15[%swap3A_1558] {strides = array<i32>} : memref<1024xf32, #tpu.memory_space<vmem>>, vector<16xf32>,
    tpu.vector_store %arg15[%swap3A_1558], %add3A_1557 {strides = array<i32>} : memref<1024xf32, #tpu.memory_space<vmem>>, vector<16xf32>,
    %get3A_1560 = arith.constant 64 : index
    %get3A_1561 = tpu.vector_load %arg11[%get3A_1560] {strides = array<i32>} : memref<1024xi32, #tpu.memory_space<vmem>>, vector<16xi32>,
    %get3A_1562 = arith.constant 64 : index
    %get3A_1563 = tpu.vector_load %arg12[%get3A_1562] {strides = array<i32>} : memref<1024xf32, #tpu.memory_space<vmem>>, vector<16xf32>,
    %gather3A_1564 = tpu.vector_load_idx %arg8[%get3A_1561] : memref<8192xf32, #tpu.memory_space<vmem>>[vector<16xi32>], vector<16xf32>,
    %sub3A_1565 = arith.subf %get3A_1563, %gather3A_1564 : vector<16xf32>
    %get3A_1566 = arith.constant 64 : index
    %get3A_1567 = tpu.vector_load %arg13[%get3A_1566] {strides = array<i32>} : memref<1024xf32, #tpu.memory_space<vmem>>, vector<16xf32>,
    %gather3A_1568 = tpu.vector_load_idx %arg9[%get3A_1561] : memref<8192xf32, #tpu.memory_space<vmem>>[vector<16xi32>], vector<16xf32>,
    %sub3A_1569 = arith.subf %get3A_1567, %gather3A_1568 : vector<16xf32>
    %get3A_1570 = arith.constant 64 : index
    %get3A_1571 = tpu.vector_load %arg14[%get3A_1570] {strides = array<i32>} : memref<1024xf32, #tpu.memory_space<vmem>>, vector<16xf32>,
    %gather3A_1572 = tpu.vector_load_idx %arg10[%get3A_1561] : memref<8192xf32, #tpu.memory_space<vmem>>[vector<16xi32>], vector<16xf32>,
    %sub3A_1573 = arith.subf %get3A_1571, %gather3A_1572 : vector<16xf32>
    %mul3A_1574 = arith.mulf %sub3A_1565, %sub3A_1565 : vector<16xf32>
    %mul3A_1575 = arith.mulf %sub3A_1569, %sub3A_1569 : vector<16xf32>
    %add3A_1576 = arith.addf %mul3A_1574, %mul3A_1575 : vector<16xf32>
    %mul3A_1577 = arith.mulf %sub3A_1573, %sub3A_1573 : vector<16xf32>
    %add3A_1578 = arith.addf %add3A_1576, %mul3A_1577 : vector<16xf32>
    %swap3A_1579 = arith.constant 64 : index
    %swap3A_1580 = tpu.vector_load %arg15[%swap3A_1579] {strides = array<i32>} : memref<1024xf32, #tpu.memory_space<vmem>>, vector<16xf32>,
    tpu.vector_store %arg15[%swap3A_1579], %add3A_1578 {strides = array<i32>} : memref<1024xf32, #tpu.memory_space<vmem>>, vector<16xf32>,
    %get3A_1581 = arith.constant 80 : index
    %get3A_1582 = tpu.vector_load %arg11[%get3A_1581] {strides = array<i32>} : memref<1024xi32, #tpu.memory_space<vmem>>, vector<16xi32>,
    %get3A_1583 = arith.constant 80 : index
    %get3A_1584 = tpu.vector_load %arg12[%get3A_1583] {strides = array<i32>} : memref<1024xf32, #tpu.memory_space<vmem>>, vector<16xf32>,
    %gather3A_1585 = tpu.vector_load_idx %arg8[%get3A_1582] : memref<8192xf32, #tpu.memory_space<vmem>>[vector<16xi32>], vector<16xf32>,
    %sub3A_1586 = arith.subf %get3A_1584, %gather3A_1585 : vector<16xf32>
    %get3A_1587 = arith.constant 80 : index
    %get3A_1588 = tpu.vector_load %arg13[%get3A_1587] {strides = array<i32>} : memref<1024xf32, #tpu.memory_space<vmem>>, vector<16xf32>,
    %gather3A_1589 = tpu.vector_load_idx %arg9[%get3A_1582] : memref<8192xf32, #tpu.memory_space<vmem>>[vector<16xi32>], vector<16xf32>,
    %sub3A_1590 = arith.subf %get3A_1588, %gather3A_1589 : vector<16xf32>
    %get3A_1591 = arith.constant 80 : index
    %get3A_1592 = tpu.vector_load %arg14[%get3A_1591] {strides = array<i32>} : memref<1024xf32, #tpu.memory_space<vmem>>, vector<16xf32>,
    %gather3A_1593 = tpu.vector_load_idx %arg10[%get3A_1582] : memref<8192xf32, #tpu.memory_space<vmem>>[vector<16xi32>], vector<16xf32>,
    %sub3A_1594 = arith.subf %get3A_1592, %gather3A_1593 : vector<16xf32>
    %mul3A_1595 = arith.mulf %sub3A_1586, %sub3A_1586 : vector<16xf32>
    %mul3A_1596 = arith.mulf %sub3A_1590, %sub3A_1590 : vector<16xf32>
    %add3A_1597 = arith.addf %mul3A_1595, %mul3A_1596 : vector<16xf32>
    %mul3A_1598 = arith.mulf %sub3A_1594, %sub3A_1594 : vector<16xf32>
    %add3A_1599 = arith.addf %add3A_1597, %mul3A_1598 : vector<16xf32>
    %swap3A_1600 = arith.constant 80 : index
    %swap3A_1601 = tpu.vector_load %arg15[%swap3A_1600] {strides = array<i32>} : memref<1024xf32, #tpu.memory_space<vmem>>, vector<16xf32>,
    tpu.vector_store %arg15[%swap3A_1600], %add3A_1599 {strides = array<i32>} : memref<1024xf32, #tpu.memory_space<vmem>>, vector<16xf32>,
    %get3A_1602 = arith.constant 96 : index
    %get3A_1603 = tpu.vector_load %arg11[%get3A_1602] {strides = array<i32>} : memref<1024xi32, #tpu.memory_space<vmem>>, vector<16xi32>,
    %get3A_1604 = arith.constant 96 : index
    %get3A_1605 = tpu.vector_load %arg12[%get3A_1604] {strides = array<i32>} : memref<1024xf32, #tpu.memory_space<vmem>>, vector<16xf32>,
    %gather3A_1606 = tpu.vector_load_idx %arg8[%get3A_1603] : memref<8192xf32, #tpu.memory_space<vmem>>[vector<16xi32>], vector<16xf32>,
    %sub3A_1607 = arith.subf %get3A_1605, %gather3A_1606 : vector<16xf32>
    %get3A_1608 = arith.constant 96 : index
    %get3A_1609 = tpu.vector_load %arg13[%get3A_1608] {strides = array<i32>} : memref<1024xf32, #tpu.memory_space<vmem>>, vector<16xf32>,
    %gather3A_1610 = tpu.vector_load_idx %arg9[%get3A_1603] : memref<8192xf32, #tpu.memory_space<vmem>>[vector<16xi32>], vector<16xf32>,
    %sub3A_1611 = arith.subf %get3A_1609, %gather3A_1610 : vector<16xf32>
    %get3A_1612 = arith.constant 96 : index
    %get3A_1613 = tpu.vector_load %arg14[%get3A_1612] {strides = array<i32>} : memref<1024xf32, #tpu.memory_space<vmem>>, vector<16xf32>,
    %gather3A_1614 = tpu.vector_load_idx %arg10[%get3A_1603] : memref<8192xf32, #tpu.memory_space<vmem>>[vector<16xi32>], vector<16xf32>,
    %sub3A_1615 = arith.subf %get3A_1613, %gather3A_1614 : vector<16xf32>
    %mul3A_1616 = arith.mulf %sub3A_1607, %sub3A_1607 : vector<16xf32>
    %mul3A_1617 = arith.mulf %sub3A_1611, %sub3A_1611 : vector<16xf32>
    %add3A_1618 = arith.addf %mul3A_1616, %mul3A_1617 : vector<16xf32>
    %mul3A_1619 = arith.mulf %sub3A_1615, %sub3A_1615 : vector<16xf32>
    %add3A_1620 = arith.addf %add3A_1618, %mul3A_1619 : vector<16xf32>
    %swap3A_1621 = arith.constant 96 : index
    %swap3A_1622 = tpu.vector_load %arg15[%swap3A_1621] {strides = array<i32>} : memref<1024xf32, #tpu.memory_space<vmem>>, vector<16xf32>,
    tpu.vector_store %arg15[%swap3A_1621], %add3A_1620 {strides = array<i32>} : memref<1024xf32, #tpu.memory_space<vmem>>, vector<16xf32>,
    %get3A_1623 = arith.constant 112 : index
    %get3A_1624 = tpu.vector_load %arg11[%get3A_1623] {strides = array<i32>} : memref<1024xi32, #tpu.memory_space<vmem>>, vector<16xi32>,
    %get3A_1625 = arith.constant 112 : index
    %get3A_1626 = tpu.vector_load %arg12[%get3A_1625] {strides = array<i32>} : memref<1024xf32, #tpu.memory_space<vmem>>, vector<16xf32>,
    %gather3A_1627 = tpu.vector_load_idx %arg8[%get3A_1624] : memref<8192xf32, #tpu.memory_space<vmem>>[vector<16xi32>], vector<16xf32>,
    %sub3A_1628 = arith.subf %get3A_1626, %gather3A_1627 : vector<16xf32>
    %get3A_1629 = arith.constant 112 : index
    %get3A_1630 = tpu.vector_load %arg13[%get3A_1629] {strides = array<i32>} : memref<1024xf32, #tpu.memory_space<vmem>>, vector<16xf32>,
    %gather3A_1631 = tpu.vector_load_idx %arg9[%get3A_1624] : memref<8192xf32, #tpu.memory_space<vmem>>[vector<16xi32>], vector<16xf32>,
    %sub3A_1632 = arith.subf %get3A_1630, %gather3A_1631 : vector<16xf32>
    %get3A_1633 = arith.constant 112 : index
    %get3A_1634 = tpu.vector_load %arg14[%get3A_1633] {strides = array<i32>} : memref<1024xf32, #tpu.memory_space<vmem>>, vector<16xf32>,
    %gather3A_1635 = tpu.vector_load_idx %arg10[%get3A_1624] : memref<8192xf32, #tpu.memory_space<vmem>>[vector<16xi32>], vector<16xf32>,
    %sub3A_1636 = arith.subf %get3A_1634, %gather3A_1635 : vector<16xf32>
    %mul3A_1637 = arith.mulf %sub3A_1628, %sub3A_1628 : vector<16xf32>
    %mul3A_1638 = arith.mulf %sub3A_1632, %sub3A_1632 : vector<16xf32>
    %add3A_1639 = arith.addf %mul3A_1637, %mul3A_1638 : vector<16xf32>
    %mul3A_1640 = arith.mulf %sub3A_1636, %sub3A_1636 : vector<16xf32>
    %add3A_1641 = arith.addf %add3A_1639, %mul3A_1640 : vector<16xf32>
    %swap3A_1642 = arith.constant 112 : index
    %swap3A_1643 = tpu.vector_load %arg15[%swap3A_1642] {strides = array<i32>} : memref<1024xf32, #tpu.memory_space<vmem>>, vector<16xf32>,
    tpu.vector_store %arg15[%swap3A_1642], %add3A_1641 {strides = array<i32>} : memref<1024xf32, #tpu.memory_space<vmem>>, vector<16xf32>,
    %get3A_1644 = arith.constant 128 : index
    %get3A_1645 = tpu.vector_load %arg11[%get3A_1644] {strides = array<i32>} : memref<1024xi32, #tpu.memory_space<vmem>>, vector<16xi32>,
    %get3A_1646 = arith.constant 128 : index
    %get3A_1647 = tpu.vector_load %arg12[%get3A_1646] {strides = array<i32>} : memref<1024xf32, #tpu.memory_space<vmem>>, vector<16xf32>,
    %gather3A_1648 = tpu.vector_load_idx %arg8[%get3A_1645] : memref<8192xf32, #tpu.memory_space<vmem>>[vector<16xi32>], vector<16xf32>,
    %sub3A_1649 = arith.subf %get3A_1647, %gather3A_1648 : vector<16xf32>
    %get3A_1650 = arith.constant 128 : index
    %get3A_1651 = tpu.vector_load %arg13[%get3A_1650] {strides = array<i32>} : memref<1024xf32, #tpu.memory_space<vmem>>, vector<16xf32>,
    %gather3A_1652 = tpu.vector_load_idx %arg9[%get3A_1645] : memref<8192xf32, #tpu.memory_space<vmem>>[vector<16xi32>], vector<16xf32>,
    %sub3A_1653 = arith.subf %get3A_1651, %gather3A_1652 : vector<16xf32>
    %get3A_1654 = arith.constant 128 : index
    %get3A_1655 = tpu.vector_load %arg14[%get3A_1654] {strides = array<i32>} : memref<1024xf32, #tpu.memory_space<vmem>>, vector<16xf32>,
    %gather3A_1656 = tpu.vector_load_idx %arg10[%get3A_1645] : memref<8192xf32, #tpu.memory_space<vmem>>[vector<16xi32>], vector<16xf32>,
    %sub3A_1657 = arith.subf %get3A_1655, %gather3A_1656 : vector<16xf32>
    %mul3A_1658 = arith.mulf %sub3A_1649, %sub3A_1649 : vector<16xf32>
    %mul3A_1659 = arith.mulf %sub3A_1653, %sub3A_1653 : vector<16xf32>
    %add3A_1660 = arith.addf %mul3A_1658, %mul3A_1659 : vector<16xf32>
    %mul3A_1661 = arith.mulf %sub3A_1657, %sub3A_1657 : vector<16xf32>
    %add3A_1662 = arith.addf %add3A_1660, %mul3A_1661 : vector<16xf32>
    %swap3A_1663 = arith.constant 128 : index
    %swap3A_1664 = tpu.vector_load %arg15[%swap3A_1663] {strides = array<i32>} : memref<1024xf32, #tpu.memory_space<vmem>>, vector<16xf32>,
    tpu.vector_store %arg15[%swap3A_1663], %add3A_1662 {strides = array<i32>} : memref<1024xf32, #tpu.memory_space<vmem>>, vector<16xf32>,
    %get3A_1665 = arith.constant 144 : index
    %get3A_1666 = tpu.vector_load %arg11[%get3A_1665] {strides = array<i32>} : memref<1024xi32, #tpu.memory_space<vmem>>, vector<16xi32>,
    %get3A_1667 = arith.constant 144 : index
    %get3A_1668 = tpu.vector_load %arg12[%get3A_1667] {strides = array<i32>} : memref<1024xf32, #tpu.memory_space<vmem>>, vector<16xf32>,
    %gather3A_1669 = tpu.vector_load_idx %arg8[%get3A_1666] : memref<8192xf32, #tpu.memory_space<vmem>>[vector<16xi32>], vector<16xf32>,
    %sub3A_1670 = arith.subf %get3A_1668, %gather3A_1669 : vector<16xf32>
    %get3A_1671 = arith.constant 144 : index
    %get3A_1672 = tpu.vector_load %arg13[%get3A_1671] {strides = array<i32>} : memref<1024xf32, #tpu.memory_space<vmem>>, vector<16xf32>,
    %gather3A_1673 = tpu.vector_load_idx %arg9[%get3A_1666] : memref<8192xf32, #tpu.memory_space<vmem>>[vector<16xi32>], vector<16xf32>,
    %sub3A_1674 = arith.subf %get3A_1672, %gather3A_1673 : vector<16xf32>
    %get3A_1675 = arith.constant 144 : index
    %get3A_1676 = tpu.vector_load %arg14[%get3A_1675] {strides = array<i32>} : memref<1024xf32, #tpu.memory_space<vmem>>, vector<16xf32>,
    %gather3A_1677 = tpu.vector_load_idx %arg10[%get3A_1666] : memref<8192xf32, #tpu.memory_space<vmem>>[vector<16xi32>], vector<16xf32>,
    %sub3A_1678 = arith.subf %get3A_1676, %gather3A_1677 : vector<16xf32>
    %mul3A_1679 = arith.mulf %sub3A_1670, %sub3A_1670 : vector<16xf32>
    %mul3A_1680 = arith.mulf %sub3A_1674, %sub3A_1674 : vector<16xf32>
    %add3A_1681 = arith.addf %mul3A_1679, %mul3A_1680 : vector<16xf32>
    %mul3A_1682 = arith.mulf %sub3A_1678, %sub3A_1678 : vector<16xf32>
    %add3A_1683 = arith.addf %add3A_1681, %mul3A_1682 : vector<16xf32>
    %swap3A_1684 = arith.constant 144 : index
    %swap3A_1685 = tpu.vector_load %arg15[%swap3A_1684] {strides = array<i32>} : memref<1024xf32, #tpu.memory_space<vmem>>, vector<16xf32>,
    tpu.vector_store %arg15[%swap3A_1684], %add3A_1683 {strides = array<i32>} : memref<1024xf32, #tpu.memory_space<vmem>>, vector<16xf32>,
    %get3A_1686 = arith.constant 160 : index
    %get3A_1687 = tpu.vector_load %arg11[%get3A_1686] {strides = array<i32>} : memref<1024xi32, #tpu.memory_space<vmem>>, vector<16xi32>,
    %get3A_1688 = arith.constant 160 : index
    %get3A_1689 = tpu.vector_load %arg12[%get3A_1688] {strides = array<i32>} : memref<1024xf32, #tpu.memory_space<vmem>>, vector<16xf32>,
    %gather3A_1690 = tpu.vector_load_idx %arg8[%get3A_1687] : memref<8192xf32, #tpu.memory_space<vmem>>[vector<16xi32>], vector<16xf32>,
    %sub3A_1691 = arith.subf %get3A_1689, %gather3A_1690 : vector<16xf32>
    %get3A_1692 = arith.constant 160 : index
    %get3A_1693 = tpu.vector_load %arg13[%get3A_1692] {strides = array<i32>} : memref<1024xf32, #tpu.memory_space<vmem>>, vector<16xf32>,
    %gather3A_1694 = tpu.vector_load_idx %arg9[%get3A_1687] : memref<8192xf32, #tpu.memory_space<vmem>>[vector<16xi32>], vector<16xf32>,
    %sub3A_1695 = arith.subf %get3A_1693, %gather3A_1694 : vector<16xf32>
    %get3A_1696 = arith.constant 160 : index
    %get3A_1697 = tpu.vector_load %arg14[%get3A_1696] {strides = array<i32>} : memref<1024xf32, #tpu.memory_space<vmem>>, vector<16xf32>,
    %gather3A_1698 = tpu.vector_load_idx %arg10[%get3A_1687] : memref<8192xf32, #tpu.memory_space<vmem>>[vector<16xi32>], vector<16xf32>,
    %sub3A_1699 = arith.subf %get3A_1697, %gather3A_1698 : vector<16xf32>
    %mul3A_1700 = arith.mulf %sub3A_1691, %sub3A_1691 : vector<16xf32>
    %mul3A_1701 = arith.mulf %sub3A_1695, %sub3A_1695 : vector<16xf32>
    %add3A_1702 = arith.addf %mul3A_1700, %mul3A_1701 : vector<16xf32>
    %mul3A_1703 = arith.mulf %sub3A_1699, %sub3A_1699 : vector<16xf32>
    %add3A_1704 = arith.addf %add3A_1702, %mul3A_1703 : vector<16xf32>
    %swap3A_1705 = arith.constant 160 : index
    %swap3A_1706 = tpu.vector_load %arg15[%swap3A_1705] {strides = array<i32>} : memref<1024xf32, #tpu.memory_space<vmem>>, vector<16xf32>,
    tpu.vector_store %arg15[%swap3A_1705], %add3A_1704 {strides = array<i32>} : memref<1024xf32, #tpu.memory_space<vmem>>, vector<16xf32>,
    %get3A_1707 = arith.constant 176 : index
    %get3A_1708 = tpu.vector_load %arg11[%get3A_1707] {strides = array<i32>} : memref<1024xi32, #tpu.memory_space<vmem>>, vector<16xi32>,
    %get3A_1709 = arith.constant 176 : index
    %get3A_1710 = tpu.vector_load %arg12[%get3A_1709] {strides = array<i32>} : memref<1024xf32, #tpu.memory_space<vmem>>, vector<16xf32>,
    %gather3A_1711 = tpu.vector_load_idx %arg8[%get3A_1708] : memref<8192xf32, #tpu.memory_space<vmem>>[vector<16xi32>], vector<16xf32>,
    %sub3A_1712 = arith.subf %get3A_1710, %gather3A_1711 : vector<16xf32>
    %get3A_1713 = arith.constant 176 : index
    %get3A_1714 = tpu.vector_load %arg13[%get3A_1713] {strides = array<i32>} : memref<1024xf32, #tpu.memory_space<vmem>>, vector<16xf32>,
    %gather3A_1715 = tpu.vector_load_idx %arg9[%get3A_1708] : memref<8192xf32, #tpu.memory_space<vmem>>[vector<16xi32>], vector<16xf32>,
    %sub3A_1716 = arith.subf %get3A_1714, %gather3A_1715 : vector<16xf32>
    %get3A_1717 = arith.constant 176 : index
    %get3A_1718 = tpu.vector_load %arg14[%get3A_1717] {strides = array<i32>} : memref<1024xf32, #tpu.memory_space<vmem>>, vector<16xf32>,
    %gather3A_1719 = tpu.vector_load_idx %arg10[%get3A_1708] : memref<8192xf32, #tpu.memory_space<vmem>>[vector<16xi32>], vector<16xf32>,
    %sub3A_1720 = arith.subf %get3A_1718, %gather3A_1719 : vector<16xf32>
    %mul3A_1721 = arith.mulf %sub3A_1712, %sub3A_1712 : vector<16xf32>
    %mul3A_1722 = arith.mulf %sub3A_1716, %sub3A_1716 : vector<16xf32>
    %add3A_1723 = arith.addf %mul3A_1721, %mul3A_1722 : vector<16xf32>
    %mul3A_1724 = arith.mulf %sub3A_1720, %sub3A_1720 : vector<16xf32>
    %add3A_1725 = arith.addf %add3A_1723, %mul3A_1724 : vector<16xf32>
    %swap3A_1726 = arith.constant 176 : index
    %swap3A_1727 = tpu.vector_load %arg15[%swap3A_1726] {strides = array<i32>} : memref<1024xf32, #tpu.memory_space<vmem>>, vector<16xf32>,
    tpu.vector_store %arg15[%swap3A_1726], %add3A_1725 {strides = array<i32>} : memref<1024xf32, #tpu.memory_space<vmem>>, vector<16xf32>,
    %get3A_1728 = arith.constant 192 : index
    %get3A_1729 = tpu.vector_load %arg11[%get3A_1728] {strides = array<i32>} : memref<1024xi32, #tpu.memory_space<vmem>>, vector<16xi32>,
    %get3A_1730 = arith.constant 192 : index
    %get3A_1731 = tpu.vector_load %arg12[%get3A_1730] {strides = array<i32>} : memref<1024xf32, #tpu.memory_space<vmem>>, vector<16xf32>,
    %gather3A_1732 = tpu.vector_load_idx %arg8[%get3A_1729] : memref<8192xf32, #tpu.memory_space<vmem>>[vector<16xi32>], vector<16xf32>,
    %sub3A_1733 = arith.subf %get3A_1731, %gather3A_1732 : vector<16xf32>
    %get3A_1734 = arith.constant 192 : index
    %get3A_1735 = tpu.vector_load %arg13[%get3A_1734] {strides = array<i32>} : memref<1024xf32, #tpu.memory_space<vmem>>, vector<16xf32>,
    %gather3A_1736 = tpu.vector_load_idx %arg9[%get3A_1729] : memref<8192xf32, #tpu.memory_space<vmem>>[vector<16xi32>], vector<16xf32>,
    %sub3A_1737 = arith.subf %get3A_1735, %gather3A_1736 : vector<16xf32>
    %get3A_1738 = arith.constant 192 : index
    %get3A_1739 = tpu.vector_load %arg14[%get3A_1738] {strides = array<i32>} : memref<1024xf32, #tpu.memory_space<vmem>>, vector<16xf32>,
    %gather3A_1740 = tpu.vector_load_idx %arg10[%get3A_1729] : memref<8192xf32, #tpu.memory_space<vmem>>[vector<16xi32>], vector<16xf32>,
    %sub3A_1741 = arith.subf %get3A_1739, %gather3A_1740 : vector<16xf32>
    %mul3A_1742 = arith.mulf %sub3A_1733, %sub3A_1733 : vector<16xf32>
    %mul3A_1743 = arith.mulf %sub3A_1737, %sub3A_1737 : vector<16xf32>
    %add3A_1744 = arith.addf %mul3A_1742, %mul3A_1743 : vector<16xf32>
    %mul3A_1745 = arith.mulf %sub3A_1741, %sub3A_1741 : vector<16xf32>
    %add3A_1746 = arith.addf %add3A_1744, %mul3A_1745 : vector<16xf32>
    %swap3A_1747 = arith.constant 192 : index
    %swap3A_1748 = tpu.vector_load %arg15[%swap3A_1747] {strides = array<i32>} : memref<1024xf32, #tpu.memory_space<vmem>>, vector<16xf32>,
    tpu.vector_store %arg15[%swap3A_1747], %add3A_1746 {strides = array<i32>} : memref<1024xf32, #tpu.memory_space<vmem>>, vector<16xf32>,
    %get3A_1749 = arith.constant 208 : index
    %get3A_1750 = tpu.vector_load %arg11[%get3A_1749] {strides = array<i32>} : memref<1024xi32, #tpu.memory_space<vmem>>, vector<16xi32>,
    %get3A_1751 = arith.constant 208 : index
    %get3A_1752 = tpu.vector_load %arg12[%get3A_1751] {strides = array<i32>} : memref<1024xf32, #tpu.memory_space<vmem>>, vector<16xf32>,
    %gather3A_1753 = tpu.vector_load_idx %arg8[%get3A_1750] : memref<8192xf32, #tpu.memory_space<vmem>>[vector<16xi32>], vector<16xf32>,
    %sub3A_1754 = arith.subf %get3A_1752, %gather3A_1753 : vector<16xf32>
    %get3A_1755 = arith.constant 208 : index
    %get3A_1756 = tpu.vector_load %arg13[%get3A_1755] {strides = array<i32>} : memref<1024xf32, #tpu.memory_space<vmem>>, vector<16xf32>,
    %gather3A_1757 = tpu.vector_load_idx %arg9[%get3A_1750] : memref<8192xf32, #tpu.memory_space<vmem>>[vector<16xi32>], vector<16xf32>,
    %sub3A_1758 = arith.subf %get3A_1756, %gather3A_1757 : vector<16xf32>
    %get3A_1759 = arith.constant 208 : index
    %get3A_1760 = tpu.vector_load %arg14[%get3A_1759] {strides = array<i32>} : memref<1024xf32, #tpu.memory_space<vmem>>, vector<16xf32>,
    %gather3A_1761 = tpu.vector_load_idx %arg10[%get3A_1750] : memref<8192xf32, #tpu.memory_space<vmem>>[vector<16xi32>], vector<16xf32>,
    %sub3A_1762 = arith.subf %get3A_1760, %gather3A_1761 : vector<16xf32>
    %mul3A_1763 = arith.mulf %sub3A_1754, %sub3A_1754 : vector<16xf32>
    %mul3A_1764 = arith.mulf %sub3A_1758, %sub3A_1758 : vector<16xf32>
    %add3A_1765 = arith.addf %mul3A_1763, %mul3A_1764 : vector<16xf32>
    %mul3A_1766 = arith.mulf %sub3A_1762, %sub3A_1762 : vector<16xf32>
    %add3A_1767 = arith.addf %add3A_1765, %mul3A_1766 : vector<16xf32>
    %swap3A_1768 = arith.constant 208 : index
    %swap3A_1769 = tpu.vector_load %arg15[%swap3A_1768] {strides = array<i32>} : memref<1024xf32, #tpu.memory_space<vmem>>, vector<16xf32>,
    tpu.vector_store %arg15[%swap3A_1768], %add3A_1767 {strides = array<i32>} : memref<1024xf32, #tpu.memory_space<vmem>>, vector<16xf32>,
    %get3A_1770 = arith.constant 224 : index
    %get3A_1771 = tpu.vector_load %arg11[%get3A_1770] {strides = array<i32>} : memref<1024xi32, #tpu.memory_space<vmem>>, vector<16xi32>,
    %get3A_1772 = arith.constant 224 : index
    %get3A_1773 = tpu.vector_load %arg12[%get3A_1772] {strides = array<i32>} : memref<1024xf32, #tpu.memory_space<vmem>>, vector<16xf32>,
    %gather3A_1774 = tpu.vector_load_idx %arg8[%get3A_1771] : memref<8192xf32, #tpu.memory_space<vmem>>[vector<16xi32>], vector<16xf32>,
    %sub3A_1775 = arith.subf %get3A_1773, %gather3A_1774 : vector<16xf32>
    %get3A_1776 = arith.constant 224 : index
    %get3A_1777 = tpu.vector_load %arg13[%get3A_1776] {strides = array<i32>} : memref<1024xf32, #tpu.memory_space<vmem>>, vector<16xf32>,
    %gather3A_1778 = tpu.vector_load_idx %arg9[%get3A_1771] : memref<8192xf32, #tpu.memory_space<vmem>>[vector<16xi32>], vector<16xf32>,
    %sub3A_1779 = arith.subf %get3A_1777, %gather3A_1778 : vector<16xf32>
    %get3A_1780 = arith.constant 224 : index
    %get3A_1781 = tpu.vector_load %arg14[%get3A_1780] {strides = array<i32>} : memref<1024xf32, #tpu.memory_space<vmem>>, vector<16xf32>,
    %gather3A_1782 = tpu.vector_load_idx %arg10[%get3A_1771] : memref<8192xf32, #tpu.memory_space<vmem>>[vector<16xi32>], vector<16xf32>,
    %sub3A_1783 = arith.subf %get3A_1781, %gather3A_1782 : vector<16xf32>
    %mul3A_1784 = arith.mulf %sub3A_1775, %sub3A_1775 : vector<16xf32>
    %mul3A_1785 = arith.mulf %sub3A_1779, %sub3A_1779 : vector<16xf32>
    %add3A_1786 = arith.addf %mul3A_1784, %mul3A_1785 : vector<16xf32>
    %mul3A_1787 = arith.mulf %sub3A_1783, %sub3A_1783 : vector<16xf32>
    %add3A_1788 = arith.addf %add3A_1786, %mul3A_1787 : vector<16xf32>
    %swap3A_1789 = arith.constant 224 : index
    %swap3A_1790 = tpu.vector_load %arg15[%swap3A_1789] {strides = array<i32>} : memref<1024xf32, #tpu.memory_space<vmem>>, vector<16xf32>,
    tpu.vector_store %arg15[%swap3A_1789], %add3A_1788 {strides = array<i32>} : memref<1024xf32, #tpu.memory_space<vmem>>, vector<16xf32>,
    %get3A_1791 = arith.constant 240 : index
    %get3A_1792 = tpu.vector_load %arg11[%get3A_1791] {strides = array<i32>} : memref<1024xi32, #tpu.memory_space<vmem>>, vector<16xi32>,
    %get3A_1793 = arith.constant 240 : index
    %get3A_1794 = tpu.vector_load %arg12[%get3A_1793] {strides = array<i32>} : memref<1024xf32, #tpu.memory_space<vmem>>, vector<16xf32>,
    %gather3A_1795 = tpu.vector_load_idx %arg8[%get3A_1792] : memref<8192xf32, #tpu.memory_space<vmem>>[vector<16xi32>], vector<16xf32>,
    %sub3A_1796 = arith.subf %get3A_1794, %gather3A_1795 : vector<16xf32>
    %get3A_1797 = arith.constant 240 : index
    %get3A_1798 = tpu.vector_load %arg13[%get3A_1797] {strides = array<i32>} : memref<1024xf32, #tpu.memory_space<vmem>>, vector<16xf32>,
    %gather3A_1799 = tpu.vector_load_idx %arg9[%get3A_1792] : memref<8192xf32, #tpu.memory_space<vmem>>[vector<16xi32>], vector<16xf32>,
    %sub3A_1800 = arith.subf %get3A_1798, %gather3A_1799 : vector<16xf32>
    %get3A_1801 = arith.constant 240 : index
    %get3A_1802 = tpu.vector_load %arg14[%get3A_1801] {strides = array<i32>} : memref<1024xf32, #tpu.memory_space<vmem>>, vector<16xf32>,
    %gather3A_1803 = tpu.vector_load_idx %arg10[%get3A_1792] : memref<8192xf32, #tpu.memory_space<vmem>>[vector<16xi32>], vector<16xf32>,
    %sub3A_1804 = arith.subf %get3A_1802, %gather3A_1803 : vector<16xf32>
    %mul3A_1805 = arith.mulf %sub3A_1796, %sub3A_1796 : vector<16xf32>
    %mul3A_1806 = arith.mulf %sub3A_1800, %sub3A_1800 : vector<16xf32>
    %add3A_1807 = arith.addf %mul3A_1805, %mul3A_1806 : vector<16xf32>
    %mul3A_1808 = arith.mulf %sub3A_1804, %sub3A_1804 : vector<16xf32>
    %add3A_1809 = arith.addf %add3A_1807, %mul3A_1808 : vector<16xf32>
    %swap3A_1810 = arith.constant 240 : index
    %swap3A_1811 = tpu.vector_load %arg15[%swap3A_1810] {strides = array<i32>} : memref<1024xf32, #tpu.memory_space<vmem>>, vector<16xf32>,
    tpu.vector_store %arg15[%swap3A_1810], %add3A_1809 {strides = array<i32>} : memref<1024xf32, #tpu.memory_space<vmem>>, vector<16xf32>,
    %get3A_1812 = arith.constant 256 : index
    %get3A_1813 = tpu.vector_load %arg11[%get3A_1812] {strides = array<i32>} : memref<1024xi32, #tpu.memory_space<vmem>>, vector<16xi32>,
    %get3A_1814 = arith.constant 256 : index
    %get3A_1815 = tpu.vector_load %arg12[%get3A_1814] {strides = array<i32>} : memref<1024xf32, #tpu.memory_space<vmem>>, vector<16xf32>,
    %gather3A_1816 = tpu.vector_load_idx %arg8[%get3A_1813] : memref<8192xf32, #tpu.memory_space<vmem>>[vector<16xi32>], vector<16xf32>,
    %sub3A_1817 = arith.subf %get3A_1815, %gather3A_1816 : vector<16xf32>
    %get3A_1818 = arith.constant 256 : index
    %get3A_1819 = tpu.vector_load %arg13[%get3A_1818] {strides = array<i32>} : memref<1024xf32, #tpu.memory_space<vmem>>, vector<16xf32>,
    %gather3A_1820 = tpu.vector_load_idx %arg9[%get3A_1813] : memref<8192xf32, #tpu.memory_space<vmem>>[vector<16xi32>], vector<16xf32>,
    %sub3A_1821 = arith.subf %get3A_1819, %gather3A_1820 : vector<16xf32>
    %get3A_1822 = arith.constant 256 : index
    %get3A_1823 = tpu.vector_load %arg14[%get3A_1822] {strides = array<i32>} : memref<1024xf32, #tpu.memory_space<vmem>>, vector<16xf32>,
    %gather3A_1824 = tpu.vector_load_idx %arg10[%get3A_1813] : memref<8192xf32, #tpu.memory_space<vmem>>[vector<16xi32>], vector<16xf32>,
    %sub3A_1825 = arith.subf %get3A_1823, %gather3A_1824 : vector<16xf32>
    %mul3A_1826 = arith.mulf %sub3A_1817, %sub3A_1817 : vector<16xf32>
    %mul3A_1827 = arith.mulf %sub3A_1821, %sub3A_1821 : vector<16xf32>
    %add3A_1828 = arith.addf %mul3A_1826, %mul3A_1827 : vector<16xf32>
    %mul3A_1829 = arith.mulf %sub3A_1825, %sub3A_1825 : vector<16xf32>
    %add3A_1830 = arith.addf %add3A_1828, %mul3A_1829 : vector<16xf32>
    %swap3A_1831 = arith.constant 256 : index
    %swap3A_1832 = tpu.vector_load %arg15[%swap3A_1831] {strides = array<i32>} : memref<1024xf32, #tpu.memory_space<vmem>>, vector<16xf32>,
    tpu.vector_store %arg15[%swap3A_1831], %add3A_1830 {strides = array<i32>} : memref<1024xf32, #tpu.memory_space<vmem>>, vector<16xf32>,
    %get3A_1833 = arith.constant 272 : index
    %get3A_1834 = tpu.vector_load %arg11[%get3A_1833] {strides = array<i32>} : memref<1024xi32, #tpu.memory_space<vmem>>, vector<16xi32>,
    %get3A_1835 = arith.constant 272 : index
    %get3A_1836 = tpu.vector_load %arg12[%get3A_1835] {strides = array<i32>} : memref<1024xf32, #tpu.memory_space<vmem>>, vector<16xf32>,
    %gather3A_1837 = tpu.vector_load_idx %arg8[%get3A_1834] : memref<8192xf32, #tpu.memory_space<vmem>>[vector<16xi32>], vector<16xf32>,
    %sub3A_1838 = arith.subf %get3A_1836, %gather3A_1837 : vector<16xf32>
    %get3A_1839 = arith.constant 272 : index
    %get3A_1840 = tpu.vector_load %arg13[%get3A_1839] {strides = array<i32>} : memref<1024xf32, #tpu.memory_space<vmem>>, vector<16xf32>,
    %gather3A_1841 = tpu.vector_load_idx %arg9[%get3A_1834] : memref<8192xf32, #tpu.memory_space<vmem>>[vector<16xi32>], vector<16xf32>,
    %sub3A_1842 = arith.subf %get3A_1840, %gather3A_1841 : vector<16xf32>
    %get3A_1843 = arith.constant 272 : index
    %get3A_1844 = tpu.vector_load %arg14[%get3A_1843] {strides = array<i32>} : memref<1024xf32, #tpu.memory_space<vmem>>, vector<16xf32>,
    %gather3A_1845 = tpu.vector_load_idx %arg10[%get3A_1834] : memref<8192xf32, #tpu.memory_space<vmem>>[vector<16xi32>], vector<16xf32>,
    %sub3A_1846 = arith.subf %get3A_1844, %gather3A_1845 : vector<16xf32>
    %mul3A_1847 = arith.mulf %sub3A_1838, %sub3A_1838 : vector<16xf32>
    %mul3A_1848 = arith.mulf %sub3A_1842, %sub3A_1842 : vector<16xf32>
    %add3A_1849 = arith.addf %mul3A_1847, %mul3A_1848 : vector<16xf32>
    %mul3A_1850 = arith.mulf %sub3A_1846, %sub3A_1846 : vector<16xf32>
    %add3A_1851 = arith.addf %add3A_1849, %mul3A_1850 : vector<16xf32>
    %swap3A_1852 = arith.constant 272 : index
    %swap3A_1853 = tpu.vector_load %arg15[%swap3A_1852] {strides = array<i32>} : memref<1024xf32, #tpu.memory_space<vmem>>, vector<16xf32>,
    tpu.vector_store %arg15[%swap3A_1852], %add3A_1851 {strides = array<i32>} : memref<1024xf32, #tpu.memory_space<vmem>>, vector<16xf32>,
    %get3A_1854 = arith.constant 288 : index
    %get3A_1855 = tpu.vector_load %arg11[%get3A_1854] {strides = array<i32>} : memref<1024xi32, #tpu.memory_space<vmem>>, vector<16xi32>,
    %get3A_1856 = arith.constant 288 : index
    %get3A_1857 = tpu.vector_load %arg12[%get3A_1856] {strides = array<i32>} : memref<1024xf32, #tpu.memory_space<vmem>>, vector<16xf32>,
    %gather3A_1858 = tpu.vector_load_idx %arg8[%get3A_1855] : memref<8192xf32, #tpu.memory_space<vmem>>[vector<16xi32>], vector<16xf32>,
    %sub3A_1859 = arith.subf %get3A_1857, %gather3A_1858 : vector<16xf32>
    %get3A_1860 = arith.constant 288 : index
    %get3A_1861 = tpu.vector_load %arg13[%get3A_1860] {strides = array<i32>} : memref<1024xf32, #tpu.memory_space<vmem>>, vector<16xf32>,
    %gather3A_1862 = tpu.vector_load_idx %arg9[%get3A_1855] : memref<8192xf32, #tpu.memory_space<vmem>>[vector<16xi32>], vector<16xf32>,
    %sub3A_1863 = arith.subf %get3A_1861, %gather3A_1862 : vector<16xf32>
    %get3A_1864 = arith.constant 288 : index
    %get3A_1865 = tpu.vector_load %arg14[%get3A_1864] {strides = array<i32>} : memref<1024xf32, #tpu.memory_space<vmem>>, vector<16xf32>,
    %gather3A_1866 = tpu.vector_load_idx %arg10[%get3A_1855] : memref<8192xf32, #tpu.memory_space<vmem>>[vector<16xi32>], vector<16xf32>,
    %sub3A_1867 = arith.subf %get3A_1865, %gather3A_1866 : vector<16xf32>
    %mul3A_1868 = arith.mulf %sub3A_1859, %sub3A_1859 : vector<16xf32>
    %mul3A_1869 = arith.mulf %sub3A_1863, %sub3A_1863 : vector<16xf32>
    %add3A_1870 = arith.addf %mul3A_1868, %mul3A_1869 : vector<16xf32>
    %mul3A_1871 = arith.mulf %sub3A_1867, %sub3A_1867 : vector<16xf32>
    %add3A_1872 = arith.addf %add3A_1870, %mul3A_1871 : vector<16xf32>
    %swap3A_1873 = arith.constant 288 : index
    %swap3A_1874 = tpu.vector_load %arg15[%swap3A_1873] {strides = array<i32>} : memref<1024xf32, #tpu.memory_space<vmem>>, vector<16xf32>,
    tpu.vector_store %arg15[%swap3A_1873], %add3A_1872 {strides = array<i32>} : memref<1024xf32, #tpu.memory_space<vmem>>, vector<16xf32>,
    %get3A_1875 = arith.constant 304 : index
    %get3A_1876 = tpu.vector_load %arg11[%get3A_1875] {strides = array<i32>} : memref<1024xi32, #tpu.memory_space<vmem>>, vector<16xi32>,
    %get3A_1877 = arith.constant 304 : index
    %get3A_1878 = tpu.vector_load %arg12[%get3A_1877] {strides = array<i32>} : memref<1024xf32, #tpu.memory_space<vmem>>, vector<16xf32>,
    %gather3A_1879 = tpu.vector_load_idx %arg8[%get3A_1876] : memref<8192xf32, #tpu.memory_space<vmem>>[vector<16xi32>], vector<16xf32>,
    %sub3A_1880 = arith.subf %get3A_1878, %gather3A_1879 : vector<16xf32>
    %get3A_1881 = arith.constant 304 : index
    %get3A_1882 = tpu.vector_load %arg13[%get3A_1881] {strides = array<i32>} : memref<1024xf32, #tpu.memory_space<vmem>>, vector<16xf32>,
    %gather3A_1883 = tpu.vector_load_idx %arg9[%get3A_1876] : memref<8192xf32, #tpu.memory_space<vmem>>[vector<16xi32>], vector<16xf32>,
    %sub3A_1884 = arith.subf %get3A_1882, %gather3A_1883 : vector<16xf32>
    %get3A_1885 = arith.constant 304 : index
    %get3A_1886 = tpu.vector_load %arg14[%get3A_1885] {strides = array<i32>} : memref<1024xf32, #tpu.memory_space<vmem>>, vector<16xf32>,
    %gather3A_1887 = tpu.vector_load_idx %arg10[%get3A_1876] : memref<8192xf32, #tpu.memory_space<vmem>>[vector<16xi32>], vector<16xf32>,
    %sub3A_1888 = arith.subf %get3A_1886, %gather3A_1887 : vector<16xf32>
    %mul3A_1889 = arith.mulf %sub3A_1880, %sub3A_1880 : vector<16xf32>
    %mul3A_1890 = arith.mulf %sub3A_1884, %sub3A_1884 : vector<16xf32>
    %add3A_1891 = arith.addf %mul3A_1889, %mul3A_1890 : vector<16xf32>
    %mul3A_1892 = arith.mulf %sub3A_1888, %sub3A_1888 : vector<16xf32>
    %add3A_1893 = arith.addf %add3A_1891, %mul3A_1892 : vector<16xf32>
    %swap3A_1894 = arith.constant 304 : index
    %swap3A_1895 = tpu.vector_load %arg15[%swap3A_1894] {strides = array<i32>} : memref<1024xf32, #tpu.memory_space<vmem>>, vector<16xf32>,
    tpu.vector_store %arg15[%swap3A_1894], %add3A_1893 {strides = array<i32>} : memref<1024xf32, #tpu.memory_space<vmem>>, vector<16xf32>,
    %get3A_1896 = arith.constant 320 : index
    %get3A_1897 = tpu.vector_load %arg11[%get3A_1896] {strides = array<i32>} : memref<1024xi32, #tpu.memory_space<vmem>>, vector<16xi32>,
    %get3A_1898 = arith.constant 320 : index
    %get3A_1899 = tpu.vector_load %arg12[%get3A_1898] {strides = array<i32>} : memref<1024xf32, #tpu.memory_space<vmem>>, vector<16xf32>,
    %gather3A_1900 = tpu.vector_load_idx %arg8[%get3A_1897] : memref<8192xf32, #tpu.memory_space<vmem>>[vector<16xi32>], vector<16xf32>,
    %sub3A_1901 = arith.subf %get3A_1899, %gather3A_1900 : vector<16xf32>
    %get3A_1902 = arith.constant 320 : index
    %get3A_1903 = tpu.vector_load %arg13[%get3A_1902] {strides = array<i32>} : memref<1024xf32, #tpu.memory_space<vmem>>, vector<16xf32>,
    %gather3A_1904 = tpu.vector_load_idx %arg9[%get3A_1897] : memref<8192xf32, #tpu.memory_space<vmem>>[vector<16xi32>], vector<16xf32>,
    %sub3A_1905 = arith.subf %get3A_1903, %gather3A_1904 : vector<16xf32>
    %get3A_1906 = arith.constant 320 : index
    %get3A_1907 = tpu.vector_load %arg14[%get3A_1906] {strides = array<i32>} : memref<1024xf32, #tpu.memory_space<vmem>>, vector<16xf32>,
    %gather3A_1908 = tpu.vector_load_idx %arg10[%get3A_1897] : memref<8192xf32, #tpu.memory_space<vmem>>[vector<16xi32>], vector<16xf32>,
    %sub3A_1909 = arith.subf %get3A_1907, %gather3A_1908 : vector<16xf32>
    %mul3A_1910 = arith.mulf %sub3A_1901, %sub3A_1901 : vector<16xf32>
    %mul3A_1911 = arith.mulf %sub3A_1905, %sub3A_1905 : vector<16xf32>
    %add3A_1912 = arith.addf %mul3A_1910, %mul3A_1911 : vector<16xf32>
    %mul3A_1913 = arith.mulf %sub3A_1909, %sub3A_1909 : vector<16xf32>
    %add3A_1914 = arith.addf %add3A_1912, %mul3A_1913 : vector<16xf32>
    %swap3A_1915 = arith.constant 320 : index
    %swap3A_1916 = tpu.vector_load %arg15[%swap3A_1915] {strides = array<i32>} : memref<1024xf32, #tpu.memory_space<vmem>>, vector<16xf32>,
    tpu.vector_store %arg15[%swap3A_1915], %add3A_1914 {strides = array<i32>} : memref<1024xf32, #tpu.memory_space<vmem>>, vector<16xf32>,
    %get3A_1917 = arith.constant 336 : index
    %get3A_1918 = tpu.vector_load %arg11[%get3A_1917] {strides = array<i32>} : memref<1024xi32, #tpu.memory_space<vmem>>, vector<16xi32>,
    %get3A_1919 = arith.constant 336 : index
    %get3A_1920 = tpu.vector_load %arg12[%get3A_1919] {strides = array<i32>} : memref<1024xf32, #tpu.memory_space<vmem>>, vector<16xf32>,
    %gather3A_1921 = tpu.vector_load_idx %arg8[%get3A_1918] : memref<8192xf32, #tpu.memory_space<vmem>>[vector<16xi32>], vector<16xf32>,
    %sub3A_1922 = arith.subf %get3A_1920, %gather3A_1921 : vector<16xf32>
    %get3A_1923 = arith.constant 336 : index
    %get3A_1924 = tpu.vector_load %arg13[%get3A_1923] {strides = array<i32>} : memref<1024xf32, #tpu.memory_space<vmem>>, vector<16xf32>,
    %gather3A_1925 = tpu.vector_load_idx %arg9[%get3A_1918] : memref<8192xf32, #tpu.memory_space<vmem>>[vector<16xi32>], vector<16xf32>,
    %sub3A_1926 = arith.subf %get3A_1924, %gather3A_1925 : vector<16xf32>
    %get3A_1927 = arith.constant 336 : index
    %get3A_1928 = tpu.vector_load %arg14[%get3A_1927] {strides = array<i32>} : memref<1024xf32, #tpu.memory_space<vmem>>, vector<16xf32>,
    %gather3A_1929 = tpu.vector_load_idx %arg10[%get3A_1918] : memref<8192xf32, #tpu.memory_space<vmem>>[vector<16xi32>], vector<16xf32>,
    %sub3A_1930 = arith.subf %get3A_1928, %gather3A_1929 : vector<16xf32>
    %mul3A_1931 = arith.mulf %sub3A_1922, %sub3A_1922 : vector<16xf32>
    %mul3A_1932 = arith.mulf %sub3A_1926, %sub3A_1926 : vector<16xf32>
    %add3A_1933 = arith.addf %mul3A_1931, %mul3A_1932 : vector<16xf32>
    %mul3A_1934 = arith.mulf %sub3A_1930, %sub3A_1930 : vector<16xf32>
    %add3A_1935 = arith.addf %add3A_1933, %mul3A_1934 : vector<16xf32>
    %swap3A_1936 = arith.constant 336 : index
    %swap3A_1937 = tpu.vector_load %arg15[%swap3A_1936] {strides = array<i32>} : memref<1024xf32, #tpu.memory_space<vmem>>, vector<16xf32>,
    tpu.vector_store %arg15[%swap3A_1936], %add3A_1935 {strides = array<i32>} : memref<1024xf32, #tpu.memory_space<vmem>>, vector<16xf32>,
    %get3A_1938 = arith.constant 352 : index
    %get3A_1939 = tpu.vector_load %arg11[%get3A_1938] {strides = array<i32>} : memref<1024xi32, #tpu.memory_space<vmem>>, vector<16xi32>,
    %get3A_1940 = arith.constant 352 : index
    %get3A_1941 = tpu.vector_load %arg12[%get3A_1940] {strides = array<i32>} : memref<1024xf32, #tpu.memory_space<vmem>>, vector<16xf32>,
    %gather3A_1942 = tpu.vector_load_idx %arg8[%get3A_1939] : memref<8192xf32, #tpu.memory_space<vmem>>[vector<16xi32>], vector<16xf32>,
    %sub3A_1943 = arith.subf %get3A_1941, %gather3A_1942 : vector<16xf32>
    %get3A_1944 = arith.constant 352 : index
    %get3A_1945 = tpu.vector_load %arg13[%get3A_1944] {strides = array<i32>} : memref<1024xf32, #tpu.memory_space<vmem>>, vector<16xf32>,
    %gather3A_1946 = tpu.vector_load_idx %arg9[%get3A_1939] : memref<8192xf32, #tpu.memory_space<vmem>>[vector<16xi32>], vector<16xf32>,
    %sub3A_1947 = arith.subf %get3A_1945, %gather3A_1946 : vector<16xf32>
    %get3A_1948 = arith.constant 352 : index
    %get3A_1949 = tpu.vector_load %arg14[%get3A_1948] {strides = array<i32>} : memref<1024xf32, #tpu.memory_space<vmem>>, vector<16xf32>,
    %gather3A_1950 = tpu.vector_load_idx %arg10[%get3A_1939] : memref<8192xf32, #tpu.memory_space<vmem>>[vector<16xi32>], vector<16xf32>,
    %sub3A_1951 = arith.subf %get3A_1949, %gather3A_1950 : vector<16xf32>
    %mul3A_1952 = arith.mulf %sub3A_1943, %sub3A_1943 : vector<16xf32>
    %mul3A_1953 = arith.mulf %sub3A_1947, %sub3A_1947 : vector<16xf32>
    %add3A_1954 = arith.addf %mul3A_1952, %mul3A_1953 : vector<16xf32>
    %mul3A_1955 = arith.mulf %sub3A_1951, %sub3A_1951 : vector<16xf32>
    %add3A_1956 = arith.addf %add3A_1954, %mul3A_1955 : vector<16xf32>
    %swap3A_1957 = arith.constant 352 : index
    %swap3A_1958 = tpu.vector_load %arg15[%swap3A_1957] {strides = array<i32>} : memref<1024xf32, #tpu.memory_space<vmem>>, vector<16xf32>,
    tpu.vector_store %arg15[%swap3A_1957], %add3A_1956 {strides = array<i32>} : memref<1024xf32, #tpu.memory_space<vmem>>, vector<16xf32>,
    %get3A_1959 = arith.constant 368 : index
    %get3A_1960 = tpu.vector_load %arg11[%get3A_1959] {strides = array<i32>} : memref<1024xi32, #tpu.memory_space<vmem>>, vector<16xi32>,
    %get3A_1961 = arith.constant 368 : index
    %get3A_1962 = tpu.vector_load %arg12[%get3A_1961] {strides = array<i32>} : memref<1024xf32, #tpu.memory_space<vmem>>, vector<16xf32>,
    %gather3A_1963 = tpu.vector_load_idx %arg8[%get3A_1960] : memref<8192xf32, #tpu.memory_space<vmem>>[vector<16xi32>], vector<16xf32>,
    %sub3A_1964 = arith.subf %get3A_1962, %gather3A_1963 : vector<16xf32>
    %get3A_1965 = arith.constant 368 : index
    %get3A_1966 = tpu.vector_load %arg13[%get3A_1965] {strides = array<i32>} : memref<1024xf32, #tpu.memory_space<vmem>>, vector<16xf32>,
    %gather3A_1967 = tpu.vector_load_idx %arg9[%get3A_1960] : memref<8192xf32, #tpu.memory_space<vmem>>[vector<16xi32>], vector<16xf32>,
    %sub3A_1968 = arith.subf %get3A_1966, %gather3A_1967 : vector<16xf32>
    %get3A_1969 = arith.constant 368 : index
    %get3A_1970 = tpu.vector_load %arg14[%get3A_1969] {strides = array<i32>} : memref<1024xf32, #tpu.memory_space<vmem>>, vector<16xf32>,
    %gather3A_1971 = tpu.vector_load_idx %arg10[%get3A_1960] : memref<8192xf32, #tpu.memory_space<vmem>>[vector<16xi32>], vector<16xf32>,
    %sub3A_1972 = arith.subf %get3A_1970, %gather3A_1971 : vector<16xf32>
    %mul3A_1973 = arith.mulf %sub3A_1964, %sub3A_1964 : vector<16xf32>
    %mul3A_1974 = arith.mulf %sub3A_1968, %sub3A_1968 : vector<16xf32>
    %add3A_1975 = arith.addf %mul3A_1973, %mul3A_1974 : vector<16xf32>
    %mul3A_1976 = arith.mulf %sub3A_1972, %sub3A_1972 : vector<16xf32>
    %add3A_1977 = arith.addf %add3A_1975, %mul3A_1976 : vector<16xf32>
    %swap3A_1978 = arith.constant 368 : index
    %swap3A_1979 = tpu.vector_load %arg15[%swap3A_1978] {strides = array<i32>} : memref<1024xf32, #tpu.memory_space<vmem>>, vector<16xf32>,
    tpu.vector_store %arg15[%swap3A_1978], %add3A_1977 {strides = array<i32>} : memref<1024xf32, #tpu.memory_space<vmem>>, vector<16xf32>,
    %get3A_1980 = arith.constant 384 : index
    %get3A_1981 = tpu.vector_load %arg11[%get3A_1980] {strides = array<i32>} : memref<1024xi32, #tpu.memory_space<vmem>>, vector<16xi32>,
    %get3A_1982 = arith.constant 384 : index
    %get3A_1983 = tpu.vector_load %arg12[%get3A_1982] {strides = array<i32>} : memref<1024xf32, #tpu.memory_space<vmem>>, vector<16xf32>,
    %gather3A_1984 = tpu.vector_load_idx %arg8[%get3A_1981] : memref<8192xf32, #tpu.memory_space<vmem>>[vector<16xi32>], vector<16xf32>,
    %sub3A_1985 = arith.subf %get3A_1983, %gather3A_1984 : vector<16xf32>
    %get3A_1986 = arith.constant 384 : index
    %get3A_1987 = tpu.vector_load %arg13[%get3A_1986] {strides = array<i32>} : memref<1024xf32, #tpu.memory_space<vmem>>, vector<16xf32>,
    %gather3A_1988 = tpu.vector_load_idx %arg9[%get3A_1981] : memref<8192xf32, #tpu.memory_space<vmem>>[vector<16xi32>], vector<16xf32>,
    %sub3A_1989 = arith.subf %get3A_1987, %gather3A_1988 : vector<16xf32>
    %get3A_1990 = arith.constant 384 : index
    %get3A_1991 = tpu.vector_load %arg14[%get3A_1990] {strides = array<i32>} : memref<1024xf32, #tpu.memory_space<vmem>>, vector<16xf32>,
    %gather3A_1992 = tpu.vector_load_idx %arg10[%get3A_1981] : memref<8192xf32, #tpu.memory_space<vmem>>[vector<16xi32>], vector<16xf32>,
    %sub3A_1993 = arith.subf %get3A_1991, %gather3A_1992 : vector<16xf32>
    %mul3A_1994 = arith.mulf %sub3A_1985, %sub3A_1985 : vector<16xf32>
    %mul3A_1995 = arith.mulf %sub3A_1989, %sub3A_1989 : vector<16xf32>
    %add3A_1996 = arith.addf %mul3A_1994, %mul3A_1995 : vector<16xf32>
    %mul3A_1997 = arith.mulf %sub3A_1993, %sub3A_1993 : vector<16xf32>
    %add3A_1998 = arith.addf %add3A_1996, %mul3A_1997 : vector<16xf32>
    %swap3A_1999 = arith.constant 384 : index
    %swap3A_2000 = tpu.vector_load %arg15[%swap3A_1999] {strides = array<i32>} : memref<1024xf32, #tpu.memory_space<vmem>>, vector<16xf32>,
    tpu.vector_store %arg15[%swap3A_1999], %add3A_1998 {strides = array<i32>} : memref<1024xf32, #tpu.memory_space<vmem>>, vector<16xf32>,
    %get3A_2001 = arith.constant 400 : index
    %get3A_2002 = tpu.vector_load %arg11[%get3A_2001] {strides = array<i32>} : memref<1024xi32, #tpu.memory_space<vmem>>, vector<16xi32>,
    %get3A_2003 = arith.constant 400 : index
    %get3A_2004 = tpu.vector_load %arg12[%get3A_2003] {strides = array<i32>} : memref<1024xf32, #tpu.memory_space<vmem>>, vector<16xf32>,
    %gather3A_2005 = tpu.vector_load_idx %arg8[%get3A_2002] : memref<8192xf32, #tpu.memory_space<vmem>>[vector<16xi32>], vector<16xf32>,
    %sub3A_2006 = arith.subf %get3A_2004, %gather3A_2005 : vector<16xf32>
    %get3A_2007 = arith.constant 400 : index
    %get3A_2008 = tpu.vector_load %arg13[%get3A_2007] {strides = array<i32>} : memref<1024xf32, #tpu.memory_space<vmem>>, vector<16xf32>,
    %gather3A_2009 = tpu.vector_load_idx %arg9[%get3A_2002] : memref<8192xf32, #tpu.memory_space<vmem>>[vector<16xi32>], vector<16xf32>,
    %sub3A_2010 = arith.subf %get3A_2008, %gather3A_2009 : vector<16xf32>
    %get3A_2011 = arith.constant 400 : index
    %get3A_2012 = tpu.vector_load %arg14[%get3A_2011] {strides = array<i32>} : memref<1024xf32, #tpu.memory_space<vmem>>, vector<16xf32>,
    %gather3A_2013 = tpu.vector_load_idx %arg10[%get3A_2002] : memref<8192xf32, #tpu.memory_space<vmem>>[vector<16xi32>], vector<16xf32>,
    %sub3A_2014 = arith.subf %get3A_2012, %gather3A_2013 : vector<16xf32>
    %mul3A_2015 = arith.mulf %sub3A_2006, %sub3A_2006 : vector<16xf32>
    %mul3A_2016 = arith.mulf %sub3A_2010, %sub3A_2010 : vector<16xf32>
    %add3A_2017 = arith.addf %mul3A_2015, %mul3A_2016 : vector<16xf32>
    %mul3A_2018 = arith.mulf %sub3A_2014, %sub3A_2014 : vector<16xf32>
    %add3A_2019 = arith.addf %add3A_2017, %mul3A_2018 : vector<16xf32>
    %swap3A_2020 = arith.constant 400 : index
    %swap3A_2021 = tpu.vector_load %arg15[%swap3A_2020] {strides = array<i32>} : memref<1024xf32, #tpu.memory_space<vmem>>, vector<16xf32>,
    tpu.vector_store %arg15[%swap3A_2020], %add3A_2019 {strides = array<i32>} : memref<1024xf32, #tpu.memory_space<vmem>>, vector<16xf32>,
    %get3A_2022 = arith.constant 416 : index
    %get3A_2023 = tpu.vector_load %arg11[%get3A_2022] {strides = array<i32>} : memref<1024xi32, #tpu.memory_space<vmem>>, vector<16xi32>,
    %get3A_2024 = arith.constant 416 : index
    %get3A_2025 = tpu.vector_load %arg12[%get3A_2024] {strides = array<i32>} : memref<1024xf32, #tpu.memory_space<vmem>>, vector<16xf32>,
    %gather3A_2026 = tpu.vector_load_idx %arg8[%get3A_2023] : memref<8192xf32, #tpu.memory_space<vmem>>[vector<16xi32>], vector<16xf32>,
    %sub3A_2027 = arith.subf %get3A_2025, %gather3A_2026 : vector<16xf32>
    %get3A_2028 = arith.constant 416 : index
    %get3A_2029 = tpu.vector_load %arg13[%get3A_2028] {strides = array<i32>} : memref<1024xf32, #tpu.memory_space<vmem>>, vector<16xf32>,
    %gather3A_2030 = tpu.vector_load_idx %arg9[%get3A_2023] : memref<8192xf32, #tpu.memory_space<vmem>>[vector<16xi32>], vector<16xf32>,
    %sub3A_2031 = arith.subf %get3A_2029, %gather3A_2030 : vector<16xf32>
    %get3A_2032 = arith.constant 416 : index
    %get3A_2033 = tpu.vector_load %arg14[%get3A_2032] {strides = array<i32>} : memref<1024xf32, #tpu.memory_space<vmem>>, vector<16xf32>,
    %gather3A_2034 = tpu.vector_load_idx %arg10[%get3A_2023] : memref<8192xf32, #tpu.memory_space<vmem>>[vector<16xi32>], vector<16xf32>,
    %sub3A_2035 = arith.subf %get3A_2033, %gather3A_2034 : vector<16xf32>
    %mul3A_2036 = arith.mulf %sub3A_2027, %sub3A_2027 : vector<16xf32>
    %mul3A_2037 = arith.mulf %sub3A_2031, %sub3A_2031 : vector<16xf32>
    %add3A_2038 = arith.addf %mul3A_2036, %mul3A_2037 : vector<16xf32>
    %mul3A_2039 = arith.mulf %sub3A_2035, %sub3A_2035 : vector<16xf32>
    %add3A_2040 = arith.addf %add3A_2038, %mul3A_2039 : vector<16xf32>
    %swap3A_2041 = arith.constant 416 : index
    %swap3A_2042 = tpu.vector_load %arg15[%swap3A_2041] {strides = array<i32>} : memref<1024xf32, #tpu.memory_space<vmem>>, vector<16xf32>,
    tpu.vector_store %arg15[%swap3A_2041], %add3A_2040 {strides = array<i32>} : memref<1024xf32, #tpu.memory_space<vmem>>, vector<16xf32>,
    %get3A_2043 = arith.constant 432 : index
    %get3A_2044 = tpu.vector_load %arg11[%get3A_2043] {strides = array<i32>} : memref<1024xi32, #tpu.memory_space<vmem>>, vector<16xi32>,
    %get3A_2045 = arith.constant 432 : index
    %get3A_2046 = tpu.vector_load %arg12[%get3A_2045] {strides = array<i32>} : memref<1024xf32, #tpu.memory_space<vmem>>, vector<16xf32>,
    %gather3A_2047 = tpu.vector_load_idx %arg8[%get3A_2044] : memref<8192xf32, #tpu.memory_space<vmem>>[vector<16xi32>], vector<16xf32>,
    %sub3A_2048 = arith.subf %get3A_2046, %gather3A_2047 : vector<16xf32>
    %get3A_2049 = arith.constant 432 : index
    %get3A_2050 = tpu.vector_load %arg13[%get3A_2049] {strides = array<i32>} : memref<1024xf32, #tpu.memory_space<vmem>>, vector<16xf32>,
    %gather3A_2051 = tpu.vector_load_idx %arg9[%get3A_2044] : memref<8192xf32, #tpu.memory_space<vmem>>[vector<16xi32>], vector<16xf32>,
    %sub3A_2052 = arith.subf %get3A_2050, %gather3A_2051 : vector<16xf32>
    %get3A_2053 = arith.constant 432 : index
    %get3A_2054 = tpu.vector_load %arg14[%get3A_2053] {strides = array<i32>} : memref<1024xf32, #tpu.memory_space<vmem>>, vector<16xf32>,
    %gather3A_2055 = tpu.vector_load_idx %arg10[%get3A_2044] : memref<8192xf32, #tpu.memory_space<vmem>>[vector<16xi32>], vector<16xf32>,
    %sub3A_2056 = arith.subf %get3A_2054, %gather3A_2055 : vector<16xf32>
    %mul3A_2057 = arith.mulf %sub3A_2048, %sub3A_2048 : vector<16xf32>
    %mul3A_2058 = arith.mulf %sub3A_2052, %sub3A_2052 : vector<16xf32>
    %add3A_2059 = arith.addf %mul3A_2057, %mul3A_2058 : vector<16xf32>
    %mul3A_2060 = arith.mulf %sub3A_2056, %sub3A_2056 : vector<16xf32>
    %add3A_2061 = arith.addf %add3A_2059, %mul3A_2060 : vector<16xf32>
    %swap3A_2062 = arith.constant 432 : index
    %swap3A_2063 = tpu.vector_load %arg15[%swap3A_2062] {strides = array<i32>} : memref<1024xf32, #tpu.memory_space<vmem>>, vector<16xf32>,
    tpu.vector_store %arg15[%swap3A_2062], %add3A_2061 {strides = array<i32>} : memref<1024xf32, #tpu.memory_space<vmem>>, vector<16xf32>,
    %get3A_2064 = arith.constant 448 : index
    %get3A_2065 = tpu.vector_load %arg11[%get3A_2064] {strides = array<i32>} : memref<1024xi32, #tpu.memory_space<vmem>>, vector<16xi32>,
    %get3A_2066 = arith.constant 448 : index
    %get3A_2067 = tpu.vector_load %arg12[%get3A_2066] {strides = array<i32>} : memref<1024xf32, #tpu.memory_space<vmem>>, vector<16xf32>,
    %gather3A_2068 = tpu.vector_load_idx %arg8[%get3A_2065] : memref<8192xf32, #tpu.memory_space<vmem>>[vector<16xi32>], vector<16xf32>,
    %sub3A_2069 = arith.subf %get3A_2067, %gather3A_2068 : vector<16xf32>
    %get3A_2070 = arith.constant 448 : index
    %get3A_2071 = tpu.vector_load %arg13[%get3A_2070] {strides = array<i32>} : memref<1024xf32, #tpu.memory_space<vmem>>, vector<16xf32>,
    %gather3A_2072 = tpu.vector_load_idx %arg9[%get3A_2065] : memref<8192xf32, #tpu.memory_space<vmem>>[vector<16xi32>], vector<16xf32>,
    %sub3A_2073 = arith.subf %get3A_2071, %gather3A_2072 : vector<16xf32>
    %get3A_2074 = arith.constant 448 : index
    %get3A_2075 = tpu.vector_load %arg14[%get3A_2074] {strides = array<i32>} : memref<1024xf32, #tpu.memory_space<vmem>>, vector<16xf32>,
    %gather3A_2076 = tpu.vector_load_idx %arg10[%get3A_2065] : memref<8192xf32, #tpu.memory_space<vmem>>[vector<16xi32>], vector<16xf32>,
    %sub3A_2077 = arith.subf %get3A_2075, %gather3A_2076 : vector<16xf32>
    %mul3A_2078 = arith.mulf %sub3A_2069, %sub3A_2069 : vector<16xf32>
    %mul3A_2079 = arith.mulf %sub3A_2073, %sub3A_2073 : vector<16xf32>
    %add3A_2080 = arith.addf %mul3A_2078, %mul3A_2079 : vector<16xf32>
    %mul3A_2081 = arith.mulf %sub3A_2077, %sub3A_2077 : vector<16xf32>
    %add3A_2082 = arith.addf %add3A_2080, %mul3A_2081 : vector<16xf32>
    %swap3A_2083 = arith.constant 448 : index
    %swap3A_2084 = tpu.vector_load %arg15[%swap3A_2083] {strides = array<i32>} : memref<1024xf32, #tpu.memory_space<vmem>>, vector<16xf32>,
    tpu.vector_store %arg15[%swap3A_2083], %add3A_2082 {strides = array<i32>} : memref<1024xf32, #tpu.memory_space<vmem>>, vector<16xf32>,
    %get3A_2085 = arith.constant 464 : index
    %get3A_2086 = tpu.vector_load %arg11[%get3A_2085] {strides = array<i32>} : memref<1024xi32, #tpu.memory_space<vmem>>, vector<16xi32>,
    %get3A_2087 = arith.constant 464 : index
    %get3A_2088 = tpu.vector_load %arg12[%get3A_2087] {strides = array<i32>} : memref<1024xf32, #tpu.memory_space<vmem>>, vector<16xf32>,
    %gather3A_2089 = tpu.vector_load_idx %arg8[%get3A_2086] : memref<8192xf32, #tpu.memory_space<vmem>>[vector<16xi32>], vector<16xf32>,
    %sub3A_2090 = arith.subf %get3A_2088, %gather3A_2089 : vector<16xf32>
    %get3A_2091 = arith.constant 464 : index
    %get3A_2092 = tpu.vector_load %arg13[%get3A_2091] {strides = array<i32>} : memref<1024xf32, #tpu.memory_space<vmem>>, vector<16xf32>,
    %gather3A_2093 = tpu.vector_load_idx %arg9[%get3A_2086] : memref<8192xf32, #tpu.memory_space<vmem>>[vector<16xi32>], vector<16xf32>,
    %sub3A_2094 = arith.subf %get3A_2092, %gather3A_2093 : vector<16xf32>
    %get3A_2095 = arith.constant 464 : index
    %get3A_2096 = tpu.vector_load %arg14[%get3A_2095] {strides = array<i32>} : memref<1024xf32, #tpu.memory_space<vmem>>, vector<16xf32>,
    %gather3A_2097 = tpu.vector_load_idx %arg10[%get3A_2086] : memref<8192xf32, #tpu.memory_space<vmem>>[vector<16xi32>], vector<16xf32>,
    %sub3A_2098 = arith.subf %get3A_2096, %gather3A_2097 : vector<16xf32>
    %mul3A_2099 = arith.mulf %sub3A_2090, %sub3A_2090 : vector<16xf32>
    %mul3A_2100 = arith.mulf %sub3A_2094, %sub3A_2094 : vector<16xf32>
    %add3A_2101 = arith.addf %mul3A_2099, %mul3A_2100 : vector<16xf32>
    %mul3A_2102 = arith.mulf %sub3A_2098, %sub3A_2098 : vector<16xf32>
    %add3A_2103 = arith.addf %add3A_2101, %mul3A_2102 : vector<16xf32>
    %swap3A_2104 = arith.constant 464 : index
    %swap3A_2105 = tpu.vector_load %arg15[%swap3A_2104] {strides = array<i32>} : memref<1024xf32, #tpu.memory_space<vmem>>, vector<16xf32>,
    tpu.vector_store %arg15[%swap3A_2104], %add3A_2103 {strides = array<i32>} : memref<1024xf32, #tpu.memory_space<vmem>>, vector<16xf32>,
    %get3A_2106 = arith.constant 480 : index
    %get3A_2107 = tpu.vector_load %arg11[%get3A_2106] {strides = array<i32>} : memref<1024xi32, #tpu.memory_space<vmem>>, vector<16xi32>,
    %get3A_2108 = arith.constant 480 : index
    %get3A_2109 = tpu.vector_load %arg12[%get3A_2108] {strides = array<i32>} : memref<1024xf32, #tpu.memory_space<vmem>>, vector<16xf32>,
    %gather3A_2110 = tpu.vector_load_idx %arg8[%get3A_2107] : memref<8192xf32, #tpu.memory_space<vmem>>[vector<16xi32>], vector<16xf32>,
    %sub3A_2111 = arith.subf %get3A_2109, %gather3A_2110 : vector<16xf32>
    %get3A_2112 = arith.constant 480 : index
    %get3A_2113 = tpu.vector_load %arg13[%get3A_2112] {strides = array<i32>} : memref<1024xf32, #tpu.memory_space<vmem>>, vector<16xf32>,
    %gather3A_2114 = tpu.vector_load_idx %arg9[%get3A_2107] : memref<8192xf32, #tpu.memory_space<vmem>>[vector<16xi32>], vector<16xf32>,
    %sub3A_2115 = arith.subf %get3A_2113, %gather3A_2114 : vector<16xf32>
    %get3A_2116 = arith.constant 480 : index
    %get3A_2117 = tpu.vector_load %arg14[%get3A_2116] {strides = array<i32>} : memref<1024xf32, #tpu.memory_space<vmem>>, vector<16xf32>,
    %gather3A_2118 = tpu.vector_load_idx %arg10[%get3A_2107] : memref<8192xf32, #tpu.memory_space<vmem>>[vector<16xi32>], vector<16xf32>,
    %sub3A_2119 = arith.subf %get3A_2117, %gather3A_2118 : vector<16xf32>
    %mul3A_2120 = arith.mulf %sub3A_2111, %sub3A_2111 : vector<16xf32>
    %mul3A_2121 = arith.mulf %sub3A_2115, %sub3A_2115 : vector<16xf32>
    %add3A_2122 = arith.addf %mul3A_2120, %mul3A_2121 : vector<16xf32>
    %mul3A_2123 = arith.mulf %sub3A_2119, %sub3A_2119 : vector<16xf32>
    %add3A_2124 = arith.addf %add3A_2122, %mul3A_2123 : vector<16xf32>
    %swap3A_2125 = arith.constant 480 : index
    %swap3A_2126 = tpu.vector_load %arg15[%swap3A_2125] {strides = array<i32>} : memref<1024xf32, #tpu.memory_space<vmem>>, vector<16xf32>,
    tpu.vector_store %arg15[%swap3A_2125], %add3A_2124 {strides = array<i32>} : memref<1024xf32, #tpu.memory_space<vmem>>, vector<16xf32>,
    %get3A_2127 = arith.constant 496 : index
    %get3A_2128 = tpu.vector_load %arg11[%get3A_2127] {strides = array<i32>} : memref<1024xi32, #tpu.memory_space<vmem>>, vector<16xi32>,
    %get3A_2129 = arith.constant 496 : index
    %get3A_2130 = tpu.vector_load %arg12[%get3A_2129] {strides = array<i32>} : memref<1024xf32, #tpu.memory_space<vmem>>, vector<16xf32>,
    %gather3A_2131 = tpu.vector_load_idx %arg8[%get3A_2128] : memref<8192xf32, #tpu.memory_space<vmem>>[vector<16xi32>], vector<16xf32>,
    %sub3A_2132 = arith.subf %get3A_2130, %gather3A_2131 : vector<16xf32>
    %get3A_2133 = arith.constant 496 : index
    %get3A_2134 = tpu.vector_load %arg13[%get3A_2133] {strides = array<i32>} : memref<1024xf32, #tpu.memory_space<vmem>>, vector<16xf32>,
    %gather3A_2135 = tpu.vector_load_idx %arg9[%get3A_2128] : memref<8192xf32, #tpu.memory_space<vmem>>[vector<16xi32>], vector<16xf32>,
    %sub3A_2136 = arith.subf %get3A_2134, %gather3A_2135 : vector<16xf32>
    %get3A_2137 = arith.constant 496 : index
    %get3A_2138 = tpu.vector_load %arg14[%get3A_2137] {strides = array<i32>} : memref<1024xf32, #tpu.memory_space<vmem>>, vector<16xf32>,
    %gather3A_2139 = tpu.vector_load_idx %arg10[%get3A_2128] : memref<8192xf32, #tpu.memory_space<vmem>>[vector<16xi32>], vector<16xf32>,
    %sub3A_2140 = arith.subf %get3A_2138, %gather3A_2139 : vector<16xf32>
    %mul3A_2141 = arith.mulf %sub3A_2132, %sub3A_2132 : vector<16xf32>
    %mul3A_2142 = arith.mulf %sub3A_2136, %sub3A_2136 : vector<16xf32>
    %add3A_2143 = arith.addf %mul3A_2141, %mul3A_2142 : vector<16xf32>
    %mul3A_2144 = arith.mulf %sub3A_2140, %sub3A_2140 : vector<16xf32>
    %add3A_2145 = arith.addf %add3A_2143, %mul3A_2144 : vector<16xf32>
    %swap3A_2146 = arith.constant 496 : index
    %swap3A_2147 = tpu.vector_load %arg15[%swap3A_2146] {strides = array<i32>} : memref<1024xf32, #tpu.memory_space<vmem>>, vector<16xf32>,
    tpu.vector_store %arg15[%swap3A_2146], %add3A_2145 {strides = array<i32>} : memref<1024xf32, #tpu.memory_space<vmem>>, vector<16xf32>,
    %get3A_2148 = arith.constant 512 : index
    %get3A_2149 = tpu.vector_load %arg11[%get3A_2148] {strides = array<i32>} : memref<1024xi32, #tpu.memory_space<vmem>>, vector<16xi32>,
    %get3A_2150 = arith.constant 512 : index
    %get3A_2151 = tpu.vector_load %arg12[%get3A_2150] {strides = array<i32>} : memref<1024xf32, #tpu.memory_space<vmem>>, vector<16xf32>,
    %gather3A_2152 = tpu.vector_load_idx %arg8[%get3A_2149] : memref<8192xf32, #tpu.memory_space<vmem>>[vector<16xi32>], vector<16xf32>,
    %sub3A_2153 = arith.subf %get3A_2151, %gather3A_2152 : vector<16xf32>
    %get3A_2154 = arith.constant 512 : index
    %get3A_2155 = tpu.vector_load %arg13[%get3A_2154] {strides = array<i32>} : memref<1024xf32, #tpu.memory_space<vmem>>, vector<16xf32>,
    %gather3A_2156 = tpu.vector_load_idx %arg9[%get3A_2149] : memref<8192xf32, #tpu.memory_space<vmem>>[vector<16xi32>], vector<16xf32>,
    %sub3A_2157 = arith.subf %get3A_2155, %gather3A_2156 : vector<16xf32>
    %get3A_2158 = arith.constant 512 : index
    %get3A_2159 = tpu.vector_load %arg14[%get3A_2158] {strides = array<i32>} : memref<1024xf32, #tpu.memory_space<vmem>>, vector<16xf32>,
    %gather3A_2160 = tpu.vector_load_idx %arg10[%get3A_2149] : memref<8192xf32, #tpu.memory_space<vmem>>[vector<16xi32>], vector<16xf32>,
    %sub3A_2161 = arith.subf %get3A_2159, %gather3A_2160 : vector<16xf32>
    %mul3A_2162 = arith.mulf %sub3A_2153, %sub3A_2153 : vector<16xf32>
    %mul3A_2163 = arith.mulf %sub3A_2157, %sub3A_2157 : vector<16xf32>
    %add3A_2164 = arith.addf %mul3A_2162, %mul3A_2163 : vector<16xf32>
    %mul3A_2165 = arith.mulf %sub3A_2161, %sub3A_2161 : vector<16xf32>
    %add3A_2166 = arith.addf %add3A_2164, %mul3A_2165 : vector<16xf32>
    %swap3A_2167 = arith.constant 512 : index
    %swap3A_2168 = tpu.vector_load %arg15[%swap3A_2167] {strides = array<i32>} : memref<1024xf32, #tpu.memory_space<vmem>>, vector<16xf32>,
    tpu.vector_store %arg15[%swap3A_2167], %add3A_2166 {strides = array<i32>} : memref<1024xf32, #tpu.memory_space<vmem>>, vector<16xf32>,
    %get3A_2169 = arith.constant 528 : index
    %get3A_2170 = tpu.vector_load %arg11[%get3A_2169] {strides = array<i32>} : memref<1024xi32, #tpu.memory_space<vmem>>, vector<16xi32>,
    %get3A_2171 = arith.constant 528 : index
    %get3A_2172 = tpu.vector_load %arg12[%get3A_2171] {strides = array<i32>} : memref<1024xf32, #tpu.memory_space<vmem>>, vector<16xf32>,
    %gather3A_2173 = tpu.vector_load_idx %arg8[%get3A_2170] : memref<8192xf32, #tpu.memory_space<vmem>>[vector<16xi32>], vector<16xf32>,
    %sub3A_2174 = arith.subf %get3A_2172, %gather3A_2173 : vector<16xf32>
    %get3A_2175 = arith.constant 528 : index
    %get3A_2176 = tpu.vector_load %arg13[%get3A_2175] {strides = array<i32>} : memref<1024xf32, #tpu.memory_space<vmem>>, vector<16xf32>,
    %gather3A_2177 = tpu.vector_load_idx %arg9[%get3A_2170] : memref<8192xf32, #tpu.memory_space<vmem>>[vector<16xi32>], vector<16xf32>,
    %sub3A_2178 = arith.subf %get3A_2176, %gather3A_2177 : vector<16xf32>
    %get3A_2179 = arith.constant 528 : index
    %get3A_2180 = tpu.vector_load %arg14[%get3A_2179] {strides = array<i32>} : memref<1024xf32, #tpu.memory_space<vmem>>, vector<16xf32>,
    %gather3A_2181 = tpu.vector_load_idx %arg10[%get3A_2170] : memref<8192xf32, #tpu.memory_space<vmem>>[vector<16xi32>], vector<16xf32>,
    %sub3A_2182 = arith.subf %get3A_2180, %gather3A_2181 : vector<16xf32>
    %mul3A_2183 = arith.mulf %sub3A_2174, %sub3A_2174 : vector<16xf32>
    %mul3A_2184 = arith.mulf %sub3A_2178, %sub3A_2178 : vector<16xf32>
    %add3A_2185 = arith.addf %mul3A_2183, %mul3A_2184 : vector<16xf32>
    %mul3A_2186 = arith.mulf %sub3A_2182, %sub3A_2182 : vector<16xf32>
    %add3A_2187 = arith.addf %add3A_2185, %mul3A_2186 : vector<16xf32>
    %swap3A_2188 = arith.constant 528 : index
    %swap3A_2189 = tpu.vector_load %arg15[%swap3A_2188] {strides = array<i32>} : memref<1024xf32, #tpu.memory_space<vmem>>, vector<16xf32>,
    tpu.vector_store %arg15[%swap3A_2188], %add3A_2187 {strides = array<i32>} : memref<1024xf32, #tpu.memory_space<vmem>>, vector<16xf32>,
    %get3A_2190 = arith.constant 544 : index
    %get3A_2191 = tpu.vector_load %arg11[%get3A_2190] {strides = array<i32>} : memref<1024xi32, #tpu.memory_space<vmem>>, vector<16xi32>,
    %get3A_2192 = arith.constant 544 : index
    %get3A_2193 = tpu.vector_load %arg12[%get3A_2192] {strides = array<i32>} : memref<1024xf32, #tpu.memory_space<vmem>>, vector<16xf32>,
    %gather3A_2194 = tpu.vector_load_idx %arg8[%get3A_2191] : memref<8192xf32, #tpu.memory_space<vmem>>[vector<16xi32>], vector<16xf32>,
    %sub3A_2195 = arith.subf %get3A_2193, %gather3A_2194 : vector<16xf32>
    %get3A_2196 = arith.constant 544 : index
    %get3A_2197 = tpu.vector_load %arg13[%get3A_2196] {strides = array<i32>} : memref<1024xf32, #tpu.memory_space<vmem>>, vector<16xf32>,
    %gather3A_2198 = tpu.vector_load_idx %arg9[%get3A_2191] : memref<8192xf32, #tpu.memory_space<vmem>>[vector<16xi32>], vector<16xf32>,
    %sub3A_2199 = arith.subf %get3A_2197, %gather3A_2198 : vector<16xf32>
    %get3A_2200 = arith.constant 544 : index
    %get3A_2201 = tpu.vector_load %arg14[%get3A_2200] {strides = array<i32>} : memref<1024xf32, #tpu.memory_space<vmem>>, vector<16xf32>,
    %gather3A_2202 = tpu.vector_load_idx %arg10[%get3A_2191] : memref<8192xf32, #tpu.memory_space<vmem>>[vector<16xi32>], vector<16xf32>,
    %sub3A_2203 = arith.subf %get3A_2201, %gather3A_2202 : vector<16xf32>
    %mul3A_2204 = arith.mulf %sub3A_2195, %sub3A_2195 : vector<16xf32>
    %mul3A_2205 = arith.mulf %sub3A_2199, %sub3A_2199 : vector<16xf32>
    %add3A_2206 = arith.addf %mul3A_2204, %mul3A_2205 : vector<16xf32>
    %mul3A_2207 = arith.mulf %sub3A_2203, %sub3A_2203 : vector<16xf32>
    %add3A_2208 = arith.addf %add3A_2206, %mul3A_2207 : vector<16xf32>
    %swap3A_2209 = arith.constant 544 : index
    %swap3A_2210 = tpu.vector_load %arg15[%swap3A_2209] {strides = array<i32>} : memref<1024xf32, #tpu.memory_space<vmem>>, vector<16xf32>,
    tpu.vector_store %arg15[%swap3A_2209], %add3A_2208 {strides = array<i32>} : memref<1024xf32, #tpu.memory_space<vmem>>, vector<16xf32>,
    %get3A_2211 = arith.constant 560 : index
    %get3A_2212 = tpu.vector_load %arg11[%get3A_2211] {strides = array<i32>} : memref<1024xi32, #tpu.memory_space<vmem>>, vector<16xi32>,
    %get3A_2213 = arith.constant 560 : index
    %get3A_2214 = tpu.vector_load %arg12[%get3A_2213] {strides = array<i32>} : memref<1024xf32, #tpu.memory_space<vmem>>, vector<16xf32>,
    %gather3A_2215 = tpu.vector_load_idx %arg8[%get3A_2212] : memref<8192xf32, #tpu.memory_space<vmem>>[vector<16xi32>], vector<16xf32>,
    %sub3A_2216 = arith.subf %get3A_2214, %gather3A_2215 : vector<16xf32>
    %get3A_2217 = arith.constant 560 : index
    %get3A_2218 = tpu.vector_load %arg13[%get3A_2217] {strides = array<i32>} : memref<1024xf32, #tpu.memory_space<vmem>>, vector<16xf32>,
    %gather3A_2219 = tpu.vector_load_idx %arg9[%get3A_2212] : memref<8192xf32, #tpu.memory_space<vmem>>[vector<16xi32>], vector<16xf32>,
    %sub3A_2220 = arith.subf %get3A_2218, %gather3A_2219 : vector<16xf32>
    %get3A_2221 = arith.constant 560 : index
    %get3A_2222 = tpu.vector_load %arg14[%get3A_2221] {strides = array<i32>} : memref<1024xf32, #tpu.memory_space<vmem>>, vector<16xf32>,
    %gather3A_2223 = tpu.vector_load_idx %arg10[%get3A_2212] : memref<8192xf32, #tpu.memory_space<vmem>>[vector<16xi32>], vector<16xf32>,
    %sub3A_2224 = arith.subf %get3A_2222, %gather3A_2223 : vector<16xf32>
    %mul3A_2225 = arith.mulf %sub3A_2216, %sub3A_2216 : vector<16xf32>
    %mul3A_2226 = arith.mulf %sub3A_2220, %sub3A_2220 : vector<16xf32>
    %add3A_2227 = arith.addf %mul3A_2225, %mul3A_2226 : vector<16xf32>
    %mul3A_2228 = arith.mulf %sub3A_2224, %sub3A_2224 : vector<16xf32>
    %add3A_2229 = arith.addf %add3A_2227, %mul3A_2228 : vector<16xf32>
    %swap3A_2230 = arith.constant 560 : index
    %swap3A_2231 = tpu.vector_load %arg15[%swap3A_2230] {strides = array<i32>} : memref<1024xf32, #tpu.memory_space<vmem>>, vector<16xf32>,
    tpu.vector_store %arg15[%swap3A_2230], %add3A_2229 {strides = array<i32>} : memref<1024xf32, #tpu.memory_space<vmem>>, vector<16xf32>,
    %get3A_2232 = arith.constant 576 : index
    %get3A_2233 = tpu.vector_load %arg11[%get3A_2232] {strides = array<i32>} : memref<1024xi32, #tpu.memory_space<vmem>>, vector<16xi32>,
    %get3A_2234 = arith.constant 576 : index
    %get3A_2235 = tpu.vector_load %arg12[%get3A_2234] {strides = array<i32>} : memref<1024xf32, #tpu.memory_space<vmem>>, vector<16xf32>,
    %gather3A_2236 = tpu.vector_load_idx %arg8[%get3A_2233] : memref<8192xf32, #tpu.memory_space<vmem>>[vector<16xi32>], vector<16xf32>,
    %sub3A_2237 = arith.subf %get3A_2235, %gather3A_2236 : vector<16xf32>
    %get3A_2238 = arith.constant 576 : index
    %get3A_2239 = tpu.vector_load %arg13[%get3A_2238] {strides = array<i32>} : memref<1024xf32, #tpu.memory_space<vmem>>, vector<16xf32>,
    %gather3A_2240 = tpu.vector_load_idx %arg9[%get3A_2233] : memref<8192xf32, #tpu.memory_space<vmem>>[vector<16xi32>], vector<16xf32>,
    %sub3A_2241 = arith.subf %get3A_2239, %gather3A_2240 : vector<16xf32>
    %get3A_2242 = arith.constant 576 : index
    %get3A_2243 = tpu.vector_load %arg14[%get3A_2242] {strides = array<i32>} : memref<1024xf32, #tpu.memory_space<vmem>>, vector<16xf32>,
    %gather3A_2244 = tpu.vector_load_idx %arg10[%get3A_2233] : memref<8192xf32, #tpu.memory_space<vmem>>[vector<16xi32>], vector<16xf32>,
    %sub3A_2245 = arith.subf %get3A_2243, %gather3A_2244 : vector<16xf32>
    %mul3A_2246 = arith.mulf %sub3A_2237, %sub3A_2237 : vector<16xf32>
    %mul3A_2247 = arith.mulf %sub3A_2241, %sub3A_2241 : vector<16xf32>
    %add3A_2248 = arith.addf %mul3A_2246, %mul3A_2247 : vector<16xf32>
    %mul3A_2249 = arith.mulf %sub3A_2245, %sub3A_2245 : vector<16xf32>
    %add3A_2250 = arith.addf %add3A_2248, %mul3A_2249 : vector<16xf32>
    %swap3A_2251 = arith.constant 576 : index
    %swap3A_2252 = tpu.vector_load %arg15[%swap3A_2251] {strides = array<i32>} : memref<1024xf32, #tpu.memory_space<vmem>>, vector<16xf32>,
    tpu.vector_store %arg15[%swap3A_2251], %add3A_2250 {strides = array<i32>} : memref<1024xf32, #tpu.memory_space<vmem>>, vector<16xf32>,
    %get3A_2253 = arith.constant 592 : index
    %get3A_2254 = tpu.vector_load %arg11[%get3A_2253] {strides = array<i32>} : memref<1024xi32, #tpu.memory_space<vmem>>, vector<16xi32>,
    %get3A_2255 = arith.constant 592 : index
    %get3A_2256 = tpu.vector_load %arg12[%get3A_2255] {strides = array<i32>} : memref<1024xf32, #tpu.memory_space<vmem>>, vector<16xf32>,
    %gather3A_2257 = tpu.vector_load_idx %arg8[%get3A_2254] : memref<8192xf32, #tpu.memory_space<vmem>>[vector<16xi32>], vector<16xf32>,
    %sub3A_2258 = arith.subf %get3A_2256, %gather3A_2257 : vector<16xf32>
    %get3A_2259 = arith.constant 592 : index
    %get3A_2260 = tpu.vector_load %arg13[%get3A_2259] {strides = array<i32>} : memref<1024xf32, #tpu.memory_space<vmem>>, vector<16xf32>,
    %gather3A_2261 = tpu.vector_load_idx %arg9[%get3A_2254] : memref<8192xf32, #tpu.memory_space<vmem>>[vector<16xi32>], vector<16xf32>,
    %sub3A_2262 = arith.subf %get3A_2260, %gather3A_2261 : vector<16xf32>
    %get3A_2263 = arith.constant 592 : index
    %get3A_2264 = tpu.vector_load %arg14[%get3A_2263] {strides = array<i32>} : memref<1024xf32, #tpu.memory_space<vmem>>, vector<16xf32>,
    %gather3A_2265 = tpu.vector_load_idx %arg10[%get3A_2254] : memref<8192xf32, #tpu.memory_space<vmem>>[vector<16xi32>], vector<16xf32>,
    %sub3A_2266 = arith.subf %get3A_2264, %gather3A_2265 : vector<16xf32>
    %mul3A_2267 = arith.mulf %sub3A_2258, %sub3A_2258 : vector<16xf32>
    %mul3A_2268 = arith.mulf %sub3A_2262, %sub3A_2262 : vector<16xf32>
    %add3A_2269 = arith.addf %mul3A_2267, %mul3A_2268 : vector<16xf32>
    %mul3A_2270 = arith.mulf %sub3A_2266, %sub3A_2266 : vector<16xf32>
    %add3A_2271 = arith.addf %add3A_2269, %mul3A_2270 : vector<16xf32>
    %swap3A_2272 = arith.constant 592 : index
    %swap3A_2273 = tpu.vector_load %arg15[%swap3A_2272] {strides = array<i32>} : memref<1024xf32, #tpu.memory_space<vmem>>, vector<16xf32>,
    tpu.vector_store %arg15[%swap3A_2272], %add3A_2271 {strides = array<i32>} : memref<1024xf32, #tpu.memory_space<vmem>>, vector<16xf32>,
    %get3A_2274 = arith.constant 608 : index
    %get3A_2275 = tpu.vector_load %arg11[%get3A_2274] {strides = array<i32>} : memref<1024xi32, #tpu.memory_space<vmem>>, vector<16xi32>,
    %get3A_2276 = arith.constant 608 : index
    %get3A_2277 = tpu.vector_load %arg12[%get3A_2276] {strides = array<i32>} : memref<1024xf32, #tpu.memory_space<vmem>>, vector<16xf32>,
    %gather3A_2278 = tpu.vector_load_idx %arg8[%get3A_2275] : memref<8192xf32, #tpu.memory_space<vmem>>[vector<16xi32>], vector<16xf32>,
    %sub3A_2279 = arith.subf %get3A_2277, %gather3A_2278 : vector<16xf32>
    %get3A_2280 = arith.constant 608 : index
    %get3A_2281 = tpu.vector_load %arg13[%get3A_2280] {strides = array<i32>} : memref<1024xf32, #tpu.memory_space<vmem>>, vector<16xf32>,
    %gather3A_2282 = tpu.vector_load_idx %arg9[%get3A_2275] : memref<8192xf32, #tpu.memory_space<vmem>>[vector<16xi32>], vector<16xf32>,
    %sub3A_2283 = arith.subf %get3A_2281, %gather3A_2282 : vector<16xf32>
    %get3A_2284 = arith.constant 608 : index
    %get3A_2285 = tpu.vector_load %arg14[%get3A_2284] {strides = array<i32>} : memref<1024xf32, #tpu.memory_space<vmem>>, vector<16xf32>,
    %gather3A_2286 = tpu.vector_load_idx %arg10[%get3A_2275] : memref<8192xf32, #tpu.memory_space<vmem>>[vector<16xi32>], vector<16xf32>,
    %sub3A_2287 = arith.subf %get3A_2285, %gather3A_2286 : vector<16xf32>
    %mul3A_2288 = arith.mulf %sub3A_2279, %sub3A_2279 : vector<16xf32>
    %mul3A_2289 = arith.mulf %sub3A_2283, %sub3A_2283 : vector<16xf32>
    %add3A_2290 = arith.addf %mul3A_2288, %mul3A_2289 : vector<16xf32>
    %mul3A_2291 = arith.mulf %sub3A_2287, %sub3A_2287 : vector<16xf32>
    %add3A_2292 = arith.addf %add3A_2290, %mul3A_2291 : vector<16xf32>
    %swap3A_2293 = arith.constant 608 : index
    %swap3A_2294 = tpu.vector_load %arg15[%swap3A_2293] {strides = array<i32>} : memref<1024xf32, #tpu.memory_space<vmem>>, vector<16xf32>,
    tpu.vector_store %arg15[%swap3A_2293], %add3A_2292 {strides = array<i32>} : memref<1024xf32, #tpu.memory_space<vmem>>, vector<16xf32>,
    %get3A_2295 = arith.constant 624 : index
    %get3A_2296 = tpu.vector_load %arg11[%get3A_2295] {strides = array<i32>} : memref<1024xi32, #tpu.memory_space<vmem>>, vector<16xi32>,
    %get3A_2297 = arith.constant 624 : index
    %get3A_2298 = tpu.vector_load %arg12[%get3A_2297] {strides = array<i32>} : memref<1024xf32, #tpu.memory_space<vmem>>, vector<16xf32>,
    %gather3A_2299 = tpu.vector_load_idx %arg8[%get3A_2296] : memref<8192xf32, #tpu.memory_space<vmem>>[vector<16xi32>], vector<16xf32>,
    %sub3A_2300 = arith.subf %get3A_2298, %gather3A_2299 : vector<16xf32>
    %get3A_2301 = arith.constant 624 : index
    %get3A_2302 = tpu.vector_load %arg13[%get3A_2301] {strides = array<i32>} : memref<1024xf32, #tpu.memory_space<vmem>>, vector<16xf32>,
    %gather3A_2303 = tpu.vector_load_idx %arg9[%get3A_2296] : memref<8192xf32, #tpu.memory_space<vmem>>[vector<16xi32>], vector<16xf32>,
    %sub3A_2304 = arith.subf %get3A_2302, %gather3A_2303 : vector<16xf32>
    %get3A_2305 = arith.constant 624 : index
    %get3A_2306 = tpu.vector_load %arg14[%get3A_2305] {strides = array<i32>} : memref<1024xf32, #tpu.memory_space<vmem>>, vector<16xf32>,
    %gather3A_2307 = tpu.vector_load_idx %arg10[%get3A_2296] : memref<8192xf32, #tpu.memory_space<vmem>>[vector<16xi32>], vector<16xf32>,
    %sub3A_2308 = arith.subf %get3A_2306, %gather3A_2307 : vector<16xf32>
    %mul3A_2309 = arith.mulf %sub3A_2300, %sub3A_2300 : vector<16xf32>
    %mul3A_2310 = arith.mulf %sub3A_2304, %sub3A_2304 : vector<16xf32>
    %add3A_2311 = arith.addf %mul3A_2309, %mul3A_2310 : vector<16xf32>
    %mul3A_2312 = arith.mulf %sub3A_2308, %sub3A_2308 : vector<16xf32>
    %add3A_2313 = arith.addf %add3A_2311, %mul3A_2312 : vector<16xf32>
    %swap3A_2314 = arith.constant 624 : index
    %swap3A_2315 = tpu.vector_load %arg15[%swap3A_2314] {strides = array<i32>} : memref<1024xf32, #tpu.memory_space<vmem>>, vector<16xf32>,
    tpu.vector_store %arg15[%swap3A_2314], %add3A_2313 {strides = array<i32>} : memref<1024xf32, #tpu.memory_space<vmem>>, vector<16xf32>,
    %get3A_2316 = arith.constant 640 : index
    %get3A_2317 = tpu.vector_load %arg11[%get3A_2316] {strides = array<i32>} : memref<1024xi32, #tpu.memory_space<vmem>>, vector<16xi32>,
    %get3A_2318 = arith.constant 640 : index
    %get3A_2319 = tpu.vector_load %arg12[%get3A_2318] {strides = array<i32>} : memref<1024xf32, #tpu.memory_space<vmem>>, vector<16xf32>,
    %gather3A_2320 = tpu.vector_load_idx %arg8[%get3A_2317] : memref<8192xf32, #tpu.memory_space<vmem>>[vector<16xi32>], vector<16xf32>,
    %sub3A_2321 = arith.subf %get3A_2319, %gather3A_2320 : vector<16xf32>
    %get3A_2322 = arith.constant 640 : index
    %get3A_2323 = tpu.vector_load %arg13[%get3A_2322] {strides = array<i32>} : memref<1024xf32, #tpu.memory_space<vmem>>, vector<16xf32>,
    %gather3A_2324 = tpu.vector_load_idx %arg9[%get3A_2317] : memref<8192xf32, #tpu.memory_space<vmem>>[vector<16xi32>], vector<16xf32>,
    %sub3A_2325 = arith.subf %get3A_2323, %gather3A_2324 : vector<16xf32>
    %get3A_2326 = arith.constant 640 : index
    %get3A_2327 = tpu.vector_load %arg14[%get3A_2326] {strides = array<i32>} : memref<1024xf32, #tpu.memory_space<vmem>>, vector<16xf32>,
    %gather3A_2328 = tpu.vector_load_idx %arg10[%get3A_2317] : memref<8192xf32, #tpu.memory_space<vmem>>[vector<16xi32>], vector<16xf32>,
    %sub3A_2329 = arith.subf %get3A_2327, %gather3A_2328 : vector<16xf32>
    %mul3A_2330 = arith.mulf %sub3A_2321, %sub3A_2321 : vector<16xf32>
    %mul3A_2331 = arith.mulf %sub3A_2325, %sub3A_2325 : vector<16xf32>
    %add3A_2332 = arith.addf %mul3A_2330, %mul3A_2331 : vector<16xf32>
    %mul3A_2333 = arith.mulf %sub3A_2329, %sub3A_2329 : vector<16xf32>
    %add3A_2334 = arith.addf %add3A_2332, %mul3A_2333 : vector<16xf32>
    %swap3A_2335 = arith.constant 640 : index
    %swap3A_2336 = tpu.vector_load %arg15[%swap3A_2335] {strides = array<i32>} : memref<1024xf32, #tpu.memory_space<vmem>>, vector<16xf32>,
    tpu.vector_store %arg15[%swap3A_2335], %add3A_2334 {strides = array<i32>} : memref<1024xf32, #tpu.memory_space<vmem>>, vector<16xf32>,
    %get3A_2337 = arith.constant 656 : index
    %get3A_2338 = tpu.vector_load %arg11[%get3A_2337] {strides = array<i32>} : memref<1024xi32, #tpu.memory_space<vmem>>, vector<16xi32>,
    %get3A_2339 = arith.constant 656 : index
    %get3A_2340 = tpu.vector_load %arg12[%get3A_2339] {strides = array<i32>} : memref<1024xf32, #tpu.memory_space<vmem>>, vector<16xf32>,
    %gather3A_2341 = tpu.vector_load_idx %arg8[%get3A_2338] : memref<8192xf32, #tpu.memory_space<vmem>>[vector<16xi32>], vector<16xf32>,
    %sub3A_2342 = arith.subf %get3A_2340, %gather3A_2341 : vector<16xf32>
    %get3A_2343 = arith.constant 656 : index
    %get3A_2344 = tpu.vector_load %arg13[%get3A_2343] {strides = array<i32>} : memref<1024xf32, #tpu.memory_space<vmem>>, vector<16xf32>,
    %gather3A_2345 = tpu.vector_load_idx %arg9[%get3A_2338] : memref<8192xf32, #tpu.memory_space<vmem>>[vector<16xi32>], vector<16xf32>,
    %sub3A_2346 = arith.subf %get3A_2344, %gather3A_2345 : vector<16xf32>
    %get3A_2347 = arith.constant 656 : index
    %get3A_2348 = tpu.vector_load %arg14[%get3A_2347] {strides = array<i32>} : memref<1024xf32, #tpu.memory_space<vmem>>, vector<16xf32>,
    %gather3A_2349 = tpu.vector_load_idx %arg10[%get3A_2338] : memref<8192xf32, #tpu.memory_space<vmem>>[vector<16xi32>], vector<16xf32>,
    %sub3A_2350 = arith.subf %get3A_2348, %gather3A_2349 : vector<16xf32>
    %mul3A_2351 = arith.mulf %sub3A_2342, %sub3A_2342 : vector<16xf32>
    %mul3A_2352 = arith.mulf %sub3A_2346, %sub3A_2346 : vector<16xf32>
    %add3A_2353 = arith.addf %mul3A_2351, %mul3A_2352 : vector<16xf32>
    %mul3A_2354 = arith.mulf %sub3A_2350, %sub3A_2350 : vector<16xf32>
    %add3A_2355 = arith.addf %add3A_2353, %mul3A_2354 : vector<16xf32>
    %swap3A_2356 = arith.constant 656 : index
    %swap3A_2357 = tpu.vector_load %arg15[%swap3A_2356] {strides = array<i32>} : memref<1024xf32, #tpu.memory_space<vmem>>, vector<16xf32>,
    tpu.vector_store %arg15[%swap3A_2356], %add3A_2355 {strides = array<i32>} : memref<1024xf32, #tpu.memory_space<vmem>>, vector<16xf32>,
    %get3A_2358 = arith.constant 672 : index
    %get3A_2359 = tpu.vector_load %arg11[%get3A_2358] {strides = array<i32>} : memref<1024xi32, #tpu.memory_space<vmem>>, vector<16xi32>,
    %get3A_2360 = arith.constant 672 : index
    %get3A_2361 = tpu.vector_load %arg12[%get3A_2360] {strides = array<i32>} : memref<1024xf32, #tpu.memory_space<vmem>>, vector<16xf32>,
    %gather3A_2362 = tpu.vector_load_idx %arg8[%get3A_2359] : memref<8192xf32, #tpu.memory_space<vmem>>[vector<16xi32>], vector<16xf32>,
    %sub3A_2363 = arith.subf %get3A_2361, %gather3A_2362 : vector<16xf32>
    %get3A_2364 = arith.constant 672 : index
    %get3A_2365 = tpu.vector_load %arg13[%get3A_2364] {strides = array<i32>} : memref<1024xf32, #tpu.memory_space<vmem>>, vector<16xf32>,
    %gather3A_2366 = tpu.vector_load_idx %arg9[%get3A_2359] : memref<8192xf32, #tpu.memory_space<vmem>>[vector<16xi32>], vector<16xf32>,
    %sub3A_2367 = arith.subf %get3A_2365, %gather3A_2366 : vector<16xf32>
    %get3A_2368 = arith.constant 672 : index
    %get3A_2369 = tpu.vector_load %arg14[%get3A_2368] {strides = array<i32>} : memref<1024xf32, #tpu.memory_space<vmem>>, vector<16xf32>,
    %gather3A_2370 = tpu.vector_load_idx %arg10[%get3A_2359] : memref<8192xf32, #tpu.memory_space<vmem>>[vector<16xi32>], vector<16xf32>,
    %sub3A_2371 = arith.subf %get3A_2369, %gather3A_2370 : vector<16xf32>
    %mul3A_2372 = arith.mulf %sub3A_2363, %sub3A_2363 : vector<16xf32>
    %mul3A_2373 = arith.mulf %sub3A_2367, %sub3A_2367 : vector<16xf32>
    %add3A_2374 = arith.addf %mul3A_2372, %mul3A_2373 : vector<16xf32>
    %mul3A_2375 = arith.mulf %sub3A_2371, %sub3A_2371 : vector<16xf32>
    %add3A_2376 = arith.addf %add3A_2374, %mul3A_2375 : vector<16xf32>
    %swap3A_2377 = arith.constant 672 : index
    %swap3A_2378 = tpu.vector_load %arg15[%swap3A_2377] {strides = array<i32>} : memref<1024xf32, #tpu.memory_space<vmem>>, vector<16xf32>,
    tpu.vector_store %arg15[%swap3A_2377], %add3A_2376 {strides = array<i32>} : memref<1024xf32, #tpu.memory_space<vmem>>, vector<16xf32>,
    %get3A_2379 = arith.constant 688 : index
    %get3A_2380 = tpu.vector_load %arg11[%get3A_2379] {strides = array<i32>} : memref<1024xi32, #tpu.memory_space<vmem>>, vector<16xi32>,
    %get3A_2381 = arith.constant 688 : index
    %get3A_2382 = tpu.vector_load %arg12[%get3A_2381] {strides = array<i32>} : memref<1024xf32, #tpu.memory_space<vmem>>, vector<16xf32>,
    %gather3A_2383 = tpu.vector_load_idx %arg8[%get3A_2380] : memref<8192xf32, #tpu.memory_space<vmem>>[vector<16xi32>], vector<16xf32>,
    %sub3A_2384 = arith.subf %get3A_2382, %gather3A_2383 : vector<16xf32>
    %get3A_2385 = arith.constant 688 : index
    %get3A_2386 = tpu.vector_load %arg13[%get3A_2385] {strides = array<i32>} : memref<1024xf32, #tpu.memory_space<vmem>>, vector<16xf32>,
    %gather3A_2387 = tpu.vector_load_idx %arg9[%get3A_2380] : memref<8192xf32, #tpu.memory_space<vmem>>[vector<16xi32>], vector<16xf32>,
    %sub3A_2388 = arith.subf %get3A_2386, %gather3A_2387 : vector<16xf32>
    %get3A_2389 = arith.constant 688 : index
    %get3A_2390 = tpu.vector_load %arg14[%get3A_2389] {strides = array<i32>} : memref<1024xf32, #tpu.memory_space<vmem>>, vector<16xf32>,
    %gather3A_2391 = tpu.vector_load_idx %arg10[%get3A_2380] : memref<8192xf32, #tpu.memory_space<vmem>>[vector<16xi32>], vector<16xf32>,
    %sub3A_2392 = arith.subf %get3A_2390, %gather3A_2391 : vector<16xf32>
    %mul3A_2393 = arith.mulf %sub3A_2384, %sub3A_2384 : vector<16xf32>
    %mul3A_2394 = arith.mulf %sub3A_2388, %sub3A_2388 : vector<16xf32>
    %add3A_2395 = arith.addf %mul3A_2393, %mul3A_2394 : vector<16xf32>
    %mul3A_2396 = arith.mulf %sub3A_2392, %sub3A_2392 : vector<16xf32>
    %add3A_2397 = arith.addf %add3A_2395, %mul3A_2396 : vector<16xf32>
    %swap3A_2398 = arith.constant 688 : index
    %swap3A_2399 = tpu.vector_load %arg15[%swap3A_2398] {strides = array<i32>} : memref<1024xf32, #tpu.memory_space<vmem>>, vector<16xf32>,
    tpu.vector_store %arg15[%swap3A_2398], %add3A_2397 {strides = array<i32>} : memref<1024xf32, #tpu.memory_space<vmem>>, vector<16xf32>,
    %get3A_2400 = arith.constant 704 : index
    %get3A_2401 = tpu.vector_load %arg11[%get3A_2400] {strides = array<i32>} : memref<1024xi32, #tpu.memory_space<vmem>>, vector<16xi32>,
    %get3A_2402 = arith.constant 704 : index
    %get3A_2403 = tpu.vector_load %arg12[%get3A_2402] {strides = array<i32>} : memref<1024xf32, #tpu.memory_space<vmem>>, vector<16xf32>,
    %gather3A_2404 = tpu.vector_load_idx %arg8[%get3A_2401] : memref<8192xf32, #tpu.memory_space<vmem>>[vector<16xi32>], vector<16xf32>,
    %sub3A_2405 = arith.subf %get3A_2403, %gather3A_2404 : vector<16xf32>
    %get3A_2406 = arith.constant 704 : index
    %get3A_2407 = tpu.vector_load %arg13[%get3A_2406] {strides = array<i32>} : memref<1024xf32, #tpu.memory_space<vmem>>, vector<16xf32>,
    %gather3A_2408 = tpu.vector_load_idx %arg9[%get3A_2401] : memref<8192xf32, #tpu.memory_space<vmem>>[vector<16xi32>], vector<16xf32>,
    %sub3A_2409 = arith.subf %get3A_2407, %gather3A_2408 : vector<16xf32>
    %get3A_2410 = arith.constant 704 : index
    %get3A_2411 = tpu.vector_load %arg14[%get3A_2410] {strides = array<i32>} : memref<1024xf32, #tpu.memory_space<vmem>>, vector<16xf32>,
    %gather3A_2412 = tpu.vector_load_idx %arg10[%get3A_2401] : memref<8192xf32, #tpu.memory_space<vmem>>[vector<16xi32>], vector<16xf32>,
    %sub3A_2413 = arith.subf %get3A_2411, %gather3A_2412 : vector<16xf32>
    %mul3A_2414 = arith.mulf %sub3A_2405, %sub3A_2405 : vector<16xf32>
    %mul3A_2415 = arith.mulf %sub3A_2409, %sub3A_2409 : vector<16xf32>
    %add3A_2416 = arith.addf %mul3A_2414, %mul3A_2415 : vector<16xf32>
    %mul3A_2417 = arith.mulf %sub3A_2413, %sub3A_2413 : vector<16xf32>
    %add3A_2418 = arith.addf %add3A_2416, %mul3A_2417 : vector<16xf32>
    %swap3A_2419 = arith.constant 704 : index
    %swap3A_2420 = tpu.vector_load %arg15[%swap3A_2419] {strides = array<i32>} : memref<1024xf32, #tpu.memory_space<vmem>>, vector<16xf32>,
    tpu.vector_store %arg15[%swap3A_2419], %add3A_2418 {strides = array<i32>} : memref<1024xf32, #tpu.memory_space<vmem>>, vector<16xf32>,
    %get3A_2421 = arith.constant 720 : index
    %get3A_2422 = tpu.vector_load %arg11[%get3A_2421] {strides = array<i32>} : memref<1024xi32, #tpu.memory_space<vmem>>, vector<16xi32>,
    %get3A_2423 = arith.constant 720 : index
    %get3A_2424 = tpu.vector_load %arg12[%get3A_2423] {strides = array<i32>} : memref<1024xf32, #tpu.memory_space<vmem>>, vector<16xf32>,
    %gather3A_2425 = tpu.vector_load_idx %arg8[%get3A_2422] : memref<8192xf32, #tpu.memory_space<vmem>>[vector<16xi32>], vector<16xf32>,
    %sub3A_2426 = arith.subf %get3A_2424, %gather3A_2425 : vector<16xf32>
    %get3A_2427 = arith.constant 720 : index
    %get3A_2428 = tpu.vector_load %arg13[%get3A_2427] {strides = array<i32>} : memref<1024xf32, #tpu.memory_space<vmem>>, vector<16xf32>,
    %gather3A_2429 = tpu.vector_load_idx %arg9[%get3A_2422] : memref<8192xf32, #tpu.memory_space<vmem>>[vector<16xi32>], vector<16xf32>,
    %sub3A_2430 = arith.subf %get3A_2428, %gather3A_2429 : vector<16xf32>
    %get3A_2431 = arith.constant 720 : index
    %get3A_2432 = tpu.vector_load %arg14[%get3A_2431] {strides = array<i32>} : memref<1024xf32, #tpu.memory_space<vmem>>, vector<16xf32>,
    %gather3A_2433 = tpu.vector_load_idx %arg10[%get3A_2422] : memref<8192xf32, #tpu.memory_space<vmem>>[vector<16xi32>], vector<16xf32>,
    %sub3A_2434 = arith.subf %get3A_2432, %gather3A_2433 : vector<16xf32>
    %mul3A_2435 = arith.mulf %sub3A_2426, %sub3A_2426 : vector<16xf32>
    %mul3A_2436 = arith.mulf %sub3A_2430, %sub3A_2430 : vector<16xf32>
    %add3A_2437 = arith.addf %mul3A_2435, %mul3A_2436 : vector<16xf32>
    %mul3A_2438 = arith.mulf %sub3A_2434, %sub3A_2434 : vector<16xf32>
    %add3A_2439 = arith.addf %add3A_2437, %mul3A_2438 : vector<16xf32>
    %swap3A_2440 = arith.constant 720 : index
    %swap3A_2441 = tpu.vector_load %arg15[%swap3A_2440] {strides = array<i32>} : memref<1024xf32, #tpu.memory_space<vmem>>, vector<16xf32>,
    tpu.vector_store %arg15[%swap3A_2440], %add3A_2439 {strides = array<i32>} : memref<1024xf32, #tpu.memory_space<vmem>>, vector<16xf32>,
    %get3A_2442 = arith.constant 736 : index
    %get3A_2443 = tpu.vector_load %arg11[%get3A_2442] {strides = array<i32>} : memref<1024xi32, #tpu.memory_space<vmem>>, vector<16xi32>,
    %get3A_2444 = arith.constant 736 : index
    %get3A_2445 = tpu.vector_load %arg12[%get3A_2444] {strides = array<i32>} : memref<1024xf32, #tpu.memory_space<vmem>>, vector<16xf32>,
    %gather3A_2446 = tpu.vector_load_idx %arg8[%get3A_2443] : memref<8192xf32, #tpu.memory_space<vmem>>[vector<16xi32>], vector<16xf32>,
    %sub3A_2447 = arith.subf %get3A_2445, %gather3A_2446 : vector<16xf32>
    %get3A_2448 = arith.constant 736 : index
    %get3A_2449 = tpu.vector_load %arg13[%get3A_2448] {strides = array<i32>} : memref<1024xf32, #tpu.memory_space<vmem>>, vector<16xf32>,
    %gather3A_2450 = tpu.vector_load_idx %arg9[%get3A_2443] : memref<8192xf32, #tpu.memory_space<vmem>>[vector<16xi32>], vector<16xf32>,
    %sub3A_2451 = arith.subf %get3A_2449, %gather3A_2450 : vector<16xf32>
    %get3A_2452 = arith.constant 736 : index
    %get3A_2453 = tpu.vector_load %arg14[%get3A_2452] {strides = array<i32>} : memref<1024xf32, #tpu.memory_space<vmem>>, vector<16xf32>,
    %gather3A_2454 = tpu.vector_load_idx %arg10[%get3A_2443] : memref<8192xf32, #tpu.memory_space<vmem>>[vector<16xi32>], vector<16xf32>,
    %sub3A_2455 = arith.subf %get3A_2453, %gather3A_2454 : vector<16xf32>
    %mul3A_2456 = arith.mulf %sub3A_2447, %sub3A_2447 : vector<16xf32>
    %mul3A_2457 = arith.mulf %sub3A_2451, %sub3A_2451 : vector<16xf32>
    %add3A_2458 = arith.addf %mul3A_2456, %mul3A_2457 : vector<16xf32>
    %mul3A_2459 = arith.mulf %sub3A_2455, %sub3A_2455 : vector<16xf32>
    %add3A_2460 = arith.addf %add3A_2458, %mul3A_2459 : vector<16xf32>
    %swap3A_2461 = arith.constant 736 : index
    %swap3A_2462 = tpu.vector_load %arg15[%swap3A_2461] {strides = array<i32>} : memref<1024xf32, #tpu.memory_space<vmem>>, vector<16xf32>,
    tpu.vector_store %arg15[%swap3A_2461], %add3A_2460 {strides = array<i32>} : memref<1024xf32, #tpu.memory_space<vmem>>, vector<16xf32>,
    %get3A_2463 = arith.constant 752 : index
    %get3A_2464 = tpu.vector_load %arg11[%get3A_2463] {strides = array<i32>} : memref<1024xi32, #tpu.memory_space<vmem>>, vector<16xi32>,
    %get3A_2465 = arith.constant 752 : index
    %get3A_2466 = tpu.vector_load %arg12[%get3A_2465] {strides = array<i32>} : memref<1024xf32, #tpu.memory_space<vmem>>, vector<16xf32>,
    %gather3A_2467 = tpu.vector_load_idx %arg8[%get3A_2464] : memref<8192xf32, #tpu.memory_space<vmem>>[vector<16xi32>], vector<16xf32>,
    %sub3A_2468 = arith.subf %get3A_2466, %gather3A_2467 : vector<16xf32>
    %get3A_2469 = arith.constant 752 : index
    %get3A_2470 = tpu.vector_load %arg13[%get3A_2469] {strides = array<i32>} : memref<1024xf32, #tpu.memory_space<vmem>>, vector<16xf32>,
    %gather3A_2471 = tpu.vector_load_idx %arg9[%get3A_2464] : memref<8192xf32, #tpu.memory_space<vmem>>[vector<16xi32>], vector<16xf32>,
    %sub3A_2472 = arith.subf %get3A_2470, %gather3A_2471 : vector<16xf32>
    %get3A_2473 = arith.constant 752 : index
    %get3A_2474 = tpu.vector_load %arg14[%get3A_2473] {strides = array<i32>} : memref<1024xf32, #tpu.memory_space<vmem>>, vector<16xf32>,
    %gather3A_2475 = tpu.vector_load_idx %arg10[%get3A_2464] : memref<8192xf32, #tpu.memory_space<vmem>>[vector<16xi32>], vector<16xf32>,
    %sub3A_2476 = arith.subf %get3A_2474, %gather3A_2475 : vector<16xf32>
    %mul3A_2477 = arith.mulf %sub3A_2468, %sub3A_2468 : vector<16xf32>
    %mul3A_2478 = arith.mulf %sub3A_2472, %sub3A_2472 : vector<16xf32>
    %add3A_2479 = arith.addf %mul3A_2477, %mul3A_2478 : vector<16xf32>
    %mul3A_2480 = arith.mulf %sub3A_2476, %sub3A_2476 : vector<16xf32>
    %add3A_2481 = arith.addf %add3A_2479, %mul3A_2480 : vector<16xf32>
    %swap3A_2482 = arith.constant 752 : index
    %swap3A_2483 = tpu.vector_load %arg15[%swap3A_2482] {strides = array<i32>} : memref<1024xf32, #tpu.memory_space<vmem>>, vector<16xf32>,
    tpu.vector_store %arg15[%swap3A_2482], %add3A_2481 {strides = array<i32>} : memref<1024xf32, #tpu.memory_space<vmem>>, vector<16xf32>,
    %get3A_2484 = arith.constant 768 : index
    %get3A_2485 = tpu.vector_load %arg11[%get3A_2484] {strides = array<i32>} : memref<1024xi32, #tpu.memory_space<vmem>>, vector<16xi32>,
    %get3A_2486 = arith.constant 768 : index
    %get3A_2487 = tpu.vector_load %arg12[%get3A_2486] {strides = array<i32>} : memref<1024xf32, #tpu.memory_space<vmem>>, vector<16xf32>,
    %gather3A_2488 = tpu.vector_load_idx %arg8[%get3A_2485] : memref<8192xf32, #tpu.memory_space<vmem>>[vector<16xi32>], vector<16xf32>,
    %sub3A_2489 = arith.subf %get3A_2487, %gather3A_2488 : vector<16xf32>
    %get3A_2490 = arith.constant 768 : index
    %get3A_2491 = tpu.vector_load %arg13[%get3A_2490] {strides = array<i32>} : memref<1024xf32, #tpu.memory_space<vmem>>, vector<16xf32>,
    %gather3A_2492 = tpu.vector_load_idx %arg9[%get3A_2485] : memref<8192xf32, #tpu.memory_space<vmem>>[vector<16xi32>], vector<16xf32>,
    %sub3A_2493 = arith.subf %get3A_2491, %gather3A_2492 : vector<16xf32>
    %get3A_2494 = arith.constant 768 : index
    %get3A_2495 = tpu.vector_load %arg14[%get3A_2494] {strides = array<i32>} : memref<1024xf32, #tpu.memory_space<vmem>>, vector<16xf32>,
    %gather3A_2496 = tpu.vector_load_idx %arg10[%get3A_2485] : memref<8192xf32, #tpu.memory_space<vmem>>[vector<16xi32>], vector<16xf32>,
    %sub3A_2497 = arith.subf %get3A_2495, %gather3A_2496 : vector<16xf32>
    %mul3A_2498 = arith.mulf %sub3A_2489, %sub3A_2489 : vector<16xf32>
    %mul3A_2499 = arith.mulf %sub3A_2493, %sub3A_2493 : vector<16xf32>
    %add3A_2500 = arith.addf %mul3A_2498, %mul3A_2499 : vector<16xf32>
    %mul3A_2501 = arith.mulf %sub3A_2497, %sub3A_2497 : vector<16xf32>
    %add3A_2502 = arith.addf %add3A_2500, %mul3A_2501 : vector<16xf32>
    %swap3A_2503 = arith.constant 768 : index
    %swap3A_2504 = tpu.vector_load %arg15[%swap3A_2503] {strides = array<i32>} : memref<1024xf32, #tpu.memory_space<vmem>>, vector<16xf32>,
    tpu.vector_store %arg15[%swap3A_2503], %add3A_2502 {strides = array<i32>} : memref<1024xf32, #tpu.memory_space<vmem>>, vector<16xf32>,
    %get3A_2505 = arith.constant 784 : index
    %get3A_2506 = tpu.vector_load %arg11[%get3A_2505] {strides = array<i32>} : memref<1024xi32, #tpu.memory_space<vmem>>, vector<16xi32>,
    %get3A_2507 = arith.constant 784 : index
    %get3A_2508 = tpu.vector_load %arg12[%get3A_2507] {strides = array<i32>} : memref<1024xf32, #tpu.memory_space<vmem>>, vector<16xf32>,
    %gather3A_2509 = tpu.vector_load_idx %arg8[%get3A_2506] : memref<8192xf32, #tpu.memory_space<vmem>>[vector<16xi32>], vector<16xf32>,
    %sub3A_2510 = arith.subf %get3A_2508, %gather3A_2509 : vector<16xf32>
    %get3A_2511 = arith.constant 784 : index
    %get3A_2512 = tpu.vector_load %arg13[%get3A_2511] {strides = array<i32>} : memref<1024xf32, #tpu.memory_space<vmem>>, vector<16xf32>,
    %gather3A_2513 = tpu.vector_load_idx %arg9[%get3A_2506] : memref<8192xf32, #tpu.memory_space<vmem>>[vector<16xi32>], vector<16xf32>,
    %sub3A_2514 = arith.subf %get3A_2512, %gather3A_2513 : vector<16xf32>
    %get3A_2515 = arith.constant 784 : index
    %get3A_2516 = tpu.vector_load %arg14[%get3A_2515] {strides = array<i32>} : memref<1024xf32, #tpu.memory_space<vmem>>, vector<16xf32>,
    %gather3A_2517 = tpu.vector_load_idx %arg10[%get3A_2506] : memref<8192xf32, #tpu.memory_space<vmem>>[vector<16xi32>], vector<16xf32>,
    %sub3A_2518 = arith.subf %get3A_2516, %gather3A_2517 : vector<16xf32>
    %mul3A_2519 = arith.mulf %sub3A_2510, %sub3A_2510 : vector<16xf32>
    %mul3A_2520 = arith.mulf %sub3A_2514, %sub3A_2514 : vector<16xf32>
    %add3A_2521 = arith.addf %mul3A_2519, %mul3A_2520 : vector<16xf32>
    %mul3A_2522 = arith.mulf %sub3A_2518, %sub3A_2518 : vector<16xf32>
    %add3A_2523 = arith.addf %add3A_2521, %mul3A_2522 : vector<16xf32>
    %swap3A_2524 = arith.constant 784 : index
    %swap3A_2525 = tpu.vector_load %arg15[%swap3A_2524] {strides = array<i32>} : memref<1024xf32, #tpu.memory_space<vmem>>, vector<16xf32>,
    tpu.vector_store %arg15[%swap3A_2524], %add3A_2523 {strides = array<i32>} : memref<1024xf32, #tpu.memory_space<vmem>>, vector<16xf32>,
    %get3A_2526 = arith.constant 800 : index
    %get3A_2527 = tpu.vector_load %arg11[%get3A_2526] {strides = array<i32>} : memref<1024xi32, #tpu.memory_space<vmem>>, vector<16xi32>,
    %get3A_2528 = arith.constant 800 : index
    %get3A_2529 = tpu.vector_load %arg12[%get3A_2528] {strides = array<i32>} : memref<1024xf32, #tpu.memory_space<vmem>>, vector<16xf32>,
    %gather3A_2530 = tpu.vector_load_idx %arg8[%get3A_2527] : memref<8192xf32, #tpu.memory_space<vmem>>[vector<16xi32>], vector<16xf32>,
    %sub3A_2531 = arith.subf %get3A_2529, %gather3A_2530 : vector<16xf32>
    %get3A_2532 = arith.constant 800 : index
    %get3A_2533 = tpu.vector_load %arg13[%get3A_2532] {strides = array<i32>} : memref<1024xf32, #tpu.memory_space<vmem>>, vector<16xf32>,
    %gather3A_2534 = tpu.vector_load_idx %arg9[%get3A_2527] : memref<8192xf32, #tpu.memory_space<vmem>>[vector<16xi32>], vector<16xf32>,
    %sub3A_2535 = arith.subf %get3A_2533, %gather3A_2534 : vector<16xf32>
    %get3A_2536 = arith.constant 800 : index
    %get3A_2537 = tpu.vector_load %arg14[%get3A_2536] {strides = array<i32>} : memref<1024xf32, #tpu.memory_space<vmem>>, vector<16xf32>,
    %gather3A_2538 = tpu.vector_load_idx %arg10[%get3A_2527] : memref<8192xf32, #tpu.memory_space<vmem>>[vector<16xi32>], vector<16xf32>,
    %sub3A_2539 = arith.subf %get3A_2537, %gather3A_2538 : vector<16xf32>
    %mul3A_2540 = arith.mulf %sub3A_2531, %sub3A_2531 : vector<16xf32>
    %mul3A_2541 = arith.mulf %sub3A_2535, %sub3A_2535 : vector<16xf32>
    %add3A_2542 = arith.addf %mul3A_2540, %mul3A_2541 : vector<16xf32>
    %mul3A_2543 = arith.mulf %sub3A_2539, %sub3A_2539 : vector<16xf32>
    %add3A_2544 = arith.addf %add3A_2542, %mul3A_2543 : vector<16xf32>
    %swap3A_2545 = arith.constant 800 : index
    %swap3A_2546 = tpu.vector_load %arg15[%swap3A_2545] {strides = array<i32>} : memref<1024xf32, #tpu.memory_space<vmem>>, vector<16xf32>,
    tpu.vector_store %arg15[%swap3A_2545], %add3A_2544 {strides = array<i32>} : memref<1024xf32, #tpu.memory_space<vmem>>, vector<16xf32>,
    %get3A_2547 = arith.constant 816 : index
    %get3A_2548 = tpu.vector_load %arg11[%get3A_2547] {strides = array<i32>} : memref<1024xi32, #tpu.memory_space<vmem>>, vector<16xi32>,
    %get3A_2549 = arith.constant 816 : index
    %get3A_2550 = tpu.vector_load %arg12[%get3A_2549] {strides = array<i32>} : memref<1024xf32, #tpu.memory_space<vmem>>, vector<16xf32>,
    %gather3A_2551 = tpu.vector_load_idx %arg8[%get3A_2548] : memref<8192xf32, #tpu.memory_space<vmem>>[vector<16xi32>], vector<16xf32>,
    %sub3A_2552 = arith.subf %get3A_2550, %gather3A_2551 : vector<16xf32>
    %get3A_2553 = arith.constant 816 : index
    %get3A_2554 = tpu.vector_load %arg13[%get3A_2553] {strides = array<i32>} : memref<1024xf32, #tpu.memory_space<vmem>>, vector<16xf32>,
    %gather3A_2555 = tpu.vector_load_idx %arg9[%get3A_2548] : memref<8192xf32, #tpu.memory_space<vmem>>[vector<16xi32>], vector<16xf32>,
    %sub3A_2556 = arith.subf %get3A_2554, %gather3A_2555 : vector<16xf32>
    %get3A_2557 = arith.constant 816 : index
    %get3A_2558 = tpu.vector_load %arg14[%get3A_2557] {strides = array<i32>} : memref<1024xf32, #tpu.memory_space<vmem>>, vector<16xf32>,
    %gather3A_2559 = tpu.vector_load_idx %arg10[%get3A_2548] : memref<8192xf32, #tpu.memory_space<vmem>>[vector<16xi32>], vector<16xf32>,
    %sub3A_2560 = arith.subf %get3A_2558, %gather3A_2559 : vector<16xf32>
    %mul3A_2561 = arith.mulf %sub3A_2552, %sub3A_2552 : vector<16xf32>
    %mul3A_2562 = arith.mulf %sub3A_2556, %sub3A_2556 : vector<16xf32>
    %add3A_2563 = arith.addf %mul3A_2561, %mul3A_2562 : vector<16xf32>
    %mul3A_2564 = arith.mulf %sub3A_2560, %sub3A_2560 : vector<16xf32>
    %add3A_2565 = arith.addf %add3A_2563, %mul3A_2564 : vector<16xf32>
    %swap3A_2566 = arith.constant 816 : index
    %swap3A_2567 = tpu.vector_load %arg15[%swap3A_2566] {strides = array<i32>} : memref<1024xf32, #tpu.memory_space<vmem>>, vector<16xf32>,
    tpu.vector_store %arg15[%swap3A_2566], %add3A_2565 {strides = array<i32>} : memref<1024xf32, #tpu.memory_space<vmem>>, vector<16xf32>,
    %get3A_2568 = arith.constant 832 : index
    %get3A_2569 = tpu.vector_load %arg11[%get3A_2568] {strides = array<i32>} : memref<1024xi32, #tpu.memory_space<vmem>>, vector<16xi32>,
    %get3A_2570 = arith.constant 832 : index
    %get3A_2571 = tpu.vector_load %arg12[%get3A_2570] {strides = array<i32>} : memref<1024xf32, #tpu.memory_space<vmem>>, vector<16xf32>,
    %gather3A_2572 = tpu.vector_load_idx %arg8[%get3A_2569] : memref<8192xf32, #tpu.memory_space<vmem>>[vector<16xi32>], vector<16xf32>,
    %sub3A_2573 = arith.subf %get3A_2571, %gather3A_2572 : vector<16xf32>
    %get3A_2574 = arith.constant 832 : index
    %get3A_2575 = tpu.vector_load %arg13[%get3A_2574] {strides = array<i32>} : memref<1024xf32, #tpu.memory_space<vmem>>, vector<16xf32>,
    %gather3A_2576 = tpu.vector_load_idx %arg9[%get3A_2569] : memref<8192xf32, #tpu.memory_space<vmem>>[vector<16xi32>], vector<16xf32>,
    %sub3A_2577 = arith.subf %get3A_2575, %gather3A_2576 : vector<16xf32>
    %get3A_2578 = arith.constant 832 : index
    %get3A_2579 = tpu.vector_load %arg14[%get3A_2578] {strides = array<i32>} : memref<1024xf32, #tpu.memory_space<vmem>>, vector<16xf32>,
    %gather3A_2580 = tpu.vector_load_idx %arg10[%get3A_2569] : memref<8192xf32, #tpu.memory_space<vmem>>[vector<16xi32>], vector<16xf32>,
    %sub3A_2581 = arith.subf %get3A_2579, %gather3A_2580 : vector<16xf32>
    %mul3A_2582 = arith.mulf %sub3A_2573, %sub3A_2573 : vector<16xf32>
    %mul3A_2583 = arith.mulf %sub3A_2577, %sub3A_2577 : vector<16xf32>
    %add3A_2584 = arith.addf %mul3A_2582, %mul3A_2583 : vector<16xf32>
    %mul3A_2585 = arith.mulf %sub3A_2581, %sub3A_2581 : vector<16xf32>
    %add3A_2586 = arith.addf %add3A_2584, %mul3A_2585 : vector<16xf32>
    %swap3A_2587 = arith.constant 832 : index
    %swap3A_2588 = tpu.vector_load %arg15[%swap3A_2587] {strides = array<i32>} : memref<1024xf32, #tpu.memory_space<vmem>>, vector<16xf32>,
    tpu.vector_store %arg15[%swap3A_2587], %add3A_2586 {strides = array<i32>} : memref<1024xf32, #tpu.memory_space<vmem>>, vector<16xf32>,
    %get3A_2589 = arith.constant 848 : index
    %get3A_2590 = tpu.vector_load %arg11[%get3A_2589] {strides = array<i32>} : memref<1024xi32, #tpu.memory_space<vmem>>, vector<16xi32>,
    %get3A_2591 = arith.constant 848 : index
    %get3A_2592 = tpu.vector_load %arg12[%get3A_2591] {strides = array<i32>} : memref<1024xf32, #tpu.memory_space<vmem>>, vector<16xf32>,
    %gather3A_2593 = tpu.vector_load_idx %arg8[%get3A_2590] : memref<8192xf32, #tpu.memory_space<vmem>>[vector<16xi32>], vector<16xf32>,
    %sub3A_2594 = arith.subf %get3A_2592, %gather3A_2593 : vector<16xf32>
    %get3A_2595 = arith.constant 848 : index
    %get3A_2596 = tpu.vector_load %arg13[%get3A_2595] {strides = array<i32>} : memref<1024xf32, #tpu.memory_space<vmem>>, vector<16xf32>,
    %gather3A_2597 = tpu.vector_load_idx %arg9[%get3A_2590] : memref<8192xf32, #tpu.memory_space<vmem>>[vector<16xi32>], vector<16xf32>,
    %sub3A_2598 = arith.subf %get3A_2596, %gather3A_2597 : vector<16xf32>
    %get3A_2599 = arith.constant 848 : index
    %get3A_2600 = tpu.vector_load %arg14[%get3A_2599] {strides = array<i32>} : memref<1024xf32, #tpu.memory_space<vmem>>, vector<16xf32>,
    %gather3A_2601 = tpu.vector_load_idx %arg10[%get3A_2590] : memref<8192xf32, #tpu.memory_space<vmem>>[vector<16xi32>], vector<16xf32>,
    %sub3A_2602 = arith.subf %get3A_2600, %gather3A_2601 : vector<16xf32>
    %mul3A_2603 = arith.mulf %sub3A_2594, %sub3A_2594 : vector<16xf32>
    %mul3A_2604 = arith.mulf %sub3A_2598, %sub3A_2598 : vector<16xf32>
    %add3A_2605 = arith.addf %mul3A_2603, %mul3A_2604 : vector<16xf32>
    %mul3A_2606 = arith.mulf %sub3A_2602, %sub3A_2602 : vector<16xf32>
    %add3A_2607 = arith.addf %add3A_2605, %mul3A_2606 : vector<16xf32>
    %swap3A_2608 = arith.constant 848 : index
    %swap3A_2609 = tpu.vector_load %arg15[%swap3A_2608] {strides = array<i32>} : memref<1024xf32, #tpu.memory_space<vmem>>, vector<16xf32>,
    tpu.vector_store %arg15[%swap3A_2608], %add3A_2607 {strides = array<i32>} : memref<1024xf32, #tpu.memory_space<vmem>>, vector<16xf32>,
    %get3A_2610 = arith.constant 864 : index
    %get3A_2611 = tpu.vector_load %arg11[%get3A_2610] {strides = array<i32>} : memref<1024xi32, #tpu.memory_space<vmem>>, vector<16xi32>,
    %get3A_2612 = arith.constant 864 : index
    %get3A_2613 = tpu.vector_load %arg12[%get3A_2612] {strides = array<i32>} : memref<1024xf32, #tpu.memory_space<vmem>>, vector<16xf32>,
    %gather3A_2614 = tpu.vector_load_idx %arg8[%get3A_2611] : memref<8192xf32, #tpu.memory_space<vmem>>[vector<16xi32>], vector<16xf32>,
    %sub3A_2615 = arith.subf %get3A_2613, %gather3A_2614 : vector<16xf32>
    %get3A_2616 = arith.constant 864 : index
    %get3A_2617 = tpu.vector_load %arg13[%get3A_2616] {strides = array<i32>} : memref<1024xf32, #tpu.memory_space<vmem>>, vector<16xf32>,
    %gather3A_2618 = tpu.vector_load_idx %arg9[%get3A_2611] : memref<8192xf32, #tpu.memory_space<vmem>>[vector<16xi32>], vector<16xf32>,
    %sub3A_2619 = arith.subf %get3A_2617, %gather3A_2618 : vector<16xf32>
    %get3A_2620 = arith.constant 864 : index
    %get3A_2621 = tpu.vector_load %arg14[%get3A_2620] {strides = array<i32>} : memref<1024xf32, #tpu.memory_space<vmem>>, vector<16xf32>,
    %gather3A_2622 = tpu.vector_load_idx %arg10[%get3A_2611] : memref<8192xf32, #tpu.memory_space<vmem>>[vector<16xi32>], vector<16xf32>,
    %sub3A_2623 = arith.subf %get3A_2621, %gather3A_2622 : vector<16xf32>
    %mul3A_2624 = arith.mulf %sub3A_2615, %sub3A_2615 : vector<16xf32>
    %mul3A_2625 = arith.mulf %sub3A_2619, %sub3A_2619 : vector<16xf32>
    %add3A_2626 = arith.addf %mul3A_2624, %mul3A_2625 : vector<16xf32>
    %mul3A_2627 = arith.mulf %sub3A_2623, %sub3A_2623 : vector<16xf32>
    %add3A_2628 = arith.addf %add3A_2626, %mul3A_2627 : vector<16xf32>
    %swap3A_2629 = arith.constant 864 : index
    %swap3A_2630 = tpu.vector_load %arg15[%swap3A_2629] {strides = array<i32>} : memref<1024xf32, #tpu.memory_space<vmem>>, vector<16xf32>,
    tpu.vector_store %arg15[%swap3A_2629], %add3A_2628 {strides = array<i32>} : memref<1024xf32, #tpu.memory_space<vmem>>, vector<16xf32>,
    %get3A_2631 = arith.constant 880 : index
    %get3A_2632 = tpu.vector_load %arg11[%get3A_2631] {strides = array<i32>} : memref<1024xi32, #tpu.memory_space<vmem>>, vector<16xi32>,
    %get3A_2633 = arith.constant 880 : index
    %get3A_2634 = tpu.vector_load %arg12[%get3A_2633] {strides = array<i32>} : memref<1024xf32, #tpu.memory_space<vmem>>, vector<16xf32>,
    %gather3A_2635 = tpu.vector_load_idx %arg8[%get3A_2632] : memref<8192xf32, #tpu.memory_space<vmem>>[vector<16xi32>], vector<16xf32>,
    %sub3A_2636 = arith.subf %get3A_2634, %gather3A_2635 : vector<16xf32>
    %get3A_2637 = arith.constant 880 : index
    %get3A_2638 = tpu.vector_load %arg13[%get3A_2637] {strides = array<i32>} : memref<1024xf32, #tpu.memory_space<vmem>>, vector<16xf32>,
    %gather3A_2639 = tpu.vector_load_idx %arg9[%get3A_2632] : memref<8192xf32, #tpu.memory_space<vmem>>[vector<16xi32>], vector<16xf32>,
    %sub3A_2640 = arith.subf %get3A_2638, %gather3A_2639 : vector<16xf32>
    %get3A_2641 = arith.constant 880 : index
    %get3A_2642 = tpu.vector_load %arg14[%get3A_2641] {strides = array<i32>} : memref<1024xf32, #tpu.memory_space<vmem>>, vector<16xf32>,
    %gather3A_2643 = tpu.vector_load_idx %arg10[%get3A_2632] : memref<8192xf32, #tpu.memory_space<vmem>>[vector<16xi32>], vector<16xf32>,
    %sub3A_2644 = arith.subf %get3A_2642, %gather3A_2643 : vector<16xf32>
    %mul3A_2645 = arith.mulf %sub3A_2636, %sub3A_2636 : vector<16xf32>
    %mul3A_2646 = arith.mulf %sub3A_2640, %sub3A_2640 : vector<16xf32>
    %add3A_2647 = arith.addf %mul3A_2645, %mul3A_2646 : vector<16xf32>
    %mul3A_2648 = arith.mulf %sub3A_2644, %sub3A_2644 : vector<16xf32>
    %add3A_2649 = arith.addf %add3A_2647, %mul3A_2648 : vector<16xf32>
    %swap3A_2650 = arith.constant 880 : index
    %swap3A_2651 = tpu.vector_load %arg15[%swap3A_2650] {strides = array<i32>} : memref<1024xf32, #tpu.memory_space<vmem>>, vector<16xf32>,
    tpu.vector_store %arg15[%swap3A_2650], %add3A_2649 {strides = array<i32>} : memref<1024xf32, #tpu.memory_space<vmem>>, vector<16xf32>,
    %get3A_2652 = arith.constant 896 : index
    %get3A_2653 = tpu.vector_load %arg11[%get3A_2652] {strides = array<i32>} : memref<1024xi32, #tpu.memory_space<vmem>>, vector<16xi32>,
    %get3A_2654 = arith.constant 896 : index
    %get3A_2655 = tpu.vector_load %arg12[%get3A_2654] {strides = array<i32>} : memref<1024xf32, #tpu.memory_space<vmem>>, vector<16xf32>,
    %gather3A_2656 = tpu.vector_load_idx %arg8[%get3A_2653] : memref<8192xf32, #tpu.memory_space<vmem>>[vector<16xi32>], vector<16xf32>,
    %sub3A_2657 = arith.subf %get3A_2655, %gather3A_2656 : vector<16xf32>
    %get3A_2658 = arith.constant 896 : index
    %get3A_2659 = tpu.vector_load %arg13[%get3A_2658] {strides = array<i32>} : memref<1024xf32, #tpu.memory_space<vmem>>, vector<16xf32>,
    %gather3A_2660 = tpu.vector_load_idx %arg9[%get3A_2653] : memref<8192xf32, #tpu.memory_space<vmem>>[vector<16xi32>], vector<16xf32>,
    %sub3A_2661 = arith.subf %get3A_2659, %gather3A_2660 : vector<16xf32>
    %get3A_2662 = arith.constant 896 : index
    %get3A_2663 = tpu.vector_load %arg14[%get3A_2662] {strides = array<i32>} : memref<1024xf32, #tpu.memory_space<vmem>>, vector<16xf32>,
    %gather3A_2664 = tpu.vector_load_idx %arg10[%get3A_2653] : memref<8192xf32, #tpu.memory_space<vmem>>[vector<16xi32>], vector<16xf32>,
    %sub3A_2665 = arith.subf %get3A_2663, %gather3A_2664 : vector<16xf32>
    %mul3A_2666 = arith.mulf %sub3A_2657, %sub3A_2657 : vector<16xf32>
    %mul3A_2667 = arith.mulf %sub3A_2661, %sub3A_2661 : vector<16xf32>
    %add3A_2668 = arith.addf %mul3A_2666, %mul3A_2667 : vector<16xf32>
    %mul3A_2669 = arith.mulf %sub3A_2665, %sub3A_2665 : vector<16xf32>
    %add3A_2670 = arith.addf %add3A_2668, %mul3A_2669 : vector<16xf32>
    %swap3A_2671 = arith.constant 896 : index
    %swap3A_2672 = tpu.vector_load %arg15[%swap3A_2671] {strides = array<i32>} : memref<1024xf32, #tpu.memory_space<vmem>>, vector<16xf32>,
    tpu.vector_store %arg15[%swap3A_2671], %add3A_2670 {strides = array<i32>} : memref<1024xf32, #tpu.memory_space<vmem>>, vector<16xf32>,
    %get3A_2673 = arith.constant 912 : index
    %get3A_2674 = tpu.vector_load %arg11[%get3A_2673] {strides = array<i32>} : memref<1024xi32, #tpu.memory_space<vmem>>, vector<16xi32>,
    %get3A_2675 = arith.constant 912 : index
    %get3A_2676 = tpu.vector_load %arg12[%get3A_2675] {strides = array<i32>} : memref<1024xf32, #tpu.memory_space<vmem>>, vector<16xf32>,
    %gather3A_2677 = tpu.vector_load_idx %arg8[%get3A_2674] : memref<8192xf32, #tpu.memory_space<vmem>>[vector<16xi32>], vector<16xf32>,
    %sub3A_2678 = arith.subf %get3A_2676, %gather3A_2677 : vector<16xf32>
    %get3A_2679 = arith.constant 912 : index
    %get3A_2680 = tpu.vector_load %arg13[%get3A_2679] {strides = array<i32>} : memref<1024xf32, #tpu.memory_space<vmem>>, vector<16xf32>,
    %gather3A_2681 = tpu.vector_load_idx %arg9[%get3A_2674] : memref<8192xf32, #tpu.memory_space<vmem>>[vector<16xi32>], vector<16xf32>,
    %sub3A_2682 = arith.subf %get3A_2680, %gather3A_2681 : vector<16xf32>
    %get3A_2683 = arith.constant 912 : index
    %get3A_2684 = tpu.vector_load %arg14[%get3A_2683] {strides = array<i32>} : memref<1024xf32, #tpu.memory_space<vmem>>, vector<16xf32>,
    %gather3A_2685 = tpu.vector_load_idx %arg10[%get3A_2674] : memref<8192xf32, #tpu.memory_space<vmem>>[vector<16xi32>], vector<16xf32>,
    %sub3A_2686 = arith.subf %get3A_2684, %gather3A_2685 : vector<16xf32>
    %mul3A_2687 = arith.mulf %sub3A_2678, %sub3A_2678 : vector<16xf32>
    %mul3A_2688 = arith.mulf %sub3A_2682, %sub3A_2682 : vector<16xf32>
    %add3A_2689 = arith.addf %mul3A_2687, %mul3A_2688 : vector<16xf32>
    %mul3A_2690 = arith.mulf %sub3A_2686, %sub3A_2686 : vector<16xf32>
    %add3A_2691 = arith.addf %add3A_2689, %mul3A_2690 : vector<16xf32>
    %swap3A_2692 = arith.constant 912 : index
    %swap3A_2693 = tpu.vector_load %arg15[%swap3A_2692] {strides = array<i32>} : memref<1024xf32, #tpu.memory_space<vmem>>, vector<16xf32>,
    tpu.vector_store %arg15[%swap3A_2692], %add3A_2691 {strides = array<i32>} : memref<1024xf32, #tpu.memory_space<vmem>>, vector<16xf32>,
    %get3A_2694 = arith.constant 928 : index
    %get3A_2695 = tpu.vector_load %arg11[%get3A_2694] {strides = array<i32>} : memref<1024xi32, #tpu.memory_space<vmem>>, vector<16xi32>,
    %get3A_2696 = arith.constant 928 : index
    %get3A_2697 = tpu.vector_load %arg12[%get3A_2696] {strides = array<i32>} : memref<1024xf32, #tpu.memory_space<vmem>>, vector<16xf32>,
    %gather3A_2698 = tpu.vector_load_idx %arg8[%get3A_2695] : memref<8192xf32, #tpu.memory_space<vmem>>[vector<16xi32>], vector<16xf32>,
    %sub3A_2699 = arith.subf %get3A_2697, %gather3A_2698 : vector<16xf32>
    %get3A_2700 = arith.constant 928 : index
    %get3A_2701 = tpu.vector_load %arg13[%get3A_2700] {strides = array<i32>} : memref<1024xf32, #tpu.memory_space<vmem>>, vector<16xf32>,
    %gather3A_2702 = tpu.vector_load_idx %arg9[%get3A_2695] : memref<8192xf32, #tpu.memory_space<vmem>>[vector<16xi32>], vector<16xf32>,
    %sub3A_2703 = arith.subf %get3A_2701, %gather3A_2702 : vector<16xf32>
    %get3A_2704 = arith.constant 928 : index
    %get3A_2705 = tpu.vector_load %arg14[%get3A_2704] {strides = array<i32>} : memref<1024xf32, #tpu.memory_space<vmem>>, vector<16xf32>,
    %gather3A_2706 = tpu.vector_load_idx %arg10[%get3A_2695] : memref<8192xf32, #tpu.memory_space<vmem>>[vector<16xi32>], vector<16xf32>,
    %sub3A_2707 = arith.subf %get3A_2705, %gather3A_2706 : vector<16xf32>
    %mul3A_2708 = arith.mulf %sub3A_2699, %sub3A_2699 : vector<16xf32>
    %mul3A_2709 = arith.mulf %sub3A_2703, %sub3A_2703 : vector<16xf32>
    %add3A_2710 = arith.addf %mul3A_2708, %mul3A_2709 : vector<16xf32>
    %mul3A_2711 = arith.mulf %sub3A_2707, %sub3A_2707 : vector<16xf32>
    %add3A_2712 = arith.addf %add3A_2710, %mul3A_2711 : vector<16xf32>
    %swap3A_2713 = arith.constant 928 : index
    %swap3A_2714 = tpu.vector_load %arg15[%swap3A_2713] {strides = array<i32>} : memref<1024xf32, #tpu.memory_space<vmem>>, vector<16xf32>,
    tpu.vector_store %arg15[%swap3A_2713], %add3A_2712 {strides = array<i32>} : memref<1024xf32, #tpu.memory_space<vmem>>, vector<16xf32>,
    %get3A_2715 = arith.constant 944 : index
    %get3A_2716 = tpu.vector_load %arg11[%get3A_2715] {strides = array<i32>} : memref<1024xi32, #tpu.memory_space<vmem>>, vector<16xi32>,
    %get3A_2717 = arith.constant 944 : index
    %get3A_2718 = tpu.vector_load %arg12[%get3A_2717] {strides = array<i32>} : memref<1024xf32, #tpu.memory_space<vmem>>, vector<16xf32>,
    %gather3A_2719 = tpu.vector_load_idx %arg8[%get3A_2716] : memref<8192xf32, #tpu.memory_space<vmem>>[vector<16xi32>], vector<16xf32>,
    %sub3A_2720 = arith.subf %get3A_2718, %gather3A_2719 : vector<16xf32>
    %get3A_2721 = arith.constant 944 : index
    %get3A_2722 = tpu.vector_load %arg13[%get3A_2721] {strides = array<i32>} : memref<1024xf32, #tpu.memory_space<vmem>>, vector<16xf32>,
    %gather3A_2723 = tpu.vector_load_idx %arg9[%get3A_2716] : memref<8192xf32, #tpu.memory_space<vmem>>[vector<16xi32>], vector<16xf32>,
    %sub3A_2724 = arith.subf %get3A_2722, %gather3A_2723 : vector<16xf32>
    %get3A_2725 = arith.constant 944 : index
    %get3A_2726 = tpu.vector_load %arg14[%get3A_2725] {strides = array<i32>} : memref<1024xf32, #tpu.memory_space<vmem>>, vector<16xf32>,
    %gather3A_2727 = tpu.vector_load_idx %arg10[%get3A_2716] : memref<8192xf32, #tpu.memory_space<vmem>>[vector<16xi32>], vector<16xf32>,
    %sub3A_2728 = arith.subf %get3A_2726, %gather3A_2727 : vector<16xf32>
    %mul3A_2729 = arith.mulf %sub3A_2720, %sub3A_2720 : vector<16xf32>
    %mul3A_2730 = arith.mulf %sub3A_2724, %sub3A_2724 : vector<16xf32>
    %add3A_2731 = arith.addf %mul3A_2729, %mul3A_2730 : vector<16xf32>
    %mul3A_2732 = arith.mulf %sub3A_2728, %sub3A_2728 : vector<16xf32>
    %add3A_2733 = arith.addf %add3A_2731, %mul3A_2732 : vector<16xf32>
    %swap3A_2734 = arith.constant 944 : index
    %swap3A_2735 = tpu.vector_load %arg15[%swap3A_2734] {strides = array<i32>} : memref<1024xf32, #tpu.memory_space<vmem>>, vector<16xf32>,
    tpu.vector_store %arg15[%swap3A_2734], %add3A_2733 {strides = array<i32>} : memref<1024xf32, #tpu.memory_space<vmem>>, vector<16xf32>,
    %get3A_2736 = arith.constant 960 : index
    %get3A_2737 = tpu.vector_load %arg11[%get3A_2736] {strides = array<i32>} : memref<1024xi32, #tpu.memory_space<vmem>>, vector<16xi32>,
    %get3A_2738 = arith.constant 960 : index
    %get3A_2739 = tpu.vector_load %arg12[%get3A_2738] {strides = array<i32>} : memref<1024xf32, #tpu.memory_space<vmem>>, vector<16xf32>,
    %gather3A_2740 = tpu.vector_load_idx %arg8[%get3A_2737] : memref<8192xf32, #tpu.memory_space<vmem>>[vector<16xi32>], vector<16xf32>,
    %sub3A_2741 = arith.subf %get3A_2739, %gather3A_2740 : vector<16xf32>
    %get3A_2742 = arith.constant 960 : index
    %get3A_2743 = tpu.vector_load %arg13[%get3A_2742] {strides = array<i32>} : memref<1024xf32, #tpu.memory_space<vmem>>, vector<16xf32>,
    %gather3A_2744 = tpu.vector_load_idx %arg9[%get3A_2737] : memref<8192xf32, #tpu.memory_space<vmem>>[vector<16xi32>], vector<16xf32>,
    %sub3A_2745 = arith.subf %get3A_2743, %gather3A_2744 : vector<16xf32>
    %get3A_2746 = arith.constant 960 : index
    %get3A_2747 = tpu.vector_load %arg14[%get3A_2746] {strides = array<i32>} : memref<1024xf32, #tpu.memory_space<vmem>>, vector<16xf32>,
    %gather3A_2748 = tpu.vector_load_idx %arg10[%get3A_2737] : memref<8192xf32, #tpu.memory_space<vmem>>[vector<16xi32>], vector<16xf32>,
    %sub3A_2749 = arith.subf %get3A_2747, %gather3A_2748 : vector<16xf32>
    %mul3A_2750 = arith.mulf %sub3A_2741, %sub3A_2741 : vector<16xf32>
    %mul3A_2751 = arith.mulf %sub3A_2745, %sub3A_2745 : vector<16xf32>
    %add3A_2752 = arith.addf %mul3A_2750, %mul3A_2751 : vector<16xf32>
    %mul3A_2753 = arith.mulf %sub3A_2749, %sub3A_2749 : vector<16xf32>
    %add3A_2754 = arith.addf %add3A_2752, %mul3A_2753 : vector<16xf32>
    %swap3A_2755 = arith.constant 960 : index
    %swap3A_2756 = tpu.vector_load %arg15[%swap3A_2755] {strides = array<i32>} : memref<1024xf32, #tpu.memory_space<vmem>>, vector<16xf32>,
    tpu.vector_store %arg15[%swap3A_2755], %add3A_2754 {strides = array<i32>} : memref<1024xf32, #tpu.memory_space<vmem>>, vector<16xf32>,
    %get3A_2757 = arith.constant 976 : index
    %get3A_2758 = tpu.vector_load %arg11[%get3A_2757] {strides = array<i32>} : memref<1024xi32, #tpu.memory_space<vmem>>, vector<16xi32>,
    %get3A_2759 = arith.constant 976 : index
    %get3A_2760 = tpu.vector_load %arg12[%get3A_2759] {strides = array<i32>} : memref<1024xf32, #tpu.memory_space<vmem>>, vector<16xf32>,
    %gather3A_2761 = tpu.vector_load_idx %arg8[%get3A_2758] : memref<8192xf32, #tpu.memory_space<vmem>>[vector<16xi32>], vector<16xf32>,
    %sub3A_2762 = arith.subf %get3A_2760, %gather3A_2761 : vector<16xf32>
    %get3A_2763 = arith.constant 976 : index
    %get3A_2764 = tpu.vector_load %arg13[%get3A_2763] {strides = array<i32>} : memref<1024xf32, #tpu.memory_space<vmem>>, vector<16xf32>,
    %gather3A_2765 = tpu.vector_load_idx %arg9[%get3A_2758] : memref<8192xf32, #tpu.memory_space<vmem>>[vector<16xi32>], vector<16xf32>,
    %sub3A_2766 = arith.subf %get3A_2764, %gather3A_2765 : vector<16xf32>
    %get3A_2767 = arith.constant 976 : index
    %get3A_2768 = tpu.vector_load %arg14[%get3A_2767] {strides = array<i32>} : memref<1024xf32, #tpu.memory_space<vmem>>, vector<16xf32>,
    %gather3A_2769 = tpu.vector_load_idx %arg10[%get3A_2758] : memref<8192xf32, #tpu.memory_space<vmem>>[vector<16xi32>], vector<16xf32>,
    %sub3A_2770 = arith.subf %get3A_2768, %gather3A_2769 : vector<16xf32>
    %mul3A_2771 = arith.mulf %sub3A_2762, %sub3A_2762 : vector<16xf32>
    %mul3A_2772 = arith.mulf %sub3A_2766, %sub3A_2766 : vector<16xf32>
    %add3A_2773 = arith.addf %mul3A_2771, %mul3A_2772 : vector<16xf32>
    %mul3A_2774 = arith.mulf %sub3A_2770, %sub3A_2770 : vector<16xf32>
    %add3A_2775 = arith.addf %add3A_2773, %mul3A_2774 : vector<16xf32>
    %swap3A_2776 = arith.constant 976 : index
    %swap3A_2777 = tpu.vector_load %arg15[%swap3A_2776] {strides = array<i32>} : memref<1024xf32, #tpu.memory_space<vmem>>, vector<16xf32>,
    tpu.vector_store %arg15[%swap3A_2776], %add3A_2775 {strides = array<i32>} : memref<1024xf32, #tpu.memory_space<vmem>>, vector<16xf32>,
    %get3A_2778 = arith.constant 992 : index
    %get3A_2779 = tpu.vector_load %arg11[%get3A_2778] {strides = array<i32>} : memref<1024xi32, #tpu.memory_space<vmem>>, vector<16xi32>,
    %get3A_2780 = arith.constant 992 : index
    %get3A_2781 = tpu.vector_load %arg12[%get3A_2780] {strides = array<i32>} : memref<1024xf32, #tpu.memory_space<vmem>>, vector<16xf32>,
    %gather3A_2782 = tpu.vector_load_idx %arg8[%get3A_2779] : memref<8192xf32, #tpu.memory_space<vmem>>[vector<16xi32>], vector<16xf32>,
    %sub3A_2783 = arith.subf %get3A_2781, %gather3A_2782 : vector<16xf32>
    %get3A_2784 = arith.constant 992 : index
    %get3A_2785 = tpu.vector_load %arg13[%get3A_2784] {strides = array<i32>} : memref<1024xf32, #tpu.memory_space<vmem>>, vector<16xf32>,
    %gather3A_2786 = tpu.vector_load_idx %arg9[%get3A_2779] : memref<8192xf32, #tpu.memory_space<vmem>>[vector<16xi32>], vector<16xf32>,
    %sub3A_2787 = arith.subf %get3A_2785, %gather3A_2786 : vector<16xf32>
    %get3A_2788 = arith.constant 992 : index
    %get3A_2789 = tpu.vector_load %arg14[%get3A_2788] {strides = array<i32>} : memref<1024xf32, #tpu.memory_space<vmem>>, vector<16xf32>,
    %gather3A_2790 = tpu.vector_load_idx %arg10[%get3A_2779] : memref<8192xf32, #tpu.memory_space<vmem>>[vector<16xi32>], vector<16xf32>,
    %sub3A_2791 = arith.subf %get3A_2789, %gather3A_2790 : vector<16xf32>
    %mul3A_2792 = arith.mulf %sub3A_2783, %sub3A_2783 : vector<16xf32>
    %mul3A_2793 = arith.mulf %sub3A_2787, %sub3A_2787 : vector<16xf32>
    %add3A_2794 = arith.addf %mul3A_2792, %mul3A_2793 : vector<16xf32>
    %mul3A_2795 = arith.mulf %sub3A_2791, %sub3A_2791 : vector<16xf32>
    %add3A_2796 = arith.addf %add3A_2794, %mul3A_2795 : vector<16xf32>
    %swap3A_2797 = arith.constant 992 : index
    %swap3A_2798 = tpu.vector_load %arg15[%swap3A_2797] {strides = array<i32>} : memref<1024xf32, #tpu.memory_space<vmem>>, vector<16xf32>,
    tpu.vector_store %arg15[%swap3A_2797], %add3A_2796 {strides = array<i32>} : memref<1024xf32, #tpu.memory_space<vmem>>, vector<16xf32>,
    %get3A_2799 = arith.constant 1008 : index
    %get3A_2800 = tpu.vector_load %arg11[%get3A_2799] {strides = array<i32>} : memref<1024xi32, #tpu.memory_space<vmem>>, vector<16xi32>,
    %get3A_2801 = arith.constant 1008 : index
    %get3A_2802 = tpu.vector_load %arg12[%get3A_2801] {strides = array<i32>} : memref<1024xf32, #tpu.memory_space<vmem>>, vector<16xf32>,
    %gather3A_2803 = tpu.vector_load_idx %arg8[%get3A_2800] : memref<8192xf32, #tpu.memory_space<vmem>>[vector<16xi32>], vector<16xf32>,
    %sub3A_2804 = arith.subf %get3A_2802, %gather3A_2803 : vector<16xf32>
    %get3A_2805 = arith.constant 1008 : index
    %get3A_2806 = tpu.vector_load %arg13[%get3A_2805] {strides = array<i32>} : memref<1024xf32, #tpu.memory_space<vmem>>, vector<16xf32>,
    %gather3A_2807 = tpu.vector_load_idx %arg9[%get3A_2800] : memref<8192xf32, #tpu.memory_space<vmem>>[vector<16xi32>], vector<16xf32>,
    %sub3A_2808 = arith.subf %get3A_2806, %gather3A_2807 : vector<16xf32>
    %get3A_2809 = arith.constant 1008 : index
    %get3A_2810 = tpu.vector_load %arg14[%get3A_2809] {strides = array<i32>} : memref<1024xf32, #tpu.memory_space<vmem>>, vector<16xf32>,
    %gather3A_2811 = tpu.vector_load_idx %arg10[%get3A_2800] : memref<8192xf32, #tpu.memory_space<vmem>>[vector<16xi32>], vector<16xf32>,
    %sub3A_2812 = arith.subf %get3A_2810, %gather3A_2811 : vector<16xf32>
    %mul3A_2813 = arith.mulf %sub3A_2804, %sub3A_2804 : vector<16xf32>
    %mul3A_2814 = arith.mulf %sub3A_2808, %sub3A_2808 : vector<16xf32>
    %add3A_2815 = arith.addf %mul3A_2813, %mul3A_2814 : vector<16xf32>
    %mul3A_2816 = arith.mulf %sub3A_2812, %sub3A_2812 : vector<16xf32>
    %add3A_2817 = arith.addf %add3A_2815, %mul3A_2816 : vector<16xf32>
    %swap3A_2818 = arith.constant 1008 : index
    %swap3A_2819 = tpu.vector_load %arg15[%swap3A_2818] {strides = array<i32>} : memref<1024xf32, #tpu.memory_space<vmem>>, vector<16xf32>,
    tpu.vector_store %arg15[%swap3A_2818], %add3A_2817 {strides = array<i32>} : memref<1024xf32, #tpu.memory_space<vmem>>, vector<16xf32>,
    "tpu.region"() ({
      %run_scoped3A = tpu.sem_alloc : memref<!tpu.dma_semaphore, #tpu.memory_space<semaphore_mem>>
      %dma_start3A = arith.constant 0 : i32
      %dma_start3A_2820 = tpu.memref_slice %arg15[%dma_start3A] : memref<1024xf32, #tpu.memory_space<vmem>> -> memref<1024xf32, #tpu.memory_space<vmem>>
      %dma_start3A_2821 = tpu.memref_slice %arg7[%add3A_1436] : memref<32768xf32, #tpu.memory_space<hbm>> -> memref<1024xf32, #tpu.memory_space<hbm>>
      %dma_start3A_2822 = tpu.memref_slice %arg7[%add3A_1436] : memref<32768xf32, #tpu.memory_space<hbm>> -> memref<1024xf32, #tpu.memory_space<hbm>>
      %dma_start3A_2823 = arith.constant 0 : i32
      %dma_start3A_2824 = tpu.memref_slice %arg15[%dma_start3A_2823] : memref<1024xf32, #tpu.memory_space<vmem>> -> memref<1024xf32, #tpu.memory_space<vmem>>
      tpu.enqueue_dma source(%dma_start3A_2824 : memref<1024xf32, #tpu.memory_space<vmem>>) target(%dma_start3A_2822 : memref<1024xf32, #tpu.memory_space<hbm>>) target_semaphore(%run_scoped3A : memref<!tpu.dma_semaphore, #tpu.memory_space<semaphore_mem>>)
      %dma_wait3A = arith.constant 0 : i32
      %dma_wait3A_2825 = tpu.memref_slice %arg15[%dma_wait3A] : memref<1024xf32, #tpu.memory_space<vmem>> -> memref<1024xf32, #tpu.memory_space<vmem>>
      %dma_wait3A_2826 = tpu.memref_slice %arg7[%add3A_1436] : memref<32768xf32, #tpu.memory_space<hbm>> -> memref<1024xf32, #tpu.memory_space<hbm>>
      %dma_wait3A_2827 = tpu.memref_slice %arg7[%add3A_1436] : memref<32768xf32, #tpu.memory_space<hbm>> -> memref<1024xf32, #tpu.memory_space<hbm>>
      %dma_wait3A_2828 = arith.constant 0 : i32
      %dma_wait3A_2829 = tpu.memref_slice %arg15[%dma_wait3A_2828] : memref<1024xf32, #tpu.memory_space<vmem>> -> memref<1024xf32, #tpu.memory_space<vmem>>
      tpu.wait_dma2 semaphore(%run_scoped3A : memref<!tpu.dma_semaphore, #tpu.memory_space<semaphore_mem>>) src(%dma_wait3A_2829 : memref<1024xf32, #tpu.memory_space<vmem>>) dst(%dma_wait3A_2827 : memref<1024xf32, #tpu.memory_space<hbm>>)
      tpu.yield
    }) : () -> ()
    return
  }
}

module attributes {stable_mosaic.version = 14 : i64} {
  func.func @_argmin_kernel(%arg0: i32, %arg1: i32, %arg2: i32, %arg3: memref<1x512x3xf32, #tpu.memory_space<vmem>>, %arg4: memref<1x3x8192xf32, #tpu.memory_space<vmem>>, %arg5: memref<1x512x1xi32, #tpu.memory_space<vmem>>, %arg6: memref<1x1x8192xi32, #tpu.memory_space<vmem>>, %arg7: memref<512x1xf32, #tpu.memory_space<vmem>>, %arg8: memref<512x1xi32, #tpu.memory_space<vmem>>, %arg9: memref<1x8192xf32, #tpu.memory_space<vmem>>, %arg10: memref<1x8192xi32, #tpu.memory_space<vmem>>) attributes {dimension_semantics = [#tpu.dimension_semantics<arbitrary>, #tpu.dimension_semantics<arbitrary>, #tpu.dimension_semantics<arbitrary>], iteration_bounds = array<i64: 4, 16, 1>, scalar_prefetch = 0 : i64, scratch_operands = 4 : i64, tpu.core_type = #tpu.core_type<tc>, window_params = [{transform_indices = @transform_0, window_bounds = array<i64: 1, 512, 3>}, {transform_indices = @transform_1, window_bounds = array<i64: 1, 3, 8192>}, {transform_indices = @transform_2, window_bounds = array<i64: 1, 512, 1>}, {transform_indices = @transform_3, window_bounds = array<i64: 1, 1, 8192>}]} {
    %get3A = arith.constant 0 : index
    %get3A_0 = arith.constant 0 : index
    %get3A_1 = arith.constant 0 : index
    %get3A_2 = vector.load %arg3[%get3A, %get3A_0, %get3A_1] : memref<1x512x3xf32, #tpu.memory_space<vmem>>, vector<1x512x3xf32>
    %get3A_3 = vector.shape_cast %get3A_2 : vector<1x512x3xf32> to vector<512x3xf32>
    %get3A_4 = arith.constant 0 : index
    %get3A_5 = arith.constant 0 : index
    %get3A_6 = arith.constant 0 : index
    %get3A_7 = vector.load %arg4[%get3A_4, %get3A_5, %get3A_6] : memref<1x3x8192xf32, #tpu.memory_space<vmem>>, vector<1x3x8192xf32>
    %get3A_8 = vector.shape_cast %get3A_7 : vector<1x3x8192xf32> to vector<3x8192xf32>
    %slice3A = vector.extract_strided_slice %get3A_3 {offsets = [0, 0], sizes = [512, 1], strides = [1, 1]} : vector<512x3xf32> to vector<512x1xf32>
    %slice3A_9 = vector.extract_strided_slice %get3A_3 {offsets = [0, 1], sizes = [512, 1], strides = [1, 1]} : vector<512x3xf32> to vector<512x1xf32>
    %slice3A_10 = vector.extract_strided_slice %get3A_3 {offsets = [0, 2], sizes = [512, 1], strides = [1, 1]} : vector<512x3xf32> to vector<512x1xf32>
    %slice3A_11 = vector.extract_strided_slice %get3A_8 {offsets = [0, 0], sizes = [1, 8192], strides = [1, 1]} : vector<3x8192xf32> to vector<1x8192xf32>
    %slice3A_12 = vector.extract_strided_slice %get3A_8 {offsets = [1, 0], sizes = [1, 8192], strides = [1, 1]} : vector<3x8192xf32> to vector<1x8192xf32>
    %slice3A_13 = vector.extract_strided_slice %get3A_8 {offsets = [2, 0], sizes = [1, 8192], strides = [1, 1]} : vector<3x8192xf32> to vector<1x8192xf32>
    %mul3A = arith.mulf %slice3A, %slice3A : vector<512x1xf32>
    %mul3A_14 = arith.mulf %slice3A_9, %slice3A_9 : vector<512x1xf32>
    %add3A = arith.addf %mul3A, %mul3A_14 : vector<512x1xf32>
    %mul3A_15 = arith.mulf %slice3A_10, %slice3A_10 : vector<512x1xf32>
    %add3A_16 = arith.addf %add3A, %mul3A_15 : vector<512x1xf32>
    %mul3A_17 = arith.mulf %slice3A_11, %slice3A_11 : vector<1x8192xf32>
    %mul3A_18 = arith.mulf %slice3A_12, %slice3A_12 : vector<1x8192xf32>
    %add3A_19 = arith.addf %mul3A_17, %mul3A_18 : vector<1x8192xf32>
    %mul3A_20 = arith.mulf %slice3A_13, %slice3A_13 : vector<1x8192xf32>
    %add3A_21 = arith.addf %add3A_19, %mul3A_20 : vector<1x8192xf32>
    %add3A_22 = vector.broadcast %add3A_16 : vector<512x1xf32> to vector<512x8192xf32>
    %add3A_23 = vector.broadcast %add3A_21 : vector<1x8192xf32> to vector<512x8192xf32>
    %add3A_24 = arith.addf %add3A_22, %add3A_23 : vector<512x8192xf32>
    %convert_element_type3A = arith.truncf %get3A_3 : vector<512x3xf32> to vector<512x3xbf16>
    %convert_element_type3A_25 = arith.truncf %get3A_8 : vector<3x8192xf32> to vector<3x8192xbf16>
    %mul3A_26 = arith.constant 2.000000e+00 : bf16
    %mul3A_27 = vector.broadcast %mul3A_26 : bf16 to vector<3x8192xbf16>
    %mul3A_28 = arith.mulf %convert_element_type3A_25, %mul3A_27 : vector<3x8192xbf16>
    %dot_general3A = arith.constant dense<0.000000e+00> : vector<512x8192xf32>
    %dot_general3A_29 = tpu.matmul %convert_element_type3A, %mul3A_28, %dot_general3A {dimension_numbers = #tpu.dot_dimension_numbers<[1], [0], [0], [1], [0, 0, 1, 1], [], []>, transpose_lhs_hint = false} : vector<512x3xbf16>, vector<3x8192xbf16>, vector<512x8192xf32> -> vector<512x8192xf32>
    %sub3A = arith.subf %add3A_24, %dot_general3A_29 : vector<512x8192xf32>
    %reduce_min3A = arith.constant dense<0x7F800000> : vector<512xf32>
    %reduce_min3A_30 = vector.multi_reduction <minimumf>, %sub3A, %reduce_min3A [1] : vector<512x8192xf32> to vector<512xf32>
    %broadcast_in_dim3A = vector.shape_cast %reduce_min3A_30 : vector<512xf32> to vector<512x1xf32>
    %iota3A = tpu.iota {dimensions = array<i32: 1>} : vector<512x8192xi32>
    %eq3A = vector.broadcast %broadcast_in_dim3A : vector<512x1xf32> to vector<512x8192xf32>
    %eq3A_31 = arith.cmpf oeq, %sub3A, %eq3A : vector<512x8192xf32>
    %jit3A = arith.constant 1073741823 : i32
    %broadcast_in_dim3A_32 = vector.broadcast %jit3A : i32 to vector<512x8192xi32>
    %select_n3A = arith.select %eq3A_31, %iota3A, %broadcast_in_dim3A_32 : vector<512x8192xi1>, vector<512x8192xi32>
    %reduce_min3A_33 = arith.constant dense<2147483647> : vector<512xi32>
    %reduce_min3A_34 = vector.multi_reduction <minsi>, %select_n3A, %reduce_min3A_33 [1] : vector<512x8192xi32> to vector<512xi32>
    %broadcast_in_dim3A_35 = vector.shape_cast %reduce_min3A_34 : vector<512xi32> to vector<512x1xi32>
    %mul3A_36 = arith.constant 8192 : i32
    %mul3A_37 = arith.muli %arg2, %mul3A_36 : i32
    %add3A_38 = vector.broadcast %mul3A_37 : i32 to vector<512x1xi32>
    %add3A_39 = arith.addi %broadcast_in_dim3A_35, %add3A_38 : vector<512x1xi32>
    %eq3A_40 = arith.constant 0 : i32
    %eq3A_41 = arith.cmpi eq, %arg2, %eq3A_40 : i32
    %get3A_42 = arith.constant 0 : index
    %get3A_43 = arith.constant 0 : index
    %get3A_44 = vector.load %arg7[%get3A_42, %get3A_43] : memref<512x1xf32, #tpu.memory_space<vmem>>, vector<512x1xf32>
    %jit3A_45 = arith.constant 0x7F800000 : f32
    %broadcast_in_dim3A_46 = vector.broadcast %jit3A_45 : f32 to vector<512x1xf32>
    %select_n3A_47 = arith.select %eq3A_41, %broadcast_in_dim3A_46, %get3A_44 : vector<512x1xf32>
    %lt3A = arith.cmpf olt, %broadcast_in_dim3A, %select_n3A_47 : vector<512x1xf32>
    %select_n3A_48 = arith.select %lt3A, %broadcast_in_dim3A, %select_n3A_47 : vector<512x1xi1>, vector<512x1xf32>
    %swap3A = arith.constant 0 : index
    %swap3A_49 = arith.constant 0 : index
    %swap3A_50 = vector.load %arg7[%swap3A, %swap3A_49] : memref<512x1xf32, #tpu.memory_space<vmem>>, vector<512x1xf32>
    tpu.vector_store %arg7[%swap3A, %swap3A_49], %select_n3A_48 {strides = array<i32>} : memref<512x1xf32, #tpu.memory_space<vmem>>, vector<512x1xf32>,
    %get3A_51 = arith.constant 0 : index
    %get3A_52 = arith.constant 0 : index
    %get3A_53 = vector.load %arg8[%get3A_51, %get3A_52] : memref<512x1xi32, #tpu.memory_space<vmem>>, vector<512x1xi32>
    %select_n3A_54 = arith.select %lt3A, %add3A_39, %get3A_53 : vector<512x1xi1>, vector<512x1xi32>
    %swap3A_55 = arith.constant 0 : index
    %swap3A_56 = arith.constant 0 : index
    %swap3A_57 = vector.load %arg8[%swap3A_55, %swap3A_56] : memref<512x1xi32, #tpu.memory_space<vmem>>, vector<512x1xi32>
    tpu.vector_store %arg8[%swap3A_55, %swap3A_56], %select_n3A_54 {strides = array<i32>} : memref<512x1xi32, #tpu.memory_space<vmem>>, vector<512x1xi32>,
    %mul3A_58 = arith.constant 8192 : i32
    %mul3A_59 = arith.muli %arg2, %mul3A_58 : i32
    %reduce_min3A_60 = arith.constant dense<0x7F800000> : vector<8192xf32>
    %reduce_min3A_61 = vector.multi_reduction <minimumf>, %sub3A, %reduce_min3A_60 [0] : vector<512x8192xf32> to vector<8192xf32>
    %broadcast_in_dim3A_62 = vector.shape_cast %reduce_min3A_61 : vector<8192xf32> to vector<1x8192xf32>
    %iota3A_63 = tpu.iota {dimensions = array<i32: 0>} : vector<512x8192xi32>
    %eq3A_64 = vector.broadcast %broadcast_in_dim3A_62 : vector<1x8192xf32> to vector<512x8192xf32>
    %eq3A_65 = arith.cmpf oeq, %sub3A, %eq3A_64 : vector<512x8192xf32>
    %jit3A_66 = arith.constant 1073741823 : i32
    %broadcast_in_dim3A_67 = vector.broadcast %jit3A_66 : i32 to vector<512x8192xi32>
    %select_n3A_68 = arith.select %eq3A_65, %iota3A_63, %broadcast_in_dim3A_67 : vector<512x8192xi1>, vector<512x8192xi32>
    %reduce_min3A_69 = arith.constant dense<2147483647> : vector<8192xi32>
    %reduce_min3A_70 = vector.multi_reduction <minsi>, %select_n3A_68, %reduce_min3A_69 [0] : vector<512x8192xi32> to vector<8192xi32>
    %broadcast_in_dim3A_71 = vector.shape_cast %reduce_min3A_70 : vector<8192xi32> to vector<1x8192xi32>
    %mul3A_72 = arith.constant 512 : i32
    %mul3A_73 = arith.muli %arg1, %mul3A_72 : i32
    %add3A_74 = vector.broadcast %mul3A_73 : i32 to vector<1x8192xi32>
    %add3A_75 = arith.addi %broadcast_in_dim3A_71, %add3A_74 : vector<1x8192xi32>
    %eq3A_76 = arith.constant 0 : i32
    %eq3A_77 = arith.cmpi eq, %arg1, %eq3A_76 : i32
    %get3A_78 = arith.constant 0 : index
    %get3A_79 = arith.index_cast %mul3A_59 : i32 to index
    %get3A_80 = vector.load %arg9[%get3A_78, %get3A_79] : memref<1x8192xf32, #tpu.memory_space<vmem>>, vector<1x8192xf32>
    %jit3A_81 = arith.constant 0x7F800000 : f32
    %broadcast_in_dim3A_82 = vector.broadcast %jit3A_81 : f32 to vector<1x8192xf32>
    %select_n3A_83 = arith.select %eq3A_77, %broadcast_in_dim3A_82, %get3A_80 : vector<1x8192xf32>
    %lt3A_84 = arith.cmpf olt, %broadcast_in_dim3A_62, %select_n3A_83 : vector<1x8192xf32>
    %select_n3A_85 = arith.select %lt3A_84, %broadcast_in_dim3A_62, %select_n3A_83 : vector<1x8192xi1>, vector<1x8192xf32>
    %swap3A_86 = arith.constant 0 : index
    %swap3A_87 = arith.index_cast %mul3A_59 : i32 to index
    %swap3A_88 = vector.load %arg9[%swap3A_86, %swap3A_87] : memref<1x8192xf32, #tpu.memory_space<vmem>>, vector<1x8192xf32>
    tpu.vector_store %arg9[%swap3A_86, %swap3A_87], %select_n3A_85 {strides = array<i32>} : memref<1x8192xf32, #tpu.memory_space<vmem>>, vector<1x8192xf32>,
    %get3A_89 = arith.constant 0 : index
    %get3A_90 = arith.index_cast %mul3A_59 : i32 to index
    %get3A_91 = vector.load %arg10[%get3A_89, %get3A_90] : memref<1x8192xi32, #tpu.memory_space<vmem>>, vector<1x8192xi32>
    %select_n3A_92 = arith.select %lt3A_84, %add3A_75, %get3A_91 : vector<1x8192xi1>, vector<1x8192xi32>
    %swap3A_93 = arith.constant 0 : index
    %swap3A_94 = arith.index_cast %mul3A_59 : i32 to index
    %swap3A_95 = vector.load %arg10[%swap3A_93, %swap3A_94] : memref<1x8192xi32, #tpu.memory_space<vmem>>, vector<1x8192xi32>
    tpu.vector_store %arg10[%swap3A_93, %swap3A_94], %select_n3A_92 {strides = array<i32>} : memref<1x8192xi32, #tpu.memory_space<vmem>>, vector<1x8192xi32>,
    %eq3A_96 = arith.constant 0 : i32
    %eq3A_97 = arith.cmpi eq, %arg2, %eq3A_96 : i32
    %convert_element_type3A_98 = arith.extui %eq3A_97 : i1 to i32
    %cond3A = arith.constant 0 : i32
    %cond3A_99 = arith.cmpi ne, %convert_element_type3A_98, %cond3A : i32
    scf.if %cond3A_99 {
      %get3A_105 = arith.constant 0 : index
      %get3A_106 = arith.constant 0 : index
      %get3A_107 = vector.load %arg8[%get3A_105, %get3A_106] : memref<512x1xi32, #tpu.memory_space<vmem>>, vector<512x1xi32>
      %swap3A_108 = arith.constant 0 : index
      %swap3A_109 = arith.constant 0 : index
      %swap3A_110 = arith.constant 0 : index
      %swap3A_111 = vector.load %arg5[%swap3A_108, %swap3A_109, %swap3A_110] : memref<1x512x1xi32, #tpu.memory_space<vmem>>, vector<1x512x1xi32>
      %swap3A_112 = vector.shape_cast %swap3A_111 : vector<1x512x1xi32> to vector<512x1xi32>
      %swap3A_113 = vector.shape_cast %get3A_107 : vector<512x1xi32> to vector<1x512x1xi32>
      tpu.vector_store %arg5[%swap3A_108, %swap3A_109, %swap3A_110], %swap3A_113 {strides = array<i32>} : memref<1x512x1xi32, #tpu.memory_space<vmem>>, vector<1x512x1xi32>,
    } else {
    }
    %eq3A_100 = arith.constant 15 : i32
    %eq3A_101 = arith.cmpi eq, %arg1, %eq3A_100 : i32
    %convert_element_type3A_102 = arith.extui %eq3A_101 : i1 to i32
    %cond3A_103 = arith.constant 0 : i32
    %cond3A_104 = arith.cmpi ne, %convert_element_type3A_102, %cond3A_103 : i32
    scf.if %cond3A_104 {
      %get3A_105 = arith.constant 0 : index
      %get3A_106 = arith.index_cast %mul3A_59 : i32 to index
      %get3A_107 = vector.load %arg10[%get3A_105, %get3A_106] : memref<1x8192xi32, #tpu.memory_space<vmem>>, vector<1x8192xi32>
      %swap3A_108 = arith.constant 0 : index
      %swap3A_109 = arith.constant 0 : index
      %swap3A_110 = arith.constant 0 : index
      %swap3A_111 = vector.load %arg6[%swap3A_108, %swap3A_109, %swap3A_110] : memref<1x1x8192xi32, #tpu.memory_space<vmem>>, vector<1x1x8192xi32>
      %swap3A_112 = vector.shape_cast %swap3A_111 : vector<1x1x8192xi32> to vector<1x8192xi32>
      %swap3A_113 = vector.shape_cast %get3A_107 : vector<1x8192xi32> to vector<1x1x8192xi32>
      tpu.vector_store %arg6[%swap3A_108, %swap3A_109, %swap3A_110], %swap3A_113 {strides = array<i32>} : memref<1x1x8192xi32, #tpu.memory_space<vmem>>, vector<1x1x8192xi32>,
    } else {
    }
    return
  }
  func.func @transform_0(%arg0: i32, %arg1: i32, %arg2: i32) -> (i32, i32, i32) {
    %c0_i32 = arith.constant 0 : i32
    %c0_i32_0 = arith.constant 0 : i32
    return %arg0, %arg1, %c0_i32 : i32, i32, i32
  }
  func.func @transform_1(%arg0: i32, %arg1: i32, %arg2: i32) -> (i32, i32, i32) {
    %c0_i32 = arith.constant 0 : i32
    %c0_i32_0 = arith.constant 0 : i32
    return %arg0, %c0_i32, %arg2 : i32, i32, i32
  }
  func.func @transform_2(%arg0: i32, %arg1: i32, %arg2: i32) -> (i32, i32, i32) {
    %c0_i32 = arith.constant 0 : i32
    %c0_i32_0 = arith.constant 0 : i32
    return %arg0, %arg1, %c0_i32 : i32, i32, i32
  }
  func.func @transform_3(%arg0: i32, %arg1: i32, %arg2: i32) -> (i32, i32, i32) {
    %c0_i32 = arith.constant 0 : i32
    %c0_i32_0 = arith.constant 0 : i32
    return %arg0, %c0_i32, %arg2 : i32, i32, i32
  }
}

module attributes {stable_mosaic.version = 14 : i64} {
  func.func @_reduce_kernel(%arg0: memref<256x128xf32, #tpu.memory_space<vmem>>, %arg1: memref<256x128xf32, #tpu.memory_space<vmem>>, %arg2: memref<1x1xf32, #tpu.memory_space<vmem>>) attributes {dimension_semantics = [], scalar_prefetch = 0 : i64, scratch_operands = 0 : i64, tpu.core_type = #tpu.core_type<tc>} {
    %get3A = arith.constant 0 : index
    %get3A_0 = arith.constant 0 : index
    %get3A_1 = vector.load %arg0[%get3A, %get3A_0] : memref<256x128xf32, #tpu.memory_space<vmem>>, vector<256x128xf32>
    %add3A = arith.constant 9.99999993E-9 : f32
    %add3A_2 = vector.broadcast %add3A : f32 to vector<256x128xf32>
    %add3A_3 = arith.addf %get3A_1, %add3A_2 : vector<256x128xf32>
    %sqrt3A = math.sqrt %add3A_3 : vector<256x128xf32>
    %reduce_sum3A = vector.shape_cast %sqrt3A : vector<256x128xf32> to vector<1x256x128xf32>
    %reduce_sum3A_4 = arith.constant dense<0.000000e+00> : vector<1xf32>
    %reduce_sum3A_5 = vector.multi_reduction <add>, %reduce_sum3A, %reduce_sum3A_4 [1, 2] : vector<1x256x128xf32> to vector<1xf32>
    %reduce_sum3A_6 = vector.shape_cast %reduce_sum3A_5 : vector<1xf32> to vector<1x1x1xf32>
    %reduce_sum3A_7 = vector.extract %reduce_sum3A_6[0, 0, 0] : f32 from vector<1x1x1xf32>
    %get3A_8 = arith.constant 0 : index
    %get3A_9 = arith.constant 0 : index
    %get3A_10 = vector.load %arg1[%get3A_8, %get3A_9] : memref<256x128xf32, #tpu.memory_space<vmem>>, vector<256x128xf32>
    %add3A_11 = arith.constant 9.99999993E-9 : f32
    %add3A_12 = vector.broadcast %add3A_11 : f32 to vector<256x128xf32>
    %add3A_13 = arith.addf %get3A_10, %add3A_12 : vector<256x128xf32>
    %sqrt3A_14 = math.sqrt %add3A_13 : vector<256x128xf32>
    %reduce_sum3A_15 = vector.shape_cast %sqrt3A_14 : vector<256x128xf32> to vector<1x256x128xf32>
    %reduce_sum3A_16 = arith.constant dense<0.000000e+00> : vector<1xf32>
    %reduce_sum3A_17 = vector.multi_reduction <add>, %reduce_sum3A_15, %reduce_sum3A_16 [1, 2] : vector<1x256x128xf32> to vector<1xf32>
    %reduce_sum3A_18 = vector.shape_cast %reduce_sum3A_17 : vector<1xf32> to vector<1x1x1xf32>
    %reduce_sum3A_19 = vector.extract %reduce_sum3A_18[0, 0, 0] : f32 from vector<1x1x1xf32>
    %div3A = arith.constant 3.276800e+04 : f32
    %div3A_20 = arith.divf %reduce_sum3A_7, %div3A : f32
    %div3A_21 = arith.constant 3.276800e+04 : f32
    %div3A_22 = arith.divf %reduce_sum3A_19, %div3A_21 : f32
    %add3A_23 = arith.addf %div3A_20, %div3A_22 : f32
    %broadcast_in_dim3A = vector.broadcast %add3A_23 : f32 to vector<1x1xf32>
    %swap3A = arith.constant 0 : index
    %swap3A_24 = arith.constant 0 : index
    %swap3A_25 = vector.load %arg2[%swap3A, %swap3A_24] : memref<1x1xf32, #tpu.memory_space<vmem>>, vector<1x1xf32>
    tpu.vector_store %arg2[%swap3A, %swap3A_24], %broadcast_in_dim3A {strides = array<i32>} : memref<1x1xf32, #tpu.memory_space<vmem>>, vector<1x1xf32>,
    return
  }
}

</mosaic_0001>

<sc_bundles>
// kernel: kernel.5.cloned.1.call-start
scs
__scs_entry_jumppad:
0x0: {  	(pc) =	sbr.rel $0x88, $3  }
0x1: {  	(tag) =	ssettag $0x0;
	lr =	simm.s32 $0x1  }
0x2: {  	[smem:$0x3F9F] =	sst lr;
	_ =	strace $0xD0000000  }
0x3: {  	_ = 	snop  }
0x4: {  	_ = 	snop  }
0x5: {  	_ = 	snop  }
0x6: {  	_ = 	snop  }
0x7: {  	_ = 	snop  }
__scs_overlays_trampoline_lowered:
0x8: {  	[smem:$0x3FAE] =	sst s0  }
0x9: {  	[smem:$0x3FAF] =	sst s1  }
0xa: {  	[smem:$0x3FB0] =	sst s2  }
0xb: {  	[smem:$0x3FB1] =	sst s3  }
0xc: {  	[smem:$0x3FB2] =	sst s4  }
0xd: {  	[smem:$0x3FB3] =	sst s5  }
0xe: {  	[smem:$0x3FB4] =	sst s6  }
0xf: {  	[smem:$0x3FB5] =	sst s7  }
0x10: {  	[smem:$0x3FB6] =	sst s8  }
0x11: {  	[smem:$0x3FB7] =	sst s9;
	s0 =	simm.s32 @!p0 $0x0  }
0x12: {  	s1 =	sld [smem:$0x3F9D];
	s0 =	simm.s32 @p0 $0x1  }
0x13: {  	[smem:$0x3FB8] =	sst s0;
	s0 =	simm.s32 @!p1 $0x0  }
0x14: {  	s2 =	sld [smem:$0x3F9C];
	s0 =	simm.s32 @p1 $0x1  }
0x15: {  	[smem:$0x3FB9] =	sst s0;
	s0 =	simm.s32 @!p2 $0x0  }
0x16: {  	s3 =	sld [smem:$0x3FDB];
	s0 =	simm.s32 @p2 $0x1  }
0x17: {  	s4 =	simm.s32 $0x1BF5;
	[smem:$0x3FBB] =	sst s0  }
0x18: {  	s0 =	sld [smem:$0x3F9E];
	_ =	swait.ge [sflag:s4], $0x0  }
0x19: {  	s7 =	sld [smem:$0x3F9F]  }
0x1a: {  	s8 =	sadd.s32 $0xFFFFE003, lr  }
0x1b: {  	s9 =	sadd.s32 $0xFFFFFEF7, lr;
	s5 =	simm.s32 $0xFFFFFFFF;
	p2 =	slt.u32 s8, $0xFFFFF086  }
0x1c: {  	p1 =	slt.u32 s9, $0xF7A;
	s5 =	simm.s32 @!p2 $0x0  }
0x1d: {  	s5 =	simm.s32 @p1 $0x1;
	p0 =	seq.s32 s7, s2  }
0x1e: {  	s7 =	smul.u32 @!p0 $0xF7A, s2;
	p2 =	seq.s32 @!p0 s5, $0x0  }
0x1f: {  	s9 =	smul.u32 $0xF7A, s1;
	s8 =	simm.s32 @!p0 $0x1BF5;
	p2 =	por !p2, p0  }
0x20: {  	[sflag:s8] =	ssyncset.s32 @!p0 $0xFFFFF086;
	s6 =	sadd.s32 @!p0 s3, s7;
	s7 =	simm.s32 @!p0 $0x108  }
0x21: {  	s3 =	sadd.s32 s3, s9;
	s6 =	sadd.s32 @!p0 $0x88, s6;
	s7 =	simm.s32 @p2 $0x1082  }
0x22: {  	[simem:s7], [sflag:s8] =	dma.local @!p0 [hbm:s6], $0xF7A  }
0x23: {  	s9 =	sor.u32 $0xD0000000, s2;
	s6 =	simm.s32 $0x108;
	_ =	swait.ge @!p0 [sflag:s8], $0x0  }
0x24: {  	s3 =	sadd.s32 $0x88, s3;
	s6 =	simm.s32 @!p1 $0x1082;
	[sflag:s4] =	ssyncset.s32 $0xFFFFF086  }
0x25: {  	[simem:s6], [sflag:s4] =	dma.local [hbm:s3], $0xF7A  }
0x26: {  	[smem:$0x3F9F] =	sst s1;
	(tag) =	ssettag s2;
	_ =	strace s9  }
0x27: {  	s1 =	sld [smem:$0x3FAF]  }
0x28: {  	s2 =	sld [smem:$0x3FB0]  }
0x29: {  	s4 =	sld [smem:$0x3FB2]  }
0x2a: {  	p0 =	seq.s32 s5, $0x0;
	s5 =	sld [smem:$0x3FB3]  }
0x2b: {  	s6 =	sld [smem:$0x3FB4]  }
0x2c: {  	s7 =	sld [smem:$0x3FB5]  }
0x2d: {  	s3 =	simm.s32 $0x108;
	s8 =	sld [smem:$0x3FB6]  }
0x2e: {  	s3 =	simm.s32 @!p0 $0x1082;
	s9 =	sld [smem:$0x3FB7]  }
0x2f: {  	lr =	sadd.s32 s0, s3;
	s0 =	sld [smem:$0x3FAE]  }
0x30: {  	s3 =	sld [smem:$0x3FB1]  }
0x31: {  	[smem:$0x3FBA] =	sst s10  }
0x32: {  	s10 =	sld [smem:$0x3FB8];
	_ =	sdelay $0x3  }
0x33: {  	p0 =	seq.s32 s10, $0x1;
	s10 =	sld [smem:$0x3FBA];
	_ =	sdelay $0x3  }
0x34: {  	[smem:$0x3FBA] =	sst s10  }
0x35: {  	s10 =	sld [smem:$0x3FB9];
	_ =	sdelay $0x3  }
0x36: {  	p1 =	seq.s32 s10, $0x1;
	s10 =	sld [smem:$0x3FBA];
	_ =	sdelay $0x3  }
0x37: {  	[smem:$0x3FBA] =	sst s10  }
0x38: {  	s10 =	sld [smem:$0x3FBB]  }
0x39: {  	_ = 	snop;
	(pc) =	sbr.ind lr, $3  }
0x3a: {  	_ = 	snop  }
0x3b: {  	_ = 	snop  }
0x3c: {  	p2 =	seq.s32 s10, $0x1;
	s10 =	sld [smem:$0x3FBA]  }
0x3d: {  	_ =	shalt  }
0x3e: {  	_ =	shalt  }
0x3f: {  	_ =	shalt  }
0x40: {  	_ =	shalt  }
0x41: {  	_ =	shalt  }
0x42: {  	_ =	shalt  }
0x43: {  	_ =	shalt  }
0x44: {  	_ =	shalt  }
0x45: {  	_ =	shalt  }
0x46: {  	_ =	shalt  }
0x47: {  	_ =	shalt  }
0x48: {  	_ =	shalt  }
0x49: {  	_ =	shalt  }
0x4a: {  	_ =	shalt  }
0x4b: {  	_ =	shalt  }
0x4c: {  	_ =	shalt  }
0x4d: {  	_ =	shalt  }
0x4e: {  	_ =	shalt  }
0x4f: {  	_ =	shalt  }
0x50: {  	_ =	shalt  }
0x51: {  	_ =	shalt  }
0x52: {  	_ =	shalt  }
0x53: {  	_ =	shalt  }
0x54: {  	_ =	shalt  }
0x55: {  	_ =	shalt  }
0x56: {  	_ =	shalt  }
0x57: {  	_ =	shalt  }
0x58: {  	_ =	shalt  }
0x59: {  	_ =	shalt  }
0x5a: {  	_ =	shalt  }
0x5b: {  	_ =	shalt  }
0x5c: {  	_ =	shalt  }
0x5d: {  	_ =	shalt  }
0x5e: {  	_ =	shalt  }
0x5f: {  	_ =	shalt  }
0x60: {  	_ =	shalt  }
0x61: {  	_ =	shalt  }
0x62: {  	_ =	shalt  }
0x63: {  	_ =	shalt  }
0x64: {  	_ =	shalt  }
0x65: {  	_ =	shalt  }
0x66: {  	_ =	shalt  }
0x67: {  	_ =	shalt  }
0x68: {  	_ =	shalt  }
0x69: {  	_ =	shalt  }
0x6a: {  	_ =	shalt  }
0x6b: {  	_ =	shalt  }
0x6c: {  	_ =	shalt  }
0x6d: {  	_ =	shalt  }
0x6e: {  	_ =	shalt  }
0x6f: {  	_ =	shalt  }
0x70: {  	_ =	shalt  }
0x71: {  	_ =	shalt  }
0x72: {  	_ =	shalt  }
0x73: {  	_ =	shalt  }
0x74: {  	_ =	shalt  }
0x75: {  	_ =	shalt  }
0x76: {  	_ =	shalt  }
0x77: {  	_ =	shalt  }
0x78: {  	_ =	shalt  }
0x79: {  	_ =	shalt  }
0x7a: {  	_ =	shalt  }
0x7b: {  	_ =	shalt  }
0x7c: {  	_ =	shalt  }
0x7d: {  	_ =	shalt  }
0x7e: {  	_ =	shalt  }
0x7f: {  	_ =	shalt  }
0x80: {  	_ =	shalt  }
0x81: {  	_ =	shalt  }
0x82: {  	_ =	shalt  }
0x83: {  	_ =	shalt  }
0x84: {  	_ =	shalt  }
0x85: {  	_ =	shalt  }
0x86: {  	_ =	shalt  }
0x87: {  	_ =	shalt  }
.Lfunc_end0:
.L_simem_size_0:
called_computation_lowered:
.L_overlay_start_0:
0x88: {  	s2 =	sld [smem:$0x3FD9]  }
0x89: {  	s3 =	sld [smem:$0x3FFE];
	_ =	sdelay $0x1  }
0x8a: {  	s1 =	srdreg.scid  }
0x8b: {  	s0 =	sand.u32 $0x1, s1  }
0x8c: {  	s16 =	sshll.u32 s0, $0xA;
	s2 =	sadd.s32 s3, s2  }
0x8d: {  	s2 =	sadd.s32 s2, s16  }
0x8e: {  	[smem:$0x3FC6] =	sst s2  }
0x8f: {  	_ = 	snop  }
0x90: {  	(tm) =	ssettm $0x1  }
0x91: {  	s17 =	sld [smem:$0x3FFB];
	_ =	sdelay $0x3  }
0x92: {  	_ =	strace s17  }
0x93: {  	s2 =	sld [smem:$0x3FFC];
	_ =	sdelay $0x3  }
0x94: {  	_ =	strace s2  }
0x95: {  	s2 =	sld [smem:$0x3FFD];
	_ =	sdelay $0x3  }
0x96: {  	_ =	strace s2  }
0x97: {  	_ =	strace $0x8FFFFFFF  }
0x98: {  	s18 =	sld [smem:$0x3FDB];
	_ =	sdelay $0x1  }
0x99: {  	s19 =	simm.s32 $_scs_section_size  }
0x9a: {  	s4 =	simm.s32 $_size__tile_overlayer_lowered;
	s5 =	simm.s32 $_tile_overlayer_lowered  }
0x9b: {  	s22 =	simm.s32 $0x1BFF;
	s21 =	sshll.u32 s5, $0x1;
	s2 =	sadd.s32 s19, s18  }
0x9c: {  	s6 =	simm.s32 $0x0;
	s20 =	sshll.u32 s4, $0x1;
	s4 =	sadd.s32 s21, s2  }
0x9d: {  	[timem:s6], [sflag:s22] =	dma.local [hbm:s4], s20  }
0x9e: {  	_ =	swait.ge [sflag:s22], s20  }
0x9f: {  	s3 =	ssub.s32 $0x0, s20;
	[sflag:s22] =	ssyncset.done $0x0  }
0xa0: {  	[sflag:s22] =	ssyncadd.s32 s3;
	_ =	sdelay $0x1  }
0xa1: {  	s23 =	simm.s32 $0x1B8B  }
0xa2: {  	_ =	swait.ge [sflag:s23], $0x1  }
0xa3: {  	[sflag:s23] =	ssyncset.done $0x0  }
0xa4: {  	s25 =	simm.s32 $0x1B8E;
	s24 =	sld [smem:$0x3FFE];
	[sflag:s23] =	ssyncadd.s32 $0xFFFFFFFF  }
0xa5: {  	s26 =	simm.s32 $execute0_lowered;
	[smem:$0x3FD2] =	sst s25  }
0xa6: {  	s4 =	sshll.u32 s26, $0x1;
	_ =	strace $0x80000046;
	[dreg:$0x1] =	wrdreg $0xFFFFFFFF  }
0xa7: {  	s28 =	simm.s32 $_size_execute0_lowered;
	s2 =	sadd.s32 s2, s4;
	[dreg:$0x0] =	wrdreg $0x0  }
0xa8: {  	s4 =	sshll.u32 s28, $0x1;
	[dreg:$0x2] =	wrdreg s2  }
0xa9: {  	[dreg:$0x3] =	wrdreg s4  }
0xaa: {  	[dreg:$0x4] =	wrdreg $0xC0  }
0xab: {  	_ =	task [dreg:s6], $0x5FFFF  }
0xac: {  	[dreg:$0x1] =	wrdreg $0xFFFFFFFF  }
0xad: {  	[dreg:$0x0] =	wrdreg $0x60  }
0xae: {  	[dreg:$0x2] =	wrdreg s24  }
0xaf: {  	[dreg:$0x3] =	wrdreg $0x9  }
0xb0: {  	_ =	task.clear_ibuf [dreg:s6], $0x4FFFF;
	_ =	strace $0x90000046  }
0xb1: {  	s29 =	simm.s32 $0x9;
	_ =	strace $0x80000048  }
0xb2: {  	_ =	swait.ge [sflag:s29], $0x1  }
0xb3: {  	[sflag:s29] =	ssyncadd.s32 $0xFFFFFFFF  }
0xb4: {  	_ =	strace $0x90000048  }
0xb5: {  	_ =	sfence  }
0xb6: {  	s30 =	sld [smem:$0x0];
	_ =	sdelay $0x2  }
0xb7: {  	s31 =	sshll.u32 s1, $0xD;
	s1 =	sshrl.u32 s1, $0x2  }
0xb8: {  	s3 =	sand.u32 $0x4000, s31;
	s1 =	sadd.s32 s1, s30  }
0xb9: {  	s0 =	sor.u32 s3, s0;
	s1 =	sshll.u32 s1, $0x11  }
0xba: {  	s0 =	sor.u32 s1, s0  }
0xbb: {  	s0 =	sadd.s32 $0x8F2B, s0  }
0xbc: {  	[sflag:s0] =	ssyncadd.remote.s32 $0x1  }
0xbd: {  	_ =	sfence.sel $0xFFFF  }
0xbe: {  	[dreg:$0x0] =	wrdreg $0xFFFFFFFF;
	(pc) =	sbr.abs _section_cstart, $3  }
0xbf: {  	[dreg:$0x1] =	wrdreg $0xFFFFFFFF  }
0xc0: {  	_ =	task.clear_ibuf [dreg:s6], $0x2FFFF;
	_ =	strace $0x9FFFFFFF  }
0xc1: {  	(tm) =	ssettm $0x7FFFFFFF  }
tec
execute0_lowered:
.L_overlay_start_1:
0x0: {  	(tag) =	ssettag $0x1  }
0x1: {  	s3 =	rddreg [dreg:$0x0];
	s1 =	stileid.u32  }
0x2: {  	s0 =	rddreg [dreg:$0x1];
	s4 =	srdreg.scid;
	s2 =	simm.s32 $0x0  }
0x3: {  	s21 =	simm.s32 $0x2000;
	s22 =	simm.s32 $0x4000;
	s23 =	simm.s32 $0x6400  }
0x4: {  	s24 =	simm.s32 $0x6800;
	s25 =	simm.s32 $0x6C00;
	s26 =	simm.s32 $0x6000  }
0x5: {  	s28 =	simm.s32 $0x7000;
	s5 =	sshll.u32 s1, $0x1;
	s4 =	sand.u32 $0x1, s4  }
0x6: {  	[smem:$0x7FF] =	sst s2;
	s6 =	sshrl.u32 s1, $0x2;
	s13 =	sadd.s32 $0x3000, s3  }
0x7: {  	s16 =	sadd.s32 $0x81000, s3;
	s5 =	sand.u32 $0x6, s5;
	s30 =	sshll.u32 s6, $0xD  }
0x8: {  	s6 =	smul.u32 $0x6000, s6;
	s5 =	sor.u32 s4, s5;
	s4 =	ssub.s32 $0x2, s4  }
0x9: {  	_ =	strace $0x80000047;
	s7 =	sshll.u32 s5, $0xA;
	s8 =	sshrl.u32 s4, $0x1  }
0xa: {  	s11 =	sshrl.u32 s6, $0x3;
	s31 =	sadd.s32 $0x2000, s6;
	s9 =	sadd.s32 $0x4000, s6  }
0xb: {  	s5 =	sor.u32 s30, s7;
	s19 =	ssub.s32 s4, s8;
	s12 =	sshrl.u32 s31, $0x3  }
0xc: {  	s14 =	sshrl.u32 s9, $0x3;
	s6 =	sor.u32 s6, s7;
	s8 =	sor.u32 s31, s7  }
0xd: {  	s7 =	sor.u32 s9, s7;
	s5 =	sshrl.u32 s5, $0x3;
	s4 =	sadd.s32 s16, s12  }
0xe: {  	s15 =	sshrl.u32 s6, $0x3;
	s17 =	sshrl.u32 s8, $0x3;
	s20 =	sshrl.u32 s7, $0x3  }
0xf: {  	s12 =	sadd.s32 s13, s12;
	s19 =	smax.u32 s19, $0x1;
	s18 =	sadd.s32 s5, s3  }
0x10: {  	s3 =	sadd.s32 s16, s11;
	s5 =	sadd.s32 s16, s14;
	s6 =	sadd.s32 s13, s15  }
0x11: {  	s7 =	sadd.s32 s13, s17;
	s8 =	sadd.s32 s13, s20;
	s11 =	sadd.s32 s13, s11  }
0x12: {  	s13 =	sadd.s32 s13, s14;
	s14 =	sadd.s32 s16, s15;
	s15 =	sadd.s32 s16, s17  }
0x13: {  	s16 =	sadd.s32 s16, s20;
	s20 =	simm.s32 $0x1;
	s9 =	sadd.s32 $0x2000, s18  }
0x14: {  	s10 =	sadd.s32 $0x6000, s18;
	s17 =	sadd.s32 $0x1000, s18;
	s18 =	sadd.s32 $0x7000, s18  }
.LBB2_1:
0x15: {  	[tilespmem:s2], [sflag:$0x1] =	stream.linear.gather [hbm4b:s3+s2], $0x2000, $0x38;
	[tilespmem:$0x7400] =	vst v63  }
0x16: {  	_ =	swait.ge [sflag:s20], $0x2000  }
0x17: {  	[sflag:s20] =	ssyncset.done $0x0  }
0x18: {  	[sflag:s20] =	ssyncadd.s32 $0xFFFFE000  }
0x19: {  	[tilespmem:s21], [sflag:$0x1] =	stream.linear.gather [hbm4b:s4+s2], $0x2000, $0x38;
	[tilespmem:$0x7400] =	vst v63  }
0x1a: {  	_ =	swait.ge [sflag:s20], $0x2000  }
0x1b: {  	[sflag:s20] =	ssyncset.done $0x0  }
0x1c: {  	[sflag:s20] =	ssyncadd.s32 $0xFFFFE000  }
0x1d: {  	[tilespmem:s22], [sflag:$0x1] =	stream.linear.gather [hbm4b:s5+s2], $0x2000, $0x38;
	[tilespmem:$0x7400] =	vst v63  }
0x1e: {  	_ =	swait.ge [sflag:s20], $0x2000  }
0x1f: {  	[sflag:s20] =	ssyncset.done $0x0  }
0x20: {  	[sflag:s20] =	ssyncadd.s32 $0xFFFFE000  }
0x21: {  	[tilespmem:s23], [sflag:$0x1] =	stream.linear.gather [hbm4b:s6+s2], $0x400, $0x38;
	[tilespmem:$0x7400] =	vst v63  }
0x22: {  	_ =	swait.ge [sflag:s20], $0x400  }
0x23: {  	[sflag:s20] =	ssyncset.done $0x0  }
0x24: {  	[sflag:s20] =	ssyncadd.s32 $0xFFFFFC00  }
0x25: {  	[tilespmem:s24], [sflag:$0x1] =	stream.linear.gather [hbm4b:s7+s2], $0x400, $0x38;
	[tilespmem:$0x7400] =	vst v63  }
0x26: {  	_ =	swait.ge [sflag:s20], $0x400  }
0x27: {  	[sflag:s20] =	ssyncset.done $0x0  }
0x28: {  	[sflag:s20] =	ssyncadd.s32 $0xFFFFFC00  }
0x29: {  	[tilespmem:s25], [sflag:$0x1] =	stream.linear.gather [hbm4b:s8+s2], $0x400, $0x38;
	[tilespmem:$0x7400] =	vst v63  }
0x2a: {  	_ =	swait.ge [sflag:s20], $0x400  }
0x2b: {  	[sflag:s20] =	ssyncset.done $0x0  }
0x2c: {  	[sflag:s20] =	ssyncadd.s32 $0xFFFFFC00  }
0x2d: {  	[tilespmem:s26], [sflag:$0x1] =	stream.linear.gather [hbm4b:s9+s2], $0x400, $0x38;
	[tilespmem:$0x7400] =	vst v63  }
0x2e: {  	_ =	swait.ge [sflag:s20], $0x400  }
0x2f: {  	[sflag:s20] =	ssyncset.done $0x0  }
0x30: {  	[sflag:s20] =	ssyncadd.s32 $0xFFFFFC00  }
0x31: {  	v0 =	vld [tilespmem:$0x6000];
	_ =	sdelay $0x5  }
0x32: {  	v1 =	vld [tilespmem:$0x6400]  }
0x33: {  	v3 =	vld [tilespmem:$0x6800]  }
0x34: {  	v2 =	vld.idx.msk [tilespmem:v0+s2+$0x0], $0xffff  }
0x35: {  	v4 =	vld.idx.msk [tilespmem:v0+s21+$0x0], $0xffff  }
0x36: {  	v5 =	vld [tilespmem:$0x6C00]  }
0x37: {  	v0 =	vld.idx.msk [tilespmem:v0+s22+$0x0], $0xffff;
	_ =	sdelay $0x2  }
0x38: {  	v1 =	vsub.f32 v1, v2;
	v57 =	vsub.f32 v3, v4  }
0x39: {  	v58 =	vld [tilespmem:$0x6010]  }
0x3a: {  	v0 =	vsub.f32 v5, v0;
	v1 =	vmul.f32 v1, v1;
	v2 =	vmul.f32 v57, v57;
	_ =	sdelay $0x1  }
0x3b: {  	v0 =	vmul.f32 v0, v0;
	v1 =	vadd.f32 v2, v1;
	_ =	sdelay $0x1  }
0x3c: {  	v0 =	vadd.f32 v0, v1  }
0x3d: {  	v59 =	vld [tilespmem:$0x6410]  }
0x3e: {  	v61 =	vld [tilespmem:$0x6810];
	[tilespmem:$0x7000] =	vst v0  }
0x3f: {  	v60 =	vld.idx.msk [tilespmem:v58+s2+$0x0], $0xffff  }
0x40: {  	v62 =	vld.idx.msk [tilespmem:v58+s21+$0x0], $0xffff  }
0x41: {  	v63 =	vld [tilespmem:$0x6C10]  }
0x42: {  	v3 =	vld.idx.msk [tilespmem:v58+s22+$0x0], $0xffff;
	_ =	sdelay $0x2  }
0x43: {  	v0 =	vsub.f32 v59, v60;
	v8 =	vsub.f32 v61, v62  }
0x44: {  	v9 =	vld [tilespmem:$0x6020]  }
0x45: {  	v3 =	vsub.f32 v63, v3;
	v0 =	vmul.f32 v0, v0;
	v1 =	vmul.f32 v8, v8;
	_ =	sdelay $0x1  }
0x46: {  	v10 =	vmul.f32 v3, v3;
	v0 =	vadd.f32 v1, v0;
	_ =	sdelay $0x1  }
0x47: {  	v0 =	vadd.f32 v10, v0  }
0x48: {  	v11 =	vld [tilespmem:$0x6420]  }
0x49: {  	v13 =	vld [tilespmem:$0x6820];
	[tilespmem:$0x7010] =	vst v0  }
0x4a: {  	v12 =	vld.idx.msk [tilespmem:v9+s2+$0x0], $0xffff  }
0x4b: {  	v14 =	vld.idx.msk [tilespmem:v9+s21+$0x0], $0xffff  }
0x4c: {  	v15 =	vld [tilespmem:$0x6C20]  }
0x4d: {  	v2 =	vld.idx.msk [tilespmem:v9+s22+$0x0], $0xffff;
	_ =	sdelay $0x2  }
0x4e: {  	v0 =	vsub.f32 v11, v12;
	v16 =	vsub.f32 v13, v14  }
0x4f: {  	v17 =	vld [tilespmem:$0x6030]  }
0x50: {  	v2 =	vsub.f32 v15, v2;
	v0 =	vmul.f32 v0, v0;
	v1 =	vmul.f32 v16, v16;
	_ =	sdelay $0x1  }
0x51: {  	v18 =	vmul.f32 v2, v2;
	v0 =	vadd.f32 v1, v0;
	_ =	sdelay $0x1  }
0x52: {  	v0 =	vadd.f32 v18, v0  }
0x53: {  	v19 =	vld [tilespmem:$0x6430]  }
0x54: {  	v21 =	vld [tilespmem:$0x6830];
	[tilespmem:$0x7020] =	vst v0  }
0x55: {  	v20 =	vld.idx.msk [tilespmem:v17+s2+$0x0], $0xffff  }
0x56: {  	v22 =	vld.idx.msk [tilespmem:v17+s21+$0x0], $0xffff  }
0x57: {  	v23 =	vld [tilespmem:$0x6C30]  }
0x58: {  	v3 =	vld.idx.msk [tilespmem:v17+s22+$0x0], $0xffff;
	_ =	sdelay $0x2  }
0x59: {  	v0 =	vsub.f32 v19, v20;
	v24 =	vsub.f32 v21, v22  }
0x5a: {  	v25 =	vld [tilespmem:$0x6040]  }
0x5b: {  	v3 =	vsub.f32 v23, v3;
	v0 =	vmul.f32 v0, v0;
	v1 =	vmul.f32 v24, v24;
	_ =	sdelay $0x1  }
0x5c: {  	v26 =	vmul.f32 v3, v3;
	v0 =	vadd.f32 v1, v0;
	_ =	sdelay $0x1  }
0x5d: {  	v0 =	vadd.f32 v26, v0  }
0x5e: {  	v27 =	vld [tilespmem:$0x6440]  }
0x5f: {  	v29 =	vld [tilespmem:$0x6840];
	[tilespmem:$0x7030] =	vst v0  }
0x60: {  	v28 =	vld.idx.msk [tilespmem:v25+s2+$0x0], $0xffff  }
0x61: {  	v30 =	vld.idx.msk [tilespmem:v25+s21+$0x0], $0xffff  }
0x62: {  	v31 =	vld [tilespmem:$0x6C40]  }
0x63: {  	v2 =	vld.idx.msk [tilespmem:v25+s22+$0x0], $0xffff;
	_ =	sdelay $0x2  }
0x64: {  	v0 =	vsub.f32 v27, v28;
	v32 =	vsub.f32 v29, v30  }
0x65: {  	v33 =	vld [tilespmem:$0x6050]  }
0x66: {  	v2 =	vsub.f32 v31, v2;
	v0 =	vmul.f32 v0, v0;
	v1 =	vmul.f32 v32, v32;
	_ =	sdelay $0x1  }
0x67: {  	v34 =	vmul.f32 v2, v2;
	v0 =	vadd.f32 v1, v0;
	_ =	sdelay $0x1  }
0x68: {  	v0 =	vadd.f32 v34, v0  }
0x69: {  	v35 =	vld [tilespmem:$0x6450]  }
0x6a: {  	v37 =	vld [tilespmem:$0x6850];
	[tilespmem:$0x7040] =	vst v0  }
0x6b: {  	v36 =	vld.idx.msk [tilespmem:v33+s2+$0x0], $0xffff  }
0x6c: {  	v38 =	vld.idx.msk [tilespmem:v33+s21+$0x0], $0xffff  }
0x6d: {  	v39 =	vld [tilespmem:$0x6C50]  }
0x6e: {  	v3 =	vld.idx.msk [tilespmem:v33+s22+$0x0], $0xffff;
	_ =	sdelay $0x2  }
0x6f: {  	v0 =	vsub.f32 v35, v36;
	v40 =	vsub.f32 v37, v38  }
0x70: {  	v41 =	vld [tilespmem:$0x6060]  }
0x71: {  	v3 =	vsub.f32 v39, v3;
	v0 =	vmul.f32 v0, v0;
	v1 =	vmul.f32 v40, v40;
	_ =	sdelay $0x1  }
0x72: {  	v42 =	vmul.f32 v3, v3;
	v0 =	vadd.f32 v1, v0;
	_ =	sdelay $0x1  }
0x73: {  	v0 =	vadd.f32 v42, v0;
	_ =	sdelay $0x1  }
0x74: {  	v43 =	vld [tilespmem:$0x6460];
	[tilespmem:$0x7050] =	vst v0  }
0x75: {  	v44 =	vld.idx.msk [tilespmem:v41+s2+$0x0], $0xffff  }
0x76: {  	v45 =	vld [tilespmem:$0x6860]  }
0x77: {  	v46 =	vld.idx.msk [tilespmem:v41+s21+$0x0], $0xffff  }
0x78: {  	v47 =	vld [tilespmem:$0x6C60]  }
0x79: {  	v2 =	vld.idx.msk [tilespmem:v41+s22+$0x0], $0xffff;
	_ =	sdelay $0x2  }
0x7a: {  	v0 =	vsub.f32 v43, v44;
	v48 =	vsub.f32 v45, v46  }
0x7b: {  	v49 =	vld [tilespmem:$0x6070]  }
0x7c: {  	v2 =	vsub.f32 v47, v2;
	v0 =	vmul.f32 v0, v0;
	v1 =	vmul.f32 v48, v48;
	_ =	sdelay $0x1  }
0x7d: {  	v50 =	vmul.f32 v2, v2;
	v0 =	vadd.f32 v1, v0;
	_ =	sdelay $0x1  }
0x7e: {  	v0 =	vadd.f32 v50, v0  }
0x7f: {  	v51 =	vld [tilespmem:$0x6470]  }
0x80: {  	v53 =	vld [tilespmem:$0x6870];
	[tilespmem:$0x7060] =	vst v0  }
0x81: {  	v52 =	vld.idx.msk [tilespmem:v49+s2+$0x0], $0xffff  }
0x82: {  	v54 =	vld.idx.msk [tilespmem:v49+s21+$0x0], $0xffff  }
0x83: {  	v55 =	vld [tilespmem:$0x6C70]  }
0x84: {  	v3 =	vld.idx.msk [tilespmem:v49+s22+$0x0], $0xffff;
	_ =	sdelay $0x2  }
0x85: {  	v0 =	vsub.f32 v51, v52;
	v56 =	vsub.f32 v53, v54  }
0x86: {  	v57 =	vld [tilespmem:$0x6080]  }
0x87: {  	v3 =	vsub.f32 v55, v3;
	v0 =	vmul.f32 v0, v0;
	v1 =	vmul.f32 v56, v56;
	_ =	sdelay $0x1  }
0x88: {  	v58 =	vmul.f32 v3, v3;
	v0 =	vadd.f32 v1, v0;
	_ =	sdelay $0x1  }
0x89: {  	v0 =	vadd.f32 v58, v0  }
0x8a: {  	v59 =	vld [tilespmem:$0x6480]  }
0x8b: {  	v61 =	vld [tilespmem:$0x6880];
	[tilespmem:$0x7070] =	vst v0  }
0x8c: {  	v60 =	vld.idx.msk [tilespmem:v57+s2+$0x0], $0xffff  }
0x8d: {  	v62 =	vld.idx.msk [tilespmem:v57+s21+$0x0], $0xffff  }
0x8e: {  	v63 =	vld [tilespmem:$0x6C80]  }
0x8f: {  	v2 =	vld.idx.msk [tilespmem:v57+s22+$0x0], $0xffff;
	_ =	sdelay $0x2  }
0x90: {  	v0 =	vsub.f32 v59, v60;
	v8 =	vsub.f32 v61, v62  }
0x91: {  	v9 =	vld [tilespmem:$0x6090]  }
0x92: {  	v2 =	vsub.f32 v63, v2;
	v0 =	vmul.f32 v0, v0;
	v1 =	vmul.f32 v8, v8;
	_ =	sdelay $0x1  }
0x93: {  	v10 =	vmul.f32 v2, v2;
	v0 =	vadd.f32 v1, v0;
	_ =	sdelay $0x1  }
0x94: {  	v0 =	vadd.f32 v10, v0  }
0x95: {  	v11 =	vld [tilespmem:$0x6490]  }
0x96: {  	v13 =	vld [tilespmem:$0x6890];
	[tilespmem:$0x7080] =	vst v0  }
0x97: {  	v12 =	vld.idx.msk [tilespmem:v9+s2+$0x0], $0xffff  }
0x98: {  	v14 =	vld.idx.msk [tilespmem:v9+s21+$0x0], $0xffff  }
0x99: {  	v15 =	vld [tilespmem:$0x6C90]  }
0x9a: {  	v3 =	vld.idx.msk [tilespmem:v9+s22+$0x0], $0xffff;
	_ =	sdelay $0x2  }
0x9b: {  	v0 =	vsub.f32 v11, v12;
	v16 =	vsub.f32 v13, v14  }
0x9c: {  	v17 =	vld [tilespmem:$0x60A0]  }
0x9d: {  	v3 =	vsub.f32 v15, v3;
	v0 =	vmul.f32 v0, v0;
	v1 =	vmul.f32 v16, v16;
	_ =	sdelay $0x1  }
0x9e: {  	v18 =	vmul.f32 v3, v3;
	v0 =	vadd.f32 v1, v0;
	_ =	sdelay $0x1  }
0x9f: {  	v0 =	vadd.f32 v18, v0  }
0xa0: {  	v19 =	vld [tilespmem:$0x64A0]  }
0xa1: {  	v21 =	vld [tilespmem:$0x68A0];
	[tilespmem:$0x7090] =	vst v0  }
0xa2: {  	v20 =	vld.idx.msk [tilespmem:v17+s2+$0x0], $0xffff  }
0xa3: {  	v22 =	vld.idx.msk [tilespmem:v17+s21+$0x0], $0xffff  }
0xa4: {  	v23 =	vld [tilespmem:$0x6CA0]  }
0xa5: {  	v2 =	vld.idx.msk [tilespmem:v17+s22+$0x0], $0xffff;
	_ =	sdelay $0x2  }
0xa6: {  	v0 =	vsub.f32 v19, v20;
	v24 =	vsub.f32 v21, v22  }
0xa7: {  	v25 =	vld [tilespmem:$0x60B0]  }
0xa8: {  	v2 =	vsub.f32 v23, v2;
	v0 =	vmul.f32 v0, v0;
	v1 =	vmul.f32 v24, v24;
	_ =	sdelay $0x1  }
0xa9: {  	v26 =	vmul.f32 v2, v2;
	v0 =	vadd.f32 v1, v0;
	_ =	sdelay $0x1  }
0xaa: {  	v0 =	vadd.f32 v26, v0  }
0xab: {  	v27 =	vld [tilespmem:$0x64B0]  }
0xac: {  	v29 =	vld [tilespmem:$0x68B0];
	[tilespmem:$0x70A0] =	vst v0  }
0xad: {  	v28 =	vld.idx.msk [tilespmem:v25+s2+$0x0], $0xffff  }
0xae: {  	v30 =	vld.idx.msk [tilespmem:v25+s21+$0x0], $0xffff  }
0xaf: {  	v31 =	vld [tilespmem:$0x6CB0]  }
0xb0: {  	v3 =	vld.idx.msk [tilespmem:v25+s22+$0x0], $0xffff;
	_ =	sdelay $0x2  }
0xb1: {  	v0 =	vsub.f32 v27, v28;
	v32 =	vsub.f32 v29, v30  }
0xb2: {  	v33 =	vld [tilespmem:$0x60C0]  }
0xb3: {  	v3 =	vsub.f32 v31, v3;
	v0 =	vmul.f32 v0, v0;
	v1 =	vmul.f32 v32, v32;
	_ =	sdelay $0x1  }
0xb4: {  	v34 =	vmul.f32 v3, v3;
	v0 =	vadd.f32 v1, v0;
	_ =	sdelay $0x1  }
0xb5: {  	v0 =	vadd.f32 v34, v0  }
0xb6: {  	v35 =	vld [tilespmem:$0x64C0]  }
0xb7: {  	v37 =	vld [tilespmem:$0x68C0];
	[tilespmem:$0x70B0] =	vst v0  }
0xb8: {  	v36 =	vld.idx.msk [tilespmem:v33+s2+$0x0], $0xffff  }
0xb9: {  	v38 =	vld.idx.msk [tilespmem:v33+s21+$0x0], $0xffff  }
0xba: {  	v39 =	vld [tilespmem:$0x6CC0]  }
0xbb: {  	v2 =	vld.idx.msk [tilespmem:v33+s22+$0x0], $0xffff;
	_ =	sdelay $0x2  }
0xbc: {  	v0 =	vsub.f32 v35, v36;
	v40 =	vsub.f32 v37, v38  }
0xbd: {  	v41 =	vld [tilespmem:$0x60D0]  }
0xbe: {  	v2 =	vsub.f32 v39, v2;
	v0 =	vmul.f32 v0, v0;
	v1 =	vmul.f32 v40, v40;
	_ =	sdelay $0x1  }
0xbf: {  	v42 =	vmul.f32 v2, v2;
	v0 =	vadd.f32 v1, v0;
	_ =	sdelay $0x1  }
0xc0: {  	v0 =	vadd.f32 v42, v0  }
0xc1: {  	v43 =	vld [tilespmem:$0x64D0]  }
0xc2: {  	v45 =	vld [tilespmem:$0x68D0];
	[tilespmem:$0x70C0] =	vst v0  }
0xc3: {  	v44 =	vld.idx.msk [tilespmem:v41+s2+$0x0], $0xffff  }
0xc4: {  	v46 =	vld.idx.msk [tilespmem:v41+s21+$0x0], $0xffff  }
0xc5: {  	v47 =	vld [tilespmem:$0x6CD0]  }
0xc6: {  	v3 =	vld.idx.msk [tilespmem:v41+s22+$0x0], $0xffff;
	_ =	sdelay $0x2  }
0xc7: {  	v0 =	vsub.f32 v43, v44;
	v48 =	vsub.f32 v45, v46  }
0xc8: {  	v49 =	vld [tilespmem:$0x60E0]  }
0xc9: {  	v3 =	vsub.f32 v47, v3;
	v0 =	vmul.f32 v0, v0;
	v1 =	vmul.f32 v48, v48;
	_ =	sdelay $0x1  }
0xca: {  	v50 =	vmul.f32 v3, v3;
	v0 =	vadd.f32 v1, v0;
	_ =	sdelay $0x1  }
0xcb: {  	v0 =	vadd.f32 v50, v0  }
0xcc: {  	v51 =	vld [tilespmem:$0x64E0]  }
0xcd: {  	v53 =	vld [tilespmem:$0x68E0];
	[tilespmem:$0x70D0] =	vst v0  }
0xce: {  	v52 =	vld.idx.msk [tilespmem:v49+s2+$0x0], $0xffff  }
0xcf: {  	v54 =	vld.idx.msk [tilespmem:v49+s21+$0x0], $0xffff  }
0xd0: {  	v55 =	vld [tilespmem:$0x6CE0]  }
0xd1: {  	v2 =	vld.idx.msk [tilespmem:v49+s22+$0x0], $0xffff;
	_ =	sdelay $0x2  }
0xd2: {  	v0 =	vsub.f32 v51, v52;
	v56 =	vsub.f32 v53, v54  }
0xd3: {  	v57 =	vld [tilespmem:$0x60F0]  }
0xd4: {  	v2 =	vsub.f32 v55, v2;
	v0 =	vmul.f32 v0, v0;
	v1 =	vmul.f32 v56, v56;
	_ =	sdelay $0x1  }
0xd5: {  	v58 =	vmul.f32 v2, v2;
	v0 =	vadd.f32 v1, v0;
	_ =	sdelay $0x1  }
0xd6: {  	v0 =	vadd.f32 v58, v0  }
0xd7: {  	v59 =	vld [tilespmem:$0x64F0]  }
0xd8: {  	v61 =	vld [tilespmem:$0x68F0];
	[tilespmem:$0x70E0] =	vst v0  }
0xd9: {  	v60 =	vld.idx.msk [tilespmem:v57+s2+$0x0], $0xffff  }
0xda: {  	v62 =	vld.idx.msk [tilespmem:v57+s21+$0x0], $0xffff  }
0xdb: {  	v63 =	vld [tilespmem:$0x6CF0]  }
0xdc: {  	v3 =	vld.idx.msk [tilespmem:v57+s22+$0x0], $0xffff;
	_ =	sdelay $0x2  }
0xdd: {  	v0 =	vsub.f32 v59, v60;
	v8 =	vsub.f32 v61, v62  }
0xde: {  	v9 =	vld [tilespmem:$0x6100]  }
0xdf: {  	v3 =	vsub.f32 v63, v3;
	v0 =	vmul.f32 v0, v0;
	v1 =	vmul.f32 v8, v8;
	_ =	sdelay $0x1  }
0xe0: {  	v10 =	vmul.f32 v3, v3;
	v0 =	vadd.f32 v1, v0;
	_ =	sdelay $0x1  }
0xe1: {  	v0 =	vadd.f32 v10, v0  }
0xe2: {  	v11 =	vld [tilespmem:$0x6500]  }
0xe3: {  	v13 =	vld [tilespmem:$0x6900];
	[tilespmem:$0x70F0] =	vst v0  }
0xe4: {  	v12 =	vld.idx.msk [tilespmem:v9+s2+$0x0], $0xffff  }
0xe5: {  	v14 =	vld.idx.msk [tilespmem:v9+s21+$0x0], $0xffff  }
0xe6: {  	v15 =	vld [tilespmem:$0x6D00]  }
0xe7: {  	v2 =	vld.idx.msk [tilespmem:v9+s22+$0x0], $0xffff;
	_ =	sdelay $0x2  }
0xe8: {  	v0 =	vsub.f32 v11, v12;
	v16 =	vsub.f32 v13, v14  }
0xe9: {  	v17 =	vld [tilespmem:$0x6110]  }
0xea: {  	v2 =	vsub.f32 v15, v2;
	v0 =	vmul.f32 v0, v0;
	v1 =	vmul.f32 v16, v16;
	_ =	sdelay $0x1  }
0xeb: {  	v18 =	vmul.f32 v2, v2;
	v0 =	vadd.f32 v1, v0;
	_ =	sdelay $0x1  }
0xec: {  	v0 =	vadd.f32 v18, v0  }
0xed: {  	v19 =	vld [tilespmem:$0x6510]  }
0xee: {  	v21 =	vld [tilespmem:$0x6910];
	[tilespmem:$0x7100] =	vst v0  }
0xef: {  	v20 =	vld.idx.msk [tilespmem:v17+s2+$0x0], $0xffff  }
0xf0: {  	v22 =	vld.idx.msk [tilespmem:v17+s21+$0x0], $0xffff  }
0xf1: {  	v23 =	vld [tilespmem:$0x6D10]  }
0xf2: {  	v3 =	vld.idx.msk [tilespmem:v17+s22+$0x0], $0xffff;
	_ =	sdelay $0x2  }
0xf3: {  	v0 =	vsub.f32 v19, v20;
	v24 =	vsub.f32 v21, v22  }
0xf4: {  	v25 =	vld [tilespmem:$0x6120]  }
0xf5: {  	v3 =	vsub.f32 v23, v3;
	v0 =	vmul.f32 v0, v0;
	v1 =	vmul.f32 v24, v24;
	_ =	sdelay $0x1  }
0xf6: {  	v26 =	vmul.f32 v3, v3;
	v0 =	vadd.f32 v1, v0;
	_ =	sdelay $0x1  }
0xf7: {  	v0 =	vadd.f32 v26, v0  }
0xf8: {  	v27 =	vld [tilespmem:$0x6520]  }
0xf9: {  	v29 =	vld [tilespmem:$0x6920];
	[tilespmem:$0x7110] =	vst v0  }
0xfa: {  	v28 =	vld.idx.msk [tilespmem:v25+s2+$0x0], $0xffff  }
0xfb: {  	v30 =	vld.idx.msk [tilespmem:v25+s21+$0x0], $0xffff  }
0xfc: {  	v31 =	vld [tilespmem:$0x6D20]  }
0xfd: {  	v2 =	vld.idx.msk [tilespmem:v25+s22+$0x0], $0xffff;
	_ =	sdelay $0x2  }
0xfe: {  	v0 =	vsub.f32 v27, v28;
	v32 =	vsub.f32 v29, v30  }
0xff: {  	v33 =	vld [tilespmem:$0x6130]  }
0x100: {  	v2 =	vsub.f32 v31, v2;
	v0 =	vmul.f32 v0, v0;
	v1 =	vmul.f32 v32, v32;
	_ =	sdelay $0x1  }
0x101: {  	v34 =	vmul.f32 v2, v2;
	v0 =	vadd.f32 v1, v0;
	_ =	sdelay $0x1  }
0x102: {  	v0 =	vadd.f32 v34, v0  }
0x103: {  	v35 =	vld [tilespmem:$0x6530]  }
0x104: {  	v37 =	vld [tilespmem:$0x6930];
	[tilespmem:$0x7120] =	vst v0  }
0x105: {  	v36 =	vld.idx.msk [tilespmem:v33+s2+$0x0], $0xffff  }
0x106: {  	v38 =	vld.idx.msk [tilespmem:v33+s21+$0x0], $0xffff  }
0x107: {  	v39 =	vld [tilespmem:$0x6D30]  }
0x108: {  	v3 =	vld.idx.msk [tilespmem:v33+s22+$0x0], $0xffff;
	_ =	sdelay $0x2  }
0x109: {  	v0 =	vsub.f32 v35, v36;
	v40 =	vsub.f32 v37, v38  }
0x10a: {  	v41 =	vld [tilespmem:$0x6140]  }
0x10b: {  	v3 =	vsub.f32 v39, v3;
	v0 =	vmul.f32 v0, v0;
	v1 =	vmul.f32 v40, v40;
	_ =	sdelay $0x1  }
0x10c: {  	v42 =	vmul.f32 v3, v3;
	v0 =	vadd.f32 v1, v0;
	_ =	sdelay $0x1  }
0x10d: {  	v0 =	vadd.f32 v42, v0  }
0x10e: {  	v43 =	vld [tilespmem:$0x6540]  }
0x10f: {  	v45 =	vld [tilespmem:$0x6940];
	[tilespmem:$0x7130] =	vst v0  }
0x110: {  	v44 =	vld.idx.msk [tilespmem:v41+s2+$0x0], $0xffff  }
0x111: {  	v46 =	vld.idx.msk [tilespmem:v41+s21+$0x0], $0xffff  }
0x112: {  	v47 =	vld [tilespmem:$0x6D40]  }
0x113: {  	v2 =	vld.idx.msk [tilespmem:v41+s22+$0x0], $0xffff;
	_ =	sdelay $0x2  }
0x114: {  	v0 =	vsub.f32 v43, v44;
	v48 =	vsub.f32 v45, v46  }
0x115: {  	v49 =	vld [tilespmem:$0x6150]  }
0x116: {  	v2 =	vsub.f32 v47, v2;
	v0 =	vmul.f32 v0, v0;
	v1 =	vmul.f32 v48, v48;
	_ =	sdelay $0x1  }
0x117: {  	v50 =	vmul.f32 v2, v2;
	v0 =	vadd.f32 v1, v0;
	_ =	sdelay $0x1  }
0x118: {  	v0 =	vadd.f32 v50, v0  }
0x119: {  	v51 =	vld [tilespmem:$0x6550]  }
0x11a: {  	v53 =	vld [tilespmem:$0x6950];
	[tilespmem:$0x7140] =	vst v0  }
0x11b: {  	v52 =	vld.idx.msk [tilespmem:v49+s2+$0x0], $0xffff  }
0x11c: {  	v54 =	vld.idx.msk [tilespmem:v49+s21+$0x0], $0xffff  }
0x11d: {  	v55 =	vld [tilespmem:$0x6D50]  }
0x11e: {  	v3 =	vld.idx.msk [tilespmem:v49+s22+$0x0], $0xffff;
	_ =	sdelay $0x2  }
0x11f: {  	v0 =	vsub.f32 v51, v52;
	v56 =	vsub.f32 v53, v54  }
0x120: {  	v57 =	vld [tilespmem:$0x6160]  }
0x121: {  	v3 =	vsub.f32 v55, v3;
	v0 =	vmul.f32 v0, v0;
	v1 =	vmul.f32 v56, v56;
	_ =	sdelay $0x1  }
0x122: {  	v58 =	vmul.f32 v3, v3;
	v0 =	vadd.f32 v1, v0;
	_ =	sdelay $0x1  }
0x123: {  	v0 =	vadd.f32 v58, v0  }
0x124: {  	v59 =	vld [tilespmem:$0x6560]  }
0x125: {  	v61 =	vld [tilespmem:$0x6960];
	[tilespmem:$0x7150] =	vst v0  }
0x126: {  	v60 =	vld.idx.msk [tilespmem:v57+s2+$0x0], $0xffff  }
0x127: {  	v62 =	vld.idx.msk [tilespmem:v57+s21+$0x0], $0xffff  }
0x128: {  	v63 =	vld [tilespmem:$0x6D60]  }
0x129: {  	v2 =	vld.idx.msk [tilespmem:v57+s22+$0x0], $0xffff;
	_ =	sdelay $0x2  }
0x12a: {  	v0 =	vsub.f32 v59, v60;
	v8 =	vsub.f32 v61, v62  }
0x12b: {  	v9 =	vld [tilespmem:$0x6170]  }
0x12c: {  	v2 =	vsub.f32 v63, v2;
	v0 =	vmul.f32 v0, v0;
	v1 =	vmul.f32 v8, v8;
	_ =	sdelay $0x1  }
0x12d: {  	v10 =	vmul.f32 v2, v2;
	v0 =	vadd.f32 v1, v0;
	_ =	sdelay $0x1  }
0x12e: {  	v0 =	vadd.f32 v10, v0  }
0x12f: {  	v11 =	vld [tilespmem:$0x6570]  }
0x130: {  	v13 =	vld [tilespmem:$0x6970];
	[tilespmem:$0x7160] =	vst v0  }
0x131: {  	v12 =	vld.idx.msk [tilespmem:v9+s2+$0x0], $0xffff  }
0x132: {  	v14 =	vld.idx.msk [tilespmem:v9+s21+$0x0], $0xffff  }
0x133: {  	v15 =	vld [tilespmem:$0x6D70]  }
0x134: {  	v3 =	vld.idx.msk [tilespmem:v9+s22+$0x0], $0xffff;
	_ =	sdelay $0x2  }
0x135: {  	v0 =	vsub.f32 v11, v12;
	v16 =	vsub.f32 v13, v14  }
0x136: {  	v17 =	vld [tilespmem:$0x6180]  }
0x137: {  	v3 =	vsub.f32 v15, v3;
	v0 =	vmul.f32 v0, v0;
	v1 =	vmul.f32 v16, v16;
	_ =	sdelay $0x1  }
0x138: {  	v18 =	vmul.f32 v3, v3;
	v0 =	vadd.f32 v1, v0;
	_ =	sdelay $0x1  }
0x139: {  	v0 =	vadd.f32 v18, v0  }
0x13a: {  	v19 =	vld [tilespmem:$0x6580]  }
0x13b: {  	v21 =	vld [tilespmem:$0x6980];
	[tilespmem:$0x7170] =	vst v0  }
0x13c: {  	v20 =	vld.idx.msk [tilespmem:v17+s2+$0x0], $0xffff  }
0x13d: {  	v22 =	vld.idx.msk [tilespmem:v17+s21+$0x0], $0xffff  }
0x13e: {  	v23 =	vld [tilespmem:$0x6D80]  }
0x13f: {  	v2 =	vld.idx.msk [tilespmem:v17+s22+$0x0], $0xffff;
	_ =	sdelay $0x2  }
0x140: {  	v0 =	vsub.f32 v19, v20;
	v24 =	vsub.f32 v21, v22  }
0x141: {  	v25 =	vld [tilespmem:$0x6190]  }
0x142: {  	v2 =	vsub.f32 v23, v2;
	v0 =	vmul.f32 v0, v0;
	v1 =	vmul.f32 v24, v24;
	_ =	sdelay $0x1  }
0x143: {  	v26 =	vmul.f32 v2, v2;
	v0 =	vadd.f32 v1, v0;
	_ =	sdelay $0x1  }
0x144: {  	v0 =	vadd.f32 v26, v0  }
0x145: {  	v27 =	vld [tilespmem:$0x6590]  }
0x146: {  	v29 =	vld [tilespmem:$0x6990];
	[tilespmem:$0x7180] =	vst v0  }
0x147: {  	v28 =	vld.idx.msk [tilespmem:v25+s2+$0x0], $0xffff  }
0x148: {  	v30 =	vld.idx.msk [tilespmem:v25+s21+$0x0], $0xffff  }
0x149: {  	v31 =	vld [tilespmem:$0x6D90]  }
0x14a: {  	v3 =	vld.idx.msk [tilespmem:v25+s22+$0x0], $0xffff;
	_ =	sdelay $0x2  }
0x14b: {  	v0 =	vsub.f32 v27, v28;
	v32 =	vsub.f32 v29, v30  }
0x14c: {  	v33 =	vld [tilespmem:$0x61A0]  }
0x14d: {  	v3 =	vsub.f32 v31, v3;
	v0 =	vmul.f32 v0, v0;
	v1 =	vmul.f32 v32, v32;
	_ =	sdelay $0x1  }
0x14e: {  	v34 =	vmul.f32 v3, v3;
	v0 =	vadd.f32 v1, v0;
	_ =	sdelay $0x1  }
0x14f: {  	v0 =	vadd.f32 v34, v0  }
0x150: {  	v35 =	vld [tilespmem:$0x65A0]  }
0x151: {  	v37 =	vld [tilespmem:$0x69A0];
	[tilespmem:$0x7190] =	vst v0  }
0x152: {  	v36 =	vld.idx.msk [tilespmem:v33+s2+$0x0], $0xffff  }
0x153: {  	v38 =	vld.idx.msk [tilespmem:v33+s21+$0x0], $0xffff  }
0x154: {  	v39 =	vld [tilespmem:$0x6DA0]  }
0x155: {  	v2 =	vld.idx.msk [tilespmem:v33+s22+$0x0], $0xffff;
	_ =	sdelay $0x2  }
0x156: {  	v0 =	vsub.f32 v35, v36;
	v40 =	vsub.f32 v37, v38  }
0x157: {  	v41 =	vld [tilespmem:$0x61B0]  }
0x158: {  	v2 =	vsub.f32 v39, v2;
	v0 =	vmul.f32 v0, v0;
	v1 =	vmul.f32 v40, v40;
	_ =	sdelay $0x1  }
0x159: {  	v42 =	vmul.f32 v2, v2;
	v0 =	vadd.f32 v1, v0;
	_ =	sdelay $0x1  }
0x15a: {  	v0 =	vadd.f32 v42, v0  }
0x15b: {  	v43 =	vld [tilespmem:$0x65B0]  }
0x15c: {  	v45 =	vld [tilespmem:$0x69B0];
	[tilespmem:$0x71A0] =	vst v0  }
0x15d: {  	v44 =	vld.idx.msk [tilespmem:v41+s2+$0x0], $0xffff  }
0x15e: {  	v46 =	vld.idx.msk [tilespmem:v41+s21+$0x0], $0xffff  }
0x15f: {  	v47 =	vld [tilespmem:$0x6DB0]  }
0x160: {  	v3 =	vld.idx.msk [tilespmem:v41+s22+$0x0], $0xffff;
	_ =	sdelay $0x2  }
0x161: {  	v0 =	vsub.f32 v43, v44;
	v48 =	vsub.f32 v45, v46  }
0x162: {  	v49 =	vld [tilespmem:$0x61C0]  }
0x163: {  	v3 =	vsub.f32 v47, v3;
	v0 =	vmul.f32 v0, v0;
	v1 =	vmul.f32 v48, v48;
	_ =	sdelay $0x1  }
0x164: {  	v50 =	vmul.f32 v3, v3;
	v0 =	vadd.f32 v1, v0;
	_ =	sdelay $0x1  }
0x165: {  	v0 =	vadd.f32 v50, v0  }
0x166: {  	v51 =	vld [tilespmem:$0x65C0]  }
0x167: {  	v53 =	vld [tilespmem:$0x69C0];
	[tilespmem:$0x71B0] =	vst v0  }
0x168: {  	v52 =	vld.idx.msk [tilespmem:v49+s2+$0x0], $0xffff  }
0x169: {  	v54 =	vld.idx.msk [tilespmem:v49+s21+$0x0], $0xffff  }
0x16a: {  	v55 =	vld [tilespmem:$0x6DC0]  }
0x16b: {  	v2 =	vld.idx.msk [tilespmem:v49+s22+$0x0], $0xffff;
	_ =	sdelay $0x2  }
0x16c: {  	v0 =	vsub.f32 v51, v52;
	v56 =	vsub.f32 v53, v54  }
0x16d: {  	v57 =	vld [tilespmem:$0x61D0]  }
0x16e: {  	v2 =	vsub.f32 v55, v2;
	v0 =	vmul.f32 v0, v0;
	v1 =	vmul.f32 v56, v56;
	_ =	sdelay $0x1  }
0x16f: {  	v58 =	vmul.f32 v2, v2;
	v0 =	vadd.f32 v1, v0;
	_ =	sdelay $0x1  }
0x170: {  	v0 =	vadd.f32 v58, v0  }
0x171: {  	v59 =	vld [tilespmem:$0x65D0]  }
0x172: {  	v61 =	vld [tilespmem:$0x69D0];
	[tilespmem:$0x71C0] =	vst v0  }
0x173: {  	v60 =	vld.idx.msk [tilespmem:v57+s2+$0x0], $0xffff  }
0x174: {  	v62 =	vld.idx.msk [tilespmem:v57+s21+$0x0], $0xffff  }
0x175: {  	v63 =	vld [tilespmem:$0x6DD0]  }
0x176: {  	v3 =	vld.idx.msk [tilespmem:v57+s22+$0x0], $0xffff;
	_ =	sdelay $0x2  }
0x177: {  	v0 =	vsub.f32 v59, v60;
	v8 =	vsub.f32 v61, v62  }
0x178: {  	v9 =	vld [tilespmem:$0x61E0]  }
0x179: {  	v3 =	vsub.f32 v63, v3;
	v0 =	vmul.f32 v0, v0;
	v1 =	vmul.f32 v8, v8;
	_ =	sdelay $0x1  }
0x17a: {  	v10 =	vmul.f32 v3, v3;
	v0 =	vadd.f32 v1, v0;
	_ =	sdelay $0x1  }
0x17b: {  	v0 =	vadd.f32 v10, v0  }
0x17c: {  	v11 =	vld [tilespmem:$0x65E0]  }
0x17d: {  	v13 =	vld [tilespmem:$0x69E0];
	[tilespmem:$0x71D0] =	vst v0  }
0x17e: {  	v12 =	vld.idx.msk [tilespmem:v9+s2+$0x0], $0xffff  }
0x17f: {  	v14 =	vld.idx.msk [tilespmem:v9+s21+$0x0], $0xffff  }
0x180: {  	v15 =	vld [tilespmem:$0x6DE0]  }
0x181: {  	v2 =	vld.idx.msk [tilespmem:v9+s22+$0x0], $0xffff;
	_ =	sdelay $0x2  }
0x182: {  	v0 =	vsub.f32 v11, v12;
	v16 =	vsub.f32 v13, v14  }
0x183: {  	v17 =	vld [tilespmem:$0x61F0]  }
0x184: {  	v2 =	vsub.f32 v15, v2;
	v0 =	vmul.f32 v0, v0;
	v1 =	vmul.f32 v16, v16;
	_ =	sdelay $0x1  }
0x185: {  	v18 =	vmul.f32 v2, v2;
	v0 =	vadd.f32 v1, v0;
	_ =	sdelay $0x1  }
0x186: {  	v0 =	vadd.f32 v18, v0  }
0x187: {  	v19 =	vld [tilespmem:$0x65F0]  }
0x188: {  	v21 =	vld [tilespmem:$0x69F0];
	[tilespmem:$0x71E0] =	vst v0  }
0x189: {  	v20 =	vld.idx.msk [tilespmem:v17+s2+$0x0], $0xffff  }
0x18a: {  	v22 =	vld.idx.msk [tilespmem:v17+s21+$0x0], $0xffff  }
0x18b: {  	v23 =	vld [tilespmem:$0x6DF0]  }
0x18c: {  	v3 =	vld.idx.msk [tilespmem:v17+s22+$0x0], $0xffff;
	_ =	sdelay $0x2  }
0x18d: {  	v0 =	vsub.f32 v19, v20;
	v24 =	vsub.f32 v21, v22  }
0x18e: {  	v25 =	vld [tilespmem:$0x6200]  }
0x18f: {  	v3 =	vsub.f32 v23, v3;
	v0 =	vmul.f32 v0, v0;
	v1 =	vmul.f32 v24, v24;
	_ =	sdelay $0x1  }
0x190: {  	v26 =	vmul.f32 v3, v3;
	v0 =	vadd.f32 v1, v0;
	_ =	sdelay $0x1  }
0x191: {  	v0 =	vadd.f32 v26, v0  }
0x192: {  	v27 =	vld [tilespmem:$0x6600]  }
0x193: {  	v29 =	vld [tilespmem:$0x6A00];
	[tilespmem:$0x71F0] =	vst v0  }
0x194: {  	v28 =	vld.idx.msk [tilespmem:v25+s2+$0x0], $0xffff  }
0x195: {  	v30 =	vld.idx.msk [tilespmem:v25+s21+$0x0], $0xffff  }
0x196: {  	v31 =	vld [tilespmem:$0x6E00]  }
0x197: {  	v2 =	vld.idx.msk [tilespmem:v25+s22+$0x0], $0xffff;
	_ =	sdelay $0x2  }
0x198: {  	v0 =	vsub.f32 v27, v28;
	v32 =	vsub.f32 v29, v30  }
0x199: {  	v33 =	vld [tilespmem:$0x6210]  }
0x19a: {  	v2 =	vsub.f32 v31, v2;
	v0 =	vmul.f32 v0, v0;
	v1 =	vmul.f32 v32, v32;
	_ =	sdelay $0x1  }
0x19b: {  	v34 =	vmul.f32 v2, v2;
	v0 =	vadd.f32 v1, v0;
	_ =	sdelay $0x1  }
0x19c: {  	v0 =	vadd.f32 v34, v0  }
0x19d: {  	v35 =	vld [tilespmem:$0x6610]  }
0x19e: {  	v37 =	vld [tilespmem:$0x6A10];
	[tilespmem:$0x7200] =	vst v0  }
0x19f: {  	v36 =	vld.idx.msk [tilespmem:v33+s2+$0x0], $0xffff  }
0x1a0: {  	v38 =	vld.idx.msk [tilespmem:v33+s21+$0x0], $0xffff  }
0x1a1: {  	v39 =	vld [tilespmem:$0x6E10]  }
0x1a2: {  	v3 =	vld.idx.msk [tilespmem:v33+s22+$0x0], $0xffff;
	_ =	sdelay $0x2  }
0x1a3: {  	v0 =	vsub.f32 v35, v36;
	v40 =	vsub.f32 v37, v38  }
0x1a4: {  	v41 =	vld [tilespmem:$0x6220]  }
0x1a5: {  	v3 =	vsub.f32 v39, v3;
	v0 =	vmul.f32 v0, v0;
	v1 =	vmul.f32 v40, v40;
	_ =	sdelay $0x1  }
0x1a6: {  	v42 =	vmul.f32 v3, v3;
	v0 =	vadd.f32 v1, v0;
	_ =	sdelay $0x1  }
0x1a7: {  	v0 =	vadd.f32 v42, v0  }
0x1a8: {  	v43 =	vld [tilespmem:$0x6620]  }
0x1a9: {  	v45 =	vld [tilespmem:$0x6A20];
	[tilespmem:$0x7210] =	vst v0  }
0x1aa: {  	v44 =	vld.idx.msk [tilespmem:v41+s2+$0x0], $0xffff  }
0x1ab: {  	v46 =	vld.idx.msk [tilespmem:v41+s21+$0x0], $0xffff  }
0x1ac: {  	v47 =	vld [tilespmem:$0x6E20]  }
0x1ad: {  	v2 =	vld.idx.msk [tilespmem:v41+s22+$0x0], $0xffff;
	_ =	sdelay $0x2  }
0x1ae: {  	v0 =	vsub.f32 v43, v44;
	v48 =	vsub.f32 v45, v46  }
0x1af: {  	v49 =	vld [tilespmem:$0x6230]  }
0x1b0: {  	v2 =	vsub.f32 v47, v2;
	v0 =	vmul.f32 v0, v0;
	v1 =	vmul.f32 v48, v48;
	_ =	sdelay $0x1  }
0x1b1: {  	v50 =	vmul.f32 v2, v2;
	v0 =	vadd.f32 v1, v0;
	_ =	sdelay $0x1  }
0x1b2: {  	v0 =	vadd.f32 v50, v0  }
0x1b3: {  	v51 =	vld [tilespmem:$0x6630]  }
0x1b4: {  	v53 =	vld [tilespmem:$0x6A30];
	[tilespmem:$0x7220] =	vst v0  }
0x1b5: {  	v52 =	vld.idx.msk [tilespmem:v49+s2+$0x0], $0xffff  }
0x1b6: {  	v54 =	vld.idx.msk [tilespmem:v49+s21+$0x0], $0xffff  }
0x1b7: {  	v55 =	vld [tilespmem:$0x6E30]  }
0x1b8: {  	v3 =	vld.idx.msk [tilespmem:v49+s22+$0x0], $0xffff;
	_ =	sdelay $0x2  }
0x1b9: {  	v0 =	vsub.f32 v51, v52;
	v56 =	vsub.f32 v53, v54  }
0x1ba: {  	v57 =	vld [tilespmem:$0x6240]  }
0x1bb: {  	v3 =	vsub.f32 v55, v3;
	v0 =	vmul.f32 v0, v0;
	v1 =	vmul.f32 v56, v56;
	_ =	sdelay $0x1  }
0x1bc: {  	v58 =	vmul.f32 v3, v3;
	v0 =	vadd.f32 v1, v0;
	_ =	sdelay $0x1  }
0x1bd: {  	v0 =	vadd.f32 v58, v0  }
0x1be: {  	v59 =	vld [tilespmem:$0x6640]  }
0x1bf: {  	v61 =	vld [tilespmem:$0x6A40];
	[tilespmem:$0x7230] =	vst v0  }
0x1c0: {  	v60 =	vld.idx.msk [tilespmem:v57+s2+$0x0], $0xffff  }
0x1c1: {  	v62 =	vld.idx.msk [tilespmem:v57+s21+$0x0], $0xffff  }
0x1c2: {  	v63 =	vld [tilespmem:$0x6E40]  }
0x1c3: {  	v2 =	vld.idx.msk [tilespmem:v57+s22+$0x0], $0xffff;
	_ =	sdelay $0x2  }
0x1c4: {  	v0 =	vsub.f32 v59, v60;
	v8 =	vsub.f32 v61, v62  }
0x1c5: {  	v9 =	vld [tilespmem:$0x6250]  }
0x1c6: {  	v2 =	vsub.f32 v63, v2;
	v0 =	vmul.f32 v0, v0;
	v1 =	vmul.f32 v8, v8;
	_ =	sdelay $0x1  }
0x1c7: {  	v10 =	vmul.f32 v2, v2;
	v0 =	vadd.f32 v1, v0;
	_ =	sdelay $0x1  }
0x1c8: {  	v0 =	vadd.f32 v10, v0  }
0x1c9: {  	v11 =	vld [tilespmem:$0x6650]  }
0x1ca: {  	v13 =	vld [tilespmem:$0x6A50];
	[tilespmem:$0x7240] =	vst v0  }
0x1cb: {  	v12 =	vld.idx.msk [tilespmem:v9+s2+$0x0], $0xffff  }
0x1cc: {  	v14 =	vld.idx.msk [tilespmem:v9+s21+$0x0], $0xffff  }
0x1cd: {  	v15 =	vld [tilespmem:$0x6E50]  }
0x1ce: {  	v3 =	vld.idx.msk [tilespmem:v9+s22+$0x0], $0xffff;
	_ =	sdelay $0x2  }
0x1cf: {  	v0 =	vsub.f32 v11, v12;
	v16 =	vsub.f32 v13, v14  }
0x1d0: {  	v17 =	vld [tilespmem:$0x6260]  }
0x1d1: {  	v3 =	vsub.f32 v15, v3;
	v0 =	vmul.f32 v0, v0;
	v1 =	vmul.f32 v16, v16;
	_ =	sdelay $0x1  }
0x1d2: {  	v18 =	vmul.f32 v3, v3;
	v0 =	vadd.f32 v1, v0;
	_ =	sdelay $0x1  }
0x1d3: {  	v0 =	vadd.f32 v18, v0  }
0x1d4: {  	v19 =	vld [tilespmem:$0x6660]  }
0x1d5: {  	v21 =	vld [tilespmem:$0x6A60];
	[tilespmem:$0x7250] =	vst v0  }
0x1d6: {  	v20 =	vld.idx.msk [tilespmem:v17+s2+$0x0], $0xffff  }
0x1d7: {  	v22 =	vld.idx.msk [tilespmem:v17+s21+$0x0], $0xffff  }
0x1d8: {  	v23 =	vld [tilespmem:$0x6E60]  }
0x1d9: {  	v2 =	vld.idx.msk [tilespmem:v17+s22+$0x0], $0xffff;
	_ =	sdelay $0x2  }
0x1da: {  	v0 =	vsub.f32 v19, v20;
	v24 =	vsub.f32 v21, v22  }
0x1db: {  	v25 =	vld [tilespmem:$0x6270]  }
0x1dc: {  	v2 =	vsub.f32 v23, v2;
	v0 =	vmul.f32 v0, v0;
	v1 =	vmul.f32 v24, v24;
	_ =	sdelay $0x1  }
0x1dd: {  	v26 =	vmul.f32 v2, v2;
	v0 =	vadd.f32 v1, v0;
	_ =	sdelay $0x1  }
0x1de: {  	v0 =	vadd.f32 v26, v0  }
0x1df: {  	v27 =	vld [tilespmem:$0x6670]  }
0x1e0: {  	v29 =	vld [tilespmem:$0x6A70];
	[tilespmem:$0x7260] =	vst v0  }
0x1e1: {  	v28 =	vld.idx.msk [tilespmem:v25+s2+$0x0], $0xffff  }
0x1e2: {  	v30 =	vld.idx.msk [tilespmem:v25+s21+$0x0], $0xffff  }
0x1e3: {  	v31 =	vld [tilespmem:$0x6E70]  }
0x1e4: {  	v3 =	vld.idx.msk [tilespmem:v25+s22+$0x0], $0xffff;
	_ =	sdelay $0x2  }
0x1e5: {  	v0 =	vsub.f32 v27, v28;
	v32 =	vsub.f32 v29, v30  }
0x1e6: {  	v33 =	vld [tilespmem:$0x6280]  }
0x1e7: {  	v3 =	vsub.f32 v31, v3;
	v0 =	vmul.f32 v0, v0;
	v1 =	vmul.f32 v32, v32;
	_ =	sdelay $0x1  }
0x1e8: {  	v34 =	vmul.f32 v3, v3;
	v0 =	vadd.f32 v1, v0;
	_ =	sdelay $0x1  }
0x1e9: {  	v0 =	vadd.f32 v34, v0  }
0x1ea: {  	v35 =	vld [tilespmem:$0x6680]  }
0x1eb: {  	v37 =	vld [tilespmem:$0x6A80];
	[tilespmem:$0x7270] =	vst v0  }
0x1ec: {  	v36 =	vld.idx.msk [tilespmem:v33+s2+$0x0], $0xffff  }
0x1ed: {  	v38 =	vld.idx.msk [tilespmem:v33+s21+$0x0], $0xffff  }
0x1ee: {  	v39 =	vld [tilespmem:$0x6E80]  }
0x1ef: {  	v2 =	vld.idx.msk [tilespmem:v33+s22+$0x0], $0xffff;
	_ =	sdelay $0x2  }
0x1f0: {  	v0 =	vsub.f32 v35, v36;
	v40 =	vsub.f32 v37, v38  }
0x1f1: {  	v41 =	vld [tilespmem:$0x6290]  }
0x1f2: {  	v2 =	vsub.f32 v39, v2;
	v0 =	vmul.f32 v0, v0;
	v1 =	vmul.f32 v40, v40;
	_ =	sdelay $0x1  }
0x1f3: {  	v42 =	vmul.f32 v2, v2;
	v0 =	vadd.f32 v1, v0;
	_ =	sdelay $0x1  }
0x1f4: {  	v0 =	vadd.f32 v42, v0  }
0x1f5: {  	v43 =	vld [tilespmem:$0x6690]  }
0x1f6: {  	v45 =	vld [tilespmem:$0x6A90];
	[tilespmem:$0x7280] =	vst v0  }
0x1f7: {  	v44 =	vld.idx.msk [tilespmem:v41+s2+$0x0], $0xffff  }
0x1f8: {  	v46 =	vld.idx.msk [tilespmem:v41+s21+$0x0], $0xffff  }
0x1f9: {  	v47 =	vld [tilespmem:$0x6E90]  }
0x1fa: {  	v3 =	vld.idx.msk [tilespmem:v41+s22+$0x0], $0xffff;
	_ =	sdelay $0x2  }
0x1fb: {  	v0 =	vsub.f32 v43, v44;
	v48 =	vsub.f32 v45, v46  }
0x1fc: {  	v49 =	vld [tilespmem:$0x62A0]  }
0x1fd: {  	v3 =	vsub.f32 v47, v3;
	v0 =	vmul.f32 v0, v0;
	v1 =	vmul.f32 v48, v48;
	_ =	sdelay $0x1  }
0x1fe: {  	v50 =	vmul.f32 v3, v3;
	v0 =	vadd.f32 v1, v0;
	_ =	sdelay $0x1  }
0x1ff: {  	v0 =	vadd.f32 v50, v0  }
0x200: {  	v51 =	vld [tilespmem:$0x66A0]  }
0x201: {  	v53 =	vld [tilespmem:$0x6AA0];
	[tilespmem:$0x7290] =	vst v0  }
0x202: {  	v52 =	vld.idx.msk [tilespmem:v49+s2+$0x0], $0xffff  }
0x203: {  	v54 =	vld.idx.msk [tilespmem:v49+s21+$0x0], $0xffff  }
0x204: {  	v55 =	vld [tilespmem:$0x6EA0]  }
0x205: {  	v2 =	vld.idx.msk [tilespmem:v49+s22+$0x0], $0xffff;
	_ =	sdelay $0x2  }
0x206: {  	v0 =	vsub.f32 v51, v52;
	v56 =	vsub.f32 v53, v54  }
0x207: {  	v57 =	vld [tilespmem:$0x62B0]  }
0x208: {  	v2 =	vsub.f32 v55, v2;
	v0 =	vmul.f32 v0, v0;
	v1 =	vmul.f32 v56, v56;
	_ =	sdelay $0x1  }
0x209: {  	v58 =	vmul.f32 v2, v2;
	v0 =	vadd.f32 v1, v0;
	_ =	sdelay $0x1  }
0x20a: {  	v0 =	vadd.f32 v58, v0  }
0x20b: {  	v59 =	vld [tilespmem:$0x66B0]  }
0x20c: {  	v61 =	vld [tilespmem:$0x6AB0];
	[tilespmem:$0x72A0] =	vst v0  }
0x20d: {  	v60 =	vld.idx.msk [tilespmem:v57+s2+$0x0], $0xffff  }
0x20e: {  	v62 =	vld.idx.msk [tilespmem:v57+s21+$0x0], $0xffff  }
0x20f: {  	v63 =	vld [tilespmem:$0x6EB0]  }
0x210: {  	v3 =	vld.idx.msk [tilespmem:v57+s22+$0x0], $0xffff;
	_ =	sdelay $0x2  }
0x211: {  	v0 =	vsub.f32 v59, v60;
	v8 =	vsub.f32 v61, v62  }
0x212: {  	v9 =	vld [tilespmem:$0x62C0]  }
0x213: {  	v3 =	vsub.f32 v63, v3;
	v0 =	vmul.f32 v0, v0;
	v1 =	vmul.f32 v8, v8;
	_ =	sdelay $0x1  }
0x214: {  	v10 =	vmul.f32 v3, v3;
	v0 =	vadd.f32 v1, v0;
	_ =	sdelay $0x1  }
0x215: {  	v0 =	vadd.f32 v10, v0  }
0x216: {  	v11 =	vld [tilespmem:$0x66C0]  }
0x217: {  	v13 =	vld [tilespmem:$0x6AC0];
	[tilespmem:$0x72B0] =	vst v0  }
0x218: {  	v12 =	vld.idx.msk [tilespmem:v9+s2+$0x0], $0xffff  }
0x219: {  	v14 =	vld.idx.msk [tilespmem:v9+s21+$0x0], $0xffff  }
0x21a: {  	v15 =	vld [tilespmem:$0x6EC0]  }
0x21b: {  	v2 =	vld.idx.msk [tilespmem:v9+s22+$0x0], $0xffff;
	_ =	sdelay $0x2  }
0x21c: {  	v0 =	vsub.f32 v11, v12;
	v16 =	vsub.f32 v13, v14  }
0x21d: {  	v17 =	vld [tilespmem:$0x62D0]  }
0x21e: {  	v2 =	vsub.f32 v15, v2;
	v0 =	vmul.f32 v0, v0;
	v1 =	vmul.f32 v16, v16;
	_ =	sdelay $0x1  }
0x21f: {  	v18 =	vmul.f32 v2, v2;
	v0 =	vadd.f32 v1, v0;
	_ =	sdelay $0x1  }
0x220: {  	v0 =	vadd.f32 v18, v0  }
0x221: {  	v19 =	vld [tilespmem:$0x66D0]  }
0x222: {  	v21 =	vld [tilespmem:$0x6AD0];
	[tilespmem:$0x72C0] =	vst v0  }
0x223: {  	v20 =	vld.idx.msk [tilespmem:v17+s2+$0x0], $0xffff  }
0x224: {  	v22 =	vld.idx.msk [tilespmem:v17+s21+$0x0], $0xffff  }
0x225: {  	v23 =	vld [tilespmem:$0x6ED0]  }
0x226: {  	v3 =	vld.idx.msk [tilespmem:v17+s22+$0x0], $0xffff;
	_ =	sdelay $0x2  }
0x227: {  	v0 =	vsub.f32 v19, v20;
	v24 =	vsub.f32 v21, v22  }
0x228: {  	v25 =	vld [tilespmem:$0x62E0]  }
0x229: {  	v3 =	vsub.f32 v23, v3;
	v0 =	vmul.f32 v0, v0;
	v1 =	vmul.f32 v24, v24;
	_ =	sdelay $0x1  }
0x22a: {  	v26 =	vmul.f32 v3, v3;
	v0 =	vadd.f32 v1, v0;
	_ =	sdelay $0x1  }
0x22b: {  	v0 =	vadd.f32 v26, v0  }
0x22c: {  	v27 =	vld [tilespmem:$0x66E0]  }
0x22d: {  	v29 =	vld [tilespmem:$0x6AE0];
	[tilespmem:$0x72D0] =	vst v0  }
0x22e: {  	v28 =	vld.idx.msk [tilespmem:v25+s2+$0x0], $0xffff  }
0x22f: {  	v30 =	vld.idx.msk [tilespmem:v25+s21+$0x0], $0xffff  }
0x230: {  	v31 =	vld [tilespmem:$0x6EE0]  }
0x231: {  	v2 =	vld.idx.msk [tilespmem:v25+s22+$0x0], $0xffff;
	_ =	sdelay $0x2  }
0x232: {  	v0 =	vsub.f32 v27, v28;
	v32 =	vsub.f32 v29, v30  }
0x233: {  	v33 =	vld [tilespmem:$0x62F0]  }
0x234: {  	v2 =	vsub.f32 v31, v2;
	v0 =	vmul.f32 v0, v0;
	v1 =	vmul.f32 v32, v32;
	_ =	sdelay $0x1  }
0x235: {  	v34 =	vmul.f32 v2, v2;
	v0 =	vadd.f32 v1, v0;
	_ =	sdelay $0x1  }
0x236: {  	v0 =	vadd.f32 v34, v0  }
0x237: {  	v35 =	vld [tilespmem:$0x66F0]  }
0x238: {  	v37 =	vld [tilespmem:$0x6AF0];
	[tilespmem:$0x72E0] =	vst v0  }
0x239: {  	v36 =	vld.idx.msk [tilespmem:v33+s2+$0x0], $0xffff  }
0x23a: {  	v38 =	vld.idx.msk [tilespmem:v33+s21+$0x0], $0xffff  }
0x23b: {  	v39 =	vld [tilespmem:$0x6EF0]  }
0x23c: {  	v3 =	vld.idx.msk [tilespmem:v33+s22+$0x0], $0xffff;
	_ =	sdelay $0x2  }
0x23d: {  	v0 =	vsub.f32 v35, v36;
	v40 =	vsub.f32 v37, v38  }
0x23e: {  	v41 =	vld [tilespmem:$0x6300]  }
0x23f: {  	v3 =	vsub.f32 v39, v3;
	v0 =	vmul.f32 v0, v0;
	v1 =	vmul.f32 v40, v40;
	_ =	sdelay $0x1  }
0x240: {  	v42 =	vmul.f32 v3, v3;
	v0 =	vadd.f32 v1, v0;
	_ =	sdelay $0x1  }
0x241: {  	v0 =	vadd.f32 v42, v0  }
0x242: {  	v43 =	vld [tilespmem:$0x6700]  }
0x243: {  	v45 =	vld [tilespmem:$0x6B00];
	[tilespmem:$0x72F0] =	vst v0  }
0x244: {  	v44 =	vld.idx.msk [tilespmem:v41+s2+$0x0], $0xffff  }
0x245: {  	v46 =	vld.idx.msk [tilespmem:v41+s21+$0x0], $0xffff  }
0x246: {  	v47 =	vld [tilespmem:$0x6F00]  }
0x247: {  	v2 =	vld.idx.msk [tilespmem:v41+s22+$0x0], $0xffff;
	_ =	sdelay $0x2  }
0x248: {  	v0 =	vsub.f32 v43, v44;
	v48 =	vsub.f32 v45, v46  }
0x249: {  	v49 =	vld [tilespmem:$0x6310]  }
0x24a: {  	v2 =	vsub.f32 v47, v2;
	v0 =	vmul.f32 v0, v0;
	v1 =	vmul.f32 v48, v48;
	_ =	sdelay $0x1  }
0x24b: {  	v50 =	vmul.f32 v2, v2;
	v0 =	vadd.f32 v1, v0;
	_ =	sdelay $0x1  }
0x24c: {  	v0 =	vadd.f32 v50, v0  }
0x24d: {  	v51 =	vld [tilespmem:$0x6710]  }
0x24e: {  	v53 =	vld [tilespmem:$0x6B10];
	[tilespmem:$0x7300] =	vst v0  }
0x24f: {  	v52 =	vld.idx.msk [tilespmem:v49+s2+$0x0], $0xffff  }
0x250: {  	v54 =	vld.idx.msk [tilespmem:v49+s21+$0x0], $0xffff  }
0x251: {  	v55 =	vld [tilespmem:$0x6F10]  }
0x252: {  	v3 =	vld.idx.msk [tilespmem:v49+s22+$0x0], $0xffff;
	_ =	sdelay $0x2  }
0x253: {  	v0 =	vsub.f32 v51, v52;
	v56 =	vsub.f32 v53, v54  }
0x254: {  	v57 =	vld [tilespmem:$0x6320]  }
0x255: {  	v3 =	vsub.f32 v55, v3;
	v0 =	vmul.f32 v0, v0;
	v1 =	vmul.f32 v56, v56;
	_ =	sdelay $0x1  }
0x256: {  	v58 =	vmul.f32 v3, v3;
	v0 =	vadd.f32 v1, v0;
	_ =	sdelay $0x1  }
0x257: {  	v0 =	vadd.f32 v58, v0  }
0x258: {  	v59 =	vld [tilespmem:$0x6720]  }
0x259: {  	v61 =	vld [tilespmem:$0x6B20];
	[tilespmem:$0x7310] =	vst v0  }
0x25a: {  	v60 =	vld.idx.msk [tilespmem:v57+s2+$0x0], $0xffff  }
0x25b: {  	v62 =	vld.idx.msk [tilespmem:v57+s21+$0x0], $0xffff  }
0x25c: {  	v63 =	vld [tilespmem:$0x6F20]  }
0x25d: {  	v2 =	vld.idx.msk [tilespmem:v57+s22+$0x0], $0xffff;
	_ =	sdelay $0x2  }
0x25e: {  	v0 =	vsub.f32 v59, v60;
	v8 =	vsub.f32 v61, v62  }
0x25f: {  	v9 =	vld [tilespmem:$0x6330]  }
0x260: {  	v2 =	vsub.f32 v63, v2;
	v0 =	vmul.f32 v0, v0;
	v1 =	vmul.f32 v8, v8;
	_ =	sdelay $0x1  }
0x261: {  	v10 =	vmul.f32 v2, v2;
	v0 =	vadd.f32 v1, v0;
	_ =	sdelay $0x1  }
0x262: {  	v0 =	vadd.f32 v10, v0  }
0x263: {  	v11 =	vld [tilespmem:$0x6730]  }
0x264: {  	v13 =	vld [tilespmem:$0x6B30];
	[tilespmem:$0x7320] =	vst v0  }
0x265: {  	v12 =	vld.idx.msk [tilespmem:v9+s2+$0x0], $0xffff  }
0x266: {  	v14 =	vld.idx.msk [tilespmem:v9+s21+$0x0], $0xffff  }
0x267: {  	v15 =	vld [tilespmem:$0x6F30]  }
0x268: {  	v3 =	vld.idx.msk [tilespmem:v9+s22+$0x0], $0xffff;
	_ =	sdelay $0x2  }
0x269: {  	v0 =	vsub.f32 v11, v12;
	v16 =	vsub.f32 v13, v14  }
0x26a: {  	v17 =	vld [tilespmem:$0x6340]  }
0x26b: {  	v3 =	vsub.f32 v15, v3;
	v0 =	vmul.f32 v0, v0;
	v1 =	vmul.f32 v16, v16;
	_ =	sdelay $0x1  }
0x26c: {  	v18 =	vmul.f32 v3, v3;
	v0 =	vadd.f32 v1, v0;
	_ =	sdelay $0x1  }
0x26d: {  	v0 =	vadd.f32 v18, v0  }
0x26e: {  	v19 =	vld [tilespmem:$0x6740]  }
0x26f: {  	v21 =	vld [tilespmem:$0x6B40];
	[tilespmem:$0x7330] =	vst v0  }
0x270: {  	v20 =	vld.idx.msk [tilespmem:v17+s2+$0x0], $0xffff  }
0x271: {  	v22 =	vld.idx.msk [tilespmem:v17+s21+$0x0], $0xffff  }
0x272: {  	v23 =	vld [tilespmem:$0x6F40]  }
0x273: {  	v2 =	vld.idx.msk [tilespmem:v17+s22+$0x0], $0xffff;
	_ =	sdelay $0x2  }
0x274: {  	v0 =	vsub.f32 v19, v20;
	v24 =	vsub.f32 v21, v22  }
0x275: {  	v25 =	vld [tilespmem:$0x6350]  }
0x276: {  	v2 =	vsub.f32 v23, v2;
	v0 =	vmul.f32 v0, v0;
	v1 =	vmul.f32 v24, v24;
	_ =	sdelay $0x1  }
0x277: {  	v26 =	vmul.f32 v2, v2;
	v0 =	vadd.f32 v1, v0;
	_ =	sdelay $0x1  }
0x278: {  	v0 =	vadd.f32 v26, v0  }
0x279: {  	v27 =	vld [tilespmem:$0x6750]  }
0x27a: {  	v29 =	vld [tilespmem:$0x6B50];
	[tilespmem:$0x7340] =	vst v0  }
0x27b: {  	v28 =	vld.idx.msk [tilespmem:v25+s2+$0x0], $0xffff  }
0x27c: {  	v30 =	vld.idx.msk [tilespmem:v25+s21+$0x0], $0xffff  }
0x27d: {  	v31 =	vld [tilespmem:$0x6F50]  }
0x27e: {  	v3 =	vld.idx.msk [tilespmem:v25+s22+$0x0], $0xffff;
	_ =	sdelay $0x2  }
0x27f: {  	v0 =	vsub.f32 v27, v28;
	v32 =	vsub.f32 v29, v30  }
0x280: {  	v33 =	vld [tilespmem:$0x6360]  }
0x281: {  	v3 =	vsub.f32 v31, v3;
	v0 =	vmul.f32 v0, v0;
	v1 =	vmul.f32 v32, v32;
	_ =	sdelay $0x1  }
0x282: {  	v34 =	vmul.f32 v3, v3;
	v0 =	vadd.f32 v1, v0;
	_ =	sdelay $0x1  }
0x283: {  	v0 =	vadd.f32 v34, v0  }
0x284: {  	v35 =	vld [tilespmem:$0x6760]  }
0x285: {  	v37 =	vld [tilespmem:$0x6B60];
	[tilespmem:$0x7350] =	vst v0  }
0x286: {  	v36 =	vld.idx.msk [tilespmem:v33+s2+$0x0], $0xffff  }
0x287: {  	v38 =	vld.idx.msk [tilespmem:v33+s21+$0x0], $0xffff  }
0x288: {  	v39 =	vld [tilespmem:$0x6F60]  }
0x289: {  	v2 =	vld.idx.msk [tilespmem:v33+s22+$0x0], $0xffff;
	_ =	sdelay $0x2  }
0x28a: {  	v0 =	vsub.f32 v35, v36;
	v40 =	vsub.f32 v37, v38  }
0x28b: {  	v41 =	vld [tilespmem:$0x6370]  }
0x28c: {  	v2 =	vsub.f32 v39, v2;
	v0 =	vmul.f32 v0, v0;
	v1 =	vmul.f32 v40, v40;
	_ =	sdelay $0x1  }
0x28d: {  	v42 =	vmul.f32 v2, v2;
	v0 =	vadd.f32 v1, v0;
	_ =	sdelay $0x1  }
0x28e: {  	v0 =	vadd.f32 v42, v0  }
0x28f: {  	v43 =	vld [tilespmem:$0x6770]  }
0x290: {  	v45 =	vld [tilespmem:$0x6B70];
	[tilespmem:$0x7360] =	vst v0  }
0x291: {  	v44 =	vld.idx.msk [tilespmem:v41+s2+$0x0], $0xffff  }
0x292: {  	v46 =	vld.idx.msk [tilespmem:v41+s21+$0x0], $0xffff  }
0x293: {  	v47 =	vld [tilespmem:$0x6F70]  }
0x294: {  	v3 =	vld.idx.msk [tilespmem:v41+s22+$0x0], $0xffff;
	_ =	sdelay $0x2  }
0x295: {  	v0 =	vsub.f32 v43, v44;
	v48 =	vsub.f32 v45, v46  }
0x296: {  	v49 =	vld [tilespmem:$0x6380]  }
0x297: {  	v3 =	vsub.f32 v47, v3;
	v0 =	vmul.f32 v0, v0;
	v1 =	vmul.f32 v48, v48;
	_ =	sdelay $0x1  }
0x298: {  	v50 =	vmul.f32 v3, v3;
	v0 =	vadd.f32 v1, v0;
	_ =	sdelay $0x1  }
0x299: {  	v0 =	vadd.f32 v50, v0  }
0x29a: {  	v51 =	vld [tilespmem:$0x6780]  }
0x29b: {  	v53 =	vld [tilespmem:$0x6B80];
	[tilespmem:$0x7370] =	vst v0  }
0x29c: {  	v52 =	vld.idx.msk [tilespmem:v49+s2+$0x0], $0xffff  }
0x29d: {  	v54 =	vld.idx.msk [tilespmem:v49+s21+$0x0], $0xffff  }
0x29e: {  	v55 =	vld [tilespmem:$0x6F80]  }
0x29f: {  	v2 =	vld.idx.msk [tilespmem:v49+s22+$0x0], $0xffff;
	_ =	sdelay $0x2  }
0x2a0: {  	v0 =	vsub.f32 v51, v52;
	v56 =	vsub.f32 v53, v54  }
0x2a1: {  	v57 =	vld [tilespmem:$0x6390]  }
0x2a2: {  	v2 =	vsub.f32 v55, v2;
	v0 =	vmul.f32 v0, v0;
	v1 =	vmul.f32 v56, v56;
	_ =	sdelay $0x1  }
0x2a3: {  	v58 =	vmul.f32 v2, v2;
	v0 =	vadd.f32 v1, v0;
	_ =	sdelay $0x1  }
0x2a4: {  	v0 =	vadd.f32 v58, v0  }
0x2a5: {  	v59 =	vld [tilespmem:$0x6790]  }
0x2a6: {  	v61 =	vld [tilespmem:$0x6B90];
	[tilespmem:$0x7380] =	vst v0  }
0x2a7: {  	v60 =	vld.idx.msk [tilespmem:v57+s2+$0x0], $0xffff  }
0x2a8: {  	v62 =	vld.idx.msk [tilespmem:v57+s21+$0x0], $0xffff  }
0x2a9: {  	v63 =	vld [tilespmem:$0x6F90]  }
0x2aa: {  	v3 =	vld.idx.msk [tilespmem:v57+s22+$0x0], $0xffff;
	_ =	sdelay $0x2  }
0x2ab: {  	v0 =	vsub.f32 v59, v60;
	v7 =	vsub.f32 v61, v62  }
0x2ac: {  	v8 =	vld [tilespmem:$0x63A0]  }
0x2ad: {  	v3 =	vsub.f32 v63, v3;
	v0 =	vmul.f32 v0, v0;
	v1 =	vmul.f32 v7, v7;
	_ =	sdelay $0x1  }
0x2ae: {  	v9 =	vmul.f32 v3, v3;
	v0 =	vadd.f32 v1, v0;
	_ =	sdelay $0x1  }
0x2af: {  	v0 =	vadd.f32 v9, v0  }
0x2b0: {  	v10 =	vld [tilespmem:$0x67A0]  }
0x2b1: {  	v12 =	vld [tilespmem:$0x6BA0];
	[tilespmem:$0x7390] =	vst v0  }
0x2b2: {  	v11 =	vld.idx.msk [tilespmem:v8+s2+$0x0], $0xffff  }
0x2b3: {  	v13 =	vld.idx.msk [tilespmem:v8+s21+$0x0], $0xffff  }
0x2b4: {  	v14 =	vld [tilespmem:$0x6FA0]  }
0x2b5: {  	v2 =	vld.idx.msk [tilespmem:v8+s22+$0x0], $0xffff;
	_ =	sdelay $0x2  }
0x2b6: {  	v0 =	vsub.f32 v10, v11;
	v15 =	vsub.f32 v12, v13  }
0x2b7: {  	v16 =	vld [tilespmem:$0x63B0]  }
0x2b8: {  	v2 =	vsub.f32 v14, v2;
	v0 =	vmul.f32 v0, v0;
	v1 =	vmul.f32 v15, v15;
	_ =	sdelay $0x1  }
0x2b9: {  	v17 =	vmul.f32 v2, v2;
	v0 =	vadd.f32 v1, v0;
	_ =	sdelay $0x1  }
0x2ba: {  	v0 =	vadd.f32 v17, v0  }
0x2bb: {  	v18 =	vld [tilespmem:$0x67B0]  }
0x2bc: {  	v20 =	vld [tilespmem:$0x6BB0];
	[tilespmem:$0x73A0] =	vst v0  }
0x2bd: {  	v19 =	vld.idx.msk [tilespmem:v16+s2+$0x0], $0xffff  }
0x2be: {  	v21 =	vld.idx.msk [tilespmem:v16+s21+$0x0], $0xffff  }
0x2bf: {  	v22 =	vld [tilespmem:$0x6FB0]  }
0x2c0: {  	v3 =	vld.idx.msk [tilespmem:v16+s22+$0x0], $0xffff;
	_ =	sdelay $0x2  }
0x2c1: {  	v0 =	vsub.f32 v18, v19;
	v23 =	vsub.f32 v20, v21  }
0x2c2: {  	v24 =	vld [tilespmem:$0x63C0]  }
0x2c3: {  	v3 =	vsub.f32 v22, v3;
	v0 =	vmul.f32 v0, v0;
	v1 =	vmul.f32 v23, v23;
	_ =	sdelay $0x1  }
0x2c4: {  	v25 =	vmul.f32 v3, v3;
	v0 =	vadd.f32 v1, v0;
	_ =	sdelay $0x1  }
0x2c5: {  	v0 =	vadd.f32 v25, v0  }
0x2c6: {  	v26 =	vld [tilespmem:$0x67C0]  }
0x2c7: {  	v28 =	vld [tilespmem:$0x6BC0];
	[tilespmem:$0x73B0] =	vst v0  }
0x2c8: {  	v27 =	vld.idx.msk [tilespmem:v24+s2+$0x0], $0xffff  }
0x2c9: {  	v29 =	vld.idx.msk [tilespmem:v24+s21+$0x0], $0xffff  }
0x2ca: {  	v30 =	vld [tilespmem:$0x6FC0]  }
0x2cb: {  	v2 =	vld.idx.msk [tilespmem:v24+s22+$0x0], $0xffff;
	_ =	sdelay $0x2  }
0x2cc: {  	v0 =	vsub.f32 v26, v27;
	v31 =	vsub.f32 v28, v29  }
0x2cd: {  	v32 =	vld [tilespmem:$0x63D0]  }
0x2ce: {  	v2 =	vsub.f32 v30, v2;
	v0 =	vmul.f32 v0, v0;
	v1 =	vmul.f32 v31, v31;
	_ =	sdelay $0x1  }
0x2cf: {  	v33 =	vmul.f32 v2, v2;
	v0 =	vadd.f32 v1, v0;
	_ =	sdelay $0x1  }
0x2d0: {  	v0 =	vadd.f32 v33, v0  }
0x2d1: {  	v34 =	vld [tilespmem:$0x67D0]  }
0x2d2: {  	v36 =	vld [tilespmem:$0x6BD0];
	[tilespmem:$0x73C0] =	vst v0  }
0x2d3: {  	v35 =	vld.idx.msk [tilespmem:v32+s2+$0x0], $0xffff  }
0x2d4: {  	v37 =	vld.idx.msk [tilespmem:v32+s21+$0x0], $0xffff  }
0x2d5: {  	v38 =	vld [tilespmem:$0x6FD0]  }
0x2d6: {  	v3 =	vld.idx.msk [tilespmem:v32+s22+$0x0], $0xffff;
	_ =	sdelay $0x2  }
0x2d7: {  	v0 =	vsub.f32 v34, v35;
	v39 =	vsub.f32 v36, v37  }
0x2d8: {  	v40 =	vld [tilespmem:$0x63E0]  }
0x2d9: {  	v3 =	vsub.f32 v38, v3;
	v0 =	vmul.f32 v0, v0;
	v1 =	vmul.f32 v39, v39;
	_ =	sdelay $0x1  }
0x2da: {  	v41 =	vmul.f32 v3, v3;
	v0 =	vadd.f32 v1, v0;
	_ =	sdelay $0x1  }
0x2db: {  	v0 =	vadd.f32 v41, v0  }
0x2dc: {  	v42 =	vld [tilespmem:$0x67E0]  }
0x2dd: {  	v44 =	vld [tilespmem:$0x6BE0];
	[tilespmem:$0x73D0] =	vst v0  }
0x2de: {  	v43 =	vld.idx.msk [tilespmem:v40+s2+$0x0], $0xffff  }
0x2df: {  	v45 =	vld.idx.msk [tilespmem:v40+s21+$0x0], $0xffff  }
0x2e0: {  	v46 =	vld [tilespmem:$0x6FE0]  }
0x2e1: {  	v2 =	vld.idx.msk [tilespmem:v40+s22+$0x0], $0xffff;
	_ =	sdelay $0x2  }
0x2e2: {  	v0 =	vsub.f32 v42, v43;
	v47 =	vsub.f32 v44, v45  }
0x2e3: {  	v48 =	vld [tilespmem:$0x63F0]  }
0x2e4: {  	v2 =	vsub.f32 v46, v2;
	v0 =	vmul.f32 v0, v0;
	v1 =	vmul.f32 v47, v47;
	_ =	sdelay $0x1  }
0x2e5: {  	v49 =	vmul.f32 v2, v2;
	v0 =	vadd.f32 v1, v0;
	_ =	sdelay $0x1  }
0x2e6: {  	v0 =	vadd.f32 v49, v0  }
0x2e7: {  	v50 =	vld [tilespmem:$0x67F0]  }
0x2e8: {  	v52 =	vld [tilespmem:$0x6BF0];
	[tilespmem:$0x73E0] =	vst v0  }
0x2e9: {  	v51 =	vld.idx.msk [tilespmem:v48+s2+$0x0], $0xffff  }
0x2ea: {  	v53 =	vld.idx.msk [tilespmem:v48+s21+$0x0], $0xffff  }
0x2eb: {  	v54 =	vld [tilespmem:$0x6FF0]  }
0x2ec: {  	v3 =	vld.idx.msk [tilespmem:v48+s22+$0x0], $0xffff;
	_ =	sdelay $0x2  }
0x2ed: {  	v0 =	vsub.f32 v50, v51;
	v55 =	vsub.f32 v52, v53;
	_ =	sdelay $0x1  }
0x2ee: {  	v56 =	vsub.f32 v54, v3;
	v0 =	vmul.f32 v0, v0;
	v1 =	vmul.f32 v55, v55;
	_ =	sdelay $0x1  }
0x2ef: {  	v57 =	vmul.f32 v56, v56;
	v0 =	vadd.f32 v1, v0;
	_ =	sdelay $0x1  }
0x2f0: {  	v0 =	vadd.f32 v57, v0;
	_ =	sdelay $0x1  }
0x2f1: {  	[tilespmem:$0x73F0] =	vst v0  }
0x2f2: {  	[hbm4b:s10+s2] =	stream.linear.scatter [tilespmem:s28], [sflag:$0x1], $0x400, $0x38;
	[tilespmem:$0x7400] =	vst v63  }
0x2f3: {  	_ =	swait.ge [sflag:s20], $0x400  }
0x2f4: {  	[sflag:s20] =	ssyncset.done $0x0  }
0x2f5: {  	[sflag:s20] =	ssyncadd.s32 $0xFFFFFC00  }
0x2f6: {  	[tilespmem:s2], [sflag:$0x1] =	stream.linear.gather [hbm4b:s11+s2], $0x2000, $0x38;
	[tilespmem:$0x7400] =	vst v63  }
0x2f7: {  	_ =	swait.ge [sflag:s20], $0x2000  }
0x2f8: {  	[sflag:s20] =	ssyncset.done $0x0  }
0x2f9: {  	[sflag:s20] =	ssyncadd.s32 $0xFFFFE000  }
0x2fa: {  	[tilespmem:s21], [sflag:$0x1] =	stream.linear.gather [hbm4b:s12+s2], $0x2000, $0x38;
	[tilespmem:$0x7400] =	vst v63  }
0x2fb: {  	_ =	swait.ge [sflag:s20], $0x2000  }
0x2fc: {  	[sflag:s20] =	ssyncset.done $0x0  }
0x2fd: {  	[sflag:s20] =	ssyncadd.s32 $0xFFFFE000  }
0x2fe: {  	[tilespmem:s22], [sflag:$0x1] =	stream.linear.gather [hbm4b:s13+s2], $0x2000, $0x38;
	[tilespmem:$0x7400] =	vst v63  }
0x2ff: {  	_ =	swait.ge [sflag:s20], $0x2000  }
0x300: {  	[sflag:s20] =	ssyncset.done $0x0  }
0x301: {  	[sflag:s20] =	ssyncadd.s32 $0xFFFFE000  }
0x302: {  	[tilespmem:s23], [sflag:$0x1] =	stream.linear.gather [hbm4b:s14+s2], $0x400, $0x38;
	[tilespmem:$0x7400] =	vst v63  }
0x303: {  	_ =	swait.ge [sflag:s20], $0x400  }
0x304: {  	[sflag:s20] =	ssyncset.done $0x0  }
0x305: {  	[sflag:s20] =	ssyncadd.s32 $0xFFFFFC00  }
0x306: {  	[tilespmem:s24], [sflag:$0x1] =	stream.linear.gather [hbm4b:s15+s2], $0x400, $0x38;
	[tilespmem:$0x7400] =	vst v63  }
0x307: {  	_ =	swait.ge [sflag:s20], $0x400  }
0x308: {  	[sflag:s20] =	ssyncset.done $0x0  }
0x309: {  	[sflag:s20] =	ssyncadd.s32 $0xFFFFFC00  }
0x30a: {  	[tilespmem:s25], [sflag:$0x1] =	stream.linear.gather [hbm4b:s16+s2], $0x400, $0x38;
	[tilespmem:$0x7400] =	vst v63  }
0x30b: {  	_ =	swait.ge [sflag:s20], $0x400  }
0x30c: {  	[sflag:s20] =	ssyncset.done $0x0  }
0x30d: {  	[sflag:s20] =	ssyncadd.s32 $0xFFFFFC00  }
0x30e: {  	[tilespmem:s26], [sflag:$0x1] =	stream.linear.gather [hbm4b:s17+s2], $0x400, $0x38;
	[tilespmem:$0x7400] =	vst v63  }
0x30f: {  	_ =	swait.ge [sflag:s20], $0x400  }
0x310: {  	[sflag:s20] =	ssyncset.done $0x0  }
0x311: {  	[sflag:s20] =	ssyncadd.s32 $0xFFFFFC00  }
0x312: {  	v58 =	vld [tilespmem:$0x6000];
	_ =	sdelay $0x5  }
0x313: {  	v59 =	vld [tilespmem:$0x6400]  }
0x314: {  	v61 =	vld [tilespmem:$0x6800]  }
0x315: {  	v60 =	vld.idx.msk [tilespmem:v58+s2+$0x0], $0xffff  }
0x316: {  	v62 =	vld.idx.msk [tilespmem:v58+s21+$0x0], $0xffff  }
0x317: {  	v63 =	vld [tilespmem:$0x6C00]  }
0x318: {  	v0 =	vld.idx.msk [tilespmem:v58+s22+$0x0], $0xffff;
	_ =	sdelay $0x2  }
0x319: {  	v1 =	vsub.f32 v59, v60;
	v8 =	vsub.f32 v61, v62  }
0x31a: {  	v9 =	vld [tilespmem:$0x6010]  }
0x31b: {  	v0 =	vsub.f32 v63, v0;
	v1 =	vmul.f32 v1, v1;
	v2 =	vmul.f32 v8, v8;
	_ =	sdelay $0x1  }
0x31c: {  	v0 =	vmul.f32 v0, v0;
	v1 =	vadd.f32 v2, v1;
	_ =	sdelay $0x1  }
0x31d: {  	v0 =	vadd.f32 v0, v1  }
0x31e: {  	v10 =	vld [tilespmem:$0x6410]  }
0x31f: {  	v12 =	vld [tilespmem:$0x6810];
	[tilespmem:$0x7000] =	vst v0  }
0x320: {  	v11 =	vld.idx.msk [tilespmem:v9+s2+$0x0], $0xffff  }
0x321: {  	v13 =	vld.idx.msk [tilespmem:v9+s21+$0x0], $0xffff  }
0x322: {  	v14 =	vld [tilespmem:$0x6C10]  }
0x323: {  	v3 =	vld.idx.msk [tilespmem:v9+s22+$0x0], $0xffff;
	_ =	sdelay $0x2  }
0x324: {  	v0 =	vsub.f32 v10, v11;
	v15 =	vsub.f32 v12, v13;
	_ =	sdelay $0x1  }
0x325: {  	v16 =	vsub.f32 v14, v3;
	v0 =	vmul.f32 v0, v0;
	v1 =	vmul.f32 v15, v15;
	_ =	sdelay $0x1  }
0x326: {  	v17 =	vmul.f32 v16, v16;
	v0 =	vadd.f32 v1, v0;
	_ =	sdelay $0x1  }
0x327: {  	v0 =	vadd.f32 v17, v0;
	_ =	sdelay $0x1  }
0x328: {  	[tilespmem:$0x7010] =	vst v0  }
0x329: {  	v0 =	vld [tilespmem:$0x6020];
	_ =	sdelay $0x5  }
0x32a: {  	v18 =	vld [tilespmem:$0x6420]  }
0x32b: {  	v20 =	vld [tilespmem:$0x6820]  }
0x32c: {  	v19 =	vld.idx.msk [tilespmem:v0+s2+$0x0], $0xffff  }
0x32d: {  	v21 =	vld.idx.msk [tilespmem:v0+s21+$0x0], $0xffff  }
0x32e: {  	v22 =	vld [tilespmem:$0x6C20]  }
0x32f: {  	v0 =	vld.idx.msk [tilespmem:v0+s22+$0x0], $0xffff;
	_ =	sdelay $0x2  }
0x330: {  	v1 =	vsub.f32 v18, v19;
	v23 =	vsub.f32 v20, v21  }
0x331: {  	v24 =	vld [tilespmem:$0x6030]  }
0x332: {  	v0 =	vsub.f32 v22, v0;
	v1 =	vmul.f32 v1, v1;
	v2 =	vmul.f32 v23, v23;
	_ =	sdelay $0x1  }
0x333: {  	v0 =	vmul.f32 v0, v0;
	v1 =	vadd.f32 v2, v1;
	_ =	sdelay $0x1  }
0x334: {  	v0 =	vadd.f32 v0, v1  }
0x335: {  	v25 =	vld [tilespmem:$0x6430]  }
0x336: {  	v27 =	vld [tilespmem:$0x6830];
	[tilespmem:$0x7020] =	vst v0  }
0x337: {  	v26 =	vld.idx.msk [tilespmem:v24+s2+$0x0], $0xffff  }
0x338: {  	v28 =	vld.idx.msk [tilespmem:v24+s21+$0x0], $0xffff  }
0x339: {  	v29 =	vld [tilespmem:$0x6C30]  }
0x33a: {  	v3 =	vld.idx.msk [tilespmem:v24+s22+$0x0], $0xffff;
	_ =	sdelay $0x2  }
0x33b: {  	v0 =	vsub.f32 v25, v26;
	v30 =	vsub.f32 v27, v28  }
0x33c: {  	v31 =	vld [tilespmem:$0x6040]  }
0x33d: {  	v3 =	vsub.f32 v29, v3;
	v0 =	vmul.f32 v0, v0;
	v1 =	vmul.f32 v30, v30;
	_ =	sdelay $0x1  }
0x33e: {  	v32 =	vmul.f32 v3, v3;
	v0 =	vadd.f32 v1, v0;
	_ =	sdelay $0x1  }
0x33f: {  	v0 =	vadd.f32 v32, v0  }
0x340: {  	v33 =	vld [tilespmem:$0x6440]  }
0x341: {  	v35 =	vld [tilespmem:$0x6840];
	[tilespmem:$0x7030] =	vst v0  }
0x342: {  	v34 =	vld.idx.msk [tilespmem:v31+s2+$0x0], $0xffff  }
0x343: {  	v36 =	vld.idx.msk [tilespmem:v31+s21+$0x0], $0xffff  }
0x344: {  	v37 =	vld [tilespmem:$0x6C40]  }
0x345: {  	v2 =	vld.idx.msk [tilespmem:v31+s22+$0x0], $0xffff;
	_ =	sdelay $0x2  }
0x346: {  	v0 =	vsub.f32 v33, v34;
	v38 =	vsub.f32 v35, v36  }
0x347: {  	v39 =	vld [tilespmem:$0x6050]  }
0x348: {  	v2 =	vsub.f32 v37, v2;
	v0 =	vmul.f32 v0, v0;
	v1 =	vmul.f32 v38, v38;
	_ =	sdelay $0x1  }
0x349: {  	v40 =	vmul.f32 v2, v2;
	v0 =	vadd.f32 v1, v0;
	_ =	sdelay $0x1  }
0x34a: {  	v0 =	vadd.f32 v40, v0  }
0x34b: {  	v41 =	vld [tilespmem:$0x6450]  }
0x34c: {  	v43 =	vld [tilespmem:$0x6850];
	[tilespmem:$0x7040] =	vst v0  }
0x34d: {  	v42 =	vld.idx.msk [tilespmem:v39+s2+$0x0], $0xffff  }
0x34e: {  	v44 =	vld.idx.msk [tilespmem:v39+s21+$0x0], $0xffff  }
0x34f: {  	v45 =	vld [tilespmem:$0x6C50]  }
0x350: {  	v3 =	vld.idx.msk [tilespmem:v39+s22+$0x0], $0xffff;
	_ =	sdelay $0x2  }
0x351: {  	v0 =	vsub.f32 v41, v42;
	v46 =	vsub.f32 v43, v44  }
0x352: {  	v47 =	vld [tilespmem:$0x6060]  }
0x353: {  	v3 =	vsub.f32 v45, v3;
	v0 =	vmul.f32 v0, v0;
	v1 =	vmul.f32 v46, v46;
	_ =	sdelay $0x1  }
0x354: {  	v48 =	vmul.f32 v3, v3;
	v0 =	vadd.f32 v1, v0;
	_ =	sdelay $0x1  }
0x355: {  	v0 =	vadd.f32 v48, v0  }
0x356: {  	v49 =	vld [tilespmem:$0x6460]  }
0x357: {  	v51 =	vld [tilespmem:$0x6860];
	[tilespmem:$0x7050] =	vst v0  }
0x358: {  	v50 =	vld.idx.msk [tilespmem:v47+s2+$0x0], $0xffff  }
0x359: {  	v52 =	vld.idx.msk [tilespmem:v47+s21+$0x0], $0xffff  }
0x35a: {  	v53 =	vld [tilespmem:$0x6C60]  }
0x35b: {  	v2 =	vld.idx.msk [tilespmem:v47+s22+$0x0], $0xffff;
	_ =	sdelay $0x2  }
0x35c: {  	v0 =	vsub.f32 v49, v50;
	v54 =	vsub.f32 v51, v52  }
0x35d: {  	v55 =	vld [tilespmem:$0x6070]  }
0x35e: {  	v2 =	vsub.f32 v53, v2;
	v0 =	vmul.f32 v0, v0;
	v1 =	vmul.f32 v54, v54;
	_ =	sdelay $0x1  }
0x35f: {  	v56 =	vmul.f32 v2, v2;
	v0 =	vadd.f32 v1, v0;
	_ =	sdelay $0x1  }
0x360: {  	v0 =	vadd.f32 v56, v0  }
0x361: {  	v57 =	vld [tilespmem:$0x6470]  }
0x362: {  	v59 =	vld [tilespmem:$0x6870];
	[tilespmem:$0x7060] =	vst v0  }
0x363: {  	v58 =	vld.idx.msk [tilespmem:v55+s2+$0x0], $0xffff  }
0x364: {  	v60 =	vld.idx.msk [tilespmem:v55+s21+$0x0], $0xffff  }
0x365: {  	v61 =	vld [tilespmem:$0x6C70]  }
0x366: {  	v3 =	vld.idx.msk [tilespmem:v55+s22+$0x0], $0xffff;
	_ =	sdelay $0x2  }
0x367: {  	v0 =	vsub.f32 v57, v58;
	v62 =	vsub.f32 v59, v60  }
0x368: {  	v63 =	vld [tilespmem:$0x6080]  }
0x369: {  	v3 =	vsub.f32 v61, v3;
	v0 =	vmul.f32 v0, v0;
	v1 =	vmul.f32 v62, v62;
	_ =	sdelay $0x1  }
0x36a: {  	v8 =	vmul.f32 v3, v3;
	v0 =	vadd.f32 v1, v0;
	_ =	sdelay $0x1  }
0x36b: {  	v0 =	vadd.f32 v8, v0  }
0x36c: {  	v9 =	vld [tilespmem:$0x6480]  }
0x36d: {  	v11 =	vld [tilespmem:$0x6880];
	[tilespmem:$0x7070] =	vst v0  }
0x36e: {  	v10 =	vld.idx.msk [tilespmem:v63+s2+$0x0], $0xffff  }
0x36f: {  	v12 =	vld.idx.msk [tilespmem:v63+s21+$0x0], $0xffff  }
0x370: {  	v13 =	vld [tilespmem:$0x6C80]  }
0x371: {  	v2 =	vld.idx.msk [tilespmem:v63+s22+$0x0], $0xffff;
	_ =	sdelay $0x2  }
0x372: {  	v0 =	vsub.f32 v9, v10;
	v14 =	vsub.f32 v11, v12  }
0x373: {  	v15 =	vld [tilespmem:$0x6090]  }
0x374: {  	v2 =	vsub.f32 v13, v2;
	v0 =	vmul.f32 v0, v0;
	v1 =	vmul.f32 v14, v14;
	_ =	sdelay $0x1  }
0x375: {  	v16 =	vmul.f32 v2, v2;
	v0 =	vadd.f32 v1, v0;
	_ =	sdelay $0x1  }
0x376: {  	v0 =	vadd.f32 v16, v0  }
0x377: {  	v17 =	vld [tilespmem:$0x6490]  }
0x378: {  	v19 =	vld [tilespmem:$0x6890];
	[tilespmem:$0x7080] =	vst v0  }
0x379: {  	v18 =	vld.idx.msk [tilespmem:v15+s2+$0x0], $0xffff  }
0x37a: {  	v20 =	vld.idx.msk [tilespmem:v15+s21+$0x0], $0xffff  }
0x37b: {  	v21 =	vld [tilespmem:$0x6C90]  }
0x37c: {  	v3 =	vld.idx.msk [tilespmem:v15+s22+$0x0], $0xffff;
	_ =	sdelay $0x2  }
0x37d: {  	v0 =	vsub.f32 v17, v18;
	v22 =	vsub.f32 v19, v20  }
0x37e: {  	v23 =	vld [tilespmem:$0x60A0]  }
0x37f: {  	v3 =	vsub.f32 v21, v3;
	v0 =	vmul.f32 v0, v0;
	v1 =	vmul.f32 v22, v22;
	_ =	sdelay $0x1  }
0x380: {  	v24 =	vmul.f32 v3, v3;
	v0 =	vadd.f32 v1, v0;
	_ =	sdelay $0x1  }
0x381: {  	v0 =	vadd.f32 v24, v0  }
0x382: {  	v25 =	vld [tilespmem:$0x64A0]  }
0x383: {  	v27 =	vld [tilespmem:$0x68A0];
	[tilespmem:$0x7090] =	vst v0  }
0x384: {  	v26 =	vld.idx.msk [tilespmem:v23+s2+$0x0], $0xffff  }
0x385: {  	v28 =	vld.idx.msk [tilespmem:v23+s21+$0x0], $0xffff  }
0x386: {  	v29 =	vld [tilespmem:$0x6CA0]  }
0x387: {  	v2 =	vld.idx.msk [tilespmem:v23+s22+$0x0], $0xffff;
	_ =	sdelay $0x2  }
0x388: {  	v0 =	vsub.f32 v25, v26;
	v30 =	vsub.f32 v27, v28  }
0x389: {  	v31 =	vld [tilespmem:$0x60B0]  }
0x38a: {  	v2 =	vsub.f32 v29, v2;
	v0 =	vmul.f32 v0, v0;
	v1 =	vmul.f32 v30, v30;
	_ =	sdelay $0x1  }
0x38b: {  	v32 =	vmul.f32 v2, v2;
	v0 =	vadd.f32 v1, v0;
	_ =	sdelay $0x1  }
0x38c: {  	v0 =	vadd.f32 v32, v0  }
0x38d: {  	v33 =	vld [tilespmem:$0x64B0]  }
0x38e: {  	v35 =	vld [tilespmem:$0x68B0];
	[tilespmem:$0x70A0] =	vst v0  }
0x38f: {  	v34 =	vld.idx.msk [tilespmem:v31+s2+$0x0], $0xffff  }
0x390: {  	v36 =	vld.idx.msk [tilespmem:v31+s21+$0x0], $0xffff  }
0x391: {  	v37 =	vld [tilespmem:$0x6CB0]  }
0x392: {  	v3 =	vld.idx.msk [tilespmem:v31+s22+$0x0], $0xffff;
	_ =	sdelay $0x2  }
0x393: {  	v0 =	vsub.f32 v33, v34;
	v38 =	vsub.f32 v35, v36  }
0x394: {  	v39 =	vld [tilespmem:$0x60C0]  }
0x395: {  	v3 =	vsub.f32 v37, v3;
	v0 =	vmul.f32 v0, v0;
	v1 =	vmul.f32 v38, v38;
	_ =	sdelay $0x1  }
0x396: {  	v40 =	vmul.f32 v3, v3;
	v0 =	vadd.f32 v1, v0;
	_ =	sdelay $0x1  }
0x397: {  	v0 =	vadd.f32 v40, v0  }
0x398: {  	v41 =	vld [tilespmem:$0x64C0]  }
0x399: {  	v43 =	vld [tilespmem:$0x68C0];
	[tilespmem:$0x70B0] =	vst v0  }
0x39a: {  	v42 =	vld.idx.msk [tilespmem:v39+s2+$0x0], $0xffff  }
0x39b: {  	v44 =	vld.idx.msk [tilespmem:v39+s21+$0x0], $0xffff  }
0x39c: {  	v45 =	vld [tilespmem:$0x6CC0]  }
0x39d: {  	v2 =	vld.idx.msk [tilespmem:v39+s22+$0x0], $0xffff;
	_ =	sdelay $0x2  }
0x39e: {  	v0 =	vsub.f32 v41, v42;
	v46 =	vsub.f32 v43, v44  }
0x39f: {  	v47 =	vld [tilespmem:$0x60D0]  }
0x3a0: {  	v2 =	vsub.f32 v45, v2;
	v0 =	vmul.f32 v0, v0;
	v1 =	vmul.f32 v46, v46;
	_ =	sdelay $0x1  }
0x3a1: {  	v48 =	vmul.f32 v2, v2;
	v0 =	vadd.f32 v1, v0;
	_ =	sdelay $0x1  }
0x3a2: {  	v0 =	vadd.f32 v48, v0  }
0x3a3: {  	v49 =	vld [tilespmem:$0x64D0]  }
0x3a4: {  	v51 =	vld [tilespmem:$0x68D0];
	[tilespmem:$0x70C0] =	vst v0  }
0x3a5: {  	v50 =	vld.idx.msk [tilespmem:v47+s2+$0x0], $0xffff  }
0x3a6: {  	v52 =	vld.idx.msk [tilespmem:v47+s21+$0x0], $0xffff  }
0x3a7: {  	v53 =	vld [tilespmem:$0x6CD0]  }
0x3a8: {  	v3 =	vld.idx.msk [tilespmem:v47+s22+$0x0], $0xffff;
	_ =	sdelay $0x2  }
0x3a9: {  	v0 =	vsub.f32 v49, v50;
	v54 =	vsub.f32 v51, v52  }
0x3aa: {  	v55 =	vld [tilespmem:$0x60E0]  }
0x3ab: {  	v3 =	vsub.f32 v53, v3;
	v0 =	vmul.f32 v0, v0;
	v1 =	vmul.f32 v54, v54;
	_ =	sdelay $0x1  }
0x3ac: {  	v56 =	vmul.f32 v3, v3;
	v0 =	vadd.f32 v1, v0;
	_ =	sdelay $0x1  }
0x3ad: {  	v0 =	vadd.f32 v56, v0  }
0x3ae: {  	v57 =	vld [tilespmem:$0x64E0]  }
0x3af: {  	v59 =	vld [tilespmem:$0x68E0];
	[tilespmem:$0x70D0] =	vst v0  }
0x3b0: {  	v58 =	vld.idx.msk [tilespmem:v55+s2+$0x0], $0xffff  }
0x3b1: {  	v60 =	vld.idx.msk [tilespmem:v55+s21+$0x0], $0xffff  }
0x3b2: {  	v61 =	vld [tilespmem:$0x6CE0]  }
0x3b3: {  	v2 =	vld.idx.msk [tilespmem:v55+s22+$0x0], $0xffff;
	_ =	sdelay $0x2  }
0x3b4: {  	v0 =	vsub.f32 v57, v58;
	v62 =	vsub.f32 v59, v60  }
0x3b5: {  	v63 =	vld [tilespmem:$0x60F0]  }
0x3b6: {  	v2 =	vsub.f32 v61, v2;
	v0 =	vmul.f32 v0, v0;
	v1 =	vmul.f32 v62, v62;
	_ =	sdelay $0x1  }
0x3b7: {  	v8 =	vmul.f32 v2, v2;
	v0 =	vadd.f32 v1, v0;
	_ =	sdelay $0x1  }
0x3b8: {  	v0 =	vadd.f32 v8, v0  }
0x3b9: {  	v9 =	vld [tilespmem:$0x64F0]  }
0x3ba: {  	v11 =	vld [tilespmem:$0x68F0];
	[tilespmem:$0x70E0] =	vst v0  }
0x3bb: {  	v10 =	vld.idx.msk [tilespmem:v63+s2+$0x0], $0xffff  }
0x3bc: {  	v12 =	vld.idx.msk [tilespmem:v63+s21+$0x0], $0xffff  }
0x3bd: {  	v13 =	vld [tilespmem:$0x6CF0]  }
0x3be: {  	v3 =	vld.idx.msk [tilespmem:v63+s22+$0x0], $0xffff;
	_ =	sdelay $0x2  }
0x3bf: {  	v0 =	vsub.f32 v9, v10;
	v14 =	vsub.f32 v11, v12  }
0x3c0: {  	v15 =	vld [tilespmem:$0x6100]  }
0x3c1: {  	v3 =	vsub.f32 v13, v3;
	v0 =	vmul.f32 v0, v0;
	v1 =	vmul.f32 v14, v14;
	_ =	sdelay $0x1  }
0x3c2: {  	v16 =	vmul.f32 v3, v3;
	v0 =	vadd.f32 v1, v0;
	_ =	sdelay $0x1  }
0x3c3: {  	v0 =	vadd.f32 v16, v0  }
0x3c4: {  	v17 =	vld [tilespmem:$0x6500]  }
0x3c5: {  	v19 =	vld [tilespmem:$0x6900];
	[tilespmem:$0x70F0] =	vst v0  }
0x3c6: {  	v18 =	vld.idx.msk [tilespmem:v15+s2+$0x0], $0xffff  }
0x3c7: {  	v20 =	vld.idx.msk [tilespmem:v15+s21+$0x0], $0xffff  }
0x3c8: {  	v21 =	vld [tilespmem:$0x6D00]  }
0x3c9: {  	v2 =	vld.idx.msk [tilespmem:v15+s22+$0x0], $0xffff;
	_ =	sdelay $0x2  }
0x3ca: {  	v0 =	vsub.f32 v17, v18;
	v22 =	vsub.f32 v19, v20  }
0x3cb: {  	v23 =	vld [tilespmem:$0x6110]  }
0x3cc: {  	v2 =	vsub.f32 v21, v2;
	v0 =	vmul.f32 v0, v0;
	v1 =	vmul.f32 v22, v22;
	_ =	sdelay $0x1  }
0x3cd: {  	v24 =	vmul.f32 v2, v2;
	v0 =	vadd.f32 v1, v0;
	_ =	sdelay $0x1  }
0x3ce: {  	v0 =	vadd.f32 v24, v0  }
0x3cf: {  	v25 =	vld [tilespmem:$0x6510]  }
0x3d0: {  	v27 =	vld [tilespmem:$0x6910];
	[tilespmem:$0x7100] =	vst v0  }
0x3d1: {  	v26 =	vld.idx.msk [tilespmem:v23+s2+$0x0], $0xffff  }
0x3d2: {  	v28 =	vld.idx.msk [tilespmem:v23+s21+$0x0], $0xffff  }
0x3d3: {  	v29 =	vld [tilespmem:$0x6D10]  }
0x3d4: {  	v3 =	vld.idx.msk [tilespmem:v23+s22+$0x0], $0xffff;
	_ =	sdelay $0x2  }
0x3d5: {  	v0 =	vsub.f32 v25, v26;
	v30 =	vsub.f32 v27, v28  }
0x3d6: {  	v31 =	vld [tilespmem:$0x6120]  }
0x3d7: {  	v3 =	vsub.f32 v29, v3;
	v0 =	vmul.f32 v0, v0;
	v1 =	vmul.f32 v30, v30;
	_ =	sdelay $0x1  }
0x3d8: {  	v32 =	vmul.f32 v3, v3;
	v0 =	vadd.f32 v1, v0;
	_ =	sdelay $0x1  }
0x3d9: {  	v0 =	vadd.f32 v32, v0  }
0x3da: {  	v33 =	vld [tilespmem:$0x6520]  }
0x3db: {  	v35 =	vld [tilespmem:$0x6920];
	[tilespmem:$0x7110] =	vst v0  }
0x3dc: {  	v34 =	vld.idx.msk [tilespmem:v31+s2+$0x0], $0xffff  }
0x3dd: {  	v36 =	vld.idx.msk [tilespmem:v31+s21+$0x0], $0xffff  }
0x3de: {  	v37 =	vld [tilespmem:$0x6D20]  }
0x3df: {  	v2 =	vld.idx.msk [tilespmem:v31+s22+$0x0], $0xffff;
	_ =	sdelay $0x2  }
0x3e0: {  	v0 =	vsub.f32 v33, v34;
	v38 =	vsub.f32 v35, v36  }
0x3e1: {  	v39 =	vld [tilespmem:$0x6130]  }
0x3e2: {  	v2 =	vsub.f32 v37, v2;
	v0 =	vmul.f32 v0, v0;
	v1 =	vmul.f32 v38, v38;
	_ =	sdelay $0x1  }
0x3e3: {  	v40 =	vmul.f32 v2, v2;
	v0 =	vadd.f32 v1, v0;
	_ =	sdelay $0x1  }
0x3e4: {  	v0 =	vadd.f32 v40, v0  }
0x3e5: {  	v41 =	vld [tilespmem:$0x6530]  }
0x3e6: {  	v43 =	vld [tilespmem:$0x6930];
	[tilespmem:$0x7120] =	vst v0  }
0x3e7: {  	v42 =	vld.idx.msk [tilespmem:v39+s2+$0x0], $0xffff  }
0x3e8: {  	v44 =	vld.idx.msk [tilespmem:v39+s21+$0x0], $0xffff  }
0x3e9: {  	v45 =	vld [tilespmem:$0x6D30]  }
0x3ea: {  	v3 =	vld.idx.msk [tilespmem:v39+s22+$0x0], $0xffff;
	_ =	sdelay $0x2  }
0x3eb: {  	v0 =	vsub.f32 v41, v42;
	v46 =	vsub.f32 v43, v44  }
0x3ec: {  	v47 =	vld [tilespmem:$0x6140]  }
0x3ed: {  	v3 =	vsub.f32 v45, v3;
	v0 =	vmul.f32 v0, v0;
	v1 =	vmul.f32 v46, v46;
	_ =	sdelay $0x1  }
0x3ee: {  	v48 =	vmul.f32 v3, v3;
	v0 =	vadd.f32 v1, v0;
	_ =	sdelay $0x1  }
0x3ef: {  	v0 =	vadd.f32 v48, v0  }
0x3f0: {  	v49 =	vld [tilespmem:$0x6540]  }
0x3f1: {  	v51 =	vld [tilespmem:$0x6940];
	[tilespmem:$0x7130] =	vst v0  }
0x3f2: {  	v50 =	vld.idx.msk [tilespmem:v47+s2+$0x0], $0xffff  }
0x3f3: {  	v52 =	vld.idx.msk [tilespmem:v47+s21+$0x0], $0xffff  }
0x3f4: {  	v53 =	vld [tilespmem:$0x6D40]  }
0x3f5: {  	v2 =	vld.idx.msk [tilespmem:v47+s22+$0x0], $0xffff;
	_ =	sdelay $0x2  }
0x3f6: {  	v0 =	vsub.f32 v49, v50;
	v54 =	vsub.f32 v51, v52  }
0x3f7: {  	v55 =	vld [tilespmem:$0x6150]  }
0x3f8: {  	v2 =	vsub.f32 v53, v2;
	v0 =	vmul.f32 v0, v0;
	v1 =	vmul.f32 v54, v54;
	_ =	sdelay $0x1  }
0x3f9: {  	v56 =	vmul.f32 v2, v2;
	v0 =	vadd.f32 v1, v0;
	_ =	sdelay $0x1  }
0x3fa: {  	v0 =	vadd.f32 v56, v0  }
0x3fb: {  	v57 =	vld [tilespmem:$0x6550]  }
0x3fc: {  	v59 =	vld [tilespmem:$0x6950];
	[tilespmem:$0x7140] =	vst v0  }
0x3fd: {  	v58 =	vld.idx.msk [tilespmem:v55+s2+$0x0], $0xffff  }
0x3fe: {  	v60 =	vld.idx.msk [tilespmem:v55+s21+$0x0], $0xffff  }
0x3ff: {  	v61 =	vld [tilespmem:$0x6D50]  }
0x400: {  	v3 =	vld.idx.msk [tilespmem:v55+s22+$0x0], $0xffff;
	_ =	sdelay $0x2  }
0x401: {  	v0 =	vsub.f32 v57, v58;
	v62 =	vsub.f32 v59, v60  }
0x402: {  	v63 =	vld [tilespmem:$0x6160]  }
0x403: {  	v3 =	vsub.f32 v61, v3;
	v0 =	vmul.f32 v0, v0;
	v1 =	vmul.f32 v62, v62;
	_ =	sdelay $0x1  }
0x404: {  	v8 =	vmul.f32 v3, v3;
	v0 =	vadd.f32 v1, v0;
	_ =	sdelay $0x1  }
0x405: {  	v0 =	vadd.f32 v8, v0  }
0x406: {  	v9 =	vld [tilespmem:$0x6560]  }
0x407: {  	v11 =	vld [tilespmem:$0x6960];
	[tilespmem:$0x7150] =	vst v0  }
0x408: {  	v10 =	vld.idx.msk [tilespmem:v63+s2+$0x0], $0xffff  }
0x409: {  	v12 =	vld.idx.msk [tilespmem:v63+s21+$0x0], $0xffff  }
0x40a: {  	v13 =	vld [tilespmem:$0x6D60]  }
0x40b: {  	v2 =	vld.idx.msk [tilespmem:v63+s22+$0x0], $0xffff;
	_ =	sdelay $0x2  }
0x40c: {  	v0 =	vsub.f32 v9, v10;
	v14 =	vsub.f32 v11, v12  }
0x40d: {  	v15 =	vld [tilespmem:$0x6170]  }
0x40e: {  	v2 =	vsub.f32 v13, v2;
	v0 =	vmul.f32 v0, v0;
	v1 =	vmul.f32 v14, v14;
	_ =	sdelay $0x1  }
0x40f: {  	v16 =	vmul.f32 v2, v2;
	v0 =	vadd.f32 v1, v0;
	_ =	sdelay $0x1  }
0x410: {  	v0 =	vadd.f32 v16, v0  }
0x411: {  	v17 =	vld [tilespmem:$0x6570]  }
0x412: {  	v19 =	vld [tilespmem:$0x6970];
	[tilespmem:$0x7160] =	vst v0  }
0x413: {  	v18 =	vld.idx.msk [tilespmem:v15+s2+$0x0], $0xffff  }
0x414: {  	v20 =	vld.idx.msk [tilespmem:v15+s21+$0x0], $0xffff  }
0x415: {  	v21 =	vld [tilespmem:$0x6D70]  }
0x416: {  	v3 =	vld.idx.msk [tilespmem:v15+s22+$0x0], $0xffff;
	_ =	sdelay $0x2  }
0x417: {  	v0 =	vsub.f32 v17, v18;
	v22 =	vsub.f32 v19, v20  }
0x418: {  	v23 =	vld [tilespmem:$0x6180]  }
0x419: {  	v3 =	vsub.f32 v21, v3;
	v0 =	vmul.f32 v0, v0;
	v1 =	vmul.f32 v22, v22;
	_ =	sdelay $0x1  }
0x41a: {  	v24 =	vmul.f32 v3, v3;
	v0 =	vadd.f32 v1, v0;
	_ =	sdelay $0x1  }
0x41b: {  	v0 =	vadd.f32 v24, v0  }
0x41c: {  	v25 =	vld [tilespmem:$0x6580]  }
0x41d: {  	v27 =	vld [tilespmem:$0x6980];
	[tilespmem:$0x7170] =	vst v0  }
0x41e: {  	v26 =	vld.idx.msk [tilespmem:v23+s2+$0x0], $0xffff  }
0x41f: {  	v28 =	vld.idx.msk [tilespmem:v23+s21+$0x0], $0xffff  }
0x420: {  	v29 =	vld [tilespmem:$0x6D80]  }
0x421: {  	v2 =	vld.idx.msk [tilespmem:v23+s22+$0x0], $0xffff;
	_ =	sdelay $0x2  }
0x422: {  	v0 =	vsub.f32 v25, v26;
	v30 =	vsub.f32 v27, v28  }
0x423: {  	v31 =	vld [tilespmem:$0x6190]  }
0x424: {  	v2 =	vsub.f32 v29, v2;
	v0 =	vmul.f32 v0, v0;
	v1 =	vmul.f32 v30, v30;
	_ =	sdelay $0x1  }
0x425: {  	v32 =	vmul.f32 v2, v2;
	v0 =	vadd.f32 v1, v0;
	_ =	sdelay $0x1  }
0x426: {  	v0 =	vadd.f32 v32, v0  }
0x427: {  	v33 =	vld [tilespmem:$0x6590]  }
0x428: {  	v35 =	vld [tilespmem:$0x6990];
	[tilespmem:$0x7180] =	vst v0  }
0x429: {  	v34 =	vld.idx.msk [tilespmem:v31+s2+$0x0], $0xffff  }
0x42a: {  	v36 =	vld.idx.msk [tilespmem:v31+s21+$0x0], $0xffff  }
0x42b: {  	v37 =	vld [tilespmem:$0x6D90]  }
0x42c: {  	v3 =	vld.idx.msk [tilespmem:v31+s22+$0x0], $0xffff;
	_ =	sdelay $0x2  }
0x42d: {  	v0 =	vsub.f32 v33, v34;
	v38 =	vsub.f32 v35, v36  }
0x42e: {  	v39 =	vld [tilespmem:$0x61A0]  }
0x42f: {  	v3 =	vsub.f32 v37, v3;
	v0 =	vmul.f32 v0, v0;
	v1 =	vmul.f32 v38, v38;
	_ =	sdelay $0x1  }
0x430: {  	v40 =	vmul.f32 v3, v3;
	v0 =	vadd.f32 v1, v0;
	_ =	sdelay $0x1  }
0x431: {  	v0 =	vadd.f32 v40, v0  }
0x432: {  	v41 =	vld [tilespmem:$0x65A0]  }
0x433: {  	v43 =	vld [tilespmem:$0x69A0];
	[tilespmem:$0x7190] =	vst v0  }
0x434: {  	v42 =	vld.idx.msk [tilespmem:v39+s2+$0x0], $0xffff  }
0x435: {  	v44 =	vld.idx.msk [tilespmem:v39+s21+$0x0], $0xffff  }
0x436: {  	v45 =	vld [tilespmem:$0x6DA0]  }
0x437: {  	v2 =	vld.idx.msk [tilespmem:v39+s22+$0x0], $0xffff;
	_ =	sdelay $0x2  }
0x438: {  	v0 =	vsub.f32 v41, v42;
	v46 =	vsub.f32 v43, v44  }
0x439: {  	v47 =	vld [tilespmem:$0x61B0]  }
0x43a: {  	v2 =	vsub.f32 v45, v2;
	v0 =	vmul.f32 v0, v0;
	v1 =	vmul.f32 v46, v46;
	_ =	sdelay $0x1  }
0x43b: {  	v48 =	vmul.f32 v2, v2;
	v0 =	vadd.f32 v1, v0;
	_ =	sdelay $0x1  }
0x43c: {  	v0 =	vadd.f32 v48, v0  }
0x43d: {  	v49 =	vld [tilespmem:$0x65B0]  }
0x43e: {  	v51 =	vld [tilespmem:$0x69B0];
	[tilespmem:$0x71A0] =	vst v0  }
0x43f: {  	v50 =	vld.idx.msk [tilespmem:v47+s2+$0x0], $0xffff  }
0x440: {  	v52 =	vld.idx.msk [tilespmem:v47+s21+$0x0], $0xffff  }
0x441: {  	v53 =	vld [tilespmem:$0x6DB0]  }
0x442: {  	v3 =	vld.idx.msk [tilespmem:v47+s22+$0x0], $0xffff;
	_ =	sdelay $0x2  }
0x443: {  	v0 =	vsub.f32 v49, v50;
	v54 =	vsub.f32 v51, v52  }
0x444: {  	v55 =	vld [tilespmem:$0x61C0]  }
0x445: {  	v3 =	vsub.f32 v53, v3;
	v0 =	vmul.f32 v0, v0;
	v1 =	vmul.f32 v54, v54;
	_ =	sdelay $0x1  }
0x446: {  	v56 =	vmul.f32 v3, v3;
	v0 =	vadd.f32 v1, v0;
	_ =	sdelay $0x1  }
0x447: {  	v0 =	vadd.f32 v56, v0  }
0x448: {  	v57 =	vld [tilespmem:$0x65C0]  }
0x449: {  	v59 =	vld [tilespmem:$0x69C0];
	[tilespmem:$0x71B0] =	vst v0  }
0x44a: {  	v58 =	vld.idx.msk [tilespmem:v55+s2+$0x0], $0xffff  }
0x44b: {  	v60 =	vld.idx.msk [tilespmem:v55+s21+$0x0], $0xffff  }
0x44c: {  	v61 =	vld [tilespmem:$0x6DC0]  }
0x44d: {  	v2 =	vld.idx.msk [tilespmem:v55+s22+$0x0], $0xffff;
	_ =	sdelay $0x2  }
0x44e: {  	v0 =	vsub.f32 v57, v58;
	v62 =	vsub.f32 v59, v60  }
0x44f: {  	v63 =	vld [tilespmem:$0x61D0]  }
0x450: {  	v2 =	vsub.f32 v61, v2;
	v0 =	vmul.f32 v0, v0;
	v1 =	vmul.f32 v62, v62;
	_ =	sdelay $0x1  }
0x451: {  	v8 =	vmul.f32 v2, v2;
	v0 =	vadd.f32 v1, v0;
	_ =	sdelay $0x1  }
0x452: {  	v0 =	vadd.f32 v8, v0  }
0x453: {  	v9 =	vld [tilespmem:$0x65D0]  }
0x454: {  	v11 =	vld [tilespmem:$0x69D0];
	[tilespmem:$0x71C0] =	vst v0  }
0x455: {  	v10 =	vld.idx.msk [tilespmem:v63+s2+$0x0], $0xffff  }
0x456: {  	v12 =	vld.idx.msk [tilespmem:v63+s21+$0x0], $0xffff  }
0x457: {  	v13 =	vld [tilespmem:$0x6DD0]  }
0x458: {  	v3 =	vld.idx.msk [tilespmem:v63+s22+$0x0], $0xffff;
	_ =	sdelay $0x2  }
0x459: {  	v0 =	vsub.f32 v9, v10;
	v14 =	vsub.f32 v11, v12  }
0x45a: {  	v15 =	vld [tilespmem:$0x61E0]  }
0x45b: {  	v3 =	vsub.f32 v13, v3;
	v0 =	vmul.f32 v0, v0;
	v1 =	vmul.f32 v14, v14;
	_ =	sdelay $0x1  }
0x45c: {  	v16 =	vmul.f32 v3, v3;
	v0 =	vadd.f32 v1, v0;
	_ =	sdelay $0x1  }
0x45d: {  	v0 =	vadd.f32 v16, v0  }
0x45e: {  	v17 =	vld [tilespmem:$0x65E0]  }
0x45f: {  	v19 =	vld [tilespmem:$0x69E0];
	[tilespmem:$0x71D0] =	vst v0  }
0x460: {  	v18 =	vld.idx.msk [tilespmem:v15+s2+$0x0], $0xffff  }
0x461: {  	v20 =	vld.idx.msk [tilespmem:v15+s21+$0x0], $0xffff  }
0x462: {  	v21 =	vld [tilespmem:$0x6DE0]  }
0x463: {  	v2 =	vld.idx.msk [tilespmem:v15+s22+$0x0], $0xffff;
	_ =	sdelay $0x2  }
0x464: {  	v0 =	vsub.f32 v17, v18;
	v22 =	vsub.f32 v19, v20  }
0x465: {  	v23 =	vld [tilespmem:$0x61F0]  }
0x466: {  	v2 =	vsub.f32 v21, v2;
	v0 =	vmul.f32 v0, v0;
	v1 =	vmul.f32 v22, v22;
	_ =	sdelay $0x1  }
0x467: {  	v24 =	vmul.f32 v2, v2;
	v0 =	vadd.f32 v1, v0;
	_ =	sdelay $0x1  }
0x468: {  	v0 =	vadd.f32 v24, v0  }
0x469: {  	v25 =	vld [tilespmem:$0x65F0]  }
0x46a: {  	v27 =	vld [tilespmem:$0x69F0];
	[tilespmem:$0x71E0] =	vst v0  }
0x46b: {  	v26 =	vld.idx.msk [tilespmem:v23+s2+$0x0], $0xffff  }
0x46c: {  	v28 =	vld.idx.msk [tilespmem:v23+s21+$0x0], $0xffff  }
0x46d: {  	v29 =	vld [tilespmem:$0x6DF0]  }
0x46e: {  	v3 =	vld.idx.msk [tilespmem:v23+s22+$0x0], $0xffff;
	_ =	sdelay $0x2  }
0x46f: {  	v0 =	vsub.f32 v25, v26;
	v30 =	vsub.f32 v27, v28  }
0x470: {  	v31 =	vld [tilespmem:$0x6200]  }
0x471: {  	v3 =	vsub.f32 v29, v3;
	v0 =	vmul.f32 v0, v0;
	v1 =	vmul.f32 v30, v30;
	_ =	sdelay $0x1  }
0x472: {  	v32 =	vmul.f32 v3, v3;
	v0 =	vadd.f32 v1, v0;
	_ =	sdelay $0x1  }
0x473: {  	v0 =	vadd.f32 v32, v0  }
0x474: {  	v33 =	vld [tilespmem:$0x6600]  }
0x475: {  	v35 =	vld [tilespmem:$0x6A00];
	[tilespmem:$0x71F0] =	vst v0  }
0x476: {  	v34 =	vld.idx.msk [tilespmem:v31+s2+$0x0], $0xffff  }
0x477: {  	v36 =	vld.idx.msk [tilespmem:v31+s21+$0x0], $0xffff  }
0x478: {  	v37 =	vld [tilespmem:$0x6E00]  }
0x479: {  	v2 =	vld.idx.msk [tilespmem:v31+s22+$0x0], $0xffff;
	_ =	sdelay $0x2  }
0x47a: {  	v0 =	vsub.f32 v33, v34;
	v38 =	vsub.f32 v35, v36  }
0x47b: {  	v39 =	vld [tilespmem:$0x6210]  }
0x47c: {  	v2 =	vsub.f32 v37, v2;
	v0 =	vmul.f32 v0, v0;
	v1 =	vmul.f32 v38, v38;
	_ =	sdelay $0x1  }
0x47d: {  	v40 =	vmul.f32 v2, v2;
	v0 =	vadd.f32 v1, v0;
	_ =	sdelay $0x1  }
0x47e: {  	v0 =	vadd.f32 v40, v0  }
0x47f: {  	v41 =	vld [tilespmem:$0x6610]  }
0x480: {  	v43 =	vld [tilespmem:$0x6A10];
	[tilespmem:$0x7200] =	vst v0  }
0x481: {  	v42 =	vld.idx.msk [tilespmem:v39+s2+$0x0], $0xffff  }
0x482: {  	v44 =	vld.idx.msk [tilespmem:v39+s21+$0x0], $0xffff  }
0x483: {  	v45 =	vld [tilespmem:$0x6E10]  }
0x484: {  	v3 =	vld.idx.msk [tilespmem:v39+s22+$0x0], $0xffff;
	_ =	sdelay $0x2  }
0x485: {  	v0 =	vsub.f32 v41, v42;
	v46 =	vsub.f32 v43, v44  }
0x486: {  	v47 =	vld [tilespmem:$0x6220]  }
0x487: {  	v3 =	vsub.f32 v45, v3;
	v0 =	vmul.f32 v0, v0;
	v1 =	vmul.f32 v46, v46;
	_ =	sdelay $0x1  }
0x488: {  	v48 =	vmul.f32 v3, v3;
	v0 =	vadd.f32 v1, v0;
	_ =	sdelay $0x1  }
0x489: {  	v0 =	vadd.f32 v48, v0  }
0x48a: {  	v49 =	vld [tilespmem:$0x6620]  }
0x48b: {  	v51 =	vld [tilespmem:$0x6A20];
	[tilespmem:$0x7210] =	vst v0  }
0x48c: {  	v50 =	vld.idx.msk [tilespmem:v47+s2+$0x0], $0xffff  }
0x48d: {  	v52 =	vld.idx.msk [tilespmem:v47+s21+$0x0], $0xffff  }
0x48e: {  	v53 =	vld [tilespmem:$0x6E20]  }
0x48f: {  	v2 =	vld.idx.msk [tilespmem:v47+s22+$0x0], $0xffff;
	_ =	sdelay $0x2  }
0x490: {  	v0 =	vsub.f32 v49, v50;
	v54 =	vsub.f32 v51, v52  }
0x491: {  	v55 =	vld [tilespmem:$0x6230]  }
0x492: {  	v2 =	vsub.f32 v53, v2;
	v0 =	vmul.f32 v0, v0;
	v1 =	vmul.f32 v54, v54;
	_ =	sdelay $0x1  }
0x493: {  	v56 =	vmul.f32 v2, v2;
	v0 =	vadd.f32 v1, v0;
	_ =	sdelay $0x1  }
0x494: {  	v0 =	vadd.f32 v56, v0  }
0x495: {  	v57 =	vld [tilespmem:$0x6630]  }
0x496: {  	v59 =	vld [tilespmem:$0x6A30];
	[tilespmem:$0x7220] =	vst v0  }
0x497: {  	v58 =	vld.idx.msk [tilespmem:v55+s2+$0x0], $0xffff  }
0x498: {  	v60 =	vld.idx.msk [tilespmem:v55+s21+$0x0], $0xffff  }
0x499: {  	v61 =	vld [tilespmem:$0x6E30]  }
0x49a: {  	v3 =	vld.idx.msk [tilespmem:v55+s22+$0x0], $0xffff;
	_ =	sdelay $0x2  }
0x49b: {  	v0 =	vsub.f32 v57, v58;
	v62 =	vsub.f32 v59, v60  }
0x49c: {  	v63 =	vld [tilespmem:$0x6240]  }
0x49d: {  	v3 =	vsub.f32 v61, v3;
	v0 =	vmul.f32 v0, v0;
	v1 =	vmul.f32 v62, v62;
	_ =	sdelay $0x1  }
0x49e: {  	v8 =	vmul.f32 v3, v3;
	v0 =	vadd.f32 v1, v0;
	_ =	sdelay $0x1  }
0x49f: {  	v0 =	vadd.f32 v8, v0  }
0x4a0: {  	v9 =	vld [tilespmem:$0x6640]  }
0x4a1: {  	v11 =	vld [tilespmem:$0x6A40];
	[tilespmem:$0x7230] =	vst v0  }
0x4a2: {  	v10 =	vld.idx.msk [tilespmem:v63+s2+$0x0], $0xffff  }
0x4a3: {  	v12 =	vld.idx.msk [tilespmem:v63+s21+$0x0], $0xffff  }
0x4a4: {  	v13 =	vld [tilespmem:$0x6E40]  }
0x4a5: {  	v2 =	vld.idx.msk [tilespmem:v63+s22+$0x0], $0xffff;
	_ =	sdelay $0x2  }
0x4a6: {  	v0 =	vsub.f32 v9, v10;
	v14 =	vsub.f32 v11, v12  }
0x4a7: {  	v15 =	vld [tilespmem:$0x6250]  }
0x4a8: {  	v2 =	vsub.f32 v13, v2;
	v0 =	vmul.f32 v0, v0;
	v1 =	vmul.f32 v14, v14;
	_ =	sdelay $0x1  }
0x4a9: {  	v16 =	vmul.f32 v2, v2;
	v0 =	vadd.f32 v1, v0;
	_ =	sdelay $0x1  }
0x4aa: {  	v0 =	vadd.f32 v16, v0  }
0x4ab: {  	v17 =	vld [tilespmem:$0x6650]  }
0x4ac: {  	v19 =	vld [tilespmem:$0x6A50];
	[tilespmem:$0x7240] =	vst v0  }
0x4ad: {  	v18 =	vld.idx.msk [tilespmem:v15+s2+$0x0], $0xffff  }
0x4ae: {  	v20 =	vld.idx.msk [tilespmem:v15+s21+$0x0], $0xffff  }
0x4af: {  	v21 =	vld [tilespmem:$0x6E50]  }
0x4b0: {  	v3 =	vld.idx.msk [tilespmem:v15+s22+$0x0], $0xffff;
	_ =	sdelay $0x2  }
0x4b1: {  	v0 =	vsub.f32 v17, v18;
	v22 =	vsub.f32 v19, v20  }
0x4b2: {  	v23 =	vld [tilespmem:$0x6260]  }
0x4b3: {  	v3 =	vsub.f32 v21, v3;
	v0 =	vmul.f32 v0, v0;
	v1 =	vmul.f32 v22, v22;
	_ =	sdelay $0x1  }
0x4b4: {  	v24 =	vmul.f32 v3, v3;
	v0 =	vadd.f32 v1, v0;
	_ =	sdelay $0x1  }
0x4b5: {  	v0 =	vadd.f32 v24, v0  }
0x4b6: {  	v25 =	vld [tilespmem:$0x6660]  }
0x4b7: {  	v27 =	vld [tilespmem:$0x6A60];
	[tilespmem:$0x7250] =	vst v0  }
0x4b8: {  	v26 =	vld.idx.msk [tilespmem:v23+s2+$0x0], $0xffff  }
0x4b9: {  	v28 =	vld.idx.msk [tilespmem:v23+s21+$0x0], $0xffff  }
0x4ba: {  	v29 =	vld [tilespmem:$0x6E60]  }
0x4bb: {  	v2 =	vld.idx.msk [tilespmem:v23+s22+$0x0], $0xffff;
	_ =	sdelay $0x2  }
0x4bc: {  	v0 =	vsub.f32 v25, v26;
	v30 =	vsub.f32 v27, v28  }
0x4bd: {  	v31 =	vld [tilespmem:$0x6270]  }
0x4be: {  	v2 =	vsub.f32 v29, v2;
	v0 =	vmul.f32 v0, v0;
	v1 =	vmul.f32 v30, v30;
	_ =	sdelay $0x1  }
0x4bf: {  	v32 =	vmul.f32 v2, v2;
	v0 =	vadd.f32 v1, v0;
	_ =	sdelay $0x1  }
0x4c0: {  	v0 =	vadd.f32 v32, v0  }
0x4c1: {  	v33 =	vld [tilespmem:$0x6670]  }
0x4c2: {  	v35 =	vld [tilespmem:$0x6A70];
	[tilespmem:$0x7260] =	vst v0  }
0x4c3: {  	v34 =	vld.idx.msk [tilespmem:v31+s2+$0x0], $0xffff  }
0x4c4: {  	v36 =	vld.idx.msk [tilespmem:v31+s21+$0x0], $0xffff  }
0x4c5: {  	v37 =	vld [tilespmem:$0x6E70]  }
0x4c6: {  	v3 =	vld.idx.msk [tilespmem:v31+s22+$0x0], $0xffff;
	_ =	sdelay $0x2  }
0x4c7: {  	v0 =	vsub.f32 v33, v34;
	v38 =	vsub.f32 v35, v36  }
0x4c8: {  	v39 =	vld [tilespmem:$0x6280]  }
0x4c9: {  	v3 =	vsub.f32 v37, v3;
	v0 =	vmul.f32 v0, v0;
	v1 =	vmul.f32 v38, v38;
	_ =	sdelay $0x1  }
0x4ca: {  	v40 =	vmul.f32 v3, v3;
	v0 =	vadd.f32 v1, v0;
	_ =	sdelay $0x1  }
0x4cb: {  	v0 =	vadd.f32 v40, v0  }
0x4cc: {  	v41 =	vld [tilespmem:$0x6680]  }
0x4cd: {  	v43 =	vld [tilespmem:$0x6A80];
	[tilespmem:$0x7270] =	vst v0  }
0x4ce: {  	v42 =	vld.idx.msk [tilespmem:v39+s2+$0x0], $0xffff  }
0x4cf: {  	v44 =	vld.idx.msk [tilespmem:v39+s21+$0x0], $0xffff  }
0x4d0: {  	v45 =	vld [tilespmem:$0x6E80]  }
0x4d1: {  	v2 =	vld.idx.msk [tilespmem:v39+s22+$0x0], $0xffff;
	_ =	sdelay $0x2  }
0x4d2: {  	v0 =	vsub.f32 v41, v42;
	v46 =	vsub.f32 v43, v44  }
0x4d3: {  	v47 =	vld [tilespmem:$0x6290]  }
0x4d4: {  	v2 =	vsub.f32 v45, v2;
	v0 =	vmul.f32 v0, v0;
	v1 =	vmul.f32 v46, v46;
	_ =	sdelay $0x1  }
0x4d5: {  	v48 =	vmul.f32 v2, v2;
	v0 =	vadd.f32 v1, v0;
	_ =	sdelay $0x1  }
0x4d6: {  	v0 =	vadd.f32 v48, v0  }
0x4d7: {  	v49 =	vld [tilespmem:$0x6690]  }
0x4d8: {  	v51 =	vld [tilespmem:$0x6A90];
	[tilespmem:$0x7280] =	vst v0  }
0x4d9: {  	v50 =	vld.idx.msk [tilespmem:v47+s2+$0x0], $0xffff  }
0x4da: {  	v52 =	vld.idx.msk [tilespmem:v47+s21+$0x0], $0xffff  }
0x4db: {  	v53 =	vld [tilespmem:$0x6E90]  }
0x4dc: {  	v3 =	vld.idx.msk [tilespmem:v47+s22+$0x0], $0xffff;
	_ =	sdelay $0x2  }
0x4dd: {  	v0 =	vsub.f32 v49, v50;
	v54 =	vsub.f32 v51, v52  }
0x4de: {  	v55 =	vld [tilespmem:$0x62A0]  }
0x4df: {  	v3 =	vsub.f32 v53, v3;
	v0 =	vmul.f32 v0, v0;
	v1 =	vmul.f32 v54, v54;
	_ =	sdelay $0x1  }
0x4e0: {  	v56 =	vmul.f32 v3, v3;
	v0 =	vadd.f32 v1, v0;
	_ =	sdelay $0x1  }
0x4e1: {  	v0 =	vadd.f32 v56, v0  }
0x4e2: {  	v57 =	vld [tilespmem:$0x66A0]  }
0x4e3: {  	v59 =	vld [tilespmem:$0x6AA0];
	[tilespmem:$0x7290] =	vst v0  }
0x4e4: {  	v58 =	vld.idx.msk [tilespmem:v55+s2+$0x0], $0xffff  }
0x4e5: {  	v60 =	vld.idx.msk [tilespmem:v55+s21+$0x0], $0xffff  }
0x4e6: {  	v61 =	vld [tilespmem:$0x6EA0]  }
0x4e7: {  	v2 =	vld.idx.msk [tilespmem:v55+s22+$0x0], $0xffff;
	_ =	sdelay $0x2  }
0x4e8: {  	v0 =	vsub.f32 v57, v58;
	v62 =	vsub.f32 v59, v60  }
0x4e9: {  	v63 =	vld [tilespmem:$0x62B0]  }
0x4ea: {  	v2 =	vsub.f32 v61, v2;
	v0 =	vmul.f32 v0, v0;
	v1 =	vmul.f32 v62, v62;
	_ =	sdelay $0x1  }
0x4eb: {  	v8 =	vmul.f32 v2, v2;
	v0 =	vadd.f32 v1, v0;
	_ =	sdelay $0x1  }
0x4ec: {  	v0 =	vadd.f32 v8, v0  }
0x4ed: {  	v9 =	vld [tilespmem:$0x66B0]  }
0x4ee: {  	v11 =	vld [tilespmem:$0x6AB0];
	[tilespmem:$0x72A0] =	vst v0  }
0x4ef: {  	v10 =	vld.idx.msk [tilespmem:v63+s2+$0x0], $0xffff  }
0x4f0: {  	v12 =	vld.idx.msk [tilespmem:v63+s21+$0x0], $0xffff  }
0x4f1: {  	v13 =	vld [tilespmem:$0x6EB0]  }
0x4f2: {  	v3 =	vld.idx.msk [tilespmem:v63+s22+$0x0], $0xffff;
	_ =	sdelay $0x2  }
0x4f3: {  	v0 =	vsub.f32 v9, v10;
	v14 =	vsub.f32 v11, v12  }
0x4f4: {  	v15 =	vld [tilespmem:$0x62C0]  }
0x4f5: {  	v3 =	vsub.f32 v13, v3;
	v0 =	vmul.f32 v0, v0;
	v1 =	vmul.f32 v14, v14;
	_ =	sdelay $0x1  }
0x4f6: {  	v16 =	vmul.f32 v3, v3;
	v0 =	vadd.f32 v1, v0;
	_ =	sdelay $0x1  }
0x4f7: {  	v0 =	vadd.f32 v16, v0  }
0x4f8: {  	v17 =	vld [tilespmem:$0x66C0]  }
0x4f9: {  	v19 =	vld [tilespmem:$0x6AC0];
	[tilespmem:$0x72B0] =	vst v0  }
0x4fa: {  	v18 =	vld.idx.msk [tilespmem:v15+s2+$0x0], $0xffff  }
0x4fb: {  	v20 =	vld.idx.msk [tilespmem:v15+s21+$0x0], $0xffff  }
0x4fc: {  	v21 =	vld [tilespmem:$0x6EC0]  }
0x4fd: {  	v2 =	vld.idx.msk [tilespmem:v15+s22+$0x0], $0xffff;
	_ =	sdelay $0x2  }
0x4fe: {  	v0 =	vsub.f32 v17, v18;
	v22 =	vsub.f32 v19, v20  }
0x4ff: {  	v23 =	vld [tilespmem:$0x62D0]  }
0x500: {  	v2 =	vsub.f32 v21, v2;
	v0 =	vmul.f32 v0, v0;
	v1 =	vmul.f32 v22, v22;
	_ =	sdelay $0x1  }
0x501: {  	v24 =	vmul.f32 v2, v2;
	v0 =	vadd.f32 v1, v0;
	_ =	sdelay $0x1  }
0x502: {  	v0 =	vadd.f32 v24, v0  }
0x503: {  	v25 =	vld [tilespmem:$0x66D0]  }
0x504: {  	v27 =	vld [tilespmem:$0x6AD0];
	[tilespmem:$0x72C0] =	vst v0  }
0x505: {  	v26 =	vld.idx.msk [tilespmem:v23+s2+$0x0], $0xffff  }
0x506: {  	v28 =	vld.idx.msk [tilespmem:v23+s21+$0x0], $0xffff  }
0x507: {  	v29 =	vld [tilespmem:$0x6ED0]  }
0x508: {  	v3 =	vld.idx.msk [tilespmem:v23+s22+$0x0], $0xffff;
	_ =	sdelay $0x2  }
0x509: {  	v0 =	vsub.f32 v25, v26;
	v30 =	vsub.f32 v27, v28  }
0x50a: {  	v31 =	vld [tilespmem:$0x62E0]  }
0x50b: {  	v3 =	vsub.f32 v29, v3;
	v0 =	vmul.f32 v0, v0;
	v1 =	vmul.f32 v30, v30;
	_ =	sdelay $0x1  }
0x50c: {  	v32 =	vmul.f32 v3, v3;
	v0 =	vadd.f32 v1, v0;
	_ =	sdelay $0x1  }
0x50d: {  	v0 =	vadd.f32 v32, v0  }
0x50e: {  	v33 =	vld [tilespmem:$0x66E0]  }
0x50f: {  	v35 =	vld [tilespmem:$0x6AE0];
	[tilespmem:$0x72D0] =	vst v0  }
0x510: {  	v34 =	vld.idx.msk [tilespmem:v31+s2+$0x0], $0xffff  }
0x511: {  	v36 =	vld.idx.msk [tilespmem:v31+s21+$0x0], $0xffff  }
0x512: {  	v37 =	vld [tilespmem:$0x6EE0]  }
0x513: {  	v2 =	vld.idx.msk [tilespmem:v31+s22+$0x0], $0xffff;
	_ =	sdelay $0x2  }
0x514: {  	v0 =	vsub.f32 v33, v34;
	v38 =	vsub.f32 v35, v36  }
0x515: {  	v39 =	vld [tilespmem:$0x62F0]  }
0x516: {  	v2 =	vsub.f32 v37, v2;
	v0 =	vmul.f32 v0, v0;
	v1 =	vmul.f32 v38, v38;
	_ =	sdelay $0x1  }
0x517: {  	v40 =	vmul.f32 v2, v2;
	v0 =	vadd.f32 v1, v0;
	_ =	sdelay $0x1  }
0x518: {  	v0 =	vadd.f32 v40, v0  }
0x519: {  	v41 =	vld [tilespmem:$0x66F0]  }
0x51a: {  	v43 =	vld [tilespmem:$0x6AF0];
	[tilespmem:$0x72E0] =	vst v0  }
0x51b: {  	v42 =	vld.idx.msk [tilespmem:v39+s2+$0x0], $0xffff  }
0x51c: {  	v44 =	vld.idx.msk [tilespmem:v39+s21+$0x0], $0xffff  }
0x51d: {  	v45 =	vld [tilespmem:$0x6EF0]  }
0x51e: {  	v3 =	vld.idx.msk [tilespmem:v39+s22+$0x0], $0xffff;
	_ =	sdelay $0x2  }
0x51f: {  	v0 =	vsub.f32 v41, v42;
	v46 =	vsub.f32 v43, v44  }
0x520: {  	v47 =	vld [tilespmem:$0x6300]  }
0x521: {  	v3 =	vsub.f32 v45, v3;
	v0 =	vmul.f32 v0, v0;
	v1 =	vmul.f32 v46, v46;
	_ =	sdelay $0x1  }
0x522: {  	v48 =	vmul.f32 v3, v3;
	v0 =	vadd.f32 v1, v0;
	_ =	sdelay $0x1  }
0x523: {  	v0 =	vadd.f32 v48, v0  }
0x524: {  	v49 =	vld [tilespmem:$0x6700]  }
0x525: {  	v51 =	vld [tilespmem:$0x6B00];
	[tilespmem:$0x72F0] =	vst v0  }
0x526: {  	v50 =	vld.idx.msk [tilespmem:v47+s2+$0x0], $0xffff  }
0x527: {  	v52 =	vld.idx.msk [tilespmem:v47+s21+$0x0], $0xffff  }
0x528: {  	v53 =	vld [tilespmem:$0x6F00]  }
0x529: {  	v2 =	vld.idx.msk [tilespmem:v47+s22+$0x0], $0xffff;
	_ =	sdelay $0x2  }
0x52a: {  	v0 =	vsub.f32 v49, v50;
	v54 =	vsub.f32 v51, v52  }
0x52b: {  	v55 =	vld [tilespmem:$0x6310]  }
0x52c: {  	v2 =	vsub.f32 v53, v2;
	v0 =	vmul.f32 v0, v0;
	v1 =	vmul.f32 v54, v54;
	_ =	sdelay $0x1  }
0x52d: {  	v56 =	vmul.f32 v2, v2;
	v0 =	vadd.f32 v1, v0;
	_ =	sdelay $0x1  }
0x52e: {  	v0 =	vadd.f32 v56, v0  }
0x52f: {  	v57 =	vld [tilespmem:$0x6710]  }
0x530: {  	v59 =	vld [tilespmem:$0x6B10];
	[tilespmem:$0x7300] =	vst v0  }
0x531: {  	v58 =	vld.idx.msk [tilespmem:v55+s2+$0x0], $0xffff  }
0x532: {  	v60 =	vld.idx.msk [tilespmem:v55+s21+$0x0], $0xffff  }
0x533: {  	v61 =	vld [tilespmem:$0x6F10]  }
0x534: {  	v3 =	vld.idx.msk [tilespmem:v55+s22+$0x0], $0xffff;
	_ =	sdelay $0x2  }
0x535: {  	v0 =	vsub.f32 v57, v58;
	v62 =	vsub.f32 v59, v60  }
0x536: {  	v63 =	vld [tilespmem:$0x6320]  }
0x537: {  	v3 =	vsub.f32 v61, v3;
	v0 =	vmul.f32 v0, v0;
	v1 =	vmul.f32 v62, v62;
	_ =	sdelay $0x1  }
0x538: {  	v8 =	vmul.f32 v3, v3;
	v0 =	vadd.f32 v1, v0;
	_ =	sdelay $0x1  }
0x539: {  	v0 =	vadd.f32 v8, v0  }
0x53a: {  	v9 =	vld [tilespmem:$0x6720]  }
0x53b: {  	v11 =	vld [tilespmem:$0x6B20];
	[tilespmem:$0x7310] =	vst v0  }
0x53c: {  	v10 =	vld.idx.msk [tilespmem:v63+s2+$0x0], $0xffff  }
0x53d: {  	v12 =	vld.idx.msk [tilespmem:v63+s21+$0x0], $0xffff  }
0x53e: {  	v13 =	vld [tilespmem:$0x6F20]  }
0x53f: {  	v2 =	vld.idx.msk [tilespmem:v63+s22+$0x0], $0xffff;
	_ =	sdelay $0x2  }
0x540: {  	v0 =	vsub.f32 v9, v10;
	v14 =	vsub.f32 v11, v12  }
0x541: {  	v15 =	vld [tilespmem:$0x6330]  }
0x542: {  	v2 =	vsub.f32 v13, v2;
	v0 =	vmul.f32 v0, v0;
	v1 =	vmul.f32 v14, v14;
	_ =	sdelay $0x1  }
0x543: {  	v16 =	vmul.f32 v2, v2;
	v0 =	vadd.f32 v1, v0;
	_ =	sdelay $0x1  }
0x544: {  	v0 =	vadd.f32 v16, v0  }
0x545: {  	v17 =	vld [tilespmem:$0x6730]  }
0x546: {  	v19 =	vld [tilespmem:$0x6B30];
	[tilespmem:$0x7320] =	vst v0  }
0x547: {  	v18 =	vld.idx.msk [tilespmem:v15+s2+$0x0], $0xffff  }
0x548: {  	v20 =	vld.idx.msk [tilespmem:v15+s21+$0x0], $0xffff  }
0x549: {  	v21 =	vld [tilespmem:$0x6F30]  }
0x54a: {  	v3 =	vld.idx.msk [tilespmem:v15+s22+$0x0], $0xffff;
	_ =	sdelay $0x2  }
0x54b: {  	v0 =	vsub.f32 v17, v18;
	v22 =	vsub.f32 v19, v20  }
0x54c: {  	v23 =	vld [tilespmem:$0x6340]  }
0x54d: {  	v3 =	vsub.f32 v21, v3;
	v0 =	vmul.f32 v0, v0;
	v1 =	vmul.f32 v22, v22;
	_ =	sdelay $0x1  }
0x54e: {  	v24 =	vmul.f32 v3, v3;
	v0 =	vadd.f32 v1, v0;
	_ =	sdelay $0x1  }
0x54f: {  	v0 =	vadd.f32 v24, v0  }
0x550: {  	v25 =	vld [tilespmem:$0x6740]  }
0x551: {  	v27 =	vld [tilespmem:$0x6B40];
	[tilespmem:$0x7330] =	vst v0  }
0x552: {  	v26 =	vld.idx.msk [tilespmem:v23+s2+$0x0], $0xffff  }
0x553: {  	v28 =	vld.idx.msk [tilespmem:v23+s21+$0x0], $0xffff  }
0x554: {  	v29 =	vld [tilespmem:$0x6F40]  }
0x555: {  	v2 =	vld.idx.msk [tilespmem:v23+s22+$0x0], $0xffff;
	_ =	sdelay $0x2  }
0x556: {  	v0 =	vsub.f32 v25, v26;
	v30 =	vsub.f32 v27, v28  }
0x557: {  	v31 =	vld [tilespmem:$0x6350]  }
0x558: {  	v2 =	vsub.f32 v29, v2;
	v0 =	vmul.f32 v0, v0;
	v1 =	vmul.f32 v30, v30;
	_ =	sdelay $0x1  }
0x559: {  	v32 =	vmul.f32 v2, v2;
	v0 =	vadd.f32 v1, v0;
	_ =	sdelay $0x1  }
0x55a: {  	v0 =	vadd.f32 v32, v0  }
0x55b: {  	v33 =	vld [tilespmem:$0x6750]  }
0x55c: {  	v35 =	vld [tilespmem:$0x6B50];
	[tilespmem:$0x7340] =	vst v0  }
0x55d: {  	v34 =	vld.idx.msk [tilespmem:v31+s2+$0x0], $0xffff  }
0x55e: {  	v36 =	vld.idx.msk [tilespmem:v31+s21+$0x0], $0xffff  }
0x55f: {  	v37 =	vld [tilespmem:$0x6F50]  }
0x560: {  	v3 =	vld.idx.msk [tilespmem:v31+s22+$0x0], $0xffff;
	_ =	sdelay $0x2  }
0x561: {  	v0 =	vsub.f32 v33, v34;
	v38 =	vsub.f32 v35, v36  }
0x562: {  	v39 =	vld [tilespmem:$0x6360]  }
0x563: {  	v3 =	vsub.f32 v37, v3;
	v0 =	vmul.f32 v0, v0;
	v1 =	vmul.f32 v38, v38;
	_ =	sdelay $0x1  }
0x564: {  	v40 =	vmul.f32 v3, v3;
	v0 =	vadd.f32 v1, v0;
	_ =	sdelay $0x1  }
0x565: {  	v0 =	vadd.f32 v40, v0  }
0x566: {  	v41 =	vld [tilespmem:$0x6760]  }
0x567: {  	v43 =	vld [tilespmem:$0x6B60];
	[tilespmem:$0x7350] =	vst v0  }
0x568: {  	v42 =	vld.idx.msk [tilespmem:v39+s2+$0x0], $0xffff  }
0x569: {  	v44 =	vld.idx.msk [tilespmem:v39+s21+$0x0], $0xffff  }
0x56a: {  	v45 =	vld [tilespmem:$0x6F60]  }
0x56b: {  	v2 =	vld.idx.msk [tilespmem:v39+s22+$0x0], $0xffff;
	_ =	sdelay $0x2  }
0x56c: {  	v0 =	vsub.f32 v41, v42;
	v46 =	vsub.f32 v43, v44  }
0x56d: {  	v47 =	vld [tilespmem:$0x6370]  }
0x56e: {  	v2 =	vsub.f32 v45, v2;
	v0 =	vmul.f32 v0, v0;
	v1 =	vmul.f32 v46, v46;
	_ =	sdelay $0x1  }
0x56f: {  	v48 =	vmul.f32 v2, v2;
	v0 =	vadd.f32 v1, v0;
	_ =	sdelay $0x1  }
0x570: {  	v0 =	vadd.f32 v48, v0  }
0x571: {  	v49 =	vld [tilespmem:$0x6770]  }
0x572: {  	v51 =	vld [tilespmem:$0x6B70];
	[tilespmem:$0x7360] =	vst v0  }
0x573: {  	v50 =	vld.idx.msk [tilespmem:v47+s2+$0x0], $0xffff  }
0x574: {  	v52 =	vld.idx.msk [tilespmem:v47+s21+$0x0], $0xffff  }
0x575: {  	v53 =	vld [tilespmem:$0x6F70]  }
0x576: {  	v3 =	vld.idx.msk [tilespmem:v47+s22+$0x0], $0xffff;
	_ =	sdelay $0x2  }
0x577: {  	v0 =	vsub.f32 v49, v50;
	v54 =	vsub.f32 v51, v52  }
0x578: {  	v55 =	vld [tilespmem:$0x6380]  }
0x579: {  	v3 =	vsub.f32 v53, v3;
	v0 =	vmul.f32 v0, v0;
	v1 =	vmul.f32 v54, v54;
	_ =	sdelay $0x1  }
0x57a: {  	v56 =	vmul.f32 v3, v3;
	v0 =	vadd.f32 v1, v0;
	_ =	sdelay $0x1  }
0x57b: {  	v0 =	vadd.f32 v56, v0  }
0x57c: {  	v57 =	vld [tilespmem:$0x6780]  }
0x57d: {  	v59 =	vld [tilespmem:$0x6B80];
	[tilespmem:$0x7370] =	vst v0  }
0x57e: {  	v58 =	vld.idx.msk [tilespmem:v55+s2+$0x0], $0xffff  }
0x57f: {  	v60 =	vld.idx.msk [tilespmem:v55+s21+$0x0], $0xffff  }
0x580: {  	v61 =	vld [tilespmem:$0x6F80]  }
0x581: {  	v2 =	vld.idx.msk [tilespmem:v55+s22+$0x0], $0xffff;
	_ =	sdelay $0x2  }
0x582: {  	v0 =	vsub.f32 v57, v58;
	v62 =	vsub.f32 v59, v60  }
0x583: {  	v63 =	vld [tilespmem:$0x6390]  }
0x584: {  	v2 =	vsub.f32 v61, v2;
	v0 =	vmul.f32 v0, v0;
	v1 =	vmul.f32 v62, v62;
	_ =	sdelay $0x1  }
0x585: {  	v7 =	vmul.f32 v2, v2;
	v0 =	vadd.f32 v1, v0;
	_ =	sdelay $0x1  }
0x586: {  	v0 =	vadd.f32 v7, v0  }
0x587: {  	v8 =	vld [tilespmem:$0x6790]  }
0x588: {  	v10 =	vld [tilespmem:$0x6B90];
	[tilespmem:$0x7380] =	vst v0  }
0x589: {  	v9 =	vld.idx.msk [tilespmem:v63+s2+$0x0], $0xffff  }
0x58a: {  	v11 =	vld.idx.msk [tilespmem:v63+s21+$0x0], $0xffff  }
0x58b: {  	v12 =	vld [tilespmem:$0x6F90]  }
0x58c: {  	v3 =	vld.idx.msk [tilespmem:v63+s22+$0x0], $0xffff;
	_ =	sdelay $0x2  }
0x58d: {  	v0 =	vsub.f32 v8, v9;
	v13 =	vsub.f32 v10, v11  }
0x58e: {  	v14 =	vld [tilespmem:$0x63A0]  }
0x58f: {  	v3 =	vsub.f32 v12, v3;
	v0 =	vmul.f32 v0, v0;
	v1 =	vmul.f32 v13, v13;
	_ =	sdelay $0x1  }
0x590: {  	v15 =	vmul.f32 v3, v3;
	v0 =	vadd.f32 v1, v0;
	_ =	sdelay $0x1  }
0x591: {  	v0 =	vadd.f32 v15, v0  }
0x592: {  	v16 =	vld [tilespmem:$0x67A0]  }
0x593: {  	v18 =	vld [tilespmem:$0x6BA0];
	[tilespmem:$0x7390] =	vst v0  }
0x594: {  	v17 =	vld.idx.msk [tilespmem:v14+s2+$0x0], $0xffff  }
0x595: {  	v19 =	vld.idx.msk [tilespmem:v14+s21+$0x0], $0xffff  }
0x596: {  	v20 =	vld [tilespmem:$0x6FA0]  }
0x597: {  	v2 =	vld.idx.msk [tilespmem:v14+s22+$0x0], $0xffff;
	_ =	sdelay $0x2  }
0x598: {  	v0 =	vsub.f32 v16, v17;
	v21 =	vsub.f32 v18, v19  }
0x599: {  	v22 =	vld [tilespmem:$0x63B0]  }
0x59a: {  	v2 =	vsub.f32 v20, v2;
	v0 =	vmul.f32 v0, v0;
	v1 =	vmul.f32 v21, v21;
	_ =	sdelay $0x1  }
0x59b: {  	v23 =	vmul.f32 v2, v2;
	v0 =	vadd.f32 v1, v0;
	_ =	sdelay $0x1  }
0x59c: {  	v0 =	vadd.f32 v23, v0  }
0x59d: {  	v24 =	vld [tilespmem:$0x67B0]  }
0x59e: {  	v26 =	vld [tilespmem:$0x6BB0];
	[tilespmem:$0x73A0] =	vst v0  }
0x59f: {  	v25 =	vld.idx.msk [tilespmem:v22+s2+$0x0], $0xffff  }
0x5a0: {  	v27 =	vld.idx.msk [tilespmem:v22+s21+$0x0], $0xffff  }
0x5a1: {  	v28 =	vld [tilespmem:$0x6FB0]  }
0x5a2: {  	v3 =	vld.idx.msk [tilespmem:v22+s22+$0x0], $0xffff;
	_ =	sdelay $0x2  }
0x5a3: {  	v0 =	vsub.f32 v24, v25;
	v29 =	vsub.f32 v26, v27  }
0x5a4: {  	v30 =	vld [tilespmem:$0x63C0]  }
0x5a5: {  	v3 =	vsub.f32 v28, v3;
	v0 =	vmul.f32 v0, v0;
	v1 =	vmul.f32 v29, v29;
	_ =	sdelay $0x1  }
0x5a6: {  	v31 =	vmul.f32 v3, v3;
	v0 =	vadd.f32 v1, v0;
	_ =	sdelay $0x1  }
0x5a7: {  	v0 =	vadd.f32 v31, v0  }
0x5a8: {  	v32 =	vld [tilespmem:$0x67C0]  }
0x5a9: {  	v34 =	vld [tilespmem:$0x6BC0];
	[tilespmem:$0x73B0] =	vst v0  }
0x5aa: {  	v33 =	vld.idx.msk [tilespmem:v30+s2+$0x0], $0xffff  }
0x5ab: {  	v35 =	vld.idx.msk [tilespmem:v30+s21+$0x0], $0xffff  }
0x5ac: {  	v36 =	vld [tilespmem:$0x6FC0]  }
0x5ad: {  	v2 =	vld.idx.msk [tilespmem:v30+s22+$0x0], $0xffff;
	_ =	sdelay $0x2  }
0x5ae: {  	v0 =	vsub.f32 v32, v33;
	v37 =	vsub.f32 v34, v35  }
0x5af: {  	v38 =	vld [tilespmem:$0x63D0]  }
0x5b0: {  	v2 =	vsub.f32 v36, v2;
	v0 =	vmul.f32 v0, v0;
	v1 =	vmul.f32 v37, v37;
	_ =	sdelay $0x1  }
0x5b1: {  	v39 =	vmul.f32 v2, v2;
	v0 =	vadd.f32 v1, v0;
	_ =	sdelay $0x1  }
0x5b2: {  	v0 =	vadd.f32 v39, v0  }
0x5b3: {  	v40 =	vld [tilespmem:$0x67D0]  }
0x5b4: {  	v42 =	vld [tilespmem:$0x6BD0];
	[tilespmem:$0x73C0] =	vst v0  }
0x5b5: {  	v41 =	vld.idx.msk [tilespmem:v38+s2+$0x0], $0xffff  }
0x5b6: {  	v43 =	vld.idx.msk [tilespmem:v38+s21+$0x0], $0xffff  }
0x5b7: {  	v44 =	vld [tilespmem:$0x6FD0]  }
0x5b8: {  	v3 =	vld.idx.msk [tilespmem:v38+s22+$0x0], $0xffff;
	_ =	sdelay $0x2  }
0x5b9: {  	v0 =	vsub.f32 v40, v41;
	v45 =	vsub.f32 v42, v43  }
0x5ba: {  	v46 =	vld [tilespmem:$0x63E0]  }
0x5bb: {  	v3 =	vsub.f32 v44, v3;
	v0 =	vmul.f32 v0, v0;
	v1 =	vmul.f32 v45, v45;
	_ =	sdelay $0x1  }
0x5bc: {  	v47 =	vmul.f32 v3, v3;
	v0 =	vadd.f32 v1, v0;
	_ =	sdelay $0x1  }
0x5bd: {  	v0 =	vadd.f32 v47, v0  }
0x5be: {  	v48 =	vld [tilespmem:$0x67E0]  }
0x5bf: {  	v50 =	vld [tilespmem:$0x6BE0];
	[tilespmem:$0x73D0] =	vst v0  }
0x5c0: {  	v49 =	vld.idx.msk [tilespmem:v46+s2+$0x0], $0xffff  }
0x5c1: {  	v51 =	vld.idx.msk [tilespmem:v46+s21+$0x0], $0xffff  }
0x5c2: {  	v52 =	vld [tilespmem:$0x6FE0]  }
0x5c3: {  	v2 =	vld.idx.msk [tilespmem:v46+s22+$0x0], $0xffff;
	_ =	sdelay $0x2  }
0x5c4: {  	v0 =	vsub.f32 v48, v49;
	v53 =	vsub.f32 v50, v51  }
0x5c5: {  	v54 =	vld [tilespmem:$0x63F0]  }
0x5c6: {  	v2 =	vsub.f32 v52, v2;
	v0 =	vmul.f32 v0, v0;
	v1 =	vmul.f32 v53, v53;
	_ =	sdelay $0x1  }
0x5c7: {  	v55 =	vmul.f32 v2, v2;
	v0 =	vadd.f32 v1, v0;
	_ =	sdelay $0x1  }
0x5c8: {  	v0 =	vadd.f32 v55, v0  }
0x5c9: {  	v56 =	vld [tilespmem:$0x67F0]  }
0x5ca: {  	v58 =	vld [tilespmem:$0x6BF0];
	[tilespmem:$0x73E0] =	vst v0  }
0x5cb: {  	v57 =	vld.idx.msk [tilespmem:v54+s2+$0x0], $0xffff  }
0x5cc: {  	v59 =	vld.idx.msk [tilespmem:v54+s21+$0x0], $0xffff  }
0x5cd: {  	v60 =	vld [tilespmem:$0x6FF0]  }
0x5ce: {  	v3 =	vld.idx.msk [tilespmem:v54+s22+$0x0], $0xffff;
	_ =	sdelay $0x2  }
0x5cf: {  	v0 =	vsub.f32 v56, v57;
	v61 =	vsub.f32 v58, v59;
	_ =	sdelay $0x1  }
0x5d0: {  	v62 =	vsub.f32 v60, v3;
	v0 =	vmul.f32 v0, v0;
	v1 =	vmul.f32 v61, v61;
	_ =	sdelay $0x1  }
0x5d1: {  	v63 =	vmul.f32 v62, v62;
	v0 =	vadd.f32 v1, v0;
	_ =	sdelay $0x1  }
0x5d2: {  	v0 =	vadd.f32 v63, v0  }
0x5d3: {  	p0 =	sne.s32 s19, $0x1  }
.Ltmp0:
0x5d4: {  	[tilespmem:$0x73F0] =	vst v0;
	(pc) =	sbr.rel @p0 .LBB2_1-.Ltmp0, $4  }
0x5d5: {  	[hbm4b:s18+s2] =	stream.linear.scatter [tilespmem:s28], [sflag:$0x1], $0x400, $0x38;
	[tilespmem:$0x7400] =	vst v63  }
0x5d6: {  	_ =	swait.ge [sflag:s20], $0x400  }
0x5d7: {  	[sflag:s20] =	ssyncset.done $0x0  }
0x5d8: {  	s19 =	sadd.s32 $0xFFFFFFFF, s19;
	[sflag:s20] =	ssyncadd.s32 $0xFFFFFC00  }
0x5d9: {  	_ =	sfence.sel $0x180000  }
0x5da: {  	[bflag:$0x0] =	sbarrier.arrive $0xFFFF  }
0x5db: {  	p0 =	sne.s32 s1, $0x0;
	_ =	strace $0x90000047  }
0x5dc: {  	s0 =	sadd.s32 @!p0 $0x100000, s0;
	[bflag:$0x2] =	sbarrier.arrive $0xFFFF  }
0x5dd: {  	[sflag:s0] =	ssyncadd.tile.s32 @!p0 $0x1;
	_ =	shalt  }
.Lfunc_end2:
_tile_overlayer_lowered:
.L_overlay_start_2:
0x5de: {  	(tag) =	ssettag $0x2  }
0x5df: {  	s0 =	rddreg [dreg:$0x0];
	s2 =	stileid.u32  }
0x5e0: {  	s1 =	rddreg [dreg:$0x1];
	p0 =	sne.s32 s2, $0x0  }
0x5e1: {  	s3 =	rddreg [dreg:$0x2];
	[bflag:$0x3] =	sbarrier.arrive $0xFFFF;
	s2 =	simm.s32 @!p0 $0x1C01  }
0x5e2: {  	[timem:s3], [sflag:s2] =	dma.local @!p0 [hbm:s0], s1  }
0x5e3: {  	s0 =	simm.s32 @!p0 $0x1  }
0x5e4: {  	_ =	swait.ge @!p0 [sflag:s0], s1  }
0x5e5: {  	s1 =	ssub.s32 @!p0 $0x0, s1;
	[sflag:s0] =	ssyncset.done @!p0 $0x0  }
0x5e6: {  	[sflag:s0] =	ssyncadd.s32 @!p0 s1  }
0x5e7: {  	[bflag:$0x3] =	sbarrier.arrive $0xFFFF  }
0x5e8: {  	_ =	shalt  }

</sc_bundles>
